<compile_context>
chip_gen: v7x
topology: tpu7x:2x2x1
jax: 0.10.2.dev20260603
libtpu: 0.0.44.dev20260713+nightly
codegen_flags: <defaults>
</compile_context>

<pallas_src>
import functools

import jax
import jax.numpy as jnp
from jax import lax
from jax.experimental import pallas as pl
from jax.experimental.pallas import tpu as pltpu
from jax.experimental.pallas import tpu_sc as plsc

NC = 2
NS = 16
NW = NC * NS
BLK = 128
BM = 1024
CH = 4
EDGE_SPLIT = 4


def _pad_to(n, m):
    return (n + m - 1) // m * m


def _mesh():
    return plsc.VectorSubcoreMesh(core_axis_name="c", subcore_axis_name="s",
                                  num_cores=NC, num_subcores=NS)



def _make_deg_kernel(npad, nblk):
    rows_pt = npad // NS

    @functools.partial(
        pl.kernel,
        out_type=jax.ShapeDtypeStruct((NC, npad, 128), jnp.float32),
        mesh=_mesh(),
        scratch_types=[
            pltpu.VMEM_SHARED((npad, 128), jnp.float32),
            pltpu.VMEM((nblk, BLK), jnp.int32),
            pltpu.VMEM((BLK, 128), jnp.float32),
        ],
    )
    def deg_kernel(dst_hbm, zeros_hbm, out_hbm, deg_sh, dstv, ones_v):
        c = lax.axis_index("c")
        s = lax.axis_index("s")
        wid = c * NS + s
        r0 = s * rows_pt
        pltpu.sync_copy(zeros_hbm.at[pl.ds(r0, rows_pt)],
                        deg_sh.at[pl.ds(r0, rows_pt)])
        pltpu.sync_copy(dst_hbm.at[wid], dstv)

        @pl.loop(0, BLK)
        def _(i):
            @pl.loop(0, 128, step=16)
            def _(k):
                ones_v[i, pl.ds(k, 16)] = jnp.ones((16,), jnp.float32)

        plsc.subcore_barrier()

        @pl.loop(0, nblk)
        def _(b):
            pltpu.sync_copy(ones_v, deg_sh.at[dstv.at[b]], add=True)

        plsc.subcore_barrier()
        pltpu.sync_copy(deg_sh.at[pl.ds(r0, rows_pt)],
                        out_hbm.at[c, pl.ds(r0, rows_pt)])

    return deg_kernel


def _make_accum_kernel(npad, nb0, nb1, d):
    rows_pt = npad // NS
    assert nb0 % (2 * CH) == 0 and nb1 % (2 * CH) == 0 and CH % 2 == 0

    @functools.partial(
        pl.kernel,
        out_type=jax.ShapeDtypeStruct((NC, npad, d), jnp.float32),
        mesh=_mesh(),
        scratch_types=[
            pltpu.VMEM_SHARED((npad, d), jnp.float32),
            pltpu.VMEM((2, CH, BLK), jnp.int32),
            pltpu.VMEM((2, CH, BLK), jnp.int32),
            pltpu.VMEM((2, BLK, d), jnp.float32),
            pltpu.SemaphoreType.DMA,
            pltpu.SemaphoreType.DMA,
            pltpu.SemaphoreType.DMA,
        ],
    )
    def accum_kernel(y_hbm, src_hbm, dst_hbm, zeros_hbm, out_hbm,
                     acc_sh, srcv, dstv, rows, isem, gsem0, gsem1):
        c = lax.axis_index("c")
        s = lax.axis_index("s")
        r0 = s * rows_pt
        nblk = jnp.where(c == 0, nb0, nb1)
        base = jnp.where(c == 0, s * nb0, NS * nb0 + s * nb1)
        gsems = (gsem0, gsem1)
        pltpu.sync_copy(zeros_hbm.at[pl.ds(r0, rows_pt)],
                        acc_sh.at[pl.ds(r0, rows_pt)])
        pltpu.sync_copy(src_hbm.at[pl.ds(base, CH)], srcv.at[0])
        pltpu.sync_copy(dst_hbm.at[pl.ds(base, CH)], dstv.at[0])
        plsc.subcore_barrier()

        pltpu.async_copy(y_hbm.at[srcv.at[0, 0]], rows.at[0], gsem0)

        @pl.loop(0, nblk, step=2 * CH)
        def _(g):
            for half in range(2):
                nxt = g + half * CH + CH

                @pl.when(nxt < nblk)
                def _():
                    pltpu.async_copy(src_hbm.at[pl.ds(base + nxt, CH)],
                                     srcv.at[1 - half], isem)
                    pltpu.async_copy(dst_hbm.at[pl.ds(base + nxt, CH)],
                                     dstv.at[1 - half], isem)

                for j in range(CH):
                    rb = j % 2
                    pltpu.make_async_copy(y_hbm.at[srcv.at[half, j]],
                                          rows.at[rb], gsems[rb]).wait()
                    if j + 1 < CH:
                        pltpu.async_copy(y_hbm.at[srcv.at[half, j + 1]],
                                         rows.at[1 - rb], gsems[1 - rb])
                    else:
                        @pl.when(nxt < nblk)
                        def _():
                            pltpu.make_async_copy(
                                src_hbm.at[pl.ds(base + nxt, CH)],
                                srcv.at[1 - half], isem).wait()
                            pltpu.make_async_copy(
                                dst_hbm.at[pl.ds(base + nxt, CH)],
                                dstv.at[1 - half], isem).wait()
                            pltpu.async_copy(y_hbm.at[srcv.at[1 - half, 0]],
                                             rows.at[1 - rb], gsems[1 - rb])
                    pltpu.sync_copy(rows.at[rb],
                                    acc_sh.at[dstv.at[half, j]], add=True)

        plsc.subcore_barrier()
        pltpu.sync_copy(acc_sh.at[pl.ds(r0, rows_pt)],
                        out_hbm.at[c, pl.ds(r0, rows_pt)])

    return accum_kernel



def _matmul(x, w):
    m, k = x.shape
    _, n = w.shape

    def body(x_ref, w_ref, o_ref):
        o_ref[...] = jnp.dot(x_ref[...], w_ref[...],
                             preferred_element_type=jnp.float32)

    return pl.pallas_call(
        body,
        grid=(m // BM,),
        in_specs=[pl.BlockSpec((BM, k), lambda i: (i, 0)),
                  pl.BlockSpec((k, n), lambda i: (0, 0))],
        out_specs=pl.BlockSpec((BM, n), lambda i: (i, 0)),
        out_shape=jax.ShapeDtypeStruct((m, n), jnp.float32),
    )(x, w)


def _prescale(xw, d0, d1):
    m, n = xw.shape

    def body(xw_ref, d0_ref, d1_ref, o_ref):
        deg = d0_ref[:, :1] + d1_ref[:, :1] + 1.0
        o_ref[...] = lax.rsqrt(deg) * xw_ref[...]

    return pl.pallas_call(
        body,
        grid=(m // BM,),
        in_specs=[pl.BlockSpec((BM, n), lambda i: (i, 0)),
                  pl.BlockSpec((BM, 128), lambda i: (i, 0)),
                  pl.BlockSpec((BM, 128), lambda i: (i, 0))],
        out_specs=pl.BlockSpec((BM, n), lambda i: (i, 0)),
        out_shape=jax.ShapeDtypeStruct((m, n), jnp.float32),
    )(xw, d0, d1)


def _layer2(a0, a1, y1, d0, d1, b1, w2):
    m, n = y1.shape
    _, n2 = w2.shape

    def body(a0_ref, a1_ref, y1_ref, d0_ref, d1_ref, b1_ref, w2_ref, o_ref):
        deg = d0_ref[:, :1] + d1_ref[:, :1] + 1.0
        dis = lax.rsqrt(deg)
        h = dis * (a0_ref[...] + a1_ref[...] + y1_ref[...]) + b1_ref[...]
        h = jnp.maximum(h, 0.0)
        o_ref[...] = dis * jnp.dot(h, w2_ref[...],
                                   preferred_element_type=jnp.float32)

    return pl.pallas_call(
        body,
        grid=(m // BM,),
        in_specs=[pl.BlockSpec((BM, n), lambda i: (i, 0)),
                  pl.BlockSpec((BM, n), lambda i: (i, 0)),
                  pl.BlockSpec((BM, n), lambda i: (i, 0)),
                  pl.BlockSpec((BM, 128), lambda i: (i, 0)),
                  pl.BlockSpec((BM, 128), lambda i: (i, 0)),
                  pl.BlockSpec((1, n), lambda i: (0, 0)),
                  pl.BlockSpec((n, n2), lambda i: (0, 0))],
        out_specs=pl.BlockSpec((BM, n2), lambda i: (i, 0)),
        out_shape=jax.ShapeDtypeStruct((m, n2), jnp.float32),
    )(a0, a1, y1, d0, d1, b1, w2)


def _final(a0, a1, y2, d0, d1, b2):
    m, n = y2.shape

    def body(a0_ref, a1_ref, y2_ref, d0_ref, d1_ref, b2_ref, o_ref):
        deg = d0_ref[:, :1] + d1_ref[:, :1] + 1.0
        dis = lax.rsqrt(deg)
        o_ref[...] = dis * (a0_ref[...] + a1_ref[...] + y2_ref[...]) \
            + b2_ref[...]

    return pl.pallas_call(
        body,
        grid=(m // BM,),
        in_specs=[pl.BlockSpec((BM, n), lambda i: (i, 0)),
                  pl.BlockSpec((BM, n), lambda i: (i, 0)),
                  pl.BlockSpec((BM, n), lambda i: (i, 0)),
                  pl.BlockSpec((BM, 128), lambda i: (i, 0)),
                  pl.BlockSpec((BM, 128), lambda i: (i, 0)),
                  pl.BlockSpec((1, n), lambda i: (0, 0))],
        out_specs=pl.BlockSpec((BM, n), lambda i: (i, 0)),
        out_shape=jax.ShapeDtypeStruct((m, n), jnp.float32),
    )(a0, a1, y2, d0, d1, b2)



def kernel(x, W1, b1, W2, b2, edge_index):
    n, d_in = x.shape
    d_hid = W1.shape[1]
    d_out = W2.shape[1]
    e = edge_index.shape[1]

    assert BM % NS == 0
    npad = _pad_to(n + 1, BM)
    epad = _pad_to(e, NS * BLK * 2 * CH * 2)
    nbt = epad // (NS * BLK)
    nb0 = nbt * EDGE_SPLIT // (EDGE_SPLIT + 1)
    nb0 = min(nbt - 2 * CH, max(2 * CH, nb0 // (2 * CH) * (2 * CH)))
    nb1 = nbt - nb0
    nblk_deg = epad // (NW * BLK)

    src = edge_index[0].astype(jnp.int32)
    dst = edge_index[1].astype(jnp.int32)
    if epad > e:
        pad = jnp.full((epad - e,), n, jnp.int32)
        src = jnp.concatenate([src, pad])
        dst = jnp.concatenate([dst, pad])
    dst_d = dst.reshape(NW, nblk_deg, BLK)
    src = src.reshape(epad // BLK, BLK)
    dst = dst.reshape(epad // BLK, BLK)

    d_msg = _pad_to(d_out, 128)
    W2p = jnp.concatenate(
        [W2, jnp.zeros((d_hid, d_msg - d_out), jnp.float32)], axis=1)
    b2p = jnp.concatenate([b2, jnp.zeros((d_msg - d_out,), jnp.float32)])

    x_pad = jnp.concatenate(
        [x, jnp.zeros((npad - n, d_in), jnp.float32)], axis=0)
    zhid = jnp.zeros((npad, d_hid), jnp.float32)
    zout = jnp.zeros((npad, d_msg), jnp.float32)
    b1r = b1.reshape(1, d_hid)
    b2r = b2p.reshape(1, d_msg)

    dp = _make_deg_kernel(npad, nblk_deg)(dst_d, zhid)
    d0, d1 = dp[0], dp[1]

    xw1 = _matmul(x_pad, W1)
    y1 = _prescale(xw1, d0, d1)

    a1 = _make_accum_kernel(npad, nb0, nb1, d_hid)(y1, src, dst, zhid)
    y2 = _layer2(a1[0], a1[1], y1, d0, d1, b1r, W2p)

    a2 = _make_accum_kernel(npad, nb0, nb1, d_msg)(y2, src, dst, zout)
    out = _final(a2[0], a2[1], y2, d0, d1, b2r)
    return out[:n, :d_out]

# --- scband reference (transcript-rebuilt; emitter-appended) ---
"""Pipeline reference for scband-gcn-61168924230420 (READ-ONLY COPY).

The authoritative reference and input builder live on the scoring server;
editing this copy changes nothing except your own understanding.
"""

import jax, jax.numpy as jnp
import numpy as np

NUM_NODES = 10000
NUM_EDGES = 320000
D_IN = 128
D_HID = 128
D_OUT = 64


def setup_inputs(seed: int = 0) -> dict:
    key = jax.random.key(seed)
    k1, k2, k3, k4, k5, k6 = jax.random.split(key, 6)
    x = jax.random.normal(k1, (NUM_NODES, D_IN), dtype=jnp.float32)
    edge_index = jax.random.randint(k2, (2, NUM_EDGES), 0, NUM_NODES, dtype=jnp.int64)
    # GCNConv layer 1: in=128 -> out=128 (glorot init like torch_geometric)
    s1 = (6.0 / (D_IN + D_HID)) ** 0.5
    W1 = jax.random.uniform(k3, (D_IN, D_HID), dtype=jnp.float32, minval=-s1, maxval=s1)
    b1 = jnp.zeros((D_HID,), dtype=jnp.float32)
    # GCNConv layer 2: in=128 -> out=64
    s2 = (6.0 / (D_HID + D_OUT)) ** 0.5
    W2 = jax.random.uniform(k4, (D_HID, D_OUT), dtype=jnp.float32, minval=-s2, maxval=s2)
    b2 = jnp.zeros((D_OUT,), dtype=jnp.float32)
    return {"x": x, "W1": W1, "b1": b1, "W2": W2, "b2": b2, "edge_index": edge_index}


def _gcn_conv(x, edge_index, W, b):
    num_nodes = x.shape[0]
    # add self loops (GCNConv default add_self_loops=True)
    loop = jnp.arange(num_nodes, dtype=edge_index.dtype)
    src = jnp.concatenate([edge_index[0], loop])
    dst = jnp.concatenate([edge_index[1], loop])
    # symmetric normalization D^{-1/2} (A+I) D^{-1/2}
    deg = jnp.zeros((num_nodes,), dtype=x.dtype).at[dst].add(1.0)
    deg_inv_sqrt = jnp.where(deg > 0, jax.lax.rsqrt(deg), 0.0)
    norm = deg_inv_sqrt[src] * deg_inv_sqrt[dst]
    # linear transform then propagate
    xw = x @ W
    msgs = xw[src] * norm[:, None]
    out = jnp.zeros((num_nodes, W.shape[1]), dtype=x.dtype).at[dst].add(msgs)
    return out + b


def reference(x, W1, b1, W2, b2, edge_index):
    # layer 1: GCNConv + ReLU (Dropout is identity in eval mode)
    h = _gcn_conv(x, edge_index, W1, b1)
    h = jax.nn.relu(h)
    # layer 2: GCNConv
    out = _gcn_conv(h, edge_index, W2, b2)
    return out

if __name__ == "__main__":
    import jax
    _d = setup_inputs()
    print(jax.jit(kernel)(*tuple(_d.values())))

</pallas_src>

<mosaic_0001>
#map = affine_map<(d0, d1) -> (0, 0, 0)>
#map1 = affine_map<(d0, d1) -> (0, 0)>
module attributes {stable_mosaic.version = 14 : i64} {
  func.func @deg_kernel(%arg0: i32, %arg1: i32, %arg2: memref<32x80x128xi32, #tpu.memory_space<hbm>>, %arg3: memref<10240x128xf32, #tpu.memory_space<hbm>>, %arg4: memref<2x10240x128xf32, #tpu.memory_space<hbm>>, %arg5: memref<10240x128xf32, #tpu.memory_space<vmem_shared>>, %arg6: memref<80x128xi32, #tpu.memory_space<vmem>>, %arg7: memref<128x128xf32, #tpu.memory_space<vmem>>) attributes {dimension_semantics = [#tpu.dimension_semantics<core_parallel>, #tpu.dimension_semantics<subcore_parallel>], iteration_bounds = array<i64: 2, 16>, scalar_prefetch = 0 : i64, scratch_operands = 3 : i64, tpu.core_type = #tpu.core_type<sc_vector_subcore>, window_params = [{transform_indices = #map}, {transform_indices = #map1}, {transform_indices = #map}]} {
    %mul3A = arith.constant 16 : i32
    %mul3A_0 = arith.muli %arg0, %mul3A : i32
    %add3A = arith.addi %mul3A_0, %arg1 : i32
    %mul3A_1 = arith.constant 640 : i32
    %mul3A_2 = arith.muli %arg1, %mul3A_1 : i32
    "tpu.region"() ({
      %run_scoped3A = tpu.sem_alloc : memref<!tpu.dma_semaphore, #tpu.memory_space<semaphore_mem>>
      %dma_start3A = arith.constant 0 : i32
      %dma_start3A_13 = tpu.memref_slice %arg5[%mul3A_2, %dma_start3A] : memref<10240x128xf32, #tpu.memory_space<vmem_shared>> -> memref<640x128xf32, #tpu.memory_space<vmem_shared>>
      %dma_start3A_14 = arith.constant 0 : i32
      %dma_start3A_15 = tpu.memref_slice %arg3[%mul3A_2, %dma_start3A_14] : memref<10240x128xf32, #tpu.memory_space<hbm>> -> memref<640x128xf32, #tpu.memory_space<hbm>>
      tpu.enqueue_dma source(%dma_start3A_15 : memref<640x128xf32, #tpu.memory_space<hbm>>) target(%dma_start3A_13 : memref<640x128xf32, #tpu.memory_space<vmem_shared>>) target_semaphore(%run_scoped3A : memref<!tpu.dma_semaphore, #tpu.memory_space<semaphore_mem>>)
      %dma_wait3A = arith.constant 0 : i32
      %dma_wait3A_16 = tpu.memref_slice %arg5[%mul3A_2, %dma_wait3A] : memref<10240x128xf32, #tpu.memory_space<vmem_shared>> -> memref<640x128xf32, #tpu.memory_space<vmem_shared>>
      %dma_wait3A_17 = arith.constant 0 : i32
      %dma_wait3A_18 = tpu.memref_slice %arg3[%mul3A_2, %dma_wait3A_17] : memref<10240x128xf32, #tpu.memory_space<hbm>> -> memref<640x128xf32, #tpu.memory_space<hbm>>
      tpu.wait_dma2 semaphore(%run_scoped3A : memref<!tpu.dma_semaphore, #tpu.memory_space<semaphore_mem>>) src(%dma_wait3A_18 : memref<640x128xf32, #tpu.memory_space<hbm>>) dst(%dma_wait3A_16 : memref<640x128xf32, #tpu.memory_space<vmem_shared>>)
      tpu.yield
    }) : () -> ()
    "tpu.region"() ({
      %run_scoped3A = tpu.sem_alloc : memref<!tpu.dma_semaphore, #tpu.memory_space<semaphore_mem>>
      %dma_start3A = arith.constant 0 : i32
      %dma_start3A_13 = arith.constant 0 : i32
      %dma_start3A_14 = tpu.memref_slice %arg2[%add3A, %dma_start3A, %dma_start3A_13] : memref<32x80x128xi32, #tpu.memory_space<hbm>> -> memref<1x80x128xi32, #tpu.memory_space<hbm>>
      %dma_start3A_15 = tpu.memref_squeeze %dma_start3A_14 : memref<1x80x128xi32, #tpu.memory_space<hbm>> -> memref<80x128xi32, #tpu.memory_space<hbm>>
      %dma_start3A_16 = arith.constant 0 : i32
      %dma_start3A_17 = arith.constant 0 : i32
      %dma_start3A_18 = tpu.memref_slice %arg2[%add3A, %dma_start3A_16, %dma_start3A_17] : memref<32x80x128xi32, #tpu.memory_space<hbm>> -> memref<1x80x128xi32, #tpu.memory_space<hbm>>
      %dma_start3A_19 = tpu.memref_squeeze %dma_start3A_18 : memref<1x80x128xi32, #tpu.memory_space<hbm>> -> memref<80x128xi32, #tpu.memory_space<hbm>>
      tpu.enqueue_dma source(%dma_start3A_19 : memref<80x128xi32, #tpu.memory_space<hbm>>) target(%arg6 : memref<80x128xi32, #tpu.memory_space<vmem>>) target_semaphore(%run_scoped3A : memref<!tpu.dma_semaphore, #tpu.memory_space<semaphore_mem>>)
      %dma_wait3A = arith.constant 0 : i32
      %dma_wait3A_20 = arith.constant 0 : i32
      %dma_wait3A_21 = tpu.memref_slice %arg2[%add3A, %dma_wait3A, %dma_wait3A_20] : memref<32x80x128xi32, #tpu.memory_space<hbm>> -> memref<1x80x128xi32, #tpu.memory_space<hbm>>
      %dma_wait3A_22 = tpu.memref_squeeze %dma_wait3A_21 : memref<1x80x128xi32, #tpu.memory_space<hbm>> -> memref<80x128xi32, #tpu.memory_space<hbm>>
      %dma_wait3A_23 = arith.constant 0 : i32
      %dma_wait3A_24 = arith.constant 0 : i32
      %dma_wait3A_25 = tpu.memref_slice %arg2[%add3A, %dma_wait3A_23, %dma_wait3A_24] : memref<32x80x128xi32, #tpu.memory_space<hbm>> -> memref<1x80x128xi32, #tpu.memory_space<hbm>>
      %dma_wait3A_26 = tpu.memref_squeeze %dma_wait3A_25 : memref<1x80x128xi32, #tpu.memory_space<hbm>> -> memref<80x128xi32, #tpu.memory_space<hbm>>
      tpu.wait_dma2 semaphore(%run_scoped3A : memref<!tpu.dma_semaphore, #tpu.memory_space<semaphore_mem>>) src(%dma_wait3A_26 : memref<80x128xi32, #tpu.memory_space<hbm>>) dst(%arg6 : memref<80x128xi32, #tpu.memory_space<vmem>>)
      tpu.yield
    }) : () -> ()
    %scan3A = arith.constant 0 : i32
    %scan3A_3 = arith.constant 128 : i32
    %scan3A_4 = arith.addi %scan3A, %scan3A_3 : i32
    %scan3A_5 = arith.constant 1 : i32
    scf.for %scan3A_13 = %scan3A to %scan3A_4 step %scan3A_5  : i32 {
      %mul3A_14 = arith.constant 1 : i32
      %mul3A_15 = arith.muli %scan3A_13, %mul3A_14 : i32
      %add3A_16 = arith.constant 0 : i32
      %add3A_17 = arith.addi %add3A_16, %mul3A_15 : i32
      %scan3A_18 = arith.constant 0 : i32
      %scan3A_19 = arith.constant 8 : i32
      %scan3A_20 = arith.addi %scan3A_18, %scan3A_19 : i32
      %scan3A_21 = arith.constant 1 : i32
      scf.for %scan3A_23 = %scan3A_18 to %scan3A_20 step %scan3A_21  : i32 {
        %mul3A_24 = arith.constant 16 : i32
        %mul3A_25 = arith.muli %scan3A_23, %mul3A_24 : i32
        %add3A_26 = arith.constant 0 : i32
        %add3A_27 = arith.addi %add3A_26, %mul3A_25 : i32
        %broadcast_in_dim3A = arith.constant 1.000000e+00 : f32
        %broadcast_in_dim3A_28 = vector.broadcast %broadcast_in_dim3A : f32 to vector<16xf32>
        %swap3A = arith.index_cast %add3A_17 : i32 to index
        %swap3A_29 = arith.index_cast %add3A_27 : i32 to index
        %swap3A_30 = tpu.vector_load %arg7[%swap3A, %swap3A_29] {strides = array<i32>} : memref<128x128xf32, #tpu.memory_space<vmem>>, vector<1x16xf32>,
        %swap3A_31 = vector.shape_cast %swap3A_30 : vector<1x16xf32> to vector<16xf32>
        %swap3A_32 = vector.shape_cast %broadcast_in_dim3A_28 : vector<16xf32> to vector<1x16xf32>
        tpu.vector_store %arg7[%swap3A, %swap3A_29], %swap3A_32 {strides = array<i32>} : memref<128x128xf32, #tpu.memory_space<vmem>>, vector<1x16xf32>,
      }
      %scan3A_22 = arith.constant 8 : i32
    }
    %scan3A_6 = arith.constant 128 : i32
    %barrier3A = arith.constant 0 : index
    tpu.barrier barrier_id(%barrier3A)
    %scan3A_7 = arith.constant 0 : i32
    %scan3A_8 = arith.constant 80 : i32
    %scan3A_9 = arith.addi %scan3A_7, %scan3A_8 : i32
    %scan3A_10 = arith.constant 1 : i32
    scf.for %scan3A_13 = %scan3A_7 to %scan3A_9 step %scan3A_10  : i32 {
      %mul3A_14 = arith.constant 1 : i32
      %mul3A_15 = arith.muli %scan3A_13, %mul3A_14 : i32
      %add3A_16 = arith.constant 0 : i32
      %add3A_17 = arith.addi %add3A_16, %mul3A_15 : i32
      "tpu.region"() ({
        %run_scoped3A = tpu.sem_alloc : memref<!tpu.dma_semaphore, #tpu.memory_space<semaphore_mem>>
        %dma_start3A = arith.constant 0 : i32
        %dma_start3A_18 = tpu.memref_slice %arg6[%add3A_17, %dma_start3A] : memref<80x128xi32, #tpu.memory_space<vmem>> -> memref<1x128xi32, #tpu.memory_space<vmem>>
        %dma_start3A_19 = tpu.memref_squeeze %dma_start3A_18 : memref<1x128xi32, #tpu.memory_space<vmem>> -> memref<128xi32, #tpu.memory_space<vmem>>
        %dma_start3A_20 = arith.constant 0 : i32
        %dma_start3A_21 = arith.constant 0 : i32
        %dma_start3A_22 = tpu.memref_slice %arg5[%dma_start3A_20, %dma_start3A_21] : memref<10240x128xf32, #tpu.memory_space<vmem_shared>> -> memref<10240x128xf32, #tpu.memory_space<vmem_shared>>
        tpu.enqueue_indirect_dma source(%arg7 : memref<128x128xf32, #tpu.memory_space<vmem>>) target(%dma_start3A_22 : memref<10240x128xf32, #tpu.memory_space<vmem_shared>>) offsets(%dma_start3A_19 : memref<128xi32, #tpu.memory_space<vmem>>) semaphore(%run_scoped3A : memref<!tpu.dma_semaphore, #tpu.memory_space<semaphore_mem>>) {add = true}
        %dma_wait3A = arith.constant 0 : i32
        %dma_wait3A_23 = tpu.memref_slice %arg6[%add3A_17, %dma_wait3A] : memref<80x128xi32, #tpu.memory_space<vmem>> -> memref<1x128xi32, #tpu.memory_space<vmem>>
        %dma_wait3A_24 = tpu.memref_squeeze %dma_wait3A_23 : memref<1x128xi32, #tpu.memory_space<vmem>> -> memref<128xi32, #tpu.memory_space<vmem>>
        %dma_wait3A_25 = arith.constant 0 : i32
        %dma_wait3A_26 = arith.constant 0 : i32
        %dma_wait3A_27 = tpu.memref_slice %arg5[%dma_wait3A_25, %dma_wait3A_26] : memref<10240x128xf32, #tpu.memory_space<vmem_shared>> -> memref<10240x128xf32, #tpu.memory_space<vmem_shared>>
        tpu.wait_indirect_dma semaphore(%run_scoped3A : memref<!tpu.dma_semaphore, #tpu.memory_space<semaphore_mem>>) src(%arg7 : memref<128x128xf32, #tpu.memory_space<vmem>>) dst(%dma_wait3A_27 : memref<10240x128xf32, #tpu.memory_space<vmem_shared>>)
        tpu.yield
      }) : () -> ()
    }
    %scan3A_11 = arith.constant 80 : i32
    %barrier3A_12 = arith.constant 0 : index
    tpu.barrier barrier_id(%barrier3A_12)
    "tpu.region"() ({
      %run_scoped3A = tpu.sem_alloc : memref<!tpu.dma_semaphore, #tpu.memory_space<semaphore_mem>>
      %dma_start3A = arith.constant 0 : i32
      %dma_start3A_13 = tpu.memref_slice %arg4[%arg0, %mul3A_2, %dma_start3A] : memref<2x10240x128xf32, #tpu.memory_space<hbm>> -> memref<1x640x128xf32, #tpu.memory_space<hbm>>
      %dma_start3A_14 = tpu.memref_squeeze %dma_start3A_13 : memref<1x640x128xf32, #tpu.memory_space<hbm>> -> memref<640x128xf32, #tpu.memory_space<hbm>>
      %dma_start3A_15 = arith.constant 0 : i32
      %dma_start3A_16 = tpu.memref_slice %arg5[%mul3A_2, %dma_start3A_15] : memref<10240x128xf32, #tpu.memory_space<vmem_shared>> -> memref<640x128xf32, #tpu.memory_space<vmem_shared>>
      tpu.enqueue_dma source(%dma_start3A_16 : memref<640x128xf32, #tpu.memory_space<vmem_shared>>) target(%dma_start3A_14 : memref<640x128xf32, #tpu.memory_space<hbm>>) target_semaphore(%run_scoped3A : memref<!tpu.dma_semaphore, #tpu.memory_space<semaphore_mem>>)
      %dma_wait3A = arith.constant 0 : i32
      %dma_wait3A_17 = tpu.memref_slice %arg4[%arg0, %mul3A_2, %dma_wait3A] : memref<2x10240x128xf32, #tpu.memory_space<hbm>> -> memref<1x640x128xf32, #tpu.memory_space<hbm>>
      %dma_wait3A_18 = tpu.memref_squeeze %dma_wait3A_17 : memref<1x640x128xf32, #tpu.memory_space<hbm>> -> memref<640x128xf32, #tpu.memory_space<hbm>>
      %dma_wait3A_19 = arith.constant 0 : i32
      %dma_wait3A_20 = tpu.memref_slice %arg5[%mul3A_2, %dma_wait3A_19] : memref<10240x128xf32, #tpu.memory_space<vmem_shared>> -> memref<640x128xf32, #tpu.memory_space<vmem_shared>>
      tpu.wait_dma2 semaphore(%run_scoped3A : memref<!tpu.dma_semaphore, #tpu.memory_space<semaphore_mem>>) src(%dma_wait3A_20 : memref<640x128xf32, #tpu.memory_space<vmem_shared>>) dst(%dma_wait3A_18 : memref<640x128xf32, #tpu.memory_space<hbm>>)
      tpu.yield
    }) : () -> ()
    return
  }
}

#map = affine_map<(d0, d1) -> (0, 0)>
#map1 = affine_map<(d0, d1) -> (0, 0, 0)>
module attributes {stable_mosaic.version = 14 : i64} {
  func.func @accum_kernel(%arg0: i32, %arg1: i32, %arg2: memref<10240x128xf32, #tpu.memory_space<hbm>>, %arg3: memref<2560x128xi32, #tpu.memory_space<hbm>>, %arg4: memref<2560x128xi32, #tpu.memory_space<hbm>>, %arg5: memref<10240x128xf32, #tpu.memory_space<hbm>>, %arg6: memref<2x10240x128xf32, #tpu.memory_space<hbm>>, %arg7: memref<10240x128xf32, #tpu.memory_space<vmem_shared>>, %arg8: memref<2x4x128xi32, #tpu.memory_space<vmem>>, %arg9: memref<2x4x128xi32, #tpu.memory_space<vmem>>, %arg10: memref<2x128x128xf32, #tpu.memory_space<vmem>>, %arg11: memref<!tpu.dma_semaphore, #tpu.memory_space<semaphore_mem>>, %arg12: memref<!tpu.dma_semaphore, #tpu.memory_space<semaphore_mem>>, %arg13: memref<!tpu.dma_semaphore, #tpu.memory_space<semaphore_mem>>) attributes {dimension_semantics = [#tpu.dimension_semantics<core_parallel>, #tpu.dimension_semantics<subcore_parallel>], iteration_bounds = array<i64: 2, 16>, scalar_prefetch = 0 : i64, scratch_operands = 7 : i64, tpu.core_type = #tpu.core_type<sc_vector_subcore>, window_params = [{transform_indices = #map}, {transform_indices = #map}, {transform_indices = #map}, {transform_indices = #map}, {transform_indices = #map1}]} {
    %mul3A = arith.constant 640 : i32
    %mul3A_0 = arith.muli %arg1, %mul3A : i32
    %eq3A = arith.constant 0 : i32
    %eq3A_1 = arith.cmpi eq, %arg0, %eq3A : i32
    %jit3A = arith.constant 128 : i32
    %jit3A_2 = arith.constant 32 : i32
    %select_n3A = arith.select %eq3A_1, %jit3A, %jit3A_2 : i32
    %eq3A_3 = arith.constant 0 : i32
    %eq3A_4 = arith.cmpi eq, %arg0, %eq3A_3 : i32
    %mul3A_5 = arith.constant 128 : i32
    %mul3A_6 = arith.muli %arg1, %mul3A_5 : i32
    %mul3A_7 = arith.constant 32 : i32
    %mul3A_8 = arith.muli %arg1, %mul3A_7 : i32
    %add3A = arith.constant 2048 : i32
    %add3A_9 = arith.addi %add3A, %mul3A_8 : i32
    %select_n3A_10 = arith.select %eq3A_4, %mul3A_6, %add3A_9 : i32
    "tpu.region"() ({
      %run_scoped3A_41 = tpu.sem_alloc : memref<!tpu.dma_semaphore, #tpu.memory_space<semaphore_mem>>
      %dma_start3A_42 = arith.constant 0 : i32
      %dma_start3A_43 = tpu.memref_slice %arg7[%mul3A_0, %dma_start3A_42] : memref<10240x128xf32, #tpu.memory_space<vmem_shared>> -> memref<640x128xf32, #tpu.memory_space<vmem_shared>>
      %dma_start3A_44 = arith.constant 0 : i32
      %dma_start3A_45 = tpu.memref_slice %arg5[%mul3A_0, %dma_start3A_44] : memref<10240x128xf32, #tpu.memory_space<hbm>> -> memref<640x128xf32, #tpu.memory_space<hbm>>
      tpu.enqueue_dma source(%dma_start3A_45 : memref<640x128xf32, #tpu.memory_space<hbm>>) target(%dma_start3A_43 : memref<640x128xf32, #tpu.memory_space<vmem_shared>>) target_semaphore(%run_scoped3A_41 : memref<!tpu.dma_semaphore, #tpu.memory_space<semaphore_mem>>)
      %dma_wait3A = arith.constant 0 : i32
      %dma_wait3A_46 = tpu.memref_slice %arg7[%mul3A_0, %dma_wait3A] : memref<10240x128xf32, #tpu.memory_space<vmem_shared>> -> memref<640x128xf32, #tpu.memory_space<vmem_shared>>
      %dma_wait3A_47 = arith.constant 0 : i32
      %dma_wait3A_48 = tpu.memref_slice %arg5[%mul3A_0, %dma_wait3A_47] : memref<10240x128xf32, #tpu.memory_space<hbm>> -> memref<640x128xf32, #tpu.memory_space<hbm>>
      tpu.wait_dma2 semaphore(%run_scoped3A_41 : memref<!tpu.dma_semaphore, #tpu.memory_space<semaphore_mem>>) src(%dma_wait3A_48 : memref<640x128xf32, #tpu.memory_space<hbm>>) dst(%dma_wait3A_46 : memref<640x128xf32, #tpu.memory_space<vmem_shared>>)
      tpu.yield
    }) : () -> ()
    %run_scoped3A = arith.constant 0 : i32
    "tpu.region"() ({
      %run_scoped3A_41 = tpu.sem_alloc : memref<!tpu.dma_semaphore, #tpu.memory_space<semaphore_mem>>
      %dma_start3A_42 = arith.constant 0 : i32
      %dma_start3A_43 = arith.constant 0 : i32
      %dma_start3A_44 = tpu.memref_slice %arg8[%run_scoped3A, %dma_start3A_42, %dma_start3A_43] : memref<2x4x128xi32, #tpu.memory_space<vmem>> -> memref<1x4x128xi32, #tpu.memory_space<vmem>>
      %dma_start3A_45 = tpu.memref_squeeze %dma_start3A_44 : memref<1x4x128xi32, #tpu.memory_space<vmem>> -> memref<4x128xi32, #tpu.memory_space<vmem>>
      %dma_start3A_46 = arith.constant 0 : i32
      %dma_start3A_47 = tpu.memref_slice %arg3[%select_n3A_10, %dma_start3A_46] : memref<2560x128xi32, #tpu.memory_space<hbm>> -> memref<4x128xi32, #tpu.memory_space<hbm>>
      %dma_start3A_48 = arith.constant 0 : i32
      %dma_start3A_49 = arith.constant 0 : i32
      %dma_start3A_50 = tpu.memref_slice %arg8[%run_scoped3A, %dma_start3A_48, %dma_start3A_49] : memref<2x4x128xi32, #tpu.memory_space<vmem>> -> memref<1x4x128xi32, #tpu.memory_space<vmem>>
      %dma_start3A_51 = tpu.memref_squeeze %dma_start3A_50 : memref<1x4x128xi32, #tpu.memory_space<vmem>> -> memref<4x128xi32, #tpu.memory_space<vmem>>
      %dma_start3A_52 = arith.constant 0 : i32
      %dma_start3A_53 = tpu.memref_slice %arg3[%select_n3A_10, %dma_start3A_52] : memref<2560x128xi32, #tpu.memory_space<hbm>> -> memref<4x128xi32, #tpu.memory_space<hbm>>
      tpu.enqueue_dma source(%dma_start3A_53 : memref<4x128xi32, #tpu.memory_space<hbm>>) target(%dma_start3A_51 : memref<4x128xi32, #tpu.memory_space<vmem>>) target_semaphore(%run_scoped3A_41 : memref<!tpu.dma_semaphore, #tpu.memory_space<semaphore_mem>>)
      %dma_wait3A = arith.constant 0 : i32
      %dma_wait3A_54 = arith.constant 0 : i32
      %dma_wait3A_55 = tpu.memref_slice %arg8[%run_scoped3A, %dma_wait3A, %dma_wait3A_54] : memref<2x4x128xi32, #tpu.memory_space<vmem>> -> memref<1x4x128xi32, #tpu.memory_space<vmem>>
      %dma_wait3A_56 = tpu.memref_squeeze %dma_wait3A_55 : memref<1x4x128xi32, #tpu.memory_space<vmem>> -> memref<4x128xi32, #tpu.memory_space<vmem>>
      %dma_wait3A_57 = arith.constant 0 : i32
      %dma_wait3A_58 = tpu.memref_slice %arg3[%select_n3A_10, %dma_wait3A_57] : memref<2560x128xi32, #tpu.memory_space<hbm>> -> memref<4x128xi32, #tpu.memory_space<hbm>>
      %dma_wait3A_59 = arith.constant 0 : i32
      %dma_wait3A_60 = arith.constant 0 : i32
      %dma_wait3A_61 = tpu.memref_slice %arg8[%run_scoped3A, %dma_wait3A_59, %dma_wait3A_60] : memref<2x4x128xi32, #tpu.memory_space<vmem>> -> memref<1x4x128xi32, #tpu.memory_space<vmem>>
      %dma_wait3A_62 = tpu.memref_squeeze %dma_wait3A_61 : memref<1x4x128xi32, #tpu.memory_space<vmem>> -> memref<4x128xi32, #tpu.memory_space<vmem>>
      %dma_wait3A_63 = arith.constant 0 : i32
      %dma_wait3A_64 = tpu.memref_slice %arg3[%select_n3A_10, %dma_wait3A_63] : memref<2560x128xi32, #tpu.memory_space<hbm>> -> memref<4x128xi32, #tpu.memory_space<hbm>>
      tpu.wait_dma2 semaphore(%run_scoped3A_41 : memref<!tpu.dma_semaphore, #tpu.memory_space<semaphore_mem>>) src(%dma_wait3A_64 : memref<4x128xi32, #tpu.memory_space<hbm>>) dst(%dma_wait3A_62 : memref<4x128xi32, #tpu.memory_space<vmem>>)
      tpu.yield
    }) : () -> ()
    %run_scoped3A_11 = arith.constant 0 : i32
    "tpu.region"() ({
      %run_scoped3A_41 = tpu.sem_alloc : memref<!tpu.dma_semaphore, #tpu.memory_space<semaphore_mem>>
      %dma_start3A_42 = arith.constant 0 : i32
      %dma_start3A_43 = arith.constant 0 : i32
      %dma_start3A_44 = tpu.memref_slice %arg9[%run_scoped3A_11, %dma_start3A_42, %dma_start3A_43] : memref<2x4x128xi32, #tpu.memory_space<vmem>> -> memref<1x4x128xi32, #tpu.memory_space<vmem>>
      %dma_start3A_45 = tpu.memref_squeeze %dma_start3A_44 : memref<1x4x128xi32, #tpu.memory_space<vmem>> -> memref<4x128xi32, #tpu.memory_space<vmem>>
      %dma_start3A_46 = arith.constant 0 : i32
      %dma_start3A_47 = tpu.memref_slice %arg4[%select_n3A_10, %dma_start3A_46] : memref<2560x128xi32, #tpu.memory_space<hbm>> -> memref<4x128xi32, #tpu.memory_space<hbm>>
      %dma_start3A_48 = arith.constant 0 : i32
      %dma_start3A_49 = arith.constant 0 : i32
      %dma_start3A_50 = tpu.memref_slice %arg9[%run_scoped3A_11, %dma_start3A_48, %dma_start3A_49] : memref<2x4x128xi32, #tpu.memory_space<vmem>> -> memref<1x4x128xi32, #tpu.memory_space<vmem>>
      %dma_start3A_51 = tpu.memref_squeeze %dma_start3A_50 : memref<1x4x128xi32, #tpu.memory_space<vmem>> -> memref<4x128xi32, #tpu.memory_space<vmem>>
      %dma_start3A_52 = arith.constant 0 : i32
      %dma_start3A_53 = tpu.memref_slice %arg4[%select_n3A_10, %dma_start3A_52] : memref<2560x128xi32, #tpu.memory_space<hbm>> -> memref<4x128xi32, #tpu.memory_space<hbm>>
      tpu.enqueue_dma source(%dma_start3A_53 : memref<4x128xi32, #tpu.memory_space<hbm>>) target(%dma_start3A_51 : memref<4x128xi32, #tpu.memory_space<vmem>>) target_semaphore(%run_scoped3A_41 : memref<!tpu.dma_semaphore, #tpu.memory_space<semaphore_mem>>)
      %dma_wait3A = arith.constant 0 : i32
      %dma_wait3A_54 = arith.constant 0 : i32
      %dma_wait3A_55 = tpu.memref_slice %arg9[%run_scoped3A_11, %dma_wait3A, %dma_wait3A_54] : memref<2x4x128xi32, #tpu.memory_space<vmem>> -> memref<1x4x128xi32, #tpu.memory_space<vmem>>
      %dma_wait3A_56 = tpu.memref_squeeze %dma_wait3A_55 : memref<1x4x128xi32, #tpu.memory_space<vmem>> -> memref<4x128xi32, #tpu.memory_space<vmem>>
      %dma_wait3A_57 = arith.constant 0 : i32
      %dma_wait3A_58 = tpu.memref_slice %arg4[%select_n3A_10, %dma_wait3A_57] : memref<2560x128xi32, #tpu.memory_space<hbm>> -> memref<4x128xi32, #tpu.memory_space<hbm>>
      %dma_wait3A_59 = arith.constant 0 : i32
      %dma_wait3A_60 = arith.constant 0 : i32
      %dma_wait3A_61 = tpu.memref_slice %arg9[%run_scoped3A_11, %dma_wait3A_59, %dma_wait3A_60] : memref<2x4x128xi32, #tpu.memory_space<vmem>> -> memref<1x4x128xi32, #tpu.memory_space<vmem>>
      %dma_wait3A_62 = tpu.memref_squeeze %dma_wait3A_61 : memref<1x4x128xi32, #tpu.memory_space<vmem>> -> memref<4x128xi32, #tpu.memory_space<vmem>>
      %dma_wait3A_63 = arith.constant 0 : i32
      %dma_wait3A_64 = tpu.memref_slice %arg4[%select_n3A_10, %dma_wait3A_63] : memref<2560x128xi32, #tpu.memory_space<hbm>> -> memref<4x128xi32, #tpu.memory_space<hbm>>
      tpu.wait_dma2 semaphore(%run_scoped3A_41 : memref<!tpu.dma_semaphore, #tpu.memory_space<semaphore_mem>>) src(%dma_wait3A_64 : memref<4x128xi32, #tpu.memory_space<hbm>>) dst(%dma_wait3A_62 : memref<4x128xi32, #tpu.memory_space<vmem>>)
      tpu.yield
    }) : () -> ()
    %barrier3A = arith.constant 0 : index
    tpu.barrier barrier_id(%barrier3A)
    %dma_start3A = arith.constant 0 : i32
    %dma_start3A_12 = arith.constant 0 : i32
    %dma_start3A_13 = arith.constant 0 : i32
    %dma_start3A_14 = arith.constant 0 : i32
    %dma_start3A_15 = arith.constant 0 : i32
    %dma_start3A_16 = tpu.memref_slice %arg10[%dma_start3A_13, %dma_start3A_14, %dma_start3A_15] : memref<2x128x128xf32, #tpu.memory_space<vmem>> -> memref<1x128x128xf32, #tpu.memory_space<vmem>>
    %dma_start3A_17 = tpu.memref_squeeze %dma_start3A_16 : memref<1x128x128xf32, #tpu.memory_space<vmem>> -> memref<128x128xf32, #tpu.memory_space<vmem>>
    %dma_start3A_18 = arith.constant 0 : i32
    %dma_start3A_19 = tpu.memref_slice %arg8[%dma_start3A, %dma_start3A_12, %dma_start3A_18] : memref<2x4x128xi32, #tpu.memory_space<vmem>> -> memref<1x1x128xi32, #tpu.memory_space<vmem>>
    %dma_start3A_20 = tpu.memref_squeeze %dma_start3A_19 : memref<1x1x128xi32, #tpu.memory_space<vmem>> -> memref<128xi32, #tpu.memory_space<vmem>>
    %dma_start3A_21 = arith.constant 0 : i32
    %dma_start3A_22 = arith.constant 0 : i32
    %dma_start3A_23 = tpu.memref_slice %arg2[%dma_start3A_21, %dma_start3A_22] : memref<10240x128xf32, #tpu.memory_space<hbm>> -> memref<10240x128xf32, #tpu.memory_space<hbm>>
    tpu.enqueue_indirect_dma source(%dma_start3A_23 : memref<10240x128xf32, #tpu.memory_space<hbm>>) target(%dma_start3A_17 : memref<128x128xf32, #tpu.memory_space<vmem>>) offsets(%dma_start3A_20 : memref<128xi32, #tpu.memory_space<vmem>>) semaphore(%arg12 : memref<!tpu.dma_semaphore, #tpu.memory_space<semaphore_mem>>)
    %sub3A = arith.constant 0 : i32
    %sub3A_24 = arith.subi %select_n3A, %sub3A : i32
    %sub3A_25 = arith.constant 8 : i32
    %sub3A_26 = arith.constant 1 : i32
    %sub3A_27 = arith.subi %sub3A_25, %sub3A_26 : i32
    %add3A_28 = arith.addi %sub3A_24, %sub3A_27 : i32
    %div3A = arith.constant 8 : i32
    %div3A_29 = arith.divsi %add3A_28, %div3A : i32
    %while3A = arith.constant 8 : i32
    %while3A_30 = arith.constant 0 : i32
    %while3A_31 = arith.constant 0 : i32
    %while3A_32 = arith.subi %div3A_29, %while3A_31 : i32
    %while3A_33 = arith.addi %while3A_31, %while3A_32 : i32
    %while3A_34 = arith.constant 1 : i32
    %while3A_35 = arith.divsi %while3A_32, %while3A_34 : i32
    %while3A_36 = arith.muli %while3A_35, %while3A_34 : i32
    %while3A_37 = arith.addi %while3A_31, %while3A_36 : i32
    %while3A_38 = arith.constant 1 : i32
    scf.for %while3A_41 = %while3A_31 to %while3A_37 step %while3A_38  : i32 {
      %mul3A_42 = arith.muli %while3A_41, %while3A : i32
      %add3A_43 = arith.addi %while3A_30, %mul3A_42 : i32
      %add3A_44 = arith.constant 0 : i32
      %add3A_45 = arith.addi %add3A_43, %add3A_44 : i32
      %add3A_46 = arith.constant 4 : i32
      %add3A_47 = arith.addi %add3A_45, %add3A_46 : i32
      %lt3A = arith.cmpi slt, %add3A_47, %select_n3A : i32
      %convert_element_type3A = arith.extui %lt3A : i1 to i32
      %cond3A = arith.constant 0 : i32
      %cond3A_48 = arith.cmpi ne, %convert_element_type3A, %cond3A : i32
      scf.if %cond3A_48 {
        %add3A_270 = arith.addi %select_n3A_10, %add3A_47 : i32
        %dma_start3A_271 = arith.constant 1 : i32
        %dma_start3A_272 = arith.constant 0 : i32
        %dma_start3A_273 = arith.constant 0 : i32
        %dma_start3A_274 = tpu.memref_slice %arg8[%dma_start3A_271, %dma_start3A_272, %dma_start3A_273] : memref<2x4x128xi32, #tpu.memory_space<vmem>> -> memref<1x4x128xi32, #tpu.memory_space<vmem>>
        %dma_start3A_275 = tpu.memref_squeeze %dma_start3A_274 : memref<1x4x128xi32, #tpu.memory_space<vmem>> -> memref<4x128xi32, #tpu.memory_space<vmem>>
        %dma_start3A_276 = arith.constant 0 : i32
        %dma_start3A_277 = tpu.memref_slice %arg3[%add3A_270, %dma_start3A_276] : memref<2560x128xi32, #tpu.memory_space<hbm>> -> memref<4x128xi32, #tpu.memory_space<hbm>>
        %dma_start3A_278 = arith.constant 0 : i32
        %dma_start3A_279 = arith.constant 0 : i32
        %dma_start3A_280 = tpu.memref_slice %arg8[%dma_start3A_271, %dma_start3A_278, %dma_start3A_279] : memref<2x4x128xi32, #tpu.memory_space<vmem>> -> memref<1x4x128xi32, #tpu.memory_space<vmem>>
        %dma_start3A_281 = tpu.memref_squeeze %dma_start3A_280 : memref<1x4x128xi32, #tpu.memory_space<vmem>> -> memref<4x128xi32, #tpu.memory_space<vmem>>
        %dma_start3A_282 = arith.constant 0 : i32
        %dma_start3A_283 = tpu.memref_slice %arg3[%add3A_270, %dma_start3A_282] : memref<2560x128xi32, #tpu.memory_space<hbm>> -> memref<4x128xi32, #tpu.memory_space<hbm>>
        tpu.enqueue_dma source(%dma_start3A_283 : memref<4x128xi32, #tpu.memory_space<hbm>>) target(%dma_start3A_281 : memref<4x128xi32, #tpu.memory_space<vmem>>) target_semaphore(%arg11 : memref<!tpu.dma_semaphore, #tpu.memory_space<semaphore_mem>>)
        %add3A_284 = arith.addi %select_n3A_10, %add3A_47 : i32
        %dma_start3A_285 = arith.constant 1 : i32
        %dma_start3A_286 = arith.constant 0 : i32
        %dma_start3A_287 = arith.constant 0 : i32
        %dma_start3A_288 = tpu.memref_slice %arg9[%dma_start3A_285, %dma_start3A_286, %dma_start3A_287] : memref<2x4x128xi32, #tpu.memory_space<vmem>> -> memref<1x4x128xi32, #tpu.memory_space<vmem>>
        %dma_start3A_289 = tpu.memref_squeeze %dma_start3A_288 : memref<1x4x128xi32, #tpu.memory_space<vmem>> -> memref<4x128xi32, #tpu.memory_space<vmem>>
        %dma_start3A_290 = arith.constant 0 : i32
        %dma_start3A_291 = tpu.memref_slice %arg4[%add3A_284, %dma_start3A_290] : memref<2560x128xi32, #tpu.memory_space<hbm>> -> memref<4x128xi32, #tpu.memory_space<hbm>>
        %dma_start3A_292 = arith.constant 0 : i32
        %dma_start3A_293 = arith.constant 0 : i32
        %dma_start3A_294 = tpu.memref_slice %arg9[%dma_start3A_285, %dma_start3A_292, %dma_start3A_293] : memref<2x4x128xi32, #tpu.memory_space<vmem>> -> memref<1x4x128xi32, #tpu.memory_space<vmem>>
        %dma_start3A_295 = tpu.memref_squeeze %dma_start3A_294 : memref<1x4x128xi32, #tpu.memory_space<vmem>> -> memref<4x128xi32, #tpu.memory_space<vmem>>
        %dma_start3A_296 = arith.constant 0 : i32
        %dma_start3A_297 = tpu.memref_slice %arg4[%add3A_284, %dma_start3A_296] : memref<2560x128xi32, #tpu.memory_space<hbm>> -> memref<4x128xi32, #tpu.memory_space<hbm>>
        tpu.enqueue_dma source(%dma_start3A_297 : memref<4x128xi32, #tpu.memory_space<hbm>>) target(%dma_start3A_295 : memref<4x128xi32, #tpu.memory_space<vmem>>) target_semaphore(%arg11 : memref<!tpu.dma_semaphore, #tpu.memory_space<semaphore_mem>>)
      } else {
      }
      %dma_wait3A = arith.constant 0 : i32
      %dma_wait3A_49 = arith.constant 0 : i32
      %dma_wait3A_50 = arith.constant 0 : i32
      %dma_wait3A_51 = arith.constant 0 : i32
      %dma_wait3A_52 = arith.constant 0 : i32
      %dma_wait3A_53 = tpu.memref_slice %arg10[%dma_wait3A_50, %dma_wait3A_51, %dma_wait3A_52] : memref<2x128x128xf32, #tpu.memory_space<vmem>> -> memref<1x128x128xf32, #tpu.memory_space<vmem>>
      %dma_wait3A_54 = tpu.memref_squeeze %dma_wait3A_53 : memref<1x128x128xf32, #tpu.memory_space<vmem>> -> memref<128x128xf32, #tpu.memory_space<vmem>>
      %dma_wait3A_55 = arith.constant 0 : i32
      %dma_wait3A_56 = tpu.memref_slice %arg8[%dma_wait3A, %dma_wait3A_49, %dma_wait3A_55] : memref<2x4x128xi32, #tpu.memory_space<vmem>> -> memref<1x1x128xi32, #tpu.memory_space<vmem>>
      %dma_wait3A_57 = tpu.memref_squeeze %dma_wait3A_56 : memref<1x1x128xi32, #tpu.memory_space<vmem>> -> memref<128xi32, #tpu.memory_space<vmem>>
      %dma_wait3A_58 = arith.constant 0 : i32
      %dma_wait3A_59 = arith.constant 0 : i32
      %dma_wait3A_60 = tpu.memref_slice %arg2[%dma_wait3A_58, %dma_wait3A_59] : memref<10240x128xf32, #tpu.memory_space<hbm>> -> memref<10240x128xf32, #tpu.memory_space<hbm>>
      tpu.wait_indirect_dma semaphore(%arg12 : memref<!tpu.dma_semaphore, #tpu.memory_space<semaphore_mem>>) src(%dma_wait3A_60 : memref<10240x128xf32, #tpu.memory_space<hbm>>) dst(%dma_wait3A_54 : memref<128x128xf32, #tpu.memory_space<vmem>>)
      %dma_start3A_61 = arith.constant 0 : i32
      %dma_start3A_62 = arith.constant 1 : i32
      %dma_start3A_63 = arith.constant 1 : i32
      %dma_start3A_64 = arith.constant 0 : i32
      %dma_start3A_65 = arith.constant 0 : i32
      %dma_start3A_66 = tpu.memref_slice %arg10[%dma_start3A_63, %dma_start3A_64, %dma_start3A_65] : memref<2x128x128xf32, #tpu.memory_space<vmem>> -> memref<1x128x128xf32, #tpu.memory_space<vmem>>
      %dma_start3A_67 = tpu.memref_squeeze %dma_start3A_66 : memref<1x128x128xf32, #tpu.memory_space<vmem>> -> memref<128x128xf32, #tpu.memory_space<vmem>>
      %dma_start3A_68 = arith.constant 0 : i32
      %dma_start3A_69 = tpu.memref_slice %arg8[%dma_start3A_61, %dma_start3A_62, %dma_start3A_68] : memref<2x4x128xi32, #tpu.memory_space<vmem>> -> memref<1x1x128xi32, #tpu.memory_space<vmem>>
      %dma_start3A_70 = tpu.memref_squeeze %dma_start3A_69 : memref<1x1x128xi32, #tpu.memory_space<vmem>> -> memref<128xi32, #tpu.memory_space<vmem>>
      %dma_start3A_71 = arith.constant 0 : i32
      %dma_start3A_72 = arith.constant 0 : i32
      %dma_start3A_73 = tpu.memref_slice %arg2[%dma_start3A_71, %dma_start3A_72] : memref<10240x128xf32, #tpu.memory_space<hbm>> -> memref<10240x128xf32, #tpu.memory_space<hbm>>
      tpu.enqueue_indirect_dma source(%dma_start3A_73 : memref<10240x128xf32, #tpu.memory_space<hbm>>) target(%dma_start3A_67 : memref<128x128xf32, #tpu.memory_space<vmem>>) offsets(%dma_start3A_70 : memref<128xi32, #tpu.memory_space<vmem>>) semaphore(%arg13 : memref<!tpu.dma_semaphore, #tpu.memory_space<semaphore_mem>>)
      %run_scoped3A_74 = arith.constant 0 : i32
      %run_scoped3A_75 = arith.constant 0 : i32
      %run_scoped3A_76 = arith.constant 0 : i32
      "tpu.region"() ({
        %run_scoped3A_270 = tpu.sem_alloc : memref<!tpu.dma_semaphore, #tpu.memory_space<semaphore_mem>>
        %dma_start3A_271 = arith.constant 0 : i32
        %dma_start3A_272 = arith.constant 0 : i32
        %dma_start3A_273 = tpu.memref_slice %arg10[%run_scoped3A_74, %dma_start3A_271, %dma_start3A_272] : memref<2x128x128xf32, #tpu.memory_space<vmem>> -> memref<1x128x128xf32, #tpu.memory_space<vmem>>
        %dma_start3A_274 = tpu.memref_squeeze %dma_start3A_273 : memref<1x128x128xf32, #tpu.memory_space<vmem>> -> memref<128x128xf32, #tpu.memory_space<vmem>>
        %dma_start3A_275 = arith.constant 0 : i32
        %dma_start3A_276 = tpu.memref_slice %arg9[%run_scoped3A_75, %run_scoped3A_76, %dma_start3A_275] : memref<2x4x128xi32, #tpu.memory_space<vmem>> -> memref<1x1x128xi32, #tpu.memory_space<vmem>>
        %dma_start3A_277 = tpu.memref_squeeze %dma_start3A_276 : memref<1x1x128xi32, #tpu.memory_space<vmem>> -> memref<128xi32, #tpu.memory_space<vmem>>
        %dma_start3A_278 = arith.constant 0 : i32
        %dma_start3A_279 = arith.constant 0 : i32
        %dma_start3A_280 = tpu.memref_slice %arg7[%dma_start3A_278, %dma_start3A_279] : memref<10240x128xf32, #tpu.memory_space<vmem_shared>> -> memref<10240x128xf32, #tpu.memory_space<vmem_shared>>
        tpu.enqueue_indirect_dma source(%dma_start3A_274 : memref<128x128xf32, #tpu.memory_space<vmem>>) target(%dma_start3A_280 : memref<10240x128xf32, #tpu.memory_space<vmem_shared>>) offsets(%dma_start3A_277 : memref<128xi32, #tpu.memory_space<vmem>>) semaphore(%run_scoped3A_270 : memref<!tpu.dma_semaphore, #tpu.memory_space<semaphore_mem>>) {add = true}
        %dma_wait3A_281 = arith.constant 0 : i32
        %dma_wait3A_282 = arith.constant 0 : i32
        %dma_wait3A_283 = tpu.memref_slice %arg10[%run_scoped3A_74, %dma_wait3A_281, %dma_wait3A_282] : memref<2x128x128xf32, #tpu.memory_space<vmem>> -> memref<1x128x128xf32, #tpu.memory_space<vmem>>
        %dma_wait3A_284 = tpu.memref_squeeze %dma_wait3A_283 : memref<1x128x128xf32, #tpu.memory_space<vmem>> -> memref<128x128xf32, #tpu.memory_space<vmem>>
        %dma_wait3A_285 = arith.constant 0 : i32
        %dma_wait3A_286 = tpu.memref_slice %arg9[%run_scoped3A_75, %run_scoped3A_76, %dma_wait3A_285] : memref<2x4x128xi32, #tpu.memory_space<vmem>> -> memref<1x1x128xi32, #tpu.memory_space<vmem>>
        %dma_wait3A_287 = tpu.memref_squeeze %dma_wait3A_286 : memref<1x1x128xi32, #tpu.memory_space<vmem>> -> memref<128xi32, #tpu.memory_space<vmem>>
        %dma_wait3A_288 = arith.constant 0 : i32
        %dma_wait3A_289 = arith.constant 0 : i32
        %dma_wait3A_290 = tpu.memref_slice %arg7[%dma_wait3A_288, %dma_wait3A_289] : memref<10240x128xf32, #tpu.memory_space<vmem_shared>> -> memref<10240x128xf32, #tpu.memory_space<vmem_shared>>
        tpu.wait_indirect_dma semaphore(%run_scoped3A_270 : memref<!tpu.dma_semaphore, #tpu.memory_space<semaphore_mem>>) src(%dma_wait3A_284 : memref<128x128xf32, #tpu.memory_space<vmem>>) dst(%dma_wait3A_290 : memref<10240x128xf32, #tpu.memory_space<vmem_shared>>)
        tpu.yield
      }) : () -> ()
      %dma_wait3A_77 = arith.constant 0 : i32
      %dma_wait3A_78 = arith.constant 1 : i32
      %dma_wait3A_79 = arith.constant 1 : i32
      %dma_wait3A_80 = arith.constant 0 : i32
      %dma_wait3A_81 = arith.constant 0 : i32
      %dma_wait3A_82 = tpu.memref_slice %arg10[%dma_wait3A_79, %dma_wait3A_80, %dma_wait3A_81] : memref<2x128x128xf32, #tpu.memory_space<vmem>> -> memref<1x128x128xf32, #tpu.memory_space<vmem>>
      %dma_wait3A_83 = tpu.memref_squeeze %dma_wait3A_82 : memref<1x128x128xf32, #tpu.memory_space<vmem>> -> memref<128x128xf32, #tpu.memory_space<vmem>>
      %dma_wait3A_84 = arith.constant 0 : i32
      %dma_wait3A_85 = tpu.memref_slice %arg8[%dma_wait3A_77, %dma_wait3A_78, %dma_wait3A_84] : memref<2x4x128xi32, #tpu.memory_space<vmem>> -> memref<1x1x128xi32, #tpu.memory_space<vmem>>
      %dma_wait3A_86 = tpu.memref_squeeze %dma_wait3A_85 : memref<1x1x128xi32, #tpu.memory_space<vmem>> -> memref<128xi32, #tpu.memory_space<vmem>>
      %dma_wait3A_87 = arith.constant 0 : i32
      %dma_wait3A_88 = arith.constant 0 : i32
      %dma_wait3A_89 = tpu.memref_slice %arg2[%dma_wait3A_87, %dma_wait3A_88] : memref<10240x128xf32, #tpu.memory_space<hbm>> -> memref<10240x128xf32, #tpu.memory_space<hbm>>
      tpu.wait_indirect_dma semaphore(%arg13 : memref<!tpu.dma_semaphore, #tpu.memory_space<semaphore_mem>>) src(%dma_wait3A_89 : memref<10240x128xf32, #tpu.memory_space<hbm>>) dst(%dma_wait3A_83 : memref<128x128xf32, #tpu.memory_space<vmem>>)
      %dma_start3A_90 = arith.constant 0 : i32
      %dma_start3A_91 = arith.constant 2 : i32
      %dma_start3A_92 = arith.constant 0 : i32
      %dma_start3A_93 = arith.constant 0 : i32
      %dma_start3A_94 = arith.constant 0 : i32
      %dma_start3A_95 = tpu.memref_slice %arg10[%dma_start3A_92, %dma_start3A_93, %dma_start3A_94] : memref<2x128x128xf32, #tpu.memory_space<vmem>> -> memref<1x128x128xf32, #tpu.memory_space<vmem>>
      %dma_start3A_96 = tpu.memref_squeeze %dma_start3A_95 : memref<1x128x128xf32, #tpu.memory_space<vmem>> -> memref<128x128xf32, #tpu.memory_space<vmem>>
      %dma_start3A_97 = arith.constant 0 : i32
      %dma_start3A_98 = tpu.memref_slice %arg8[%dma_start3A_90, %dma_start3A_91, %dma_start3A_97] : memref<2x4x128xi32, #tpu.memory_space<vmem>> -> memref<1x1x128xi32, #tpu.memory_space<vmem>>
      %dma_start3A_99 = tpu.memref_squeeze %dma_start3A_98 : memref<1x1x128xi32, #tpu.memory_space<vmem>> -> memref<128xi32, #tpu.memory_space<vmem>>
      %dma_start3A_100 = arith.constant 0 : i32
      %dma_start3A_101 = arith.constant 0 : i32
      %dma_start3A_102 = tpu.memref_slice %arg2[%dma_start3A_100, %dma_start3A_101] : memref<10240x128xf32, #tpu.memory_space<hbm>> -> memref<10240x128xf32, #tpu.memory_space<hbm>>
      tpu.enqueue_indirect_dma source(%dma_start3A_102 : memref<10240x128xf32, #tpu.memory_space<hbm>>) target(%dma_start3A_96 : memref<128x128xf32, #tpu.memory_space<vmem>>) offsets(%dma_start3A_99 : memref<128xi32, #tpu.memory_space<vmem>>) semaphore(%arg12 : memref<!tpu.dma_semaphore, #tpu.memory_space<semaphore_mem>>)
      %run_scoped3A_103 = arith.constant 1 : i32
      %run_scoped3A_104 = arith.constant 0 : i32
      %run_scoped3A_105 = arith.constant 1 : i32
      "tpu.region"() ({
        %run_scoped3A_270 = tpu.sem_alloc : memref<!tpu.dma_semaphore, #tpu.memory_space<semaphore_mem>>
        %dma_start3A_271 = arith.constant 0 : i32
        %dma_start3A_272 = arith.constant 0 : i32
        %dma_start3A_273 = tpu.memref_slice %arg10[%run_scoped3A_103, %dma_start3A_271, %dma_start3A_272] : memref<2x128x128xf32, #tpu.memory_space<vmem>> -> memref<1x128x128xf32, #tpu.memory_space<vmem>>
        %dma_start3A_274 = tpu.memref_squeeze %dma_start3A_273 : memref<1x128x128xf32, #tpu.memory_space<vmem>> -> memref<128x128xf32, #tpu.memory_space<vmem>>
        %dma_start3A_275 = arith.constant 0 : i32
        %dma_start3A_276 = tpu.memref_slice %arg9[%run_scoped3A_104, %run_scoped3A_105, %dma_start3A_275] : memref<2x4x128xi32, #tpu.memory_space<vmem>> -> memref<1x1x128xi32, #tpu.memory_space<vmem>>
        %dma_start3A_277 = tpu.memref_squeeze %dma_start3A_276 : memref<1x1x128xi32, #tpu.memory_space<vmem>> -> memref<128xi32, #tpu.memory_space<vmem>>
        %dma_start3A_278 = arith.constant 0 : i32
        %dma_start3A_279 = arith.constant 0 : i32
        %dma_start3A_280 = tpu.memref_slice %arg7[%dma_start3A_278, %dma_start3A_279] : memref<10240x128xf32, #tpu.memory_space<vmem_shared>> -> memref<10240x128xf32, #tpu.memory_space<vmem_shared>>
        tpu.enqueue_indirect_dma source(%dma_start3A_274 : memref<128x128xf32, #tpu.memory_space<vmem>>) target(%dma_start3A_280 : memref<10240x128xf32, #tpu.memory_space<vmem_shared>>) offsets(%dma_start3A_277 : memref<128xi32, #tpu.memory_space<vmem>>) semaphore(%run_scoped3A_270 : memref<!tpu.dma_semaphore, #tpu.memory_space<semaphore_mem>>) {add = true}
        %dma_wait3A_281 = arith.constant 0 : i32
        %dma_wait3A_282 = arith.constant 0 : i32
        %dma_wait3A_283 = tpu.memref_slice %arg10[%run_scoped3A_103, %dma_wait3A_281, %dma_wait3A_282] : memref<2x128x128xf32, #tpu.memory_space<vmem>> -> memref<1x128x128xf32, #tpu.memory_space<vmem>>
        %dma_wait3A_284 = tpu.memref_squeeze %dma_wait3A_283 : memref<1x128x128xf32, #tpu.memory_space<vmem>> -> memref<128x128xf32, #tpu.memory_space<vmem>>
        %dma_wait3A_285 = arith.constant 0 : i32
        %dma_wait3A_286 = tpu.memref_slice %arg9[%run_scoped3A_104, %run_scoped3A_105, %dma_wait3A_285] : memref<2x4x128xi32, #tpu.memory_space<vmem>> -> memref<1x1x128xi32, #tpu.memory_space<vmem>>
        %dma_wait3A_287 = tpu.memref_squeeze %dma_wait3A_286 : memref<1x1x128xi32, #tpu.memory_space<vmem>> -> memref<128xi32, #tpu.memory_space<vmem>>
        %dma_wait3A_288 = arith.constant 0 : i32
        %dma_wait3A_289 = arith.constant 0 : i32
        %dma_wait3A_290 = tpu.memref_slice %arg7[%dma_wait3A_288, %dma_wait3A_289] : memref<10240x128xf32, #tpu.memory_space<vmem_shared>> -> memref<10240x128xf32, #tpu.memory_space<vmem_shared>>
        tpu.wait_indirect_dma semaphore(%run_scoped3A_270 : memref<!tpu.dma_semaphore, #tpu.memory_space<semaphore_mem>>) src(%dma_wait3A_284 : memref<128x128xf32, #tpu.memory_space<vmem>>) dst(%dma_wait3A_290 : memref<10240x128xf32, #tpu.memory_space<vmem_shared>>)
        tpu.yield
      }) : () -> ()
      %dma_wait3A_106 = arith.constant 0 : i32
      %dma_wait3A_107 = arith.constant 2 : i32
      %dma_wait3A_108 = arith.constant 0 : i32
      %dma_wait3A_109 = arith.constant 0 : i32
      %dma_wait3A_110 = arith.constant 0 : i32
      %dma_wait3A_111 = tpu.memref_slice %arg10[%dma_wait3A_108, %dma_wait3A_109, %dma_wait3A_110] : memref<2x128x128xf32, #tpu.memory_space<vmem>> -> memref<1x128x128xf32, #tpu.memory_space<vmem>>
      %dma_wait3A_112 = tpu.memref_squeeze %dma_wait3A_111 : memref<1x128x128xf32, #tpu.memory_space<vmem>> -> memref<128x128xf32, #tpu.memory_space<vmem>>
      %dma_wait3A_113 = arith.constant 0 : i32
      %dma_wait3A_114 = tpu.memref_slice %arg8[%dma_wait3A_106, %dma_wait3A_107, %dma_wait3A_113] : memref<2x4x128xi32, #tpu.memory_space<vmem>> -> memref<1x1x128xi32, #tpu.memory_space<vmem>>
      %dma_wait3A_115 = tpu.memref_squeeze %dma_wait3A_114 : memref<1x1x128xi32, #tpu.memory_space<vmem>> -> memref<128xi32, #tpu.memory_space<vmem>>
      %dma_wait3A_116 = arith.constant 0 : i32
      %dma_wait3A_117 = arith.constant 0 : i32
      %dma_wait3A_118 = tpu.memref_slice %arg2[%dma_wait3A_116, %dma_wait3A_117] : memref<10240x128xf32, #tpu.memory_space<hbm>> -> memref<10240x128xf32, #tpu.memory_space<hbm>>
      tpu.wait_indirect_dma semaphore(%arg12 : memref<!tpu.dma_semaphore, #tpu.memory_space<semaphore_mem>>) src(%dma_wait3A_118 : memref<10240x128xf32, #tpu.memory_space<hbm>>) dst(%dma_wait3A_112 : memref<128x128xf32, #tpu.memory_space<vmem>>)
      %dma_start3A_119 = arith.constant 0 : i32
      %dma_start3A_120 = arith.constant 3 : i32
      %dma_start3A_121 = arith.constant 1 : i32
      %dma_start3A_122 = arith.constant 0 : i32
      %dma_start3A_123 = arith.constant 0 : i32
      %dma_start3A_124 = tpu.memref_slice %arg10[%dma_start3A_121, %dma_start3A_122, %dma_start3A_123] : memref<2x128x128xf32, #tpu.memory_space<vmem>> -> memref<1x128x128xf32, #tpu.memory_space<vmem>>
      %dma_start3A_125 = tpu.memref_squeeze %dma_start3A_124 : memref<1x128x128xf32, #tpu.memory_space<vmem>> -> memref<128x128xf32, #tpu.memory_space<vmem>>
      %dma_start3A_126 = arith.constant 0 : i32
      %dma_start3A_127 = tpu.memref_slice %arg8[%dma_start3A_119, %dma_start3A_120, %dma_start3A_126] : memref<2x4x128xi32, #tpu.memory_space<vmem>> -> memref<1x1x128xi32, #tpu.memory_space<vmem>>
      %dma_start3A_128 = tpu.memref_squeeze %dma_start3A_127 : memref<1x1x128xi32, #tpu.memory_space<vmem>> -> memref<128xi32, #tpu.memory_space<vmem>>
      %dma_start3A_129 = arith.constant 0 : i32
      %dma_start3A_130 = arith.constant 0 : i32
      %dma_start3A_131 = tpu.memref_slice %arg2[%dma_start3A_129, %dma_start3A_130] : memref<10240x128xf32, #tpu.memory_space<hbm>> -> memref<10240x128xf32, #tpu.memory_space<hbm>>
      tpu.enqueue_indirect_dma source(%dma_start3A_131 : memref<10240x128xf32, #tpu.memory_space<hbm>>) target(%dma_start3A_125 : memref<128x128xf32, #tpu.memory_space<vmem>>) offsets(%dma_start3A_128 : memref<128xi32, #tpu.memory_space<vmem>>) semaphore(%arg13 : memref<!tpu.dma_semaphore, #tpu.memory_space<semaphore_mem>>)
      %run_scoped3A_132 = arith.constant 0 : i32
      %run_scoped3A_133 = arith.constant 0 : i32
      %run_scoped3A_134 = arith.constant 2 : i32
      "tpu.region"() ({
        %run_scoped3A_270 = tpu.sem_alloc : memref<!tpu.dma_semaphore, #tpu.memory_space<semaphore_mem>>
        %dma_start3A_271 = arith.constant 0 : i32
        %dma_start3A_272 = arith.constant 0 : i32
        %dma_start3A_273 = tpu.memref_slice %arg10[%run_scoped3A_132, %dma_start3A_271, %dma_start3A_272] : memref<2x128x128xf32, #tpu.memory_space<vmem>> -> memref<1x128x128xf32, #tpu.memory_space<vmem>>
        %dma_start3A_274 = tpu.memref_squeeze %dma_start3A_273 : memref<1x128x128xf32, #tpu.memory_space<vmem>> -> memref<128x128xf32, #tpu.memory_space<vmem>>
        %dma_start3A_275 = arith.constant 0 : i32
        %dma_start3A_276 = tpu.memref_slice %arg9[%run_scoped3A_133, %run_scoped3A_134, %dma_start3A_275] : memref<2x4x128xi32, #tpu.memory_space<vmem>> -> memref<1x1x128xi32, #tpu.memory_space<vmem>>
        %dma_start3A_277 = tpu.memref_squeeze %dma_start3A_276 : memref<1x1x128xi32, #tpu.memory_space<vmem>> -> memref<128xi32, #tpu.memory_space<vmem>>
        %dma_start3A_278 = arith.constant 0 : i32
        %dma_start3A_279 = arith.constant 0 : i32
        %dma_start3A_280 = tpu.memref_slice %arg7[%dma_start3A_278, %dma_start3A_279] : memref<10240x128xf32, #tpu.memory_space<vmem_shared>> -> memref<10240x128xf32, #tpu.memory_space<vmem_shared>>
        tpu.enqueue_indirect_dma source(%dma_start3A_274 : memref<128x128xf32, #tpu.memory_space<vmem>>) target(%dma_start3A_280 : memref<10240x128xf32, #tpu.memory_space<vmem_shared>>) offsets(%dma_start3A_277 : memref<128xi32, #tpu.memory_space<vmem>>) semaphore(%run_scoped3A_270 : memref<!tpu.dma_semaphore, #tpu.memory_space<semaphore_mem>>) {add = true}
        %dma_wait3A_281 = arith.constant 0 : i32
        %dma_wait3A_282 = arith.constant 0 : i32
        %dma_wait3A_283 = tpu.memref_slice %arg10[%run_scoped3A_132, %dma_wait3A_281, %dma_wait3A_282] : memref<2x128x128xf32, #tpu.memory_space<vmem>> -> memref<1x128x128xf32, #tpu.memory_space<vmem>>
        %dma_wait3A_284 = tpu.memref_squeeze %dma_wait3A_283 : memref<1x128x128xf32, #tpu.memory_space<vmem>> -> memref<128x128xf32, #tpu.memory_space<vmem>>
        %dma_wait3A_285 = arith.constant 0 : i32
        %dma_wait3A_286 = tpu.memref_slice %arg9[%run_scoped3A_133, %run_scoped3A_134, %dma_wait3A_285] : memref<2x4x128xi32, #tpu.memory_space<vmem>> -> memref<1x1x128xi32, #tpu.memory_space<vmem>>
        %dma_wait3A_287 = tpu.memref_squeeze %dma_wait3A_286 : memref<1x1x128xi32, #tpu.memory_space<vmem>> -> memref<128xi32, #tpu.memory_space<vmem>>
        %dma_wait3A_288 = arith.constant 0 : i32
        %dma_wait3A_289 = arith.constant 0 : i32
        %dma_wait3A_290 = tpu.memref_slice %arg7[%dma_wait3A_288, %dma_wait3A_289] : memref<10240x128xf32, #tpu.memory_space<vmem_shared>> -> memref<10240x128xf32, #tpu.memory_space<vmem_shared>>
        tpu.wait_indirect_dma semaphore(%run_scoped3A_270 : memref<!tpu.dma_semaphore, #tpu.memory_space<semaphore_mem>>) src(%dma_wait3A_284 : memref<128x128xf32, #tpu.memory_space<vmem>>) dst(%dma_wait3A_290 : memref<10240x128xf32, #tpu.memory_space<vmem_shared>>)
        tpu.yield
      }) : () -> ()
      %dma_wait3A_135 = arith.constant 0 : i32
      %dma_wait3A_136 = arith.constant 3 : i32
      %dma_wait3A_137 = arith.constant 1 : i32
      %dma_wait3A_138 = arith.constant 0 : i32
      %dma_wait3A_139 = arith.constant 0 : i32
      %dma_wait3A_140 = tpu.memref_slice %arg10[%dma_wait3A_137, %dma_wait3A_138, %dma_wait3A_139] : memref<2x128x128xf32, #tpu.memory_space<vmem>> -> memref<1x128x128xf32, #tpu.memory_space<vmem>>
      %dma_wait3A_141 = tpu.memref_squeeze %dma_wait3A_140 : memref<1x128x128xf32, #tpu.memory_space<vmem>> -> memref<128x128xf32, #tpu.memory_space<vmem>>
      %dma_wait3A_142 = arith.constant 0 : i32
      %dma_wait3A_143 = tpu.memref_slice %arg8[%dma_wait3A_135, %dma_wait3A_136, %dma_wait3A_142] : memref<2x4x128xi32, #tpu.memory_space<vmem>> -> memref<1x1x128xi32, #tpu.memory_space<vmem>>
      %dma_wait3A_144 = tpu.memref_squeeze %dma_wait3A_143 : memref<1x1x128xi32, #tpu.memory_space<vmem>> -> memref<128xi32, #tpu.memory_space<vmem>>
      %dma_wait3A_145 = arith.constant 0 : i32
      %dma_wait3A_146 = arith.constant 0 : i32
      %dma_wait3A_147 = tpu.memref_slice %arg2[%dma_wait3A_145, %dma_wait3A_146] : memref<10240x128xf32, #tpu.memory_space<hbm>> -> memref<10240x128xf32, #tpu.memory_space<hbm>>
      tpu.wait_indirect_dma semaphore(%arg13 : memref<!tpu.dma_semaphore, #tpu.memory_space<semaphore_mem>>) src(%dma_wait3A_147 : memref<10240x128xf32, #tpu.memory_space<hbm>>) dst(%dma_wait3A_141 : memref<128x128xf32, #tpu.memory_space<vmem>>)
      %lt3A_148 = arith.cmpi slt, %add3A_47, %select_n3A : i32
      %convert_element_type3A_149 = arith.extui %lt3A_148 : i1 to i32
      %cond3A_150 = arith.constant 0 : i32
      %cond3A_151 = arith.cmpi ne, %convert_element_type3A_149, %cond3A_150 : i32
      scf.if %cond3A_151 {
        %add3A_270 = arith.addi %select_n3A_10, %add3A_47 : i32
        %dma_wait3A_271 = arith.constant 1 : i32
        %dma_wait3A_272 = arith.constant 0 : i32
        %dma_wait3A_273 = arith.constant 0 : i32
        %dma_wait3A_274 = tpu.memref_slice %arg8[%dma_wait3A_271, %dma_wait3A_272, %dma_wait3A_273] : memref<2x4x128xi32, #tpu.memory_space<vmem>> -> memref<1x4x128xi32, #tpu.memory_space<vmem>>
        %dma_wait3A_275 = tpu.memref_squeeze %dma_wait3A_274 : memref<1x4x128xi32, #tpu.memory_space<vmem>> -> memref<4x128xi32, #tpu.memory_space<vmem>>
        %dma_wait3A_276 = arith.constant 0 : i32
        %dma_wait3A_277 = tpu.memref_slice %arg3[%add3A_270, %dma_wait3A_276] : memref<2560x128xi32, #tpu.memory_space<hbm>> -> memref<4x128xi32, #tpu.memory_space<hbm>>
        %dma_wait3A_278 = arith.constant 0 : i32
        %dma_wait3A_279 = arith.constant 0 : i32
        %dma_wait3A_280 = tpu.memref_slice %arg8[%dma_wait3A_271, %dma_wait3A_278, %dma_wait3A_279] : memref<2x4x128xi32, #tpu.memory_space<vmem>> -> memref<1x4x128xi32, #tpu.memory_space<vmem>>
        %dma_wait3A_281 = tpu.memref_squeeze %dma_wait3A_280 : memref<1x4x128xi32, #tpu.memory_space<vmem>> -> memref<4x128xi32, #tpu.memory_space<vmem>>
        %dma_wait3A_282 = arith.constant 0 : i32
        %dma_wait3A_283 = tpu.memref_slice %arg3[%add3A_270, %dma_wait3A_282] : memref<2560x128xi32, #tpu.memory_space<hbm>> -> memref<4x128xi32, #tpu.memory_space<hbm>>
        tpu.wait_dma2 semaphore(%arg11 : memref<!tpu.dma_semaphore, #tpu.memory_space<semaphore_mem>>) src(%dma_wait3A_283 : memref<4x128xi32, #tpu.memory_space<hbm>>) dst(%dma_wait3A_281 : memref<4x128xi32, #tpu.memory_space<vmem>>)
        %add3A_284 = arith.addi %select_n3A_10, %add3A_47 : i32
        %dma_wait3A_285 = arith.constant 1 : i32
        %dma_wait3A_286 = arith.constant 0 : i32
        %dma_wait3A_287 = arith.constant 0 : i32
        %dma_wait3A_288 = tpu.memref_slice %arg9[%dma_wait3A_285, %dma_wait3A_286, %dma_wait3A_287] : memref<2x4x128xi32, #tpu.memory_space<vmem>> -> memref<1x4x128xi32, #tpu.memory_space<vmem>>
        %dma_wait3A_289 = tpu.memref_squeeze %dma_wait3A_288 : memref<1x4x128xi32, #tpu.memory_space<vmem>> -> memref<4x128xi32, #tpu.memory_space<vmem>>
        %dma_wait3A_290 = arith.constant 0 : i32
        %dma_wait3A_291 = tpu.memref_slice %arg4[%add3A_284, %dma_wait3A_290] : memref<2560x128xi32, #tpu.memory_space<hbm>> -> memref<4x128xi32, #tpu.memory_space<hbm>>
        %dma_wait3A_292 = arith.constant 0 : i32
        %dma_wait3A_293 = arith.constant 0 : i32
        %dma_wait3A_294 = tpu.memref_slice %arg9[%dma_wait3A_285, %dma_wait3A_292, %dma_wait3A_293] : memref<2x4x128xi32, #tpu.memory_space<vmem>> -> memref<1x4x128xi32, #tpu.memory_space<vmem>>
        %dma_wait3A_295 = tpu.memref_squeeze %dma_wait3A_294 : memref<1x4x128xi32, #tpu.memory_space<vmem>> -> memref<4x128xi32, #tpu.memory_space<vmem>>
        %dma_wait3A_296 = arith.constant 0 : i32
        %dma_wait3A_297 = tpu.memref_slice %arg4[%add3A_284, %dma_wait3A_296] : memref<2560x128xi32, #tpu.memory_space<hbm>> -> memref<4x128xi32, #tpu.memory_space<hbm>>
        tpu.wait_dma2 semaphore(%arg11 : memref<!tpu.dma_semaphore, #tpu.memory_space<semaphore_mem>>) src(%dma_wait3A_297 : memref<4x128xi32, #tpu.memory_space<hbm>>) dst(%dma_wait3A_295 : memref<4x128xi32, #tpu.memory_space<vmem>>)
        %dma_start3A_298 = arith.constant 1 : i32
        %dma_start3A_299 = arith.constant 0 : i32
        %dma_start3A_300 = arith.constant 0 : i32
        %dma_start3A_301 = arith.constant 0 : i32
        %dma_start3A_302 = arith.constant 0 : i32
        %dma_start3A_303 = tpu.memref_slice %arg10[%dma_start3A_300, %dma_start3A_301, %dma_start3A_302] : memref<2x128x128xf32, #tpu.memory_space<vmem>> -> memref<1x128x128xf32, #tpu.memory_space<vmem>>
        %dma_start3A_304 = tpu.memref_squeeze %dma_start3A_303 : memref<1x128x128xf32, #tpu.memory_space<vmem>> -> memref<128x128xf32, #tpu.memory_space<vmem>>
        %dma_start3A_305 = arith.constant 0 : i32
        %dma_start3A_306 = tpu.memref_slice %arg8[%dma_start3A_298, %dma_start3A_299, %dma_start3A_305] : memref<2x4x128xi32, #tpu.memory_space<vmem>> -> memref<1x1x128xi32, #tpu.memory_space<vmem>>
        %dma_start3A_307 = tpu.memref_squeeze %dma_start3A_306 : memref<1x1x128xi32, #tpu.memory_space<vmem>> -> memref<128xi32, #tpu.memory_space<vmem>>
        %dma_start3A_308 = arith.constant 0 : i32
        %dma_start3A_309 = arith.constant 0 : i32
        %dma_start3A_310 = tpu.memref_slice %arg2[%dma_start3A_308, %dma_start3A_309] : memref<10240x128xf32, #tpu.memory_space<hbm>> -> memref<10240x128xf32, #tpu.memory_space<hbm>>
        tpu.enqueue_indirect_dma source(%dma_start3A_310 : memref<10240x128xf32, #tpu.memory_space<hbm>>) target(%dma_start3A_304 : memref<128x128xf32, #tpu.memory_space<vmem>>) offsets(%dma_start3A_307 : memref<128xi32, #tpu.memory_space<vmem>>) semaphore(%arg12 : memref<!tpu.dma_semaphore, #tpu.memory_space<semaphore_mem>>)
      } else {
      }
      %run_scoped3A_152 = arith.constant 1 : i32
      %run_scoped3A_153 = arith.constant 0 : i32
      %run_scoped3A_154 = arith.constant 3 : i32
      "tpu.region"() ({
        %run_scoped3A_270 = tpu.sem_alloc : memref<!tpu.dma_semaphore, #tpu.memory_space<semaphore_mem>>
        %dma_start3A_271 = arith.constant 0 : i32
        %dma_start3A_272 = arith.constant 0 : i32
        %dma_start3A_273 = tpu.memref_slice %arg10[%run_scoped3A_152, %dma_start3A_271, %dma_start3A_272] : memref<2x128x128xf32, #tpu.memory_space<vmem>> -> memref<1x128x128xf32, #tpu.memory_space<vmem>>
        %dma_start3A_274 = tpu.memref_squeeze %dma_start3A_273 : memref<1x128x128xf32, #tpu.memory_space<vmem>> -> memref<128x128xf32, #tpu.memory_space<vmem>>
        %dma_start3A_275 = arith.constant 0 : i32
        %dma_start3A_276 = tpu.memref_slice %arg9[%run_scoped3A_153, %run_scoped3A_154, %dma_start3A_275] : memref<2x4x128xi32, #tpu.memory_space<vmem>> -> memref<1x1x128xi32, #tpu.memory_space<vmem>>
        %dma_start3A_277 = tpu.memref_squeeze %dma_start3A_276 : memref<1x1x128xi32, #tpu.memory_space<vmem>> -> memref<128xi32, #tpu.memory_space<vmem>>
        %dma_start3A_278 = arith.constant 0 : i32
        %dma_start3A_279 = arith.constant 0 : i32
        %dma_start3A_280 = tpu.memref_slice %arg7[%dma_start3A_278, %dma_start3A_279] : memref<10240x128xf32, #tpu.memory_space<vmem_shared>> -> memref<10240x128xf32, #tpu.memory_space<vmem_shared>>
        tpu.enqueue_indirect_dma source(%dma_start3A_274 : memref<128x128xf32, #tpu.memory_space<vmem>>) target(%dma_start3A_280 : memref<10240x128xf32, #tpu.memory_space<vmem_shared>>) offsets(%dma_start3A_277 : memref<128xi32, #tpu.memory_space<vmem>>) semaphore(%run_scoped3A_270 : memref<!tpu.dma_semaphore, #tpu.memory_space<semaphore_mem>>) {add = true}
        %dma_wait3A_281 = arith.constant 0 : i32
        %dma_wait3A_282 = arith.constant 0 : i32
        %dma_wait3A_283 = tpu.memref_slice %arg10[%run_scoped3A_152, %dma_wait3A_281, %dma_wait3A_282] : memref<2x128x128xf32, #tpu.memory_space<vmem>> -> memref<1x128x128xf32, #tpu.memory_space<vmem>>
        %dma_wait3A_284 = tpu.memref_squeeze %dma_wait3A_283 : memref<1x128x128xf32, #tpu.memory_space<vmem>> -> memref<128x128xf32, #tpu.memory_space<vmem>>
        %dma_wait3A_285 = arith.constant 0 : i32
        %dma_wait3A_286 = tpu.memref_slice %arg9[%run_scoped3A_153, %run_scoped3A_154, %dma_wait3A_285] : memref<2x4x128xi32, #tpu.memory_space<vmem>> -> memref<1x1x128xi32, #tpu.memory_space<vmem>>
        %dma_wait3A_287 = tpu.memref_squeeze %dma_wait3A_286 : memref<1x1x128xi32, #tpu.memory_space<vmem>> -> memref<128xi32, #tpu.memory_space<vmem>>
        %dma_wait3A_288 = arith.constant 0 : i32
        %dma_wait3A_289 = arith.constant 0 : i32
        %dma_wait3A_290 = tpu.memref_slice %arg7[%dma_wait3A_288, %dma_wait3A_289] : memref<10240x128xf32, #tpu.memory_space<vmem_shared>> -> memref<10240x128xf32, #tpu.memory_space<vmem_shared>>
        tpu.wait_indirect_dma semaphore(%run_scoped3A_270 : memref<!tpu.dma_semaphore, #tpu.memory_space<semaphore_mem>>) src(%dma_wait3A_284 : memref<128x128xf32, #tpu.memory_space<vmem>>) dst(%dma_wait3A_290 : memref<10240x128xf32, #tpu.memory_space<vmem_shared>>)
        tpu.yield
      }) : () -> ()
      %add3A_155 = arith.constant 4 : i32
      %add3A_156 = arith.addi %add3A_43, %add3A_155 : i32
      %add3A_157 = arith.constant 4 : i32
      %add3A_158 = arith.addi %add3A_156, %add3A_157 : i32
      %lt3A_159 = arith.cmpi slt, %add3A_158, %select_n3A : i32
      %convert_element_type3A_160 = arith.extui %lt3A_159 : i1 to i32
      %cond3A_161 = arith.constant 0 : i32
      %cond3A_162 = arith.cmpi ne, %convert_element_type3A_160, %cond3A_161 : i32
      scf.if %cond3A_162 {
        %add3A_270 = arith.addi %select_n3A_10, %add3A_158 : i32
        %dma_start3A_271 = arith.constant 0 : i32
        %dma_start3A_272 = arith.constant 0 : i32
        %dma_start3A_273 = arith.constant 0 : i32
        %dma_start3A_274 = tpu.memref_slice %arg8[%dma_start3A_271, %dma_start3A_272, %dma_start3A_273] : memref<2x4x128xi32, #tpu.memory_space<vmem>> -> memref<1x4x128xi32, #tpu.memory_space<vmem>>
        %dma_start3A_275 = tpu.memref_squeeze %dma_start3A_274 : memref<1x4x128xi32, #tpu.memory_space<vmem>> -> memref<4x128xi32, #tpu.memory_space<vmem>>
        %dma_start3A_276 = arith.constant 0 : i32
        %dma_start3A_277 = tpu.memref_slice %arg3[%add3A_270, %dma_start3A_276] : memref<2560x128xi32, #tpu.memory_space<hbm>> -> memref<4x128xi32, #tpu.memory_space<hbm>>
        %dma_start3A_278 = arith.constant 0 : i32
        %dma_start3A_279 = arith.constant 0 : i32
        %dma_start3A_280 = tpu.memref_slice %arg8[%dma_start3A_271, %dma_start3A_278, %dma_start3A_279] : memref<2x4x128xi32, #tpu.memory_space<vmem>> -> memref<1x4x128xi32, #tpu.memory_space<vmem>>
        %dma_start3A_281 = tpu.memref_squeeze %dma_start3A_280 : memref<1x4x128xi32, #tpu.memory_space<vmem>> -> memref<4x128xi32, #tpu.memory_space<vmem>>
        %dma_start3A_282 = arith.constant 0 : i32
        %dma_start3A_283 = tpu.memref_slice %arg3[%add3A_270, %dma_start3A_282] : memref<2560x128xi32, #tpu.memory_space<hbm>> -> memref<4x128xi32, #tpu.memory_space<hbm>>
        tpu.enqueue_dma source(%dma_start3A_283 : memref<4x128xi32, #tpu.memory_space<hbm>>) target(%dma_start3A_281 : memref<4x128xi32, #tpu.memory_space<vmem>>) target_semaphore(%arg11 : memref<!tpu.dma_semaphore, #tpu.memory_space<semaphore_mem>>)
        %add3A_284 = arith.addi %select_n3A_10, %add3A_158 : i32
        %dma_start3A_285 = arith.constant 0 : i32
        %dma_start3A_286 = arith.constant 0 : i32
        %dma_start3A_287 = arith.constant 0 : i32
        %dma_start3A_288 = tpu.memref_slice %arg9[%dma_start3A_285, %dma_start3A_286, %dma_start3A_287] : memref<2x4x128xi32, #tpu.memory_space<vmem>> -> memref<1x4x128xi32, #tpu.memory_space<vmem>>
        %dma_start3A_289 = tpu.memref_squeeze %dma_start3A_288 : memref<1x4x128xi32, #tpu.memory_space<vmem>> -> memref<4x128xi32, #tpu.memory_space<vmem>>
        %dma_start3A_290 = arith.constant 0 : i32
        %dma_start3A_291 = tpu.memref_slice %arg4[%add3A_284, %dma_start3A_290] : memref<2560x128xi32, #tpu.memory_space<hbm>> -> memref<4x128xi32, #tpu.memory_space<hbm>>
        %dma_start3A_292 = arith.constant 0 : i32
        %dma_start3A_293 = arith.constant 0 : i32
        %dma_start3A_294 = tpu.memref_slice %arg9[%dma_start3A_285, %dma_start3A_292, %dma_start3A_293] : memref<2x4x128xi32, #tpu.memory_space<vmem>> -> memref<1x4x128xi32, #tpu.memory_space<vmem>>
        %dma_start3A_295 = tpu.memref_squeeze %dma_start3A_294 : memref<1x4x128xi32, #tpu.memory_space<vmem>> -> memref<4x128xi32, #tpu.memory_space<vmem>>
        %dma_start3A_296 = arith.constant 0 : i32
        %dma_start3A_297 = tpu.memref_slice %arg4[%add3A_284, %dma_start3A_296] : memref<2560x128xi32, #tpu.memory_space<hbm>> -> memref<4x128xi32, #tpu.memory_space<hbm>>
        tpu.enqueue_dma source(%dma_start3A_297 : memref<4x128xi32, #tpu.memory_space<hbm>>) target(%dma_start3A_295 : memref<4x128xi32, #tpu.memory_space<vmem>>) target_semaphore(%arg11 : memref<!tpu.dma_semaphore, #tpu.memory_space<semaphore_mem>>)
      } else {
      }
      %dma_wait3A_163 = arith.constant 1 : i32
      %dma_wait3A_164 = arith.constant 0 : i32
      %dma_wait3A_165 = arith.constant 0 : i32
      %dma_wait3A_166 = arith.constant 0 : i32
      %dma_wait3A_167 = arith.constant 0 : i32
      %dma_wait3A_168 = tpu.memref_slice %arg10[%dma_wait3A_165, %dma_wait3A_166, %dma_wait3A_167] : memref<2x128x128xf32, #tpu.memory_space<vmem>> -> memref<1x128x128xf32, #tpu.memory_space<vmem>>
      %dma_wait3A_169 = tpu.memref_squeeze %dma_wait3A_168 : memref<1x128x128xf32, #tpu.memory_space<vmem>> -> memref<128x128xf32, #tpu.memory_space<vmem>>
      %dma_wait3A_170 = arith.constant 0 : i32
      %dma_wait3A_171 = tpu.memref_slice %arg8[%dma_wait3A_163, %dma_wait3A_164, %dma_wait3A_170] : memref<2x4x128xi32, #tpu.memory_space<vmem>> -> memref<1x1x128xi32, #tpu.memory_space<vmem>>
      %dma_wait3A_172 = tpu.memref_squeeze %dma_wait3A_171 : memref<1x1x128xi32, #tpu.memory_space<vmem>> -> memref<128xi32, #tpu.memory_space<vmem>>
      %dma_wait3A_173 = arith.constant 0 : i32
      %dma_wait3A_174 = arith.constant 0 : i32
      %dma_wait3A_175 = tpu.memref_slice %arg2[%dma_wait3A_173, %dma_wait3A_174] : memref<10240x128xf32, #tpu.memory_space<hbm>> -> memref<10240x128xf32, #tpu.memory_space<hbm>>
      tpu.wait_indirect_dma semaphore(%arg12 : memref<!tpu.dma_semaphore, #tpu.memory_space<semaphore_mem>>) src(%dma_wait3A_175 : memref<10240x128xf32, #tpu.memory_space<hbm>>) dst(%dma_wait3A_169 : memref<128x128xf32, #tpu.memory_space<vmem>>)
      %dma_start3A_176 = arith.constant 1 : i32
      %dma_start3A_177 = arith.constant 1 : i32
      %dma_start3A_178 = arith.constant 1 : i32
      %dma_start3A_179 = arith.constant 0 : i32
      %dma_start3A_180 = arith.constant 0 : i32
      %dma_start3A_181 = tpu.memref_slice %arg10[%dma_start3A_178, %dma_start3A_179, %dma_start3A_180] : memref<2x128x128xf32, #tpu.memory_space<vmem>> -> memref<1x128x128xf32, #tpu.memory_space<vmem>>
      %dma_start3A_182 = tpu.memref_squeeze %dma_start3A_181 : memref<1x128x128xf32, #tpu.memory_space<vmem>> -> memref<128x128xf32, #tpu.memory_space<vmem>>
      %dma_start3A_183 = arith.constant 0 : i32
      %dma_start3A_184 = tpu.memref_slice %arg8[%dma_start3A_176, %dma_start3A_177, %dma_start3A_183] : memref<2x4x128xi32, #tpu.memory_space<vmem>> -> memref<1x1x128xi32, #tpu.memory_space<vmem>>
      %dma_start3A_185 = tpu.memref_squeeze %dma_start3A_184 : memref<1x1x128xi32, #tpu.memory_space<vmem>> -> memref<128xi32, #tpu.memory_space<vmem>>
      %dma_start3A_186 = arith.constant 0 : i32
      %dma_start3A_187 = arith.constant 0 : i32
      %dma_start3A_188 = tpu.memref_slice %arg2[%dma_start3A_186, %dma_start3A_187] : memref<10240x128xf32, #tpu.memory_space<hbm>> -> memref<10240x128xf32, #tpu.memory_space<hbm>>
      tpu.enqueue_indirect_dma source(%dma_start3A_188 : memref<10240x128xf32, #tpu.memory_space<hbm>>) target(%dma_start3A_182 : memref<128x128xf32, #tpu.memory_space<vmem>>) offsets(%dma_start3A_185 : memref<128xi32, #tpu.memory_space<vmem>>) semaphore(%arg13 : memref<!tpu.dma_semaphore, #tpu.memory_space<semaphore_mem>>)
      %run_scoped3A_189 = arith.constant 0 : i32
      %run_scoped3A_190 = arith.constant 1 : i32
      %run_scoped3A_191 = arith.constant 0 : i32
      "tpu.region"() ({
        %run_scoped3A_270 = tpu.sem_alloc : memref<!tpu.dma_semaphore, #tpu.memory_space<semaphore_mem>>
        %dma_start3A_271 = arith.constant 0 : i32
        %dma_start3A_272 = arith.constant 0 : i32
        %dma_start3A_273 = tpu.memref_slice %arg10[%run_scoped3A_189, %dma_start3A_271, %dma_start3A_272] : memref<2x128x128xf32, #tpu.memory_space<vmem>> -> memref<1x128x128xf32, #tpu.memory_space<vmem>>
        %dma_start3A_274 = tpu.memref_squeeze %dma_start3A_273 : memref<1x128x128xf32, #tpu.memory_space<vmem>> -> memref<128x128xf32, #tpu.memory_space<vmem>>
        %dma_start3A_275 = arith.constant 0 : i32
        %dma_start3A_276 = tpu.memref_slice %arg9[%run_scoped3A_190, %run_scoped3A_191, %dma_start3A_275] : memref<2x4x128xi32, #tpu.memory_space<vmem>> -> memref<1x1x128xi32, #tpu.memory_space<vmem>>
        %dma_start3A_277 = tpu.memref_squeeze %dma_start3A_276 : memref<1x1x128xi32, #tpu.memory_space<vmem>> -> memref<128xi32, #tpu.memory_space<vmem>>
        %dma_start3A_278 = arith.constant 0 : i32
        %dma_start3A_279 = arith.constant 0 : i32
        %dma_start3A_280 = tpu.memref_slice %arg7[%dma_start3A_278, %dma_start3A_279] : memref<10240x128xf32, #tpu.memory_space<vmem_shared>> -> memref<10240x128xf32, #tpu.memory_space<vmem_shared>>
        tpu.enqueue_indirect_dma source(%dma_start3A_274 : memref<128x128xf32, #tpu.memory_space<vmem>>) target(%dma_start3A_280 : memref<10240x128xf32, #tpu.memory_space<vmem_shared>>) offsets(%dma_start3A_277 : memref<128xi32, #tpu.memory_space<vmem>>) semaphore(%run_scoped3A_270 : memref<!tpu.dma_semaphore, #tpu.memory_space<semaphore_mem>>) {add = true}
        %dma_wait3A_281 = arith.constant 0 : i32
        %dma_wait3A_282 = arith.constant 0 : i32
        %dma_wait3A_283 = tpu.memref_slice %arg10[%run_scoped3A_189, %dma_wait3A_281, %dma_wait3A_282] : memref<2x128x128xf32, #tpu.memory_space<vmem>> -> memref<1x128x128xf32, #tpu.memory_space<vmem>>
        %dma_wait3A_284 = tpu.memref_squeeze %dma_wait3A_283 : memref<1x128x128xf32, #tpu.memory_space<vmem>> -> memref<128x128xf32, #tpu.memory_space<vmem>>
        %dma_wait3A_285 = arith.constant 0 : i32
        %dma_wait3A_286 = tpu.memref_slice %arg9[%run_scoped3A_190, %run_scoped3A_191, %dma_wait3A_285] : memref<2x4x128xi32, #tpu.memory_space<vmem>> -> memref<1x1x128xi32, #tpu.memory_space<vmem>>
        %dma_wait3A_287 = tpu.memref_squeeze %dma_wait3A_286 : memref<1x1x128xi32, #tpu.memory_space<vmem>> -> memref<128xi32, #tpu.memory_space<vmem>>
        %dma_wait3A_288 = arith.constant 0 : i32
        %dma_wait3A_289 = arith.constant 0 : i32
        %dma_wait3A_290 = tpu.memref_slice %arg7[%dma_wait3A_288, %dma_wait3A_289] : memref<10240x128xf32, #tpu.memory_space<vmem_shared>> -> memref<10240x128xf32, #tpu.memory_space<vmem_shared>>
        tpu.wait_indirect_dma semaphore(%run_scoped3A_270 : memref<!tpu.dma_semaphore, #tpu.memory_space<semaphore_mem>>) src(%dma_wait3A_284 : memref<128x128xf32, #tpu.memory_space<vmem>>) dst(%dma_wait3A_290 : memref<10240x128xf32, #tpu.memory_space<vmem_shared>>)
        tpu.yield
      }) : () -> ()
      %dma_wait3A_192 = arith.constant 1 : i32
      %dma_wait3A_193 = arith.constant 1 : i32
      %dma_wait3A_194 = arith.constant 1 : i32
      %dma_wait3A_195 = arith.constant 0 : i32
      %dma_wait3A_196 = arith.constant 0 : i32
      %dma_wait3A_197 = tpu.memref_slice %arg10[%dma_wait3A_194, %dma_wait3A_195, %dma_wait3A_196] : memref<2x128x128xf32, #tpu.memory_space<vmem>> -> memref<1x128x128xf32, #tpu.memory_space<vmem>>
      %dma_wait3A_198 = tpu.memref_squeeze %dma_wait3A_197 : memref<1x128x128xf32, #tpu.memory_space<vmem>> -> memref<128x128xf32, #tpu.memory_space<vmem>>
      %dma_wait3A_199 = arith.constant 0 : i32
      %dma_wait3A_200 = tpu.memref_slice %arg8[%dma_wait3A_192, %dma_wait3A_193, %dma_wait3A_199] : memref<2x4x128xi32, #tpu.memory_space<vmem>> -> memref<1x1x128xi32, #tpu.memory_space<vmem>>
      %dma_wait3A_201 = tpu.memref_squeeze %dma_wait3A_200 : memref<1x1x128xi32, #tpu.memory_space<vmem>> -> memref<128xi32, #tpu.memory_space<vmem>>
      %dma_wait3A_202 = arith.constant 0 : i32
      %dma_wait3A_203 = arith.constant 0 : i32
      %dma_wait3A_204 = tpu.memref_slice %arg2[%dma_wait3A_202, %dma_wait3A_203] : memref<10240x128xf32, #tpu.memory_space<hbm>> -> memref<10240x128xf32, #tpu.memory_space<hbm>>
      tpu.wait_indirect_dma semaphore(%arg13 : memref<!tpu.dma_semaphore, #tpu.memory_space<semaphore_mem>>) src(%dma_wait3A_204 : memref<10240x128xf32, #tpu.memory_space<hbm>>) dst(%dma_wait3A_198 : memref<128x128xf32, #tpu.memory_space<vmem>>)
      %dma_start3A_205 = arith.constant 1 : i32
      %dma_start3A_206 = arith.constant 2 : i32
      %dma_start3A_207 = arith.constant 0 : i32
      %dma_start3A_208 = arith.constant 0 : i32
      %dma_start3A_209 = arith.constant 0 : i32
      %dma_start3A_210 = tpu.memref_slice %arg10[%dma_start3A_207, %dma_start3A_208, %dma_start3A_209] : memref<2x128x128xf32, #tpu.memory_space<vmem>> -> memref<1x128x128xf32, #tpu.memory_space<vmem>>
      %dma_start3A_211 = tpu.memref_squeeze %dma_start3A_210 : memref<1x128x128xf32, #tpu.memory_space<vmem>> -> memref<128x128xf32, #tpu.memory_space<vmem>>
      %dma_start3A_212 = arith.constant 0 : i32
      %dma_start3A_213 = tpu.memref_slice %arg8[%dma_start3A_205, %dma_start3A_206, %dma_start3A_212] : memref<2x4x128xi32, #tpu.memory_space<vmem>> -> memref<1x1x128xi32, #tpu.memory_space<vmem>>
      %dma_start3A_214 = tpu.memref_squeeze %dma_start3A_213 : memref<1x1x128xi32, #tpu.memory_space<vmem>> -> memref<128xi32, #tpu.memory_space<vmem>>
      %dma_start3A_215 = arith.constant 0 : i32
      %dma_start3A_216 = arith.constant 0 : i32
      %dma_start3A_217 = tpu.memref_slice %arg2[%dma_start3A_215, %dma_start3A_216] : memref<10240x128xf32, #tpu.memory_space<hbm>> -> memref<10240x128xf32, #tpu.memory_space<hbm>>
      tpu.enqueue_indirect_dma source(%dma_start3A_217 : memref<10240x128xf32, #tpu.memory_space<hbm>>) target(%dma_start3A_211 : memref<128x128xf32, #tpu.memory_space<vmem>>) offsets(%dma_start3A_214 : memref<128xi32, #tpu.memory_space<vmem>>) semaphore(%arg12 : memref<!tpu.dma_semaphore, #tpu.memory_space<semaphore_mem>>)
      %run_scoped3A_218 = arith.constant 1 : i32
      %run_scoped3A_219 = arith.constant 1 : i32
      %run_scoped3A_220 = arith.constant 1 : i32
      "tpu.region"() ({
        %run_scoped3A_270 = tpu.sem_alloc : memref<!tpu.dma_semaphore, #tpu.memory_space<semaphore_mem>>
        %dma_start3A_271 = arith.constant 0 : i32
        %dma_start3A_272 = arith.constant 0 : i32
        %dma_start3A_273 = tpu.memref_slice %arg10[%run_scoped3A_218, %dma_start3A_271, %dma_start3A_272] : memref<2x128x128xf32, #tpu.memory_space<vmem>> -> memref<1x128x128xf32, #tpu.memory_space<vmem>>
        %dma_start3A_274 = tpu.memref_squeeze %dma_start3A_273 : memref<1x128x128xf32, #tpu.memory_space<vmem>> -> memref<128x128xf32, #tpu.memory_space<vmem>>
        %dma_start3A_275 = arith.constant 0 : i32
        %dma_start3A_276 = tpu.memref_slice %arg9[%run_scoped3A_219, %run_scoped3A_220, %dma_start3A_275] : memref<2x4x128xi32, #tpu.memory_space<vmem>> -> memref<1x1x128xi32, #tpu.memory_space<vmem>>
        %dma_start3A_277 = tpu.memref_squeeze %dma_start3A_276 : memref<1x1x128xi32, #tpu.memory_space<vmem>> -> memref<128xi32, #tpu.memory_space<vmem>>
        %dma_start3A_278 = arith.constant 0 : i32
        %dma_start3A_279 = arith.constant 0 : i32
        %dma_start3A_280 = tpu.memref_slice %arg7[%dma_start3A_278, %dma_start3A_279] : memref<10240x128xf32, #tpu.memory_space<vmem_shared>> -> memref<10240x128xf32, #tpu.memory_space<vmem_shared>>
        tpu.enqueue_indirect_dma source(%dma_start3A_274 : memref<128x128xf32, #tpu.memory_space<vmem>>) target(%dma_start3A_280 : memref<10240x128xf32, #tpu.memory_space<vmem_shared>>) offsets(%dma_start3A_277 : memref<128xi32, #tpu.memory_space<vmem>>) semaphore(%run_scoped3A_270 : memref<!tpu.dma_semaphore, #tpu.memory_space<semaphore_mem>>) {add = true}
        %dma_wait3A_281 = arith.constant 0 : i32
        %dma_wait3A_282 = arith.constant 0 : i32
        %dma_wait3A_283 = tpu.memref_slice %arg10[%run_scoped3A_218, %dma_wait3A_281, %dma_wait3A_282] : memref<2x128x128xf32, #tpu.memory_space<vmem>> -> memref<1x128x128xf32, #tpu.memory_space<vmem>>
        %dma_wait3A_284 = tpu.memref_squeeze %dma_wait3A_283 : memref<1x128x128xf32, #tpu.memory_space<vmem>> -> memref<128x128xf32, #tpu.memory_space<vmem>>
        %dma_wait3A_285 = arith.constant 0 : i32
        %dma_wait3A_286 = tpu.memref_slice %arg9[%run_scoped3A_219, %run_scoped3A_220, %dma_wait3A_285] : memref<2x4x128xi32, #tpu.memory_space<vmem>> -> memref<1x1x128xi32, #tpu.memory_space<vmem>>
        %dma_wait3A_287 = tpu.memref_squeeze %dma_wait3A_286 : memref<1x1x128xi32, #tpu.memory_space<vmem>> -> memref<128xi32, #tpu.memory_space<vmem>>
        %dma_wait3A_288 = arith.constant 0 : i32
        %dma_wait3A_289 = arith.constant 0 : i32
        %dma_wait3A_290 = tpu.memref_slice %arg7[%dma_wait3A_288, %dma_wait3A_289] : memref<10240x128xf32, #tpu.memory_space<vmem_shared>> -> memref<10240x128xf32, #tpu.memory_space<vmem_shared>>
        tpu.wait_indirect_dma semaphore(%run_scoped3A_270 : memref<!tpu.dma_semaphore, #tpu.memory_space<semaphore_mem>>) src(%dma_wait3A_284 : memref<128x128xf32, #tpu.memory_space<vmem>>) dst(%dma_wait3A_290 : memref<10240x128xf32, #tpu.memory_space<vmem_shared>>)
        tpu.yield
      }) : () -> ()
      %dma_wait3A_221 = arith.constant 1 : i32
      %dma_wait3A_222 = arith.constant 2 : i32
      %dma_wait3A_223 = arith.constant 0 : i32
      %dma_wait3A_224 = arith.constant 0 : i32
      %dma_wait3A_225 = arith.constant 0 : i32
      %dma_wait3A_226 = tpu.memref_slice %arg10[%dma_wait3A_223, %dma_wait3A_224, %dma_wait3A_225] : memref<2x128x128xf32, #tpu.memory_space<vmem>> -> memref<1x128x128xf32, #tpu.memory_space<vmem>>
      %dma_wait3A_227 = tpu.memref_squeeze %dma_wait3A_226 : memref<1x128x128xf32, #tpu.memory_space<vmem>> -> memref<128x128xf32, #tpu.memory_space<vmem>>
      %dma_wait3A_228 = arith.constant 0 : i32
      %dma_wait3A_229 = tpu.memref_slice %arg8[%dma_wait3A_221, %dma_wait3A_222, %dma_wait3A_228] : memref<2x4x128xi32, #tpu.memory_space<vmem>> -> memref<1x1x128xi32, #tpu.memory_space<vmem>>
      %dma_wait3A_230 = tpu.memref_squeeze %dma_wait3A_229 : memref<1x1x128xi32, #tpu.memory_space<vmem>> -> memref<128xi32, #tpu.memory_space<vmem>>
      %dma_wait3A_231 = arith.constant 0 : i32
      %dma_wait3A_232 = arith.constant 0 : i32
      %dma_wait3A_233 = tpu.memref_slice %arg2[%dma_wait3A_231, %dma_wait3A_232] : memref<10240x128xf32, #tpu.memory_space<hbm>> -> memref<10240x128xf32, #tpu.memory_space<hbm>>
      tpu.wait_indirect_dma semaphore(%arg12 : memref<!tpu.dma_semaphore, #tpu.memory_space<semaphore_mem>>) src(%dma_wait3A_233 : memref<10240x128xf32, #tpu.memory_space<hbm>>) dst(%dma_wait3A_227 : memref<128x128xf32, #tpu.memory_space<vmem>>)
      %dma_start3A_234 = arith.constant 1 : i32
      %dma_start3A_235 = arith.constant 3 : i32
      %dma_start3A_236 = arith.constant 1 : i32
      %dma_start3A_237 = arith.constant 0 : i32
      %dma_start3A_238 = arith.constant 0 : i32
      %dma_start3A_239 = tpu.memref_slice %arg10[%dma_start3A_236, %dma_start3A_237, %dma_start3A_238] : memref<2x128x128xf32, #tpu.memory_space<vmem>> -> memref<1x128x128xf32, #tpu.memory_space<vmem>>
      %dma_start3A_240 = tpu.memref_squeeze %dma_start3A_239 : memref<1x128x128xf32, #tpu.memory_space<vmem>> -> memref<128x128xf32, #tpu.memory_space<vmem>>
      %dma_start3A_241 = arith.constant 0 : i32
      %dma_start3A_242 = tpu.memref_slice %arg8[%dma_start3A_234, %dma_start3A_235, %dma_start3A_241] : memref<2x4x128xi32, #tpu.memory_space<vmem>> -> memref<1x1x128xi32, #tpu.memory_space<vmem>>
      %dma_start3A_243 = tpu.memref_squeeze %dma_start3A_242 : memref<1x1x128xi32, #tpu.memory_space<vmem>> -> memref<128xi32, #tpu.memory_space<vmem>>
      %dma_start3A_244 = arith.constant 0 : i32
      %dma_start3A_245 = arith.constant 0 : i32
      %dma_start3A_246 = tpu.memref_slice %arg2[%dma_start3A_244, %dma_start3A_245] : memref<10240x128xf32, #tpu.memory_space<hbm>> -> memref<10240x128xf32, #tpu.memory_space<hbm>>
      tpu.enqueue_indirect_dma source(%dma_start3A_246 : memref<10240x128xf32, #tpu.memory_space<hbm>>) target(%dma_start3A_240 : memref<128x128xf32, #tpu.memory_space<vmem>>) offsets(%dma_start3A_243 : memref<128xi32, #tpu.memory_space<vmem>>) semaphore(%arg13 : memref<!tpu.dma_semaphore, #tpu.memory_space<semaphore_mem>>)
      %run_scoped3A_247 = arith.constant 0 : i32
      %run_scoped3A_248 = arith.constant 1 : i32
      %run_scoped3A_249 = arith.constant 2 : i32
      "tpu.region"() ({
        %run_scoped3A_270 = tpu.sem_alloc : memref<!tpu.dma_semaphore, #tpu.memory_space<semaphore_mem>>
        %dma_start3A_271 = arith.constant 0 : i32
        %dma_start3A_272 = arith.constant 0 : i32
        %dma_start3A_273 = tpu.memref_slice %arg10[%run_scoped3A_247, %dma_start3A_271, %dma_start3A_272] : memref<2x128x128xf32, #tpu.memory_space<vmem>> -> memref<1x128x128xf32, #tpu.memory_space<vmem>>
        %dma_start3A_274 = tpu.memref_squeeze %dma_start3A_273 : memref<1x128x128xf32, #tpu.memory_space<vmem>> -> memref<128x128xf32, #tpu.memory_space<vmem>>
        %dma_start3A_275 = arith.constant 0 : i32
        %dma_start3A_276 = tpu.memref_slice %arg9[%run_scoped3A_248, %run_scoped3A_249, %dma_start3A_275] : memref<2x4x128xi32, #tpu.memory_space<vmem>> -> memref<1x1x128xi32, #tpu.memory_space<vmem>>
        %dma_start3A_277 = tpu.memref_squeeze %dma_start3A_276 : memref<1x1x128xi32, #tpu.memory_space<vmem>> -> memref<128xi32, #tpu.memory_space<vmem>>
        %dma_start3A_278 = arith.constant 0 : i32
        %dma_start3A_279 = arith.constant 0 : i32
        %dma_start3A_280 = tpu.memref_slice %arg7[%dma_start3A_278, %dma_start3A_279] : memref<10240x128xf32, #tpu.memory_space<vmem_shared>> -> memref<10240x128xf32, #tpu.memory_space<vmem_shared>>
        tpu.enqueue_indirect_dma source(%dma_start3A_274 : memref<128x128xf32, #tpu.memory_space<vmem>>) target(%dma_start3A_280 : memref<10240x128xf32, #tpu.memory_space<vmem_shared>>) offsets(%dma_start3A_277 : memref<128xi32, #tpu.memory_space<vmem>>) semaphore(%run_scoped3A_270 : memref<!tpu.dma_semaphore, #tpu.memory_space<semaphore_mem>>) {add = true}
        %dma_wait3A_281 = arith.constant 0 : i32
        %dma_wait3A_282 = arith.constant 0 : i32
        %dma_wait3A_283 = tpu.memref_slice %arg10[%run_scoped3A_247, %dma_wait3A_281, %dma_wait3A_282] : memref<2x128x128xf32, #tpu.memory_space<vmem>> -> memref<1x128x128xf32, #tpu.memory_space<vmem>>
        %dma_wait3A_284 = tpu.memref_squeeze %dma_wait3A_283 : memref<1x128x128xf32, #tpu.memory_space<vmem>> -> memref<128x128xf32, #tpu.memory_space<vmem>>
        %dma_wait3A_285 = arith.constant 0 : i32
        %dma_wait3A_286 = tpu.memref_slice %arg9[%run_scoped3A_248, %run_scoped3A_249, %dma_wait3A_285] : memref<2x4x128xi32, #tpu.memory_space<vmem>> -> memref<1x1x128xi32, #tpu.memory_space<vmem>>
        %dma_wait3A_287 = tpu.memref_squeeze %dma_wait3A_286 : memref<1x1x128xi32, #tpu.memory_space<vmem>> -> memref<128xi32, #tpu.memory_space<vmem>>
        %dma_wait3A_288 = arith.constant 0 : i32
        %dma_wait3A_289 = arith.constant 0 : i32
        %dma_wait3A_290 = tpu.memref_slice %arg7[%dma_wait3A_288, %dma_wait3A_289] : memref<10240x128xf32, #tpu.memory_space<vmem_shared>> -> memref<10240x128xf32, #tpu.memory_space<vmem_shared>>
        tpu.wait_indirect_dma semaphore(%run_scoped3A_270 : memref<!tpu.dma_semaphore, #tpu.memory_space<semaphore_mem>>) src(%dma_wait3A_284 : memref<128x128xf32, #tpu.memory_space<vmem>>) dst(%dma_wait3A_290 : memref<10240x128xf32, #tpu.memory_space<vmem_shared>>)
        tpu.yield
      }) : () -> ()
      %dma_wait3A_250 = arith.constant 1 : i32
      %dma_wait3A_251 = arith.constant 3 : i32
      %dma_wait3A_252 = arith.constant 1 : i32
      %dma_wait3A_253 = arith.constant 0 : i32
      %dma_wait3A_254 = arith.constant 0 : i32
      %dma_wait3A_255 = tpu.memref_slice %arg10[%dma_wait3A_252, %dma_wait3A_253, %dma_wait3A_254] : memref<2x128x128xf32, #tpu.memory_space<vmem>> -> memref<1x128x128xf32, #tpu.memory_space<vmem>>
      %dma_wait3A_256 = tpu.memref_squeeze %dma_wait3A_255 : memref<1x128x128xf32, #tpu.memory_space<vmem>> -> memref<128x128xf32, #tpu.memory_space<vmem>>
      %dma_wait3A_257 = arith.constant 0 : i32
      %dma_wait3A_258 = tpu.memref_slice %arg8[%dma_wait3A_250, %dma_wait3A_251, %dma_wait3A_257] : memref<2x4x128xi32, #tpu.memory_space<vmem>> -> memref<1x1x128xi32, #tpu.memory_space<vmem>>
      %dma_wait3A_259 = tpu.memref_squeeze %dma_wait3A_258 : memref<1x1x128xi32, #tpu.memory_space<vmem>> -> memref<128xi32, #tpu.memory_space<vmem>>
      %dma_wait3A_260 = arith.constant 0 : i32
      %dma_wait3A_261 = arith.constant 0 : i32
      %dma_wait3A_262 = tpu.memref_slice %arg2[%dma_wait3A_260, %dma_wait3A_261] : memref<10240x128xf32, #tpu.memory_space<hbm>> -> memref<10240x128xf32, #tpu.memory_space<hbm>>
      tpu.wait_indirect_dma semaphore(%arg13 : memref<!tpu.dma_semaphore, #tpu.memory_space<semaphore_mem>>) src(%dma_wait3A_262 : memref<10240x128xf32, #tpu.memory_space<hbm>>) dst(%dma_wait3A_256 : memref<128x128xf32, #tpu.memory_space<vmem>>)
      %lt3A_263 = arith.cmpi slt, %add3A_158, %select_n3A : i32
      %convert_element_type3A_264 = arith.extui %lt3A_263 : i1 to i32
      %cond3A_265 = arith.constant 0 : i32
      %cond3A_266 = arith.cmpi ne, %convert_element_type3A_264, %cond3A_265 : i32
      scf.if %cond3A_266 {
        %add3A_270 = arith.addi %select_n3A_10, %add3A_158 : i32
        %dma_wait3A_271 = arith.constant 0 : i32
        %dma_wait3A_272 = arith.constant 0 : i32
        %dma_wait3A_273 = arith.constant 0 : i32
        %dma_wait3A_274 = tpu.memref_slice %arg8[%dma_wait3A_271, %dma_wait3A_272, %dma_wait3A_273] : memref<2x4x128xi32, #tpu.memory_space<vmem>> -> memref<1x4x128xi32, #tpu.memory_space<vmem>>
        %dma_wait3A_275 = tpu.memref_squeeze %dma_wait3A_274 : memref<1x4x128xi32, #tpu.memory_space<vmem>> -> memref<4x128xi32, #tpu.memory_space<vmem>>
        %dma_wait3A_276 = arith.constant 0 : i32
        %dma_wait3A_277 = tpu.memref_slice %arg3[%add3A_270, %dma_wait3A_276] : memref<2560x128xi32, #tpu.memory_space<hbm>> -> memref<4x128xi32, #tpu.memory_space<hbm>>
        %dma_wait3A_278 = arith.constant 0 : i32
        %dma_wait3A_279 = arith.constant 0 : i32
        %dma_wait3A_280 = tpu.memref_slice %arg8[%dma_wait3A_271, %dma_wait3A_278, %dma_wait3A_279] : memref<2x4x128xi32, #tpu.memory_space<vmem>> -> memref<1x4x128xi32, #tpu.memory_space<vmem>>
        %dma_wait3A_281 = tpu.memref_squeeze %dma_wait3A_280 : memref<1x4x128xi32, #tpu.memory_space<vmem>> -> memref<4x128xi32, #tpu.memory_space<vmem>>
        %dma_wait3A_282 = arith.constant 0 : i32
        %dma_wait3A_283 = tpu.memref_slice %arg3[%add3A_270, %dma_wait3A_282] : memref<2560x128xi32, #tpu.memory_space<hbm>> -> memref<4x128xi32, #tpu.memory_space<hbm>>
        tpu.wait_dma2 semaphore(%arg11 : memref<!tpu.dma_semaphore, #tpu.memory_space<semaphore_mem>>) src(%dma_wait3A_283 : memref<4x128xi32, #tpu.memory_space<hbm>>) dst(%dma_wait3A_281 : memref<4x128xi32, #tpu.memory_space<vmem>>)
        %add3A_284 = arith.addi %select_n3A_10, %add3A_158 : i32
        %dma_wait3A_285 = arith.constant 0 : i32
        %dma_wait3A_286 = arith.constant 0 : i32
        %dma_wait3A_287 = arith.constant 0 : i32
        %dma_wait3A_288 = tpu.memref_slice %arg9[%dma_wait3A_285, %dma_wait3A_286, %dma_wait3A_287] : memref<2x4x128xi32, #tpu.memory_space<vmem>> -> memref<1x4x128xi32, #tpu.memory_space<vmem>>
        %dma_wait3A_289 = tpu.memref_squeeze %dma_wait3A_288 : memref<1x4x128xi32, #tpu.memory_space<vmem>> -> memref<4x128xi32, #tpu.memory_space<vmem>>
        %dma_wait3A_290 = arith.constant 0 : i32
        %dma_wait3A_291 = tpu.memref_slice %arg4[%add3A_284, %dma_wait3A_290] : memref<2560x128xi32, #tpu.memory_space<hbm>> -> memref<4x128xi32, #tpu.memory_space<hbm>>
        %dma_wait3A_292 = arith.constant 0 : i32
        %dma_wait3A_293 = arith.constant 0 : i32
        %dma_wait3A_294 = tpu.memref_slice %arg9[%dma_wait3A_285, %dma_wait3A_292, %dma_wait3A_293] : memref<2x4x128xi32, #tpu.memory_space<vmem>> -> memref<1x4x128xi32, #tpu.memory_space<vmem>>
        %dma_wait3A_295 = tpu.memref_squeeze %dma_wait3A_294 : memref<1x4x128xi32, #tpu.memory_space<vmem>> -> memref<4x128xi32, #tpu.memory_space<vmem>>
        %dma_wait3A_296 = arith.constant 0 : i32
        %dma_wait3A_297 = tpu.memref_slice %arg4[%add3A_284, %dma_wait3A_296] : memref<2560x128xi32, #tpu.memory_space<hbm>> -> memref<4x128xi32, #tpu.memory_space<hbm>>
        tpu.wait_dma2 semaphore(%arg11 : memref<!tpu.dma_semaphore, #tpu.memory_space<semaphore_mem>>) src(%dma_wait3A_297 : memref<4x128xi32, #tpu.memory_space<hbm>>) dst(%dma_wait3A_295 : memref<4x128xi32, #tpu.memory_space<vmem>>)
        %dma_start3A_298 = arith.constant 0 : i32
        %dma_start3A_299 = arith.constant 0 : i32
        %dma_start3A_300 = arith.constant 0 : i32
        %dma_start3A_301 = arith.constant 0 : i32
        %dma_start3A_302 = arith.constant 0 : i32
        %dma_start3A_303 = tpu.memref_slice %arg10[%dma_start3A_300, %dma_start3A_301, %dma_start3A_302] : memref<2x128x128xf32, #tpu.memory_space<vmem>> -> memref<1x128x128xf32, #tpu.memory_space<vmem>>
        %dma_start3A_304 = tpu.memref_squeeze %dma_start3A_303 : memref<1x128x128xf32, #tpu.memory_space<vmem>> -> memref<128x128xf32, #tpu.memory_space<vmem>>
        %dma_start3A_305 = arith.constant 0 : i32
        %dma_start3A_306 = tpu.memref_slice %arg8[%dma_start3A_298, %dma_start3A_299, %dma_start3A_305] : memref<2x4x128xi32, #tpu.memory_space<vmem>> -> memref<1x1x128xi32, #tpu.memory_space<vmem>>
        %dma_start3A_307 = tpu.memref_squeeze %dma_start3A_306 : memref<1x1x128xi32, #tpu.memory_space<vmem>> -> memref<128xi32, #tpu.memory_space<vmem>>
        %dma_start3A_308 = arith.constant 0 : i32
        %dma_start3A_309 = arith.constant 0 : i32
        %dma_start3A_310 = tpu.memref_slice %arg2[%dma_start3A_308, %dma_start3A_309] : memref<10240x128xf32, #tpu.memory_space<hbm>> -> memref<10240x128xf32, #tpu.memory_space<hbm>>
        tpu.enqueue_indirect_dma source(%dma_start3A_310 : memref<10240x128xf32, #tpu.memory_space<hbm>>) target(%dma_start3A_304 : memref<128x128xf32, #tpu.memory_space<vmem>>) offsets(%dma_start3A_307 : memref<128xi32, #tpu.memory_space<vmem>>) semaphore(%arg12 : memref<!tpu.dma_semaphore, #tpu.memory_space<semaphore_mem>>)
      } else {
      }
      %run_scoped3A_267 = arith.constant 1 : i32
      %run_scoped3A_268 = arith.constant 1 : i32
      %run_scoped3A_269 = arith.constant 3 : i32
      "tpu.region"() ({
        %run_scoped3A_270 = tpu.sem_alloc : memref<!tpu.dma_semaphore, #tpu.memory_space<semaphore_mem>>
        %dma_start3A_271 = arith.constant 0 : i32
        %dma_start3A_272 = arith.constant 0 : i32
        %dma_start3A_273 = tpu.memref_slice %arg10[%run_scoped3A_267, %dma_start3A_271, %dma_start3A_272] : memref<2x128x128xf32, #tpu.memory_space<vmem>> -> memref<1x128x128xf32, #tpu.memory_space<vmem>>
        %dma_start3A_274 = tpu.memref_squeeze %dma_start3A_273 : memref<1x128x128xf32, #tpu.memory_space<vmem>> -> memref<128x128xf32, #tpu.memory_space<vmem>>
        %dma_start3A_275 = arith.constant 0 : i32
        %dma_start3A_276 = tpu.memref_slice %arg9[%run_scoped3A_268, %run_scoped3A_269, %dma_start3A_275] : memref<2x4x128xi32, #tpu.memory_space<vmem>> -> memref<1x1x128xi32, #tpu.memory_space<vmem>>
        %dma_start3A_277 = tpu.memref_squeeze %dma_start3A_276 : memref<1x1x128xi32, #tpu.memory_space<vmem>> -> memref<128xi32, #tpu.memory_space<vmem>>
        %dma_start3A_278 = arith.constant 0 : i32
        %dma_start3A_279 = arith.constant 0 : i32
        %dma_start3A_280 = tpu.memref_slice %arg7[%dma_start3A_278, %dma_start3A_279] : memref<10240x128xf32, #tpu.memory_space<vmem_shared>> -> memref<10240x128xf32, #tpu.memory_space<vmem_shared>>
        tpu.enqueue_indirect_dma source(%dma_start3A_274 : memref<128x128xf32, #tpu.memory_space<vmem>>) target(%dma_start3A_280 : memref<10240x128xf32, #tpu.memory_space<vmem_shared>>) offsets(%dma_start3A_277 : memref<128xi32, #tpu.memory_space<vmem>>) semaphore(%run_scoped3A_270 : memref<!tpu.dma_semaphore, #tpu.memory_space<semaphore_mem>>) {add = true}
        %dma_wait3A_281 = arith.constant 0 : i32
        %dma_wait3A_282 = arith.constant 0 : i32
        %dma_wait3A_283 = tpu.memref_slice %arg10[%run_scoped3A_267, %dma_wait3A_281, %dma_wait3A_282] : memref<2x128x128xf32, #tpu.memory_space<vmem>> -> memref<1x128x128xf32, #tpu.memory_space<vmem>>
        %dma_wait3A_284 = tpu.memref_squeeze %dma_wait3A_283 : memref<1x128x128xf32, #tpu.memory_space<vmem>> -> memref<128x128xf32, #tpu.memory_space<vmem>>
        %dma_wait3A_285 = arith.constant 0 : i32
        %dma_wait3A_286 = tpu.memref_slice %arg9[%run_scoped3A_268, %run_scoped3A_269, %dma_wait3A_285] : memref<2x4x128xi32, #tpu.memory_space<vmem>> -> memref<1x1x128xi32, #tpu.memory_space<vmem>>
        %dma_wait3A_287 = tpu.memref_squeeze %dma_wait3A_286 : memref<1x1x128xi32, #tpu.memory_space<vmem>> -> memref<128xi32, #tpu.memory_space<vmem>>
        %dma_wait3A_288 = arith.constant 0 : i32
        %dma_wait3A_289 = arith.constant 0 : i32
        %dma_wait3A_290 = tpu.memref_slice %arg7[%dma_wait3A_288, %dma_wait3A_289] : memref<10240x128xf32, #tpu.memory_space<vmem_shared>> -> memref<10240x128xf32, #tpu.memory_space<vmem_shared>>
        tpu.wait_indirect_dma semaphore(%run_scoped3A_270 : memref<!tpu.dma_semaphore, #tpu.memory_space<semaphore_mem>>) src(%dma_wait3A_284 : memref<128x128xf32, #tpu.memory_space<vmem>>) dst(%dma_wait3A_290 : memref<10240x128xf32, #tpu.memory_space<vmem_shared>>)
        tpu.yield
      }) : () -> ()
    }
    %while3A_39 = arith.constant 1 : i32
    scf.for %while3A_41 = %while3A_37 to %while3A_33 step %while3A_39  : i32 {
      %mul3A_42 = arith.muli %while3A_41, %while3A : i32
      %add3A_43 = arith.addi %while3A_30, %mul3A_42 : i32
      %add3A_44 = arith.constant 0 : i32
      %add3A_45 = arith.addi %add3A_43, %add3A_44 : i32
      %add3A_46 = arith.constant 4 : i32
      %add3A_47 = arith.addi %add3A_45, %add3A_46 : i32
      %lt3A = arith.cmpi slt, %add3A_47, %select_n3A : i32
      %convert_element_type3A = arith.extui %lt3A : i1 to i32
      %cond3A = arith.constant 0 : i32
      %cond3A_48 = arith.cmpi ne, %convert_element_type3A, %cond3A : i32
      scf.if %cond3A_48 {
        %add3A_270 = arith.addi %select_n3A_10, %add3A_47 : i32
        %dma_start3A_271 = arith.constant 1 : i32
        %dma_start3A_272 = arith.constant 0 : i32
        %dma_start3A_273 = arith.constant 0 : i32
        %dma_start3A_274 = tpu.memref_slice %arg8[%dma_start3A_271, %dma_start3A_272, %dma_start3A_273] : memref<2x4x128xi32, #tpu.memory_space<vmem>> -> memref<1x4x128xi32, #tpu.memory_space<vmem>>
        %dma_start3A_275 = tpu.memref_squeeze %dma_start3A_274 : memref<1x4x128xi32, #tpu.memory_space<vmem>> -> memref<4x128xi32, #tpu.memory_space<vmem>>
        %dma_start3A_276 = arith.constant 0 : i32
        %dma_start3A_277 = tpu.memref_slice %arg3[%add3A_270, %dma_start3A_276] : memref<2560x128xi32, #tpu.memory_space<hbm>> -> memref<4x128xi32, #tpu.memory_space<hbm>>
        %dma_start3A_278 = arith.constant 0 : i32
        %dma_start3A_279 = arith.constant 0 : i32
        %dma_start3A_280 = tpu.memref_slice %arg8[%dma_start3A_271, %dma_start3A_278, %dma_start3A_279] : memref<2x4x128xi32, #tpu.memory_space<vmem>> -> memref<1x4x128xi32, #tpu.memory_space<vmem>>
        %dma_start3A_281 = tpu.memref_squeeze %dma_start3A_280 : memref<1x4x128xi32, #tpu.memory_space<vmem>> -> memref<4x128xi32, #tpu.memory_space<vmem>>
        %dma_start3A_282 = arith.constant 0 : i32
        %dma_start3A_283 = tpu.memref_slice %arg3[%add3A_270, %dma_start3A_282] : memref<2560x128xi32, #tpu.memory_space<hbm>> -> memref<4x128xi32, #tpu.memory_space<hbm>>
        tpu.enqueue_dma source(%dma_start3A_283 : memref<4x128xi32, #tpu.memory_space<hbm>>) target(%dma_start3A_281 : memref<4x128xi32, #tpu.memory_space<vmem>>) target_semaphore(%arg11 : memref<!tpu.dma_semaphore, #tpu.memory_space<semaphore_mem>>)
        %add3A_284 = arith.addi %select_n3A_10, %add3A_47 : i32
        %dma_start3A_285 = arith.constant 1 : i32
        %dma_start3A_286 = arith.constant 0 : i32
        %dma_start3A_287 = arith.constant 0 : i32
        %dma_start3A_288 = tpu.memref_slice %arg9[%dma_start3A_285, %dma_start3A_286, %dma_start3A_287] : memref<2x4x128xi32, #tpu.memory_space<vmem>> -> memref<1x4x128xi32, #tpu.memory_space<vmem>>
        %dma_start3A_289 = tpu.memref_squeeze %dma_start3A_288 : memref<1x4x128xi32, #tpu.memory_space<vmem>> -> memref<4x128xi32, #tpu.memory_space<vmem>>
        %dma_start3A_290 = arith.constant 0 : i32
        %dma_start3A_291 = tpu.memref_slice %arg4[%add3A_284, %dma_start3A_290] : memref<2560x128xi32, #tpu.memory_space<hbm>> -> memref<4x128xi32, #tpu.memory_space<hbm>>
        %dma_start3A_292 = arith.constant 0 : i32
        %dma_start3A_293 = arith.constant 0 : i32
        %dma_start3A_294 = tpu.memref_slice %arg9[%dma_start3A_285, %dma_start3A_292, %dma_start3A_293] : memref<2x4x128xi32, #tpu.memory_space<vmem>> -> memref<1x4x128xi32, #tpu.memory_space<vmem>>
        %dma_start3A_295 = tpu.memref_squeeze %dma_start3A_294 : memref<1x4x128xi32, #tpu.memory_space<vmem>> -> memref<4x128xi32, #tpu.memory_space<vmem>>
        %dma_start3A_296 = arith.constant 0 : i32
        %dma_start3A_297 = tpu.memref_slice %arg4[%add3A_284, %dma_start3A_296] : memref<2560x128xi32, #tpu.memory_space<hbm>> -> memref<4x128xi32, #tpu.memory_space<hbm>>
        tpu.enqueue_dma source(%dma_start3A_297 : memref<4x128xi32, #tpu.memory_space<hbm>>) target(%dma_start3A_295 : memref<4x128xi32, #tpu.memory_space<vmem>>) target_semaphore(%arg11 : memref<!tpu.dma_semaphore, #tpu.memory_space<semaphore_mem>>)
      } else {
      }
      %dma_wait3A = arith.constant 0 : i32
      %dma_wait3A_49 = arith.constant 0 : i32
      %dma_wait3A_50 = arith.constant 0 : i32
      %dma_wait3A_51 = arith.constant 0 : i32
      %dma_wait3A_52 = arith.constant 0 : i32
      %dma_wait3A_53 = tpu.memref_slice %arg10[%dma_wait3A_50, %dma_wait3A_51, %dma_wait3A_52] : memref<2x128x128xf32, #tpu.memory_space<vmem>> -> memref<1x128x128xf32, #tpu.memory_space<vmem>>
      %dma_wait3A_54 = tpu.memref_squeeze %dma_wait3A_53 : memref<1x128x128xf32, #tpu.memory_space<vmem>> -> memref<128x128xf32, #tpu.memory_space<vmem>>
      %dma_wait3A_55 = arith.constant 0 : i32
      %dma_wait3A_56 = tpu.memref_slice %arg8[%dma_wait3A, %dma_wait3A_49, %dma_wait3A_55] : memref<2x4x128xi32, #tpu.memory_space<vmem>> -> memref<1x1x128xi32, #tpu.memory_space<vmem>>
      %dma_wait3A_57 = tpu.memref_squeeze %dma_wait3A_56 : memref<1x1x128xi32, #tpu.memory_space<vmem>> -> memref<128xi32, #tpu.memory_space<vmem>>
      %dma_wait3A_58 = arith.constant 0 : i32
      %dma_wait3A_59 = arith.constant 0 : i32
      %dma_wait3A_60 = tpu.memref_slice %arg2[%dma_wait3A_58, %dma_wait3A_59] : memref<10240x128xf32, #tpu.memory_space<hbm>> -> memref<10240x128xf32, #tpu.memory_space<hbm>>
      tpu.wait_indirect_dma semaphore(%arg12 : memref<!tpu.dma_semaphore, #tpu.memory_space<semaphore_mem>>) src(%dma_wait3A_60 : memref<10240x128xf32, #tpu.memory_space<hbm>>) dst(%dma_wait3A_54 : memref<128x128xf32, #tpu.memory_space<vmem>>)
      %dma_start3A_61 = arith.constant 0 : i32
      %dma_start3A_62 = arith.constant 1 : i32
      %dma_start3A_63 = arith.constant 1 : i32
      %dma_start3A_64 = arith.constant 0 : i32
      %dma_start3A_65 = arith.constant 0 : i32
      %dma_start3A_66 = tpu.memref_slice %arg10[%dma_start3A_63, %dma_start3A_64, %dma_start3A_65] : memref<2x128x128xf32, #tpu.memory_space<vmem>> -> memref<1x128x128xf32, #tpu.memory_space<vmem>>
      %dma_start3A_67 = tpu.memref_squeeze %dma_start3A_66 : memref<1x128x128xf32, #tpu.memory_space<vmem>> -> memref<128x128xf32, #tpu.memory_space<vmem>>
      %dma_start3A_68 = arith.constant 0 : i32
      %dma_start3A_69 = tpu.memref_slice %arg8[%dma_start3A_61, %dma_start3A_62, %dma_start3A_68] : memref<2x4x128xi32, #tpu.memory_space<vmem>> -> memref<1x1x128xi32, #tpu.memory_space<vmem>>
      %dma_start3A_70 = tpu.memref_squeeze %dma_start3A_69 : memref<1x1x128xi32, #tpu.memory_space<vmem>> -> memref<128xi32, #tpu.memory_space<vmem>>
      %dma_start3A_71 = arith.constant 0 : i32
      %dma_start3A_72 = arith.constant 0 : i32
      %dma_start3A_73 = tpu.memref_slice %arg2[%dma_start3A_71, %dma_start3A_72] : memref<10240x128xf32, #tpu.memory_space<hbm>> -> memref<10240x128xf32, #tpu.memory_space<hbm>>
      tpu.enqueue_indirect_dma source(%dma_start3A_73 : memref<10240x128xf32, #tpu.memory_space<hbm>>) target(%dma_start3A_67 : memref<128x128xf32, #tpu.memory_space<vmem>>) offsets(%dma_start3A_70 : memref<128xi32, #tpu.memory_space<vmem>>) semaphore(%arg13 : memref<!tpu.dma_semaphore, #tpu.memory_space<semaphore_mem>>)
      %run_scoped3A_74 = arith.constant 0 : i32
      %run_scoped3A_75 = arith.constant 0 : i32
      %run_scoped3A_76 = arith.constant 0 : i32
      "tpu.region"() ({
        %run_scoped3A_270 = tpu.sem_alloc : memref<!tpu.dma_semaphore, #tpu.memory_space<semaphore_mem>>
        %dma_start3A_271 = arith.constant 0 : i32
        %dma_start3A_272 = arith.constant 0 : i32
        %dma_start3A_273 = tpu.memref_slice %arg10[%run_scoped3A_74, %dma_start3A_271, %dma_start3A_272] : memref<2x128x128xf32, #tpu.memory_space<vmem>> -> memref<1x128x128xf32, #tpu.memory_space<vmem>>
        %dma_start3A_274 = tpu.memref_squeeze %dma_start3A_273 : memref<1x128x128xf32, #tpu.memory_space<vmem>> -> memref<128x128xf32, #tpu.memory_space<vmem>>
        %dma_start3A_275 = arith.constant 0 : i32
        %dma_start3A_276 = tpu.memref_slice %arg9[%run_scoped3A_75, %run_scoped3A_76, %dma_start3A_275] : memref<2x4x128xi32, #tpu.memory_space<vmem>> -> memref<1x1x128xi32, #tpu.memory_space<vmem>>
        %dma_start3A_277 = tpu.memref_squeeze %dma_start3A_276 : memref<1x1x128xi32, #tpu.memory_space<vmem>> -> memref<128xi32, #tpu.memory_space<vmem>>
        %dma_start3A_278 = arith.constant 0 : i32
        %dma_start3A_279 = arith.constant 0 : i32
        %dma_start3A_280 = tpu.memref_slice %arg7[%dma_start3A_278, %dma_start3A_279] : memref<10240x128xf32, #tpu.memory_space<vmem_shared>> -> memref<10240x128xf32, #tpu.memory_space<vmem_shared>>
        tpu.enqueue_indirect_dma source(%dma_start3A_274 : memref<128x128xf32, #tpu.memory_space<vmem>>) target(%dma_start3A_280 : memref<10240x128xf32, #tpu.memory_space<vmem_shared>>) offsets(%dma_start3A_277 : memref<128xi32, #tpu.memory_space<vmem>>) semaphore(%run_scoped3A_270 : memref<!tpu.dma_semaphore, #tpu.memory_space<semaphore_mem>>) {add = true}
        %dma_wait3A_281 = arith.constant 0 : i32
        %dma_wait3A_282 = arith.constant 0 : i32
        %dma_wait3A_283 = tpu.memref_slice %arg10[%run_scoped3A_74, %dma_wait3A_281, %dma_wait3A_282] : memref<2x128x128xf32, #tpu.memory_space<vmem>> -> memref<1x128x128xf32, #tpu.memory_space<vmem>>
        %dma_wait3A_284 = tpu.memref_squeeze %dma_wait3A_283 : memref<1x128x128xf32, #tpu.memory_space<vmem>> -> memref<128x128xf32, #tpu.memory_space<vmem>>
        %dma_wait3A_285 = arith.constant 0 : i32
        %dma_wait3A_286 = tpu.memref_slice %arg9[%run_scoped3A_75, %run_scoped3A_76, %dma_wait3A_285] : memref<2x4x128xi32, #tpu.memory_space<vmem>> -> memref<1x1x128xi32, #tpu.memory_space<vmem>>
        %dma_wait3A_287 = tpu.memref_squeeze %dma_wait3A_286 : memref<1x1x128xi32, #tpu.memory_space<vmem>> -> memref<128xi32, #tpu.memory_space<vmem>>
        %dma_wait3A_288 = arith.constant 0 : i32
        %dma_wait3A_289 = arith.constant 0 : i32
        %dma_wait3A_290 = tpu.memref_slice %arg7[%dma_wait3A_288, %dma_wait3A_289] : memref<10240x128xf32, #tpu.memory_space<vmem_shared>> -> memref<10240x128xf32, #tpu.memory_space<vmem_shared>>
        tpu.wait_indirect_dma semaphore(%run_scoped3A_270 : memref<!tpu.dma_semaphore, #tpu.memory_space<semaphore_mem>>) src(%dma_wait3A_284 : memref<128x128xf32, #tpu.memory_space<vmem>>) dst(%dma_wait3A_290 : memref<10240x128xf32, #tpu.memory_space<vmem_shared>>)
        tpu.yield
      }) : () -> ()
      %dma_wait3A_77 = arith.constant 0 : i32
      %dma_wait3A_78 = arith.constant 1 : i32
      %dma_wait3A_79 = arith.constant 1 : i32
      %dma_wait3A_80 = arith.constant 0 : i32
      %dma_wait3A_81 = arith.constant 0 : i32
      %dma_wait3A_82 = tpu.memref_slice %arg10[%dma_wait3A_79, %dma_wait3A_80, %dma_wait3A_81] : memref<2x128x128xf32, #tpu.memory_space<vmem>> -> memref<1x128x128xf32, #tpu.memory_space<vmem>>
      %dma_wait3A_83 = tpu.memref_squeeze %dma_wait3A_82 : memref<1x128x128xf32, #tpu.memory_space<vmem>> -> memref<128x128xf32, #tpu.memory_space<vmem>>
      %dma_wait3A_84 = arith.constant 0 : i32
      %dma_wait3A_85 = tpu.memref_slice %arg8[%dma_wait3A_77, %dma_wait3A_78, %dma_wait3A_84] : memref<2x4x128xi32, #tpu.memory_space<vmem>> -> memref<1x1x128xi32, #tpu.memory_space<vmem>>
      %dma_wait3A_86 = tpu.memref_squeeze %dma_wait3A_85 : memref<1x1x128xi32, #tpu.memory_space<vmem>> -> memref<128xi32, #tpu.memory_space<vmem>>
      %dma_wait3A_87 = arith.constant 0 : i32
      %dma_wait3A_88 = arith.constant 0 : i32
      %dma_wait3A_89 = tpu.memref_slice %arg2[%dma_wait3A_87, %dma_wait3A_88] : memref<10240x128xf32, #tpu.memory_space<hbm>> -> memref<10240x128xf32, #tpu.memory_space<hbm>>
      tpu.wait_indirect_dma semaphore(%arg13 : memref<!tpu.dma_semaphore, #tpu.memory_space<semaphore_mem>>) src(%dma_wait3A_89 : memref<10240x128xf32, #tpu.memory_space<hbm>>) dst(%dma_wait3A_83 : memref<128x128xf32, #tpu.memory_space<vmem>>)
      %dma_start3A_90 = arith.constant 0 : i32
      %dma_start3A_91 = arith.constant 2 : i32
      %dma_start3A_92 = arith.constant 0 : i32
      %dma_start3A_93 = arith.constant 0 : i32
      %dma_start3A_94 = arith.constant 0 : i32
      %dma_start3A_95 = tpu.memref_slice %arg10[%dma_start3A_92, %dma_start3A_93, %dma_start3A_94] : memref<2x128x128xf32, #tpu.memory_space<vmem>> -> memref<1x128x128xf32, #tpu.memory_space<vmem>>
      %dma_start3A_96 = tpu.memref_squeeze %dma_start3A_95 : memref<1x128x128xf32, #tpu.memory_space<vmem>> -> memref<128x128xf32, #tpu.memory_space<vmem>>
      %dma_start3A_97 = arith.constant 0 : i32
      %dma_start3A_98 = tpu.memref_slice %arg8[%dma_start3A_90, %dma_start3A_91, %dma_start3A_97] : memref<2x4x128xi32, #tpu.memory_space<vmem>> -> memref<1x1x128xi32, #tpu.memory_space<vmem>>
      %dma_start3A_99 = tpu.memref_squeeze %dma_start3A_98 : memref<1x1x128xi32, #tpu.memory_space<vmem>> -> memref<128xi32, #tpu.memory_space<vmem>>
      %dma_start3A_100 = arith.constant 0 : i32
      %dma_start3A_101 = arith.constant 0 : i32
      %dma_start3A_102 = tpu.memref_slice %arg2[%dma_start3A_100, %dma_start3A_101] : memref<10240x128xf32, #tpu.memory_space<hbm>> -> memref<10240x128xf32, #tpu.memory_space<hbm>>
      tpu.enqueue_indirect_dma source(%dma_start3A_102 : memref<10240x128xf32, #tpu.memory_space<hbm>>) target(%dma_start3A_96 : memref<128x128xf32, #tpu.memory_space<vmem>>) offsets(%dma_start3A_99 : memref<128xi32, #tpu.memory_space<vmem>>) semaphore(%arg12 : memref<!tpu.dma_semaphore, #tpu.memory_space<semaphore_mem>>)
      %run_scoped3A_103 = arith.constant 1 : i32
      %run_scoped3A_104 = arith.constant 0 : i32
      %run_scoped3A_105 = arith.constant 1 : i32
      "tpu.region"() ({
        %run_scoped3A_270 = tpu.sem_alloc : memref<!tpu.dma_semaphore, #tpu.memory_space<semaphore_mem>>
        %dma_start3A_271 = arith.constant 0 : i32
        %dma_start3A_272 = arith.constant 0 : i32
        %dma_start3A_273 = tpu.memref_slice %arg10[%run_scoped3A_103, %dma_start3A_271, %dma_start3A_272] : memref<2x128x128xf32, #tpu.memory_space<vmem>> -> memref<1x128x128xf32, #tpu.memory_space<vmem>>
        %dma_start3A_274 = tpu.memref_squeeze %dma_start3A_273 : memref<1x128x128xf32, #tpu.memory_space<vmem>> -> memref<128x128xf32, #tpu.memory_space<vmem>>
        %dma_start3A_275 = arith.constant 0 : i32
        %dma_start3A_276 = tpu.memref_slice %arg9[%run_scoped3A_104, %run_scoped3A_105, %dma_start3A_275] : memref<2x4x128xi32, #tpu.memory_space<vmem>> -> memref<1x1x128xi32, #tpu.memory_space<vmem>>
        %dma_start3A_277 = tpu.memref_squeeze %dma_start3A_276 : memref<1x1x128xi32, #tpu.memory_space<vmem>> -> memref<128xi32, #tpu.memory_space<vmem>>
        %dma_start3A_278 = arith.constant 0 : i32
        %dma_start3A_279 = arith.constant 0 : i32
        %dma_start3A_280 = tpu.memref_slice %arg7[%dma_start3A_278, %dma_start3A_279] : memref<10240x128xf32, #tpu.memory_space<vmem_shared>> -> memref<10240x128xf32, #tpu.memory_space<vmem_shared>>
        tpu.enqueue_indirect_dma source(%dma_start3A_274 : memref<128x128xf32, #tpu.memory_space<vmem>>) target(%dma_start3A_280 : memref<10240x128xf32, #tpu.memory_space<vmem_shared>>) offsets(%dma_start3A_277 : memref<128xi32, #tpu.memory_space<vmem>>) semaphore(%run_scoped3A_270 : memref<!tpu.dma_semaphore, #tpu.memory_space<semaphore_mem>>) {add = true}
        %dma_wait3A_281 = arith.constant 0 : i32
        %dma_wait3A_282 = arith.constant 0 : i32
        %dma_wait3A_283 = tpu.memref_slice %arg10[%run_scoped3A_103, %dma_wait3A_281, %dma_wait3A_282] : memref<2x128x128xf32, #tpu.memory_space<vmem>> -> memref<1x128x128xf32, #tpu.memory_space<vmem>>
        %dma_wait3A_284 = tpu.memref_squeeze %dma_wait3A_283 : memref<1x128x128xf32, #tpu.memory_space<vmem>> -> memref<128x128xf32, #tpu.memory_space<vmem>>
        %dma_wait3A_285 = arith.constant 0 : i32
        %dma_wait3A_286 = tpu.memref_slice %arg9[%run_scoped3A_104, %run_scoped3A_105, %dma_wait3A_285] : memref<2x4x128xi32, #tpu.memory_space<vmem>> -> memref<1x1x128xi32, #tpu.memory_space<vmem>>
        %dma_wait3A_287 = tpu.memref_squeeze %dma_wait3A_286 : memref<1x1x128xi32, #tpu.memory_space<vmem>> -> memref<128xi32, #tpu.memory_space<vmem>>
        %dma_wait3A_288 = arith.constant 0 : i32
        %dma_wait3A_289 = arith.constant 0 : i32
        %dma_wait3A_290 = tpu.memref_slice %arg7[%dma_wait3A_288, %dma_wait3A_289] : memref<10240x128xf32, #tpu.memory_space<vmem_shared>> -> memref<10240x128xf32, #tpu.memory_space<vmem_shared>>
        tpu.wait_indirect_dma semaphore(%run_scoped3A_270 : memref<!tpu.dma_semaphore, #tpu.memory_space<semaphore_mem>>) src(%dma_wait3A_284 : memref<128x128xf32, #tpu.memory_space<vmem>>) dst(%dma_wait3A_290 : memref<10240x128xf32, #tpu.memory_space<vmem_shared>>)
        tpu.yield
      }) : () -> ()
      %dma_wait3A_106 = arith.constant 0 : i32
      %dma_wait3A_107 = arith.constant 2 : i32
      %dma_wait3A_108 = arith.constant 0 : i32
      %dma_wait3A_109 = arith.constant 0 : i32
      %dma_wait3A_110 = arith.constant 0 : i32
      %dma_wait3A_111 = tpu.memref_slice %arg10[%dma_wait3A_108, %dma_wait3A_109, %dma_wait3A_110] : memref<2x128x128xf32, #tpu.memory_space<vmem>> -> memref<1x128x128xf32, #tpu.memory_space<vmem>>
      %dma_wait3A_112 = tpu.memref_squeeze %dma_wait3A_111 : memref<1x128x128xf32, #tpu.memory_space<vmem>> -> memref<128x128xf32, #tpu.memory_space<vmem>>
      %dma_wait3A_113 = arith.constant 0 : i32
      %dma_wait3A_114 = tpu.memref_slice %arg8[%dma_wait3A_106, %dma_wait3A_107, %dma_wait3A_113] : memref<2x4x128xi32, #tpu.memory_space<vmem>> -> memref<1x1x128xi32, #tpu.memory_space<vmem>>
      %dma_wait3A_115 = tpu.memref_squeeze %dma_wait3A_114 : memref<1x1x128xi32, #tpu.memory_space<vmem>> -> memref<128xi32, #tpu.memory_space<vmem>>
      %dma_wait3A_116 = arith.constant 0 : i32
      %dma_wait3A_117 = arith.constant 0 : i32
      %dma_wait3A_118 = tpu.memref_slice %arg2[%dma_wait3A_116, %dma_wait3A_117] : memref<10240x128xf32, #tpu.memory_space<hbm>> -> memref<10240x128xf32, #tpu.memory_space<hbm>>
      tpu.wait_indirect_dma semaphore(%arg12 : memref<!tpu.dma_semaphore, #tpu.memory_space<semaphore_mem>>) src(%dma_wait3A_118 : memref<10240x128xf32, #tpu.memory_space<hbm>>) dst(%dma_wait3A_112 : memref<128x128xf32, #tpu.memory_space<vmem>>)
      %dma_start3A_119 = arith.constant 0 : i32
      %dma_start3A_120 = arith.constant 3 : i32
      %dma_start3A_121 = arith.constant 1 : i32
      %dma_start3A_122 = arith.constant 0 : i32
      %dma_start3A_123 = arith.constant 0 : i32
      %dma_start3A_124 = tpu.memref_slice %arg10[%dma_start3A_121, %dma_start3A_122, %dma_start3A_123] : memref<2x128x128xf32, #tpu.memory_space<vmem>> -> memref<1x128x128xf32, #tpu.memory_space<vmem>>
      %dma_start3A_125 = tpu.memref_squeeze %dma_start3A_124 : memref<1x128x128xf32, #tpu.memory_space<vmem>> -> memref<128x128xf32, #tpu.memory_space<vmem>>
      %dma_start3A_126 = arith.constant 0 : i32
      %dma_start3A_127 = tpu.memref_slice %arg8[%dma_start3A_119, %dma_start3A_120, %dma_start3A_126] : memref<2x4x128xi32, #tpu.memory_space<vmem>> -> memref<1x1x128xi32, #tpu.memory_space<vmem>>
      %dma_start3A_128 = tpu.memref_squeeze %dma_start3A_127 : memref<1x1x128xi32, #tpu.memory_space<vmem>> -> memref<128xi32, #tpu.memory_space<vmem>>
      %dma_start3A_129 = arith.constant 0 : i32
      %dma_start3A_130 = arith.constant 0 : i32
      %dma_start3A_131 = tpu.memref_slice %arg2[%dma_start3A_129, %dma_start3A_130] : memref<10240x128xf32, #tpu.memory_space<hbm>> -> memref<10240x128xf32, #tpu.memory_space<hbm>>
      tpu.enqueue_indirect_dma source(%dma_start3A_131 : memref<10240x128xf32, #tpu.memory_space<hbm>>) target(%dma_start3A_125 : memref<128x128xf32, #tpu.memory_space<vmem>>) offsets(%dma_start3A_128 : memref<128xi32, #tpu.memory_space<vmem>>) semaphore(%arg13 : memref<!tpu.dma_semaphore, #tpu.memory_space<semaphore_mem>>)
      %run_scoped3A_132 = arith.constant 0 : i32
      %run_scoped3A_133 = arith.constant 0 : i32
      %run_scoped3A_134 = arith.constant 2 : i32
      "tpu.region"() ({
        %run_scoped3A_270 = tpu.sem_alloc : memref<!tpu.dma_semaphore, #tpu.memory_space<semaphore_mem>>
        %dma_start3A_271 = arith.constant 0 : i32
        %dma_start3A_272 = arith.constant 0 : i32
        %dma_start3A_273 = tpu.memref_slice %arg10[%run_scoped3A_132, %dma_start3A_271, %dma_start3A_272] : memref<2x128x128xf32, #tpu.memory_space<vmem>> -> memref<1x128x128xf32, #tpu.memory_space<vmem>>
        %dma_start3A_274 = tpu.memref_squeeze %dma_start3A_273 : memref<1x128x128xf32, #tpu.memory_space<vmem>> -> memref<128x128xf32, #tpu.memory_space<vmem>>
        %dma_start3A_275 = arith.constant 0 : i32
        %dma_start3A_276 = tpu.memref_slice %arg9[%run_scoped3A_133, %run_scoped3A_134, %dma_start3A_275] : memref<2x4x128xi32, #tpu.memory_space<vmem>> -> memref<1x1x128xi32, #tpu.memory_space<vmem>>
        %dma_start3A_277 = tpu.memref_squeeze %dma_start3A_276 : memref<1x1x128xi32, #tpu.memory_space<vmem>> -> memref<128xi32, #tpu.memory_space<vmem>>
        %dma_start3A_278 = arith.constant 0 : i32
        %dma_start3A_279 = arith.constant 0 : i32
        %dma_start3A_280 = tpu.memref_slice %arg7[%dma_start3A_278, %dma_start3A_279] : memref<10240x128xf32, #tpu.memory_space<vmem_shared>> -> memref<10240x128xf32, #tpu.memory_space<vmem_shared>>
        tpu.enqueue_indirect_dma source(%dma_start3A_274 : memref<128x128xf32, #tpu.memory_space<vmem>>) target(%dma_start3A_280 : memref<10240x128xf32, #tpu.memory_space<vmem_shared>>) offsets(%dma_start3A_277 : memref<128xi32, #tpu.memory_space<vmem>>) semaphore(%run_scoped3A_270 : memref<!tpu.dma_semaphore, #tpu.memory_space<semaphore_mem>>) {add = true}
        %dma_wait3A_281 = arith.constant 0 : i32
        %dma_wait3A_282 = arith.constant 0 : i32
        %dma_wait3A_283 = tpu.memref_slice %arg10[%run_scoped3A_132, %dma_wait3A_281, %dma_wait3A_282] : memref<2x128x128xf32, #tpu.memory_space<vmem>> -> memref<1x128x128xf32, #tpu.memory_space<vmem>>
        %dma_wait3A_284 = tpu.memref_squeeze %dma_wait3A_283 : memref<1x128x128xf32, #tpu.memory_space<vmem>> -> memref<128x128xf32, #tpu.memory_space<vmem>>
        %dma_wait3A_285 = arith.constant 0 : i32
        %dma_wait3A_286 = tpu.memref_slice %arg9[%run_scoped3A_133, %run_scoped3A_134, %dma_wait3A_285] : memref<2x4x128xi32, #tpu.memory_space<vmem>> -> memref<1x1x128xi32, #tpu.memory_space<vmem>>
        %dma_wait3A_287 = tpu.memref_squeeze %dma_wait3A_286 : memref<1x1x128xi32, #tpu.memory_space<vmem>> -> memref<128xi32, #tpu.memory_space<vmem>>
        %dma_wait3A_288 = arith.constant 0 : i32
        %dma_wait3A_289 = arith.constant 0 : i32
        %dma_wait3A_290 = tpu.memref_slice %arg7[%dma_wait3A_288, %dma_wait3A_289] : memref<10240x128xf32, #tpu.memory_space<vmem_shared>> -> memref<10240x128xf32, #tpu.memory_space<vmem_shared>>
        tpu.wait_indirect_dma semaphore(%run_scoped3A_270 : memref<!tpu.dma_semaphore, #tpu.memory_space<semaphore_mem>>) src(%dma_wait3A_284 : memref<128x128xf32, #tpu.memory_space<vmem>>) dst(%dma_wait3A_290 : memref<10240x128xf32, #tpu.memory_space<vmem_shared>>)
        tpu.yield
      }) : () -> ()
      %dma_wait3A_135 = arith.constant 0 : i32
      %dma_wait3A_136 = arith.constant 3 : i32
      %dma_wait3A_137 = arith.constant 1 : i32
      %dma_wait3A_138 = arith.constant 0 : i32
      %dma_wait3A_139 = arith.constant 0 : i32
      %dma_wait3A_140 = tpu.memref_slice %arg10[%dma_wait3A_137, %dma_wait3A_138, %dma_wait3A_139] : memref<2x128x128xf32, #tpu.memory_space<vmem>> -> memref<1x128x128xf32, #tpu.memory_space<vmem>>
      %dma_wait3A_141 = tpu.memref_squeeze %dma_wait3A_140 : memref<1x128x128xf32, #tpu.memory_space<vmem>> -> memref<128x128xf32, #tpu.memory_space<vmem>>
      %dma_wait3A_142 = arith.constant 0 : i32
      %dma_wait3A_143 = tpu.memref_slice %arg8[%dma_wait3A_135, %dma_wait3A_136, %dma_wait3A_142] : memref<2x4x128xi32, #tpu.memory_space<vmem>> -> memref<1x1x128xi32, #tpu.memory_space<vmem>>
      %dma_wait3A_144 = tpu.memref_squeeze %dma_wait3A_143 : memref<1x1x128xi32, #tpu.memory_space<vmem>> -> memref<128xi32, #tpu.memory_space<vmem>>
      %dma_wait3A_145 = arith.constant 0 : i32
      %dma_wait3A_146 = arith.constant 0 : i32
      %dma_wait3A_147 = tpu.memref_slice %arg2[%dma_wait3A_145, %dma_wait3A_146] : memref<10240x128xf32, #tpu.memory_space<hbm>> -> memref<10240x128xf32, #tpu.memory_space<hbm>>
      tpu.wait_indirect_dma semaphore(%arg13 : memref<!tpu.dma_semaphore, #tpu.memory_space<semaphore_mem>>) src(%dma_wait3A_147 : memref<10240x128xf32, #tpu.memory_space<hbm>>) dst(%dma_wait3A_141 : memref<128x128xf32, #tpu.memory_space<vmem>>)
      %lt3A_148 = arith.cmpi slt, %add3A_47, %select_n3A : i32
      %convert_element_type3A_149 = arith.extui %lt3A_148 : i1 to i32
      %cond3A_150 = arith.constant 0 : i32
      %cond3A_151 = arith.cmpi ne, %convert_element_type3A_149, %cond3A_150 : i32
      scf.if %cond3A_151 {
        %add3A_270 = arith.addi %select_n3A_10, %add3A_47 : i32
        %dma_wait3A_271 = arith.constant 1 : i32
        %dma_wait3A_272 = arith.constant 0 : i32
        %dma_wait3A_273 = arith.constant 0 : i32
        %dma_wait3A_274 = tpu.memref_slice %arg8[%dma_wait3A_271, %dma_wait3A_272, %dma_wait3A_273] : memref<2x4x128xi32, #tpu.memory_space<vmem>> -> memref<1x4x128xi32, #tpu.memory_space<vmem>>
        %dma_wait3A_275 = tpu.memref_squeeze %dma_wait3A_274 : memref<1x4x128xi32, #tpu.memory_space<vmem>> -> memref<4x128xi32, #tpu.memory_space<vmem>>
        %dma_wait3A_276 = arith.constant 0 : i32
        %dma_wait3A_277 = tpu.memref_slice %arg3[%add3A_270, %dma_wait3A_276] : memref<2560x128xi32, #tpu.memory_space<hbm>> -> memref<4x128xi32, #tpu.memory_space<hbm>>
        %dma_wait3A_278 = arith.constant 0 : i32
        %dma_wait3A_279 = arith.constant 0 : i32
        %dma_wait3A_280 = tpu.memref_slice %arg8[%dma_wait3A_271, %dma_wait3A_278, %dma_wait3A_279] : memref<2x4x128xi32, #tpu.memory_space<vmem>> -> memref<1x4x128xi32, #tpu.memory_space<vmem>>
        %dma_wait3A_281 = tpu.memref_squeeze %dma_wait3A_280 : memref<1x4x128xi32, #tpu.memory_space<vmem>> -> memref<4x128xi32, #tpu.memory_space<vmem>>
        %dma_wait3A_282 = arith.constant 0 : i32
        %dma_wait3A_283 = tpu.memref_slice %arg3[%add3A_270, %dma_wait3A_282] : memref<2560x128xi32, #tpu.memory_space<hbm>> -> memref<4x128xi32, #tpu.memory_space<hbm>>
        tpu.wait_dma2 semaphore(%arg11 : memref<!tpu.dma_semaphore, #tpu.memory_space<semaphore_mem>>) src(%dma_wait3A_283 : memref<4x128xi32, #tpu.memory_space<hbm>>) dst(%dma_wait3A_281 : memref<4x128xi32, #tpu.memory_space<vmem>>)
        %add3A_284 = arith.addi %select_n3A_10, %add3A_47 : i32
        %dma_wait3A_285 = arith.constant 1 : i32
        %dma_wait3A_286 = arith.constant 0 : i32
        %dma_wait3A_287 = arith.constant 0 : i32
        %dma_wait3A_288 = tpu.memref_slice %arg9[%dma_wait3A_285, %dma_wait3A_286, %dma_wait3A_287] : memref<2x4x128xi32, #tpu.memory_space<vmem>> -> memref<1x4x128xi32, #tpu.memory_space<vmem>>
        %dma_wait3A_289 = tpu.memref_squeeze %dma_wait3A_288 : memref<1x4x128xi32, #tpu.memory_space<vmem>> -> memref<4x128xi32, #tpu.memory_space<vmem>>
        %dma_wait3A_290 = arith.constant 0 : i32
        %dma_wait3A_291 = tpu.memref_slice %arg4[%add3A_284, %dma_wait3A_290] : memref<2560x128xi32, #tpu.memory_space<hbm>> -> memref<4x128xi32, #tpu.memory_space<hbm>>
        %dma_wait3A_292 = arith.constant 0 : i32
        %dma_wait3A_293 = arith.constant 0 : i32
        %dma_wait3A_294 = tpu.memref_slice %arg9[%dma_wait3A_285, %dma_wait3A_292, %dma_wait3A_293] : memref<2x4x128xi32, #tpu.memory_space<vmem>> -> memref<1x4x128xi32, #tpu.memory_space<vmem>>
        %dma_wait3A_295 = tpu.memref_squeeze %dma_wait3A_294 : memref<1x4x128xi32, #tpu.memory_space<vmem>> -> memref<4x128xi32, #tpu.memory_space<vmem>>
        %dma_wait3A_296 = arith.constant 0 : i32
        %dma_wait3A_297 = tpu.memref_slice %arg4[%add3A_284, %dma_wait3A_296] : memref<2560x128xi32, #tpu.memory_space<hbm>> -> memref<4x128xi32, #tpu.memory_space<hbm>>
        tpu.wait_dma2 semaphore(%arg11 : memref<!tpu.dma_semaphore, #tpu.memory_space<semaphore_mem>>) src(%dma_wait3A_297 : memref<4x128xi32, #tpu.memory_space<hbm>>) dst(%dma_wait3A_295 : memref<4x128xi32, #tpu.memory_space<vmem>>)
        %dma_start3A_298 = arith.constant 1 : i32
        %dma_start3A_299 = arith.constant 0 : i32
        %dma_start3A_300 = arith.constant 0 : i32
        %dma_start3A_301 = arith.constant 0 : i32
        %dma_start3A_302 = arith.constant 0 : i32
        %dma_start3A_303 = tpu.memref_slice %arg10[%dma_start3A_300, %dma_start3A_301, %dma_start3A_302] : memref<2x128x128xf32, #tpu.memory_space<vmem>> -> memref<1x128x128xf32, #tpu.memory_space<vmem>>
        %dma_start3A_304 = tpu.memref_squeeze %dma_start3A_303 : memref<1x128x128xf32, #tpu.memory_space<vmem>> -> memref<128x128xf32, #tpu.memory_space<vmem>>
        %dma_start3A_305 = arith.constant 0 : i32
        %dma_start3A_306 = tpu.memref_slice %arg8[%dma_start3A_298, %dma_start3A_299, %dma_start3A_305] : memref<2x4x128xi32, #tpu.memory_space<vmem>> -> memref<1x1x128xi32, #tpu.memory_space<vmem>>
        %dma_start3A_307 = tpu.memref_squeeze %dma_start3A_306 : memref<1x1x128xi32, #tpu.memory_space<vmem>> -> memref<128xi32, #tpu.memory_space<vmem>>
        %dma_start3A_308 = arith.constant 0 : i32
        %dma_start3A_309 = arith.constant 0 : i32
        %dma_start3A_310 = tpu.memref_slice %arg2[%dma_start3A_308, %dma_start3A_309] : memref<10240x128xf32, #tpu.memory_space<hbm>> -> memref<10240x128xf32, #tpu.memory_space<hbm>>
        tpu.enqueue_indirect_dma source(%dma_start3A_310 : memref<10240x128xf32, #tpu.memory_space<hbm>>) target(%dma_start3A_304 : memref<128x128xf32, #tpu.memory_space<vmem>>) offsets(%dma_start3A_307 : memref<128xi32, #tpu.memory_space<vmem>>) semaphore(%arg12 : memref<!tpu.dma_semaphore, #tpu.memory_space<semaphore_mem>>)
      } else {
      }
      %run_scoped3A_152 = arith.constant 1 : i32
      %run_scoped3A_153 = arith.constant 0 : i32
      %run_scoped3A_154 = arith.constant 3 : i32
      "tpu.region"() ({
        %run_scoped3A_270 = tpu.sem_alloc : memref<!tpu.dma_semaphore, #tpu.memory_space<semaphore_mem>>
        %dma_start3A_271 = arith.constant 0 : i32
        %dma_start3A_272 = arith.constant 0 : i32
        %dma_start3A_273 = tpu.memref_slice %arg10[%run_scoped3A_152, %dma_start3A_271, %dma_start3A_272] : memref<2x128x128xf32, #tpu.memory_space<vmem>> -> memref<1x128x128xf32, #tpu.memory_space<vmem>>
        %dma_start3A_274 = tpu.memref_squeeze %dma_start3A_273 : memref<1x128x128xf32, #tpu.memory_space<vmem>> -> memref<128x128xf32, #tpu.memory_space<vmem>>
        %dma_start3A_275 = arith.constant 0 : i32
        %dma_start3A_276 = tpu.memref_slice %arg9[%run_scoped3A_153, %run_scoped3A_154, %dma_start3A_275] : memref<2x4x128xi32, #tpu.memory_space<vmem>> -> memref<1x1x128xi32, #tpu.memory_space<vmem>>
        %dma_start3A_277 = tpu.memref_squeeze %dma_start3A_276 : memref<1x1x128xi32, #tpu.memory_space<vmem>> -> memref<128xi32, #tpu.memory_space<vmem>>
        %dma_start3A_278 = arith.constant 0 : i32
        %dma_start3A_279 = arith.constant 0 : i32
        %dma_start3A_280 = tpu.memref_slice %arg7[%dma_start3A_278, %dma_start3A_279] : memref<10240x128xf32, #tpu.memory_space<vmem_shared>> -> memref<10240x128xf32, #tpu.memory_space<vmem_shared>>
        tpu.enqueue_indirect_dma source(%dma_start3A_274 : memref<128x128xf32, #tpu.memory_space<vmem>>) target(%dma_start3A_280 : memref<10240x128xf32, #tpu.memory_space<vmem_shared>>) offsets(%dma_start3A_277 : memref<128xi32, #tpu.memory_space<vmem>>) semaphore(%run_scoped3A_270 : memref<!tpu.dma_semaphore, #tpu.memory_space<semaphore_mem>>) {add = true}
        %dma_wait3A_281 = arith.constant 0 : i32
        %dma_wait3A_282 = arith.constant 0 : i32
        %dma_wait3A_283 = tpu.memref_slice %arg10[%run_scoped3A_152, %dma_wait3A_281, %dma_wait3A_282] : memref<2x128x128xf32, #tpu.memory_space<vmem>> -> memref<1x128x128xf32, #tpu.memory_space<vmem>>
        %dma_wait3A_284 = tpu.memref_squeeze %dma_wait3A_283 : memref<1x128x128xf32, #tpu.memory_space<vmem>> -> memref<128x128xf32, #tpu.memory_space<vmem>>
        %dma_wait3A_285 = arith.constant 0 : i32
        %dma_wait3A_286 = tpu.memref_slice %arg9[%run_scoped3A_153, %run_scoped3A_154, %dma_wait3A_285] : memref<2x4x128xi32, #tpu.memory_space<vmem>> -> memref<1x1x128xi32, #tpu.memory_space<vmem>>
        %dma_wait3A_287 = tpu.memref_squeeze %dma_wait3A_286 : memref<1x1x128xi32, #tpu.memory_space<vmem>> -> memref<128xi32, #tpu.memory_space<vmem>>
        %dma_wait3A_288 = arith.constant 0 : i32
        %dma_wait3A_289 = arith.constant 0 : i32
        %dma_wait3A_290 = tpu.memref_slice %arg7[%dma_wait3A_288, %dma_wait3A_289] : memref<10240x128xf32, #tpu.memory_space<vmem_shared>> -> memref<10240x128xf32, #tpu.memory_space<vmem_shared>>
        tpu.wait_indirect_dma semaphore(%run_scoped3A_270 : memref<!tpu.dma_semaphore, #tpu.memory_space<semaphore_mem>>) src(%dma_wait3A_284 : memref<128x128xf32, #tpu.memory_space<vmem>>) dst(%dma_wait3A_290 : memref<10240x128xf32, #tpu.memory_space<vmem_shared>>)
        tpu.yield
      }) : () -> ()
      %add3A_155 = arith.constant 4 : i32
      %add3A_156 = arith.addi %add3A_43, %add3A_155 : i32
      %add3A_157 = arith.constant 4 : i32
      %add3A_158 = arith.addi %add3A_156, %add3A_157 : i32
      %lt3A_159 = arith.cmpi slt, %add3A_158, %select_n3A : i32
      %convert_element_type3A_160 = arith.extui %lt3A_159 : i1 to i32
      %cond3A_161 = arith.constant 0 : i32
      %cond3A_162 = arith.cmpi ne, %convert_element_type3A_160, %cond3A_161 : i32
      scf.if %cond3A_162 {
        %add3A_270 = arith.addi %select_n3A_10, %add3A_158 : i32
        %dma_start3A_271 = arith.constant 0 : i32
        %dma_start3A_272 = arith.constant 0 : i32
        %dma_start3A_273 = arith.constant 0 : i32
        %dma_start3A_274 = tpu.memref_slice %arg8[%dma_start3A_271, %dma_start3A_272, %dma_start3A_273] : memref<2x4x128xi32, #tpu.memory_space<vmem>> -> memref<1x4x128xi32, #tpu.memory_space<vmem>>
        %dma_start3A_275 = tpu.memref_squeeze %dma_start3A_274 : memref<1x4x128xi32, #tpu.memory_space<vmem>> -> memref<4x128xi32, #tpu.memory_space<vmem>>
        %dma_start3A_276 = arith.constant 0 : i32
        %dma_start3A_277 = tpu.memref_slice %arg3[%add3A_270, %dma_start3A_276] : memref<2560x128xi32, #tpu.memory_space<hbm>> -> memref<4x128xi32, #tpu.memory_space<hbm>>
        %dma_start3A_278 = arith.constant 0 : i32
        %dma_start3A_279 = arith.constant 0 : i32
        %dma_start3A_280 = tpu.memref_slice %arg8[%dma_start3A_271, %dma_start3A_278, %dma_start3A_279] : memref<2x4x128xi32, #tpu.memory_space<vmem>> -> memref<1x4x128xi32, #tpu.memory_space<vmem>>
        %dma_start3A_281 = tpu.memref_squeeze %dma_start3A_280 : memref<1x4x128xi32, #tpu.memory_space<vmem>> -> memref<4x128xi32, #tpu.memory_space<vmem>>
        %dma_start3A_282 = arith.constant 0 : i32
        %dma_start3A_283 = tpu.memref_slice %arg3[%add3A_270, %dma_start3A_282] : memref<2560x128xi32, #tpu.memory_space<hbm>> -> memref<4x128xi32, #tpu.memory_space<hbm>>
        tpu.enqueue_dma source(%dma_start3A_283 : memref<4x128xi32, #tpu.memory_space<hbm>>) target(%dma_start3A_281 : memref<4x128xi32, #tpu.memory_space<vmem>>) target_semaphore(%arg11 : memref<!tpu.dma_semaphore, #tpu.memory_space<semaphore_mem>>)
        %add3A_284 = arith.addi %select_n3A_10, %add3A_158 : i32
        %dma_start3A_285 = arith.constant 0 : i32
        %dma_start3A_286 = arith.constant 0 : i32
        %dma_start3A_287 = arith.constant 0 : i32
        %dma_start3A_288 = tpu.memref_slice %arg9[%dma_start3A_285, %dma_start3A_286, %dma_start3A_287] : memref<2x4x128xi32, #tpu.memory_space<vmem>> -> memref<1x4x128xi32, #tpu.memory_space<vmem>>
        %dma_start3A_289 = tpu.memref_squeeze %dma_start3A_288 : memref<1x4x128xi32, #tpu.memory_space<vmem>> -> memref<4x128xi32, #tpu.memory_space<vmem>>
        %dma_start3A_290 = arith.constant 0 : i32
        %dma_start3A_291 = tpu.memref_slice %arg4[%add3A_284, %dma_start3A_290] : memref<2560x128xi32, #tpu.memory_space<hbm>> -> memref<4x128xi32, #tpu.memory_space<hbm>>
        %dma_start3A_292 = arith.constant 0 : i32
        %dma_start3A_293 = arith.constant 0 : i32
        %dma_start3A_294 = tpu.memref_slice %arg9[%dma_start3A_285, %dma_start3A_292, %dma_start3A_293] : memref<2x4x128xi32, #tpu.memory_space<vmem>> -> memref<1x4x128xi32, #tpu.memory_space<vmem>>
        %dma_start3A_295 = tpu.memref_squeeze %dma_start3A_294 : memref<1x4x128xi32, #tpu.memory_space<vmem>> -> memref<4x128xi32, #tpu.memory_space<vmem>>
        %dma_start3A_296 = arith.constant 0 : i32
        %dma_start3A_297 = tpu.memref_slice %arg4[%add3A_284, %dma_start3A_296] : memref<2560x128xi32, #tpu.memory_space<hbm>> -> memref<4x128xi32, #tpu.memory_space<hbm>>
        tpu.enqueue_dma source(%dma_start3A_297 : memref<4x128xi32, #tpu.memory_space<hbm>>) target(%dma_start3A_295 : memref<4x128xi32, #tpu.memory_space<vmem>>) target_semaphore(%arg11 : memref<!tpu.dma_semaphore, #tpu.memory_space<semaphore_mem>>)
      } else {
      }
      %dma_wait3A_163 = arith.constant 1 : i32
      %dma_wait3A_164 = arith.constant 0 : i32
      %dma_wait3A_165 = arith.constant 0 : i32
      %dma_wait3A_166 = arith.constant 0 : i32
      %dma_wait3A_167 = arith.constant 0 : i32
      %dma_wait3A_168 = tpu.memref_slice %arg10[%dma_wait3A_165, %dma_wait3A_166, %dma_wait3A_167] : memref<2x128x128xf32, #tpu.memory_space<vmem>> -> memref<1x128x128xf32, #tpu.memory_space<vmem>>
      %dma_wait3A_169 = tpu.memref_squeeze %dma_wait3A_168 : memref<1x128x128xf32, #tpu.memory_space<vmem>> -> memref<128x128xf32, #tpu.memory_space<vmem>>
      %dma_wait3A_170 = arith.constant 0 : i32
      %dma_wait3A_171 = tpu.memref_slice %arg8[%dma_wait3A_163, %dma_wait3A_164, %dma_wait3A_170] : memref<2x4x128xi32, #tpu.memory_space<vmem>> -> memref<1x1x128xi32, #tpu.memory_space<vmem>>
      %dma_wait3A_172 = tpu.memref_squeeze %dma_wait3A_171 : memref<1x1x128xi32, #tpu.memory_space<vmem>> -> memref<128xi32, #tpu.memory_space<vmem>>
      %dma_wait3A_173 = arith.constant 0 : i32
      %dma_wait3A_174 = arith.constant 0 : i32
      %dma_wait3A_175 = tpu.memref_slice %arg2[%dma_wait3A_173, %dma_wait3A_174] : memref<10240x128xf32, #tpu.memory_space<hbm>> -> memref<10240x128xf32, #tpu.memory_space<hbm>>
      tpu.wait_indirect_dma semaphore(%arg12 : memref<!tpu.dma_semaphore, #tpu.memory_space<semaphore_mem>>) src(%dma_wait3A_175 : memref<10240x128xf32, #tpu.memory_space<hbm>>) dst(%dma_wait3A_169 : memref<128x128xf32, #tpu.memory_space<vmem>>)
      %dma_start3A_176 = arith.constant 1 : i32
      %dma_start3A_177 = arith.constant 1 : i32
      %dma_start3A_178 = arith.constant 1 : i32
      %dma_start3A_179 = arith.constant 0 : i32
      %dma_start3A_180 = arith.constant 0 : i32
      %dma_start3A_181 = tpu.memref_slice %arg10[%dma_start3A_178, %dma_start3A_179, %dma_start3A_180] : memref<2x128x128xf32, #tpu.memory_space<vmem>> -> memref<1x128x128xf32, #tpu.memory_space<vmem>>
      %dma_start3A_182 = tpu.memref_squeeze %dma_start3A_181 : memref<1x128x128xf32, #tpu.memory_space<vmem>> -> memref<128x128xf32, #tpu.memory_space<vmem>>
      %dma_start3A_183 = arith.constant 0 : i32
      %dma_start3A_184 = tpu.memref_slice %arg8[%dma_start3A_176, %dma_start3A_177, %dma_start3A_183] : memref<2x4x128xi32, #tpu.memory_space<vmem>> -> memref<1x1x128xi32, #tpu.memory_space<vmem>>
      %dma_start3A_185 = tpu.memref_squeeze %dma_start3A_184 : memref<1x1x128xi32, #tpu.memory_space<vmem>> -> memref<128xi32, #tpu.memory_space<vmem>>
      %dma_start3A_186 = arith.constant 0 : i32
      %dma_start3A_187 = arith.constant 0 : i32
      %dma_start3A_188 = tpu.memref_slice %arg2[%dma_start3A_186, %dma_start3A_187] : memref<10240x128xf32, #tpu.memory_space<hbm>> -> memref<10240x128xf32, #tpu.memory_space<hbm>>
      tpu.enqueue_indirect_dma source(%dma_start3A_188 : memref<10240x128xf32, #tpu.memory_space<hbm>>) target(%dma_start3A_182 : memref<128x128xf32, #tpu.memory_space<vmem>>) offsets(%dma_start3A_185 : memref<128xi32, #tpu.memory_space<vmem>>) semaphore(%arg13 : memref<!tpu.dma_semaphore, #tpu.memory_space<semaphore_mem>>)
      %run_scoped3A_189 = arith.constant 0 : i32
      %run_scoped3A_190 = arith.constant 1 : i32
      %run_scoped3A_191 = arith.constant 0 : i32
      "tpu.region"() ({
        %run_scoped3A_270 = tpu.sem_alloc : memref<!tpu.dma_semaphore, #tpu.memory_space<semaphore_mem>>
        %dma_start3A_271 = arith.constant 0 : i32
        %dma_start3A_272 = arith.constant 0 : i32
        %dma_start3A_273 = tpu.memref_slice %arg10[%run_scoped3A_189, %dma_start3A_271, %dma_start3A_272] : memref<2x128x128xf32, #tpu.memory_space<vmem>> -> memref<1x128x128xf32, #tpu.memory_space<vmem>>
        %dma_start3A_274 = tpu.memref_squeeze %dma_start3A_273 : memref<1x128x128xf32, #tpu.memory_space<vmem>> -> memref<128x128xf32, #tpu.memory_space<vmem>>
        %dma_start3A_275 = arith.constant 0 : i32
        %dma_start3A_276 = tpu.memref_slice %arg9[%run_scoped3A_190, %run_scoped3A_191, %dma_start3A_275] : memref<2x4x128xi32, #tpu.memory_space<vmem>> -> memref<1x1x128xi32, #tpu.memory_space<vmem>>
        %dma_start3A_277 = tpu.memref_squeeze %dma_start3A_276 : memref<1x1x128xi32, #tpu.memory_space<vmem>> -> memref<128xi32, #tpu.memory_space<vmem>>
        %dma_start3A_278 = arith.constant 0 : i32
        %dma_start3A_279 = arith.constant 0 : i32
        %dma_start3A_280 = tpu.memref_slice %arg7[%dma_start3A_278, %dma_start3A_279] : memref<10240x128xf32, #tpu.memory_space<vmem_shared>> -> memref<10240x128xf32, #tpu.memory_space<vmem_shared>>
        tpu.enqueue_indirect_dma source(%dma_start3A_274 : memref<128x128xf32, #tpu.memory_space<vmem>>) target(%dma_start3A_280 : memref<10240x128xf32, #tpu.memory_space<vmem_shared>>) offsets(%dma_start3A_277 : memref<128xi32, #tpu.memory_space<vmem>>) semaphore(%run_scoped3A_270 : memref<!tpu.dma_semaphore, #tpu.memory_space<semaphore_mem>>) {add = true}
        %dma_wait3A_281 = arith.constant 0 : i32
        %dma_wait3A_282 = arith.constant 0 : i32
        %dma_wait3A_283 = tpu.memref_slice %arg10[%run_scoped3A_189, %dma_wait3A_281, %dma_wait3A_282] : memref<2x128x128xf32, #tpu.memory_space<vmem>> -> memref<1x128x128xf32, #tpu.memory_space<vmem>>
        %dma_wait3A_284 = tpu.memref_squeeze %dma_wait3A_283 : memref<1x128x128xf32, #tpu.memory_space<vmem>> -> memref<128x128xf32, #tpu.memory_space<vmem>>
        %dma_wait3A_285 = arith.constant 0 : i32
        %dma_wait3A_286 = tpu.memref_slice %arg9[%run_scoped3A_190, %run_scoped3A_191, %dma_wait3A_285] : memref<2x4x128xi32, #tpu.memory_space<vmem>> -> memref<1x1x128xi32, #tpu.memory_space<vmem>>
        %dma_wait3A_287 = tpu.memref_squeeze %dma_wait3A_286 : memref<1x1x128xi32, #tpu.memory_space<vmem>> -> memref<128xi32, #tpu.memory_space<vmem>>
        %dma_wait3A_288 = arith.constant 0 : i32
        %dma_wait3A_289 = arith.constant 0 : i32
        %dma_wait3A_290 = tpu.memref_slice %arg7[%dma_wait3A_288, %dma_wait3A_289] : memref<10240x128xf32, #tpu.memory_space<vmem_shared>> -> memref<10240x128xf32, #tpu.memory_space<vmem_shared>>
        tpu.wait_indirect_dma semaphore(%run_scoped3A_270 : memref<!tpu.dma_semaphore, #tpu.memory_space<semaphore_mem>>) src(%dma_wait3A_284 : memref<128x128xf32, #tpu.memory_space<vmem>>) dst(%dma_wait3A_290 : memref<10240x128xf32, #tpu.memory_space<vmem_shared>>)
        tpu.yield
      }) : () -> ()
      %dma_wait3A_192 = arith.constant 1 : i32
      %dma_wait3A_193 = arith.constant 1 : i32
      %dma_wait3A_194 = arith.constant 1 : i32
      %dma_wait3A_195 = arith.constant 0 : i32
      %dma_wait3A_196 = arith.constant 0 : i32
      %dma_wait3A_197 = tpu.memref_slice %arg10[%dma_wait3A_194, %dma_wait3A_195, %dma_wait3A_196] : memref<2x128x128xf32, #tpu.memory_space<vmem>> -> memref<1x128x128xf32, #tpu.memory_space<vmem>>
      %dma_wait3A_198 = tpu.memref_squeeze %dma_wait3A_197 : memref<1x128x128xf32, #tpu.memory_space<vmem>> -> memref<128x128xf32, #tpu.memory_space<vmem>>
      %dma_wait3A_199 = arith.constant 0 : i32
      %dma_wait3A_200 = tpu.memref_slice %arg8[%dma_wait3A_192, %dma_wait3A_193, %dma_wait3A_199] : memref<2x4x128xi32, #tpu.memory_space<vmem>> -> memref<1x1x128xi32, #tpu.memory_space<vmem>>
      %dma_wait3A_201 = tpu.memref_squeeze %dma_wait3A_200 : memref<1x1x128xi32, #tpu.memory_space<vmem>> -> memref<128xi32, #tpu.memory_space<vmem>>
      %dma_wait3A_202 = arith.constant 0 : i32
      %dma_wait3A_203 = arith.constant 0 : i32
      %dma_wait3A_204 = tpu.memref_slice %arg2[%dma_wait3A_202, %dma_wait3A_203] : memref<10240x128xf32, #tpu.memory_space<hbm>> -> memref<10240x128xf32, #tpu.memory_space<hbm>>
      tpu.wait_indirect_dma semaphore(%arg13 : memref<!tpu.dma_semaphore, #tpu.memory_space<semaphore_mem>>) src(%dma_wait3A_204 : memref<10240x128xf32, #tpu.memory_space<hbm>>) dst(%dma_wait3A_198 : memref<128x128xf32, #tpu.memory_space<vmem>>)
      %dma_start3A_205 = arith.constant 1 : i32
      %dma_start3A_206 = arith.constant 2 : i32
      %dma_start3A_207 = arith.constant 0 : i32
      %dma_start3A_208 = arith.constant 0 : i32
      %dma_start3A_209 = arith.constant 0 : i32
      %dma_start3A_210 = tpu.memref_slice %arg10[%dma_start3A_207, %dma_start3A_208, %dma_start3A_209] : memref<2x128x128xf32, #tpu.memory_space<vmem>> -> memref<1x128x128xf32, #tpu.memory_space<vmem>>
      %dma_start3A_211 = tpu.memref_squeeze %dma_start3A_210 : memref<1x128x128xf32, #tpu.memory_space<vmem>> -> memref<128x128xf32, #tpu.memory_space<vmem>>
      %dma_start3A_212 = arith.constant 0 : i32
      %dma_start3A_213 = tpu.memref_slice %arg8[%dma_start3A_205, %dma_start3A_206, %dma_start3A_212] : memref<2x4x128xi32, #tpu.memory_space<vmem>> -> memref<1x1x128xi32, #tpu.memory_space<vmem>>
      %dma_start3A_214 = tpu.memref_squeeze %dma_start3A_213 : memref<1x1x128xi32, #tpu.memory_space<vmem>> -> memref<128xi32, #tpu.memory_space<vmem>>
      %dma_start3A_215 = arith.constant 0 : i32
      %dma_start3A_216 = arith.constant 0 : i32
      %dma_start3A_217 = tpu.memref_slice %arg2[%dma_start3A_215, %dma_start3A_216] : memref<10240x128xf32, #tpu.memory_space<hbm>> -> memref<10240x128xf32, #tpu.memory_space<hbm>>
      tpu.enqueue_indirect_dma source(%dma_start3A_217 : memref<10240x128xf32, #tpu.memory_space<hbm>>) target(%dma_start3A_211 : memref<128x128xf32, #tpu.memory_space<vmem>>) offsets(%dma_start3A_214 : memref<128xi32, #tpu.memory_space<vmem>>) semaphore(%arg12 : memref<!tpu.dma_semaphore, #tpu.memory_space<semaphore_mem>>)
      %run_scoped3A_218 = arith.constant 1 : i32
      %run_scoped3A_219 = arith.constant 1 : i32
      %run_scoped3A_220 = arith.constant 1 : i32
      "tpu.region"() ({
        %run_scoped3A_270 = tpu.sem_alloc : memref<!tpu.dma_semaphore, #tpu.memory_space<semaphore_mem>>
        %dma_start3A_271 = arith.constant 0 : i32
        %dma_start3A_272 = arith.constant 0 : i32
        %dma_start3A_273 = tpu.memref_slice %arg10[%run_scoped3A_218, %dma_start3A_271, %dma_start3A_272] : memref<2x128x128xf32, #tpu.memory_space<vmem>> -> memref<1x128x128xf32, #tpu.memory_space<vmem>>
        %dma_start3A_274 = tpu.memref_squeeze %dma_start3A_273 : memref<1x128x128xf32, #tpu.memory_space<vmem>> -> memref<128x128xf32, #tpu.memory_space<vmem>>
        %dma_start3A_275 = arith.constant 0 : i32
        %dma_start3A_276 = tpu.memref_slice %arg9[%run_scoped3A_219, %run_scoped3A_220, %dma_start3A_275] : memref<2x4x128xi32, #tpu.memory_space<vmem>> -> memref<1x1x128xi32, #tpu.memory_space<vmem>>
        %dma_start3A_277 = tpu.memref_squeeze %dma_start3A_276 : memref<1x1x128xi32, #tpu.memory_space<vmem>> -> memref<128xi32, #tpu.memory_space<vmem>>
        %dma_start3A_278 = arith.constant 0 : i32
        %dma_start3A_279 = arith.constant 0 : i32
        %dma_start3A_280 = tpu.memref_slice %arg7[%dma_start3A_278, %dma_start3A_279] : memref<10240x128xf32, #tpu.memory_space<vmem_shared>> -> memref<10240x128xf32, #tpu.memory_space<vmem_shared>>
        tpu.enqueue_indirect_dma source(%dma_start3A_274 : memref<128x128xf32, #tpu.memory_space<vmem>>) target(%dma_start3A_280 : memref<10240x128xf32, #tpu.memory_space<vmem_shared>>) offsets(%dma_start3A_277 : memref<128xi32, #tpu.memory_space<vmem>>) semaphore(%run_scoped3A_270 : memref<!tpu.dma_semaphore, #tpu.memory_space<semaphore_mem>>) {add = true}
        %dma_wait3A_281 = arith.constant 0 : i32
        %dma_wait3A_282 = arith.constant 0 : i32
        %dma_wait3A_283 = tpu.memref_slice %arg10[%run_scoped3A_218, %dma_wait3A_281, %dma_wait3A_282] : memref<2x128x128xf32, #tpu.memory_space<vmem>> -> memref<1x128x128xf32, #tpu.memory_space<vmem>>
        %dma_wait3A_284 = tpu.memref_squeeze %dma_wait3A_283 : memref<1x128x128xf32, #tpu.memory_space<vmem>> -> memref<128x128xf32, #tpu.memory_space<vmem>>
        %dma_wait3A_285 = arith.constant 0 : i32
        %dma_wait3A_286 = tpu.memref_slice %arg9[%run_scoped3A_219, %run_scoped3A_220, %dma_wait3A_285] : memref<2x4x128xi32, #tpu.memory_space<vmem>> -> memref<1x1x128xi32, #tpu.memory_space<vmem>>
        %dma_wait3A_287 = tpu.memref_squeeze %dma_wait3A_286 : memref<1x1x128xi32, #tpu.memory_space<vmem>> -> memref<128xi32, #tpu.memory_space<vmem>>
        %dma_wait3A_288 = arith.constant 0 : i32
        %dma_wait3A_289 = arith.constant 0 : i32
        %dma_wait3A_290 = tpu.memref_slice %arg7[%dma_wait3A_288, %dma_wait3A_289] : memref<10240x128xf32, #tpu.memory_space<vmem_shared>> -> memref<10240x128xf32, #tpu.memory_space<vmem_shared>>
        tpu.wait_indirect_dma semaphore(%run_scoped3A_270 : memref<!tpu.dma_semaphore, #tpu.memory_space<semaphore_mem>>) src(%dma_wait3A_284 : memref<128x128xf32, #tpu.memory_space<vmem>>) dst(%dma_wait3A_290 : memref<10240x128xf32, #tpu.memory_space<vmem_shared>>)
        tpu.yield
      }) : () -> ()
      %dma_wait3A_221 = arith.constant 1 : i32
      %dma_wait3A_222 = arith.constant 2 : i32
      %dma_wait3A_223 = arith.constant 0 : i32
      %dma_wait3A_224 = arith.constant 0 : i32
      %dma_wait3A_225 = arith.constant 0 : i32
      %dma_wait3A_226 = tpu.memref_slice %arg10[%dma_wait3A_223, %dma_wait3A_224, %dma_wait3A_225] : memref<2x128x128xf32, #tpu.memory_space<vmem>> -> memref<1x128x128xf32, #tpu.memory_space<vmem>>
      %dma_wait3A_227 = tpu.memref_squeeze %dma_wait3A_226 : memref<1x128x128xf32, #tpu.memory_space<vmem>> -> memref<128x128xf32, #tpu.memory_space<vmem>>
      %dma_wait3A_228 = arith.constant 0 : i32
      %dma_wait3A_229 = tpu.memref_slice %arg8[%dma_wait3A_221, %dma_wait3A_222, %dma_wait3A_228] : memref<2x4x128xi32, #tpu.memory_space<vmem>> -> memref<1x1x128xi32, #tpu.memory_space<vmem>>
      %dma_wait3A_230 = tpu.memref_squeeze %dma_wait3A_229 : memref<1x1x128xi32, #tpu.memory_space<vmem>> -> memref<128xi32, #tpu.memory_space<vmem>>
      %dma_wait3A_231 = arith.constant 0 : i32
      %dma_wait3A_232 = arith.constant 0 : i32
      %dma_wait3A_233 = tpu.memref_slice %arg2[%dma_wait3A_231, %dma_wait3A_232] : memref<10240x128xf32, #tpu.memory_space<hbm>> -> memref<10240x128xf32, #tpu.memory_space<hbm>>
      tpu.wait_indirect_dma semaphore(%arg12 : memref<!tpu.dma_semaphore, #tpu.memory_space<semaphore_mem>>) src(%dma_wait3A_233 : memref<10240x128xf32, #tpu.memory_space<hbm>>) dst(%dma_wait3A_227 : memref<128x128xf32, #tpu.memory_space<vmem>>)
      %dma_start3A_234 = arith.constant 1 : i32
      %dma_start3A_235 = arith.constant 3 : i32
      %dma_start3A_236 = arith.constant 1 : i32
      %dma_start3A_237 = arith.constant 0 : i32
      %dma_start3A_238 = arith.constant 0 : i32
      %dma_start3A_239 = tpu.memref_slice %arg10[%dma_start3A_236, %dma_start3A_237, %dma_start3A_238] : memref<2x128x128xf32, #tpu.memory_space<vmem>> -> memref<1x128x128xf32, #tpu.memory_space<vmem>>
      %dma_start3A_240 = tpu.memref_squeeze %dma_start3A_239 : memref<1x128x128xf32, #tpu.memory_space<vmem>> -> memref<128x128xf32, #tpu.memory_space<vmem>>
      %dma_start3A_241 = arith.constant 0 : i32
      %dma_start3A_242 = tpu.memref_slice %arg8[%dma_start3A_234, %dma_start3A_235, %dma_start3A_241] : memref<2x4x128xi32, #tpu.memory_space<vmem>> -> memref<1x1x128xi32, #tpu.memory_space<vmem>>
      %dma_start3A_243 = tpu.memref_squeeze %dma_start3A_242 : memref<1x1x128xi32, #tpu.memory_space<vmem>> -> memref<128xi32, #tpu.memory_space<vmem>>
      %dma_start3A_244 = arith.constant 0 : i32
      %dma_start3A_245 = arith.constant 0 : i32
      %dma_start3A_246 = tpu.memref_slice %arg2[%dma_start3A_244, %dma_start3A_245] : memref<10240x128xf32, #tpu.memory_space<hbm>> -> memref<10240x128xf32, #tpu.memory_space<hbm>>
      tpu.enqueue_indirect_dma source(%dma_start3A_246 : memref<10240x128xf32, #tpu.memory_space<hbm>>) target(%dma_start3A_240 : memref<128x128xf32, #tpu.memory_space<vmem>>) offsets(%dma_start3A_243 : memref<128xi32, #tpu.memory_space<vmem>>) semaphore(%arg13 : memref<!tpu.dma_semaphore, #tpu.memory_space<semaphore_mem>>)
      %run_scoped3A_247 = arith.constant 0 : i32
      %run_scoped3A_248 = arith.constant 1 : i32
      %run_scoped3A_249 = arith.constant 2 : i32
      "tpu.region"() ({
        %run_scoped3A_270 = tpu.sem_alloc : memref<!tpu.dma_semaphore, #tpu.memory_space<semaphore_mem>>
        %dma_start3A_271 = arith.constant 0 : i32
        %dma_start3A_272 = arith.constant 0 : i32
        %dma_start3A_273 = tpu.memref_slice %arg10[%run_scoped3A_247, %dma_start3A_271, %dma_start3A_272] : memref<2x128x128xf32, #tpu.memory_space<vmem>> -> memref<1x128x128xf32, #tpu.memory_space<vmem>>
        %dma_start3A_274 = tpu.memref_squeeze %dma_start3A_273 : memref<1x128x128xf32, #tpu.memory_space<vmem>> -> memref<128x128xf32, #tpu.memory_space<vmem>>
        %dma_start3A_275 = arith.constant 0 : i32
        %dma_start3A_276 = tpu.memref_slice %arg9[%run_scoped3A_248, %run_scoped3A_249, %dma_start3A_275] : memref<2x4x128xi32, #tpu.memory_space<vmem>> -> memref<1x1x128xi32, #tpu.memory_space<vmem>>
        %dma_start3A_277 = tpu.memref_squeeze %dma_start3A_276 : memref<1x1x128xi32, #tpu.memory_space<vmem>> -> memref<128xi32, #tpu.memory_space<vmem>>
        %dma_start3A_278 = arith.constant 0 : i32
        %dma_start3A_279 = arith.constant 0 : i32
        %dma_start3A_280 = tpu.memref_slice %arg7[%dma_start3A_278, %dma_start3A_279] : memref<10240x128xf32, #tpu.memory_space<vmem_shared>> -> memref<10240x128xf32, #tpu.memory_space<vmem_shared>>
        tpu.enqueue_indirect_dma source(%dma_start3A_274 : memref<128x128xf32, #tpu.memory_space<vmem>>) target(%dma_start3A_280 : memref<10240x128xf32, #tpu.memory_space<vmem_shared>>) offsets(%dma_start3A_277 : memref<128xi32, #tpu.memory_space<vmem>>) semaphore(%run_scoped3A_270 : memref<!tpu.dma_semaphore, #tpu.memory_space<semaphore_mem>>) {add = true}
        %dma_wait3A_281 = arith.constant 0 : i32
        %dma_wait3A_282 = arith.constant 0 : i32
        %dma_wait3A_283 = tpu.memref_slice %arg10[%run_scoped3A_247, %dma_wait3A_281, %dma_wait3A_282] : memref<2x128x128xf32, #tpu.memory_space<vmem>> -> memref<1x128x128xf32, #tpu.memory_space<vmem>>
        %dma_wait3A_284 = tpu.memref_squeeze %dma_wait3A_283 : memref<1x128x128xf32, #tpu.memory_space<vmem>> -> memref<128x128xf32, #tpu.memory_space<vmem>>
        %dma_wait3A_285 = arith.constant 0 : i32
        %dma_wait3A_286 = tpu.memref_slice %arg9[%run_scoped3A_248, %run_scoped3A_249, %dma_wait3A_285] : memref<2x4x128xi32, #tpu.memory_space<vmem>> -> memref<1x1x128xi32, #tpu.memory_space<vmem>>
        %dma_wait3A_287 = tpu.memref_squeeze %dma_wait3A_286 : memref<1x1x128xi32, #tpu.memory_space<vmem>> -> memref<128xi32, #tpu.memory_space<vmem>>
        %dma_wait3A_288 = arith.constant 0 : i32
        %dma_wait3A_289 = arith.constant 0 : i32
        %dma_wait3A_290 = tpu.memref_slice %arg7[%dma_wait3A_288, %dma_wait3A_289] : memref<10240x128xf32, #tpu.memory_space<vmem_shared>> -> memref<10240x128xf32, #tpu.memory_space<vmem_shared>>
        tpu.wait_indirect_dma semaphore(%run_scoped3A_270 : memref<!tpu.dma_semaphore, #tpu.memory_space<semaphore_mem>>) src(%dma_wait3A_284 : memref<128x128xf32, #tpu.memory_space<vmem>>) dst(%dma_wait3A_290 : memref<10240x128xf32, #tpu.memory_space<vmem_shared>>)
        tpu.yield
      }) : () -> ()
      %dma_wait3A_250 = arith.constant 1 : i32
      %dma_wait3A_251 = arith.constant 3 : i32
      %dma_wait3A_252 = arith.constant 1 : i32
      %dma_wait3A_253 = arith.constant 0 : i32
      %dma_wait3A_254 = arith.constant 0 : i32
      %dma_wait3A_255 = tpu.memref_slice %arg10[%dma_wait3A_252, %dma_wait3A_253, %dma_wait3A_254] : memref<2x128x128xf32, #tpu.memory_space<vmem>> -> memref<1x128x128xf32, #tpu.memory_space<vmem>>
      %dma_wait3A_256 = tpu.memref_squeeze %dma_wait3A_255 : memref<1x128x128xf32, #tpu.memory_space<vmem>> -> memref<128x128xf32, #tpu.memory_space<vmem>>
      %dma_wait3A_257 = arith.constant 0 : i32
      %dma_wait3A_258 = tpu.memref_slice %arg8[%dma_wait3A_250, %dma_wait3A_251, %dma_wait3A_257] : memref<2x4x128xi32, #tpu.memory_space<vmem>> -> memref<1x1x128xi32, #tpu.memory_space<vmem>>
      %dma_wait3A_259 = tpu.memref_squeeze %dma_wait3A_258 : memref<1x1x128xi32, #tpu.memory_space<vmem>> -> memref<128xi32, #tpu.memory_space<vmem>>
      %dma_wait3A_260 = arith.constant 0 : i32
      %dma_wait3A_261 = arith.constant 0 : i32
      %dma_wait3A_262 = tpu.memref_slice %arg2[%dma_wait3A_260, %dma_wait3A_261] : memref<10240x128xf32, #tpu.memory_space<hbm>> -> memref<10240x128xf32, #tpu.memory_space<hbm>>
      tpu.wait_indirect_dma semaphore(%arg13 : memref<!tpu.dma_semaphore, #tpu.memory_space<semaphore_mem>>) src(%dma_wait3A_262 : memref<10240x128xf32, #tpu.memory_space<hbm>>) dst(%dma_wait3A_256 : memref<128x128xf32, #tpu.memory_space<vmem>>)
      %lt3A_263 = arith.cmpi slt, %add3A_158, %select_n3A : i32
      %convert_element_type3A_264 = arith.extui %lt3A_263 : i1 to i32
      %cond3A_265 = arith.constant 0 : i32
      %cond3A_266 = arith.cmpi ne, %convert_element_type3A_264, %cond3A_265 : i32
      scf.if %cond3A_266 {
        %add3A_270 = arith.addi %select_n3A_10, %add3A_158 : i32
        %dma_wait3A_271 = arith.constant 0 : i32
        %dma_wait3A_272 = arith.constant 0 : i32
        %dma_wait3A_273 = arith.constant 0 : i32
        %dma_wait3A_274 = tpu.memref_slice %arg8[%dma_wait3A_271, %dma_wait3A_272, %dma_wait3A_273] : memref<2x4x128xi32, #tpu.memory_space<vmem>> -> memref<1x4x128xi32, #tpu.memory_space<vmem>>
        %dma_wait3A_275 = tpu.memref_squeeze %dma_wait3A_274 : memref<1x4x128xi32, #tpu.memory_space<vmem>> -> memref<4x128xi32, #tpu.memory_space<vmem>>
        %dma_wait3A_276 = arith.constant 0 : i32
        %dma_wait3A_277 = tpu.memref_slice %arg3[%add3A_270, %dma_wait3A_276] : memref<2560x128xi32, #tpu.memory_space<hbm>> -> memref<4x128xi32, #tpu.memory_space<hbm>>
        %dma_wait3A_278 = arith.constant 0 : i32
        %dma_wait3A_279 = arith.constant 0 : i32
        %dma_wait3A_280 = tpu.memref_slice %arg8[%dma_wait3A_271, %dma_wait3A_278, %dma_wait3A_279] : memref<2x4x128xi32, #tpu.memory_space<vmem>> -> memref<1x4x128xi32, #tpu.memory_space<vmem>>
        %dma_wait3A_281 = tpu.memref_squeeze %dma_wait3A_280 : memref<1x4x128xi32, #tpu.memory_space<vmem>> -> memref<4x128xi32, #tpu.memory_space<vmem>>
        %dma_wait3A_282 = arith.constant 0 : i32
        %dma_wait3A_283 = tpu.memref_slice %arg3[%add3A_270, %dma_wait3A_282] : memref<2560x128xi32, #tpu.memory_space<hbm>> -> memref<4x128xi32, #tpu.memory_space<hbm>>
        tpu.wait_dma2 semaphore(%arg11 : memref<!tpu.dma_semaphore, #tpu.memory_space<semaphore_mem>>) src(%dma_wait3A_283 : memref<4x128xi32, #tpu.memory_space<hbm>>) dst(%dma_wait3A_281 : memref<4x128xi32, #tpu.memory_space<vmem>>)
        %add3A_284 = arith.addi %select_n3A_10, %add3A_158 : i32
        %dma_wait3A_285 = arith.constant 0 : i32
        %dma_wait3A_286 = arith.constant 0 : i32
        %dma_wait3A_287 = arith.constant 0 : i32
        %dma_wait3A_288 = tpu.memref_slice %arg9[%dma_wait3A_285, %dma_wait3A_286, %dma_wait3A_287] : memref<2x4x128xi32, #tpu.memory_space<vmem>> -> memref<1x4x128xi32, #tpu.memory_space<vmem>>
        %dma_wait3A_289 = tpu.memref_squeeze %dma_wait3A_288 : memref<1x4x128xi32, #tpu.memory_space<vmem>> -> memref<4x128xi32, #tpu.memory_space<vmem>>
        %dma_wait3A_290 = arith.constant 0 : i32
        %dma_wait3A_291 = tpu.memref_slice %arg4[%add3A_284, %dma_wait3A_290] : memref<2560x128xi32, #tpu.memory_space<hbm>> -> memref<4x128xi32, #tpu.memory_space<hbm>>
        %dma_wait3A_292 = arith.constant 0 : i32
        %dma_wait3A_293 = arith.constant 0 : i32
        %dma_wait3A_294 = tpu.memref_slice %arg9[%dma_wait3A_285, %dma_wait3A_292, %dma_wait3A_293] : memref<2x4x128xi32, #tpu.memory_space<vmem>> -> memref<1x4x128xi32, #tpu.memory_space<vmem>>
        %dma_wait3A_295 = tpu.memref_squeeze %dma_wait3A_294 : memref<1x4x128xi32, #tpu.memory_space<vmem>> -> memref<4x128xi32, #tpu.memory_space<vmem>>
        %dma_wait3A_296 = arith.constant 0 : i32
        %dma_wait3A_297 = tpu.memref_slice %arg4[%add3A_284, %dma_wait3A_296] : memref<2560x128xi32, #tpu.memory_space<hbm>> -> memref<4x128xi32, #tpu.memory_space<hbm>>
        tpu.wait_dma2 semaphore(%arg11 : memref<!tpu.dma_semaphore, #tpu.memory_space<semaphore_mem>>) src(%dma_wait3A_297 : memref<4x128xi32, #tpu.memory_space<hbm>>) dst(%dma_wait3A_295 : memref<4x128xi32, #tpu.memory_space<vmem>>)
        %dma_start3A_298 = arith.constant 0 : i32
        %dma_start3A_299 = arith.constant 0 : i32
        %dma_start3A_300 = arith.constant 0 : i32
        %dma_start3A_301 = arith.constant 0 : i32
        %dma_start3A_302 = arith.constant 0 : i32
        %dma_start3A_303 = tpu.memref_slice %arg10[%dma_start3A_300, %dma_start3A_301, %dma_start3A_302] : memref<2x128x128xf32, #tpu.memory_space<vmem>> -> memref<1x128x128xf32, #tpu.memory_space<vmem>>
        %dma_start3A_304 = tpu.memref_squeeze %dma_start3A_303 : memref<1x128x128xf32, #tpu.memory_space<vmem>> -> memref<128x128xf32, #tpu.memory_space<vmem>>
        %dma_start3A_305 = arith.constant 0 : i32
        %dma_start3A_306 = tpu.memref_slice %arg8[%dma_start3A_298, %dma_start3A_299, %dma_start3A_305] : memref<2x4x128xi32, #tpu.memory_space<vmem>> -> memref<1x1x128xi32, #tpu.memory_space<vmem>>
        %dma_start3A_307 = tpu.memref_squeeze %dma_start3A_306 : memref<1x1x128xi32, #tpu.memory_space<vmem>> -> memref<128xi32, #tpu.memory_space<vmem>>
        %dma_start3A_308 = arith.constant 0 : i32
        %dma_start3A_309 = arith.constant 0 : i32
        %dma_start3A_310 = tpu.memref_slice %arg2[%dma_start3A_308, %dma_start3A_309] : memref<10240x128xf32, #tpu.memory_space<hbm>> -> memref<10240x128xf32, #tpu.memory_space<hbm>>
        tpu.enqueue_indirect_dma source(%dma_start3A_310 : memref<10240x128xf32, #tpu.memory_space<hbm>>) target(%dma_start3A_304 : memref<128x128xf32, #tpu.memory_space<vmem>>) offsets(%dma_start3A_307 : memref<128xi32, #tpu.memory_space<vmem>>) semaphore(%arg12 : memref<!tpu.dma_semaphore, #tpu.memory_space<semaphore_mem>>)
      } else {
      }
      %run_scoped3A_267 = arith.constant 1 : i32
      %run_scoped3A_268 = arith.constant 1 : i32
      %run_scoped3A_269 = arith.constant 3 : i32
      "tpu.region"() ({
        %run_scoped3A_270 = tpu.sem_alloc : memref<!tpu.dma_semaphore, #tpu.memory_space<semaphore_mem>>
        %dma_start3A_271 = arith.constant 0 : i32
        %dma_start3A_272 = arith.constant 0 : i32
        %dma_start3A_273 = tpu.memref_slice %arg10[%run_scoped3A_267, %dma_start3A_271, %dma_start3A_272] : memref<2x128x128xf32, #tpu.memory_space<vmem>> -> memref<1x128x128xf32, #tpu.memory_space<vmem>>
        %dma_start3A_274 = tpu.memref_squeeze %dma_start3A_273 : memref<1x128x128xf32, #tpu.memory_space<vmem>> -> memref<128x128xf32, #tpu.memory_space<vmem>>
        %dma_start3A_275 = arith.constant 0 : i32
        %dma_start3A_276 = tpu.memref_slice %arg9[%run_scoped3A_268, %run_scoped3A_269, %dma_start3A_275] : memref<2x4x128xi32, #tpu.memory_space<vmem>> -> memref<1x1x128xi32, #tpu.memory_space<vmem>>
        %dma_start3A_277 = tpu.memref_squeeze %dma_start3A_276 : memref<1x1x128xi32, #tpu.memory_space<vmem>> -> memref<128xi32, #tpu.memory_space<vmem>>
        %dma_start3A_278 = arith.constant 0 : i32
        %dma_start3A_279 = arith.constant 0 : i32
        %dma_start3A_280 = tpu.memref_slice %arg7[%dma_start3A_278, %dma_start3A_279] : memref<10240x128xf32, #tpu.memory_space<vmem_shared>> -> memref<10240x128xf32, #tpu.memory_space<vmem_shared>>
        tpu.enqueue_indirect_dma source(%dma_start3A_274 : memref<128x128xf32, #tpu.memory_space<vmem>>) target(%dma_start3A_280 : memref<10240x128xf32, #tpu.memory_space<vmem_shared>>) offsets(%dma_start3A_277 : memref<128xi32, #tpu.memory_space<vmem>>) semaphore(%run_scoped3A_270 : memref<!tpu.dma_semaphore, #tpu.memory_space<semaphore_mem>>) {add = true}
        %dma_wait3A_281 = arith.constant 0 : i32
        %dma_wait3A_282 = arith.constant 0 : i32
        %dma_wait3A_283 = tpu.memref_slice %arg10[%run_scoped3A_267, %dma_wait3A_281, %dma_wait3A_282] : memref<2x128x128xf32, #tpu.memory_space<vmem>> -> memref<1x128x128xf32, #tpu.memory_space<vmem>>
        %dma_wait3A_284 = tpu.memref_squeeze %dma_wait3A_283 : memref<1x128x128xf32, #tpu.memory_space<vmem>> -> memref<128x128xf32, #tpu.memory_space<vmem>>
        %dma_wait3A_285 = arith.constant 0 : i32
        %dma_wait3A_286 = tpu.memref_slice %arg9[%run_scoped3A_268, %run_scoped3A_269, %dma_wait3A_285] : memref<2x4x128xi32, #tpu.memory_space<vmem>> -> memref<1x1x128xi32, #tpu.memory_space<vmem>>
        %dma_wait3A_287 = tpu.memref_squeeze %dma_wait3A_286 : memref<1x1x128xi32, #tpu.memory_space<vmem>> -> memref<128xi32, #tpu.memory_space<vmem>>
        %dma_wait3A_288 = arith.constant 0 : i32
        %dma_wait3A_289 = arith.constant 0 : i32
        %dma_wait3A_290 = tpu.memref_slice %arg7[%dma_wait3A_288, %dma_wait3A_289] : memref<10240x128xf32, #tpu.memory_space<vmem_shared>> -> memref<10240x128xf32, #tpu.memory_space<vmem_shared>>
        tpu.wait_indirect_dma semaphore(%run_scoped3A_270 : memref<!tpu.dma_semaphore, #tpu.memory_space<semaphore_mem>>) src(%dma_wait3A_284 : memref<128x128xf32, #tpu.memory_space<vmem>>) dst(%dma_wait3A_290 : memref<10240x128xf32, #tpu.memory_space<vmem_shared>>)
        tpu.yield
      }) : () -> ()
    }
    %barrier3A_40 = arith.constant 0 : index
    tpu.barrier barrier_id(%barrier3A_40)
    "tpu.region"() ({
      %run_scoped3A_41 = tpu.sem_alloc : memref<!tpu.dma_semaphore, #tpu.memory_space<semaphore_mem>>
      %dma_start3A_42 = arith.constant 0 : i32
      %dma_start3A_43 = tpu.memref_slice %arg6[%arg0, %mul3A_0, %dma_start3A_42] : memref<2x10240x128xf32, #tpu.memory_space<hbm>> -> memref<1x640x128xf32, #tpu.memory_space<hbm>>
      %dma_start3A_44 = tpu.memref_squeeze %dma_start3A_43 : memref<1x640x128xf32, #tpu.memory_space<hbm>> -> memref<640x128xf32, #tpu.memory_space<hbm>>
      %dma_start3A_45 = arith.constant 0 : i32
      %dma_start3A_46 = tpu.memref_slice %arg7[%mul3A_0, %dma_start3A_45] : memref<10240x128xf32, #tpu.memory_space<vmem_shared>> -> memref<640x128xf32, #tpu.memory_space<vmem_shared>>
      tpu.enqueue_dma source(%dma_start3A_46 : memref<640x128xf32, #tpu.memory_space<vmem_shared>>) target(%dma_start3A_44 : memref<640x128xf32, #tpu.memory_space<hbm>>) target_semaphore(%run_scoped3A_41 : memref<!tpu.dma_semaphore, #tpu.memory_space<semaphore_mem>>)
      %dma_wait3A = arith.constant 0 : i32
      %dma_wait3A_47 = tpu.memref_slice %arg6[%arg0, %mul3A_0, %dma_wait3A] : memref<2x10240x128xf32, #tpu.memory_space<hbm>> -> memref<1x640x128xf32, #tpu.memory_space<hbm>>
      %dma_wait3A_48 = tpu.memref_squeeze %dma_wait3A_47 : memref<1x640x128xf32, #tpu.memory_space<hbm>> -> memref<640x128xf32, #tpu.memory_space<hbm>>
      %dma_wait3A_49 = arith.constant 0 : i32
      %dma_wait3A_50 = tpu.memref_slice %arg7[%mul3A_0, %dma_wait3A_49] : memref<10240x128xf32, #tpu.memory_space<vmem_shared>> -> memref<640x128xf32, #tpu.memory_space<vmem_shared>>
      tpu.wait_dma2 semaphore(%run_scoped3A_41 : memref<!tpu.dma_semaphore, #tpu.memory_space<semaphore_mem>>) src(%dma_wait3A_50 : memref<640x128xf32, #tpu.memory_space<vmem_shared>>) dst(%dma_wait3A_48 : memref<640x128xf32, #tpu.memory_space<hbm>>)
      tpu.yield
    }) : () -> ()
    return
  }
}

#map = affine_map<(d0, d1) -> (0, 0)>
#map1 = affine_map<(d0, d1) -> (0, 0, 0)>
module attributes {stable_mosaic.version = 14 : i64} {
  func.func @accum_kernel(%arg0: i32, %arg1: i32, %arg2: memref<10240x128xf32, #tpu.memory_space<hbm>>, %arg3: memref<2560x128xi32, #tpu.memory_space<hbm>>, %arg4: memref<2560x128xi32, #tpu.memory_space<hbm>>, %arg5: memref<10240x128xf32, #tpu.memory_space<hbm>>, %arg6: memref<2x10240x128xf32, #tpu.memory_space<hbm>>, %arg7: memref<10240x128xf32, #tpu.memory_space<vmem_shared>>, %arg8: memref<2x4x128xi32, #tpu.memory_space<vmem>>, %arg9: memref<2x4x128xi32, #tpu.memory_space<vmem>>, %arg10: memref<2x128x128xf32, #tpu.memory_space<vmem>>, %arg11: memref<!tpu.dma_semaphore, #tpu.memory_space<semaphore_mem>>, %arg12: memref<!tpu.dma_semaphore, #tpu.memory_space<semaphore_mem>>, %arg13: memref<!tpu.dma_semaphore, #tpu.memory_space<semaphore_mem>>) attributes {dimension_semantics = [#tpu.dimension_semantics<core_parallel>, #tpu.dimension_semantics<subcore_parallel>], iteration_bounds = array<i64: 2, 16>, scalar_prefetch = 0 : i64, scratch_operands = 7 : i64, tpu.core_type = #tpu.core_type<sc_vector_subcore>, window_params = [{transform_indices = #map}, {transform_indices = #map}, {transform_indices = #map}, {transform_indices = #map}, {transform_indices = #map1}]} {
    %mul3A = arith.constant 640 : i32
    %mul3A_0 = arith.muli %arg1, %mul3A : i32
    %eq3A = arith.constant 0 : i32
    %eq3A_1 = arith.cmpi eq, %arg0, %eq3A : i32
    %jit3A = arith.constant 128 : i32
    %jit3A_2 = arith.constant 32 : i32
    %select_n3A = arith.select %eq3A_1, %jit3A, %jit3A_2 : i32
    %eq3A_3 = arith.constant 0 : i32
    %eq3A_4 = arith.cmpi eq, %arg0, %eq3A_3 : i32
    %mul3A_5 = arith.constant 128 : i32
    %mul3A_6 = arith.muli %arg1, %mul3A_5 : i32
    %mul3A_7 = arith.constant 32 : i32
    %mul3A_8 = arith.muli %arg1, %mul3A_7 : i32
    %add3A = arith.constant 2048 : i32
    %add3A_9 = arith.addi %add3A, %mul3A_8 : i32
    %select_n3A_10 = arith.select %eq3A_4, %mul3A_6, %add3A_9 : i32
    "tpu.region"() ({
      %run_scoped3A_41 = tpu.sem_alloc : memref<!tpu.dma_semaphore, #tpu.memory_space<semaphore_mem>>
      %dma_start3A_42 = arith.constant 0 : i32
      %dma_start3A_43 = tpu.memref_slice %arg7[%mul3A_0, %dma_start3A_42] : memref<10240x128xf32, #tpu.memory_space<vmem_shared>> -> memref<640x128xf32, #tpu.memory_space<vmem_shared>>
      %dma_start3A_44 = arith.constant 0 : i32
      %dma_start3A_45 = tpu.memref_slice %arg5[%mul3A_0, %dma_start3A_44] : memref<10240x128xf32, #tpu.memory_space<hbm>> -> memref<640x128xf32, #tpu.memory_space<hbm>>
      tpu.enqueue_dma source(%dma_start3A_45 : memref<640x128xf32, #tpu.memory_space<hbm>>) target(%dma_start3A_43 : memref<640x128xf32, #tpu.memory_space<vmem_shared>>) target_semaphore(%run_scoped3A_41 : memref<!tpu.dma_semaphore, #tpu.memory_space<semaphore_mem>>)
      %dma_wait3A = arith.constant 0 : i32
      %dma_wait3A_46 = tpu.memref_slice %arg7[%mul3A_0, %dma_wait3A] : memref<10240x128xf32, #tpu.memory_space<vmem_shared>> -> memref<640x128xf32, #tpu.memory_space<vmem_shared>>
      %dma_wait3A_47 = arith.constant 0 : i32
      %dma_wait3A_48 = tpu.memref_slice %arg5[%mul3A_0, %dma_wait3A_47] : memref<10240x128xf32, #tpu.memory_space<hbm>> -> memref<640x128xf32, #tpu.memory_space<hbm>>
      tpu.wait_dma2 semaphore(%run_scoped3A_41 : memref<!tpu.dma_semaphore, #tpu.memory_space<semaphore_mem>>) src(%dma_wait3A_48 : memref<640x128xf32, #tpu.memory_space<hbm>>) dst(%dma_wait3A_46 : memref<640x128xf32, #tpu.memory_space<vmem_shared>>)
      tpu.yield
    }) : () -> ()
    %run_scoped3A = arith.constant 0 : i32
    "tpu.region"() ({
      %run_scoped3A_41 = tpu.sem_alloc : memref<!tpu.dma_semaphore, #tpu.memory_space<semaphore_mem>>
      %dma_start3A_42 = arith.constant 0 : i32
      %dma_start3A_43 = arith.constant 0 : i32
      %dma_start3A_44 = tpu.memref_slice %arg8[%run_scoped3A, %dma_start3A_42, %dma_start3A_43] : memref<2x4x128xi32, #tpu.memory_space<vmem>> -> memref<1x4x128xi32, #tpu.memory_space<vmem>>
      %dma_start3A_45 = tpu.memref_squeeze %dma_start3A_44 : memref<1x4x128xi32, #tpu.memory_space<vmem>> -> memref<4x128xi32, #tpu.memory_space<vmem>>
      %dma_start3A_46 = arith.constant 0 : i32
      %dma_start3A_47 = tpu.memref_slice %arg3[%select_n3A_10, %dma_start3A_46] : memref<2560x128xi32, #tpu.memory_space<hbm>> -> memref<4x128xi32, #tpu.memory_space<hbm>>
      %dma_start3A_48 = arith.constant 0 : i32
      %dma_start3A_49 = arith.constant 0 : i32
      %dma_start3A_50 = tpu.memref_slice %arg8[%run_scoped3A, %dma_start3A_48, %dma_start3A_49] : memref<2x4x128xi32, #tpu.memory_space<vmem>> -> memref<1x4x128xi32, #tpu.memory_space<vmem>>
      %dma_start3A_51 = tpu.memref_squeeze %dma_start3A_50 : memref<1x4x128xi32, #tpu.memory_space<vmem>> -> memref<4x128xi32, #tpu.memory_space<vmem>>
      %dma_start3A_52 = arith.constant 0 : i32
      %dma_start3A_53 = tpu.memref_slice %arg3[%select_n3A_10, %dma_start3A_52] : memref<2560x128xi32, #tpu.memory_space<hbm>> -> memref<4x128xi32, #tpu.memory_space<hbm>>
      tpu.enqueue_dma source(%dma_start3A_53 : memref<4x128xi32, #tpu.memory_space<hbm>>) target(%dma_start3A_51 : memref<4x128xi32, #tpu.memory_space<vmem>>) target_semaphore(%run_scoped3A_41 : memref<!tpu.dma_semaphore, #tpu.memory_space<semaphore_mem>>)
      %dma_wait3A = arith.constant 0 : i32
      %dma_wait3A_54 = arith.constant 0 : i32
      %dma_wait3A_55 = tpu.memref_slice %arg8[%run_scoped3A, %dma_wait3A, %dma_wait3A_54] : memref<2x4x128xi32, #tpu.memory_space<vmem>> -> memref<1x4x128xi32, #tpu.memory_space<vmem>>
      %dma_wait3A_56 = tpu.memref_squeeze %dma_wait3A_55 : memref<1x4x128xi32, #tpu.memory_space<vmem>> -> memref<4x128xi32, #tpu.memory_space<vmem>>
      %dma_wait3A_57 = arith.constant 0 : i32
      %dma_wait3A_58 = tpu.memref_slice %arg3[%select_n3A_10, %dma_wait3A_57] : memref<2560x128xi32, #tpu.memory_space<hbm>> -> memref<4x128xi32, #tpu.memory_space<hbm>>
      %dma_wait3A_59 = arith.constant 0 : i32
      %dma_wait3A_60 = arith.constant 0 : i32
      %dma_wait3A_61 = tpu.memref_slice %arg8[%run_scoped3A, %dma_wait3A_59, %dma_wait3A_60] : memref<2x4x128xi32, #tpu.memory_space<vmem>> -> memref<1x4x128xi32, #tpu.memory_space<vmem>>
      %dma_wait3A_62 = tpu.memref_squeeze %dma_wait3A_61 : memref<1x4x128xi32, #tpu.memory_space<vmem>> -> memref<4x128xi32, #tpu.memory_space<vmem>>
      %dma_wait3A_63 = arith.constant 0 : i32
      %dma_wait3A_64 = tpu.memref_slice %arg3[%select_n3A_10, %dma_wait3A_63] : memref<2560x128xi32, #tpu.memory_space<hbm>> -> memref<4x128xi32, #tpu.memory_space<hbm>>
      tpu.wait_dma2 semaphore(%run_scoped3A_41 : memref<!tpu.dma_semaphore, #tpu.memory_space<semaphore_mem>>) src(%dma_wait3A_64 : memref<4x128xi32, #tpu.memory_space<hbm>>) dst(%dma_wait3A_62 : memref<4x128xi32, #tpu.memory_space<vmem>>)
      tpu.yield
    }) : () -> ()
    %run_scoped3A_11 = arith.constant 0 : i32
    "tpu.region"() ({
      %run_scoped3A_41 = tpu.sem_alloc : memref<!tpu.dma_semaphore, #tpu.memory_space<semaphore_mem>>
      %dma_start3A_42 = arith.constant 0 : i32
      %dma_start3A_43 = arith.constant 0 : i32
      %dma_start3A_44 = tpu.memref_slice %arg9[%run_scoped3A_11, %dma_start3A_42, %dma_start3A_43] : memref<2x4x128xi32, #tpu.memory_space<vmem>> -> memref<1x4x128xi32, #tpu.memory_space<vmem>>
      %dma_start3A_45 = tpu.memref_squeeze %dma_start3A_44 : memref<1x4x128xi32, #tpu.memory_space<vmem>> -> memref<4x128xi32, #tpu.memory_space<vmem>>
      %dma_start3A_46 = arith.constant 0 : i32
      %dma_start3A_47 = tpu.memref_slice %arg4[%select_n3A_10, %dma_start3A_46] : memref<2560x128xi32, #tpu.memory_space<hbm>> -> memref<4x128xi32, #tpu.memory_space<hbm>>
      %dma_start3A_48 = arith.constant 0 : i32
      %dma_start3A_49 = arith.constant 0 : i32
      %dma_start3A_50 = tpu.memref_slice %arg9[%run_scoped3A_11, %dma_start3A_48, %dma_start3A_49] : memref<2x4x128xi32, #tpu.memory_space<vmem>> -> memref<1x4x128xi32, #tpu.memory_space<vmem>>
      %dma_start3A_51 = tpu.memref_squeeze %dma_start3A_50 : memref<1x4x128xi32, #tpu.memory_space<vmem>> -> memref<4x128xi32, #tpu.memory_space<vmem>>
      %dma_start3A_52 = arith.constant 0 : i32
      %dma_start3A_53 = tpu.memref_slice %arg4[%select_n3A_10, %dma_start3A_52] : memref<2560x128xi32, #tpu.memory_space<hbm>> -> memref<4x128xi32, #tpu.memory_space<hbm>>
      tpu.enqueue_dma source(%dma_start3A_53 : memref<4x128xi32, #tpu.memory_space<hbm>>) target(%dma_start3A_51 : memref<4x128xi32, #tpu.memory_space<vmem>>) target_semaphore(%run_scoped3A_41 : memref<!tpu.dma_semaphore, #tpu.memory_space<semaphore_mem>>)
      %dma_wait3A = arith.constant 0 : i32
      %dma_wait3A_54 = arith.constant 0 : i32
      %dma_wait3A_55 = tpu.memref_slice %arg9[%run_scoped3A_11, %dma_wait3A, %dma_wait3A_54] : memref<2x4x128xi32, #tpu.memory_space<vmem>> -> memref<1x4x128xi32, #tpu.memory_space<vmem>>
      %dma_wait3A_56 = tpu.memref_squeeze %dma_wait3A_55 : memref<1x4x128xi32, #tpu.memory_space<vmem>> -> memref<4x128xi32, #tpu.memory_space<vmem>>
      %dma_wait3A_57 = arith.constant 0 : i32
      %dma_wait3A_58 = tpu.memref_slice %arg4[%select_n3A_10, %dma_wait3A_57] : memref<2560x128xi32, #tpu.memory_space<hbm>> -> memref<4x128xi32, #tpu.memory_space<hbm>>
      %dma_wait3A_59 = arith.constant 0 : i32
      %dma_wait3A_60 = arith.constant 0 : i32
      %dma_wait3A_61 = tpu.memref_slice %arg9[%run_scoped3A_11, %dma_wait3A_59, %dma_wait3A_60] : memref<2x4x128xi32, #tpu.memory_space<vmem>> -> memref<1x4x128xi32, #tpu.memory_space<vmem>>
      %dma_wait3A_62 = tpu.memref_squeeze %dma_wait3A_61 : memref<1x4x128xi32, #tpu.memory_space<vmem>> -> memref<4x128xi32, #tpu.memory_space<vmem>>
      %dma_wait3A_63 = arith.constant 0 : i32
      %dma_wait3A_64 = tpu.memref_slice %arg4[%select_n3A_10, %dma_wait3A_63] : memref<2560x128xi32, #tpu.memory_space<hbm>> -> memref<4x128xi32, #tpu.memory_space<hbm>>
      tpu.wait_dma2 semaphore(%run_scoped3A_41 : memref<!tpu.dma_semaphore, #tpu.memory_space<semaphore_mem>>) src(%dma_wait3A_64 : memref<4x128xi32, #tpu.memory_space<hbm>>) dst(%dma_wait3A_62 : memref<4x128xi32, #tpu.memory_space<vmem>>)
      tpu.yield
    }) : () -> ()
    %barrier3A = arith.constant 0 : index
    tpu.barrier barrier_id(%barrier3A)
    %dma_start3A = arith.constant 0 : i32
    %dma_start3A_12 = arith.constant 0 : i32
    %dma_start3A_13 = arith.constant 0 : i32
    %dma_start3A_14 = arith.constant 0 : i32
    %dma_start3A_15 = arith.constant 0 : i32
    %dma_start3A_16 = tpu.memref_slice %arg10[%dma_start3A_13, %dma_start3A_14, %dma_start3A_15] : memref<2x128x128xf32, #tpu.memory_space<vmem>> -> memref<1x128x128xf32, #tpu.memory_space<vmem>>
    %dma_start3A_17 = tpu.memref_squeeze %dma_start3A_16 : memref<1x128x128xf32, #tpu.memory_space<vmem>> -> memref<128x128xf32, #tpu.memory_space<vmem>>
    %dma_start3A_18 = arith.constant 0 : i32
    %dma_start3A_19 = tpu.memref_slice %arg8[%dma_start3A, %dma_start3A_12, %dma_start3A_18] : memref<2x4x128xi32, #tpu.memory_space<vmem>> -> memref<1x1x128xi32, #tpu.memory_space<vmem>>
    %dma_start3A_20 = tpu.memref_squeeze %dma_start3A_19 : memref<1x1x128xi32, #tpu.memory_space<vmem>> -> memref<128xi32, #tpu.memory_space<vmem>>
    %dma_start3A_21 = arith.constant 0 : i32
    %dma_start3A_22 = arith.constant 0 : i32
    %dma_start3A_23 = tpu.memref_slice %arg2[%dma_start3A_21, %dma_start3A_22] : memref<10240x128xf32, #tpu.memory_space<hbm>> -> memref<10240x128xf32, #tpu.memory_space<hbm>>
    tpu.enqueue_indirect_dma source(%dma_start3A_23 : memref<10240x128xf32, #tpu.memory_space<hbm>>) target(%dma_start3A_17 : memref<128x128xf32, #tpu.memory_space<vmem>>) offsets(%dma_start3A_20 : memref<128xi32, #tpu.memory_space<vmem>>) semaphore(%arg12 : memref<!tpu.dma_semaphore, #tpu.memory_space<semaphore_mem>>)
    %sub3A = arith.constant 0 : i32
    %sub3A_24 = arith.subi %select_n3A, %sub3A : i32
    %sub3A_25 = arith.constant 8 : i32
    %sub3A_26 = arith.constant 1 : i32
    %sub3A_27 = arith.subi %sub3A_25, %sub3A_26 : i32
    %add3A_28 = arith.addi %sub3A_24, %sub3A_27 : i32
    %div3A = arith.constant 8 : i32
    %div3A_29 = arith.divsi %add3A_28, %div3A : i32
    %while3A = arith.constant 8 : i32
    %while3A_30 = arith.constant 0 : i32
    %while3A_31 = arith.constant 0 : i32
    %while3A_32 = arith.subi %div3A_29, %while3A_31 : i32
    %while3A_33 = arith.addi %while3A_31, %while3A_32 : i32
    %while3A_34 = arith.constant 1 : i32
    %while3A_35 = arith.divsi %while3A_32, %while3A_34 : i32
    %while3A_36 = arith.muli %while3A_35, %while3A_34 : i32
    %while3A_37 = arith.addi %while3A_31, %while3A_36 : i32
    %while3A_38 = arith.constant 1 : i32
    scf.for %while3A_41 = %while3A_31 to %while3A_37 step %while3A_38  : i32 {
      %mul3A_42 = arith.muli %while3A_41, %while3A : i32
      %add3A_43 = arith.addi %while3A_30, %mul3A_42 : i32
      %add3A_44 = arith.constant 0 : i32
      %add3A_45 = arith.addi %add3A_43, %add3A_44 : i32
      %add3A_46 = arith.constant 4 : i32
      %add3A_47 = arith.addi %add3A_45, %add3A_46 : i32
      %lt3A = arith.cmpi slt, %add3A_47, %select_n3A : i32
      %convert_element_type3A = arith.extui %lt3A : i1 to i32
      %cond3A = arith.constant 0 : i32
      %cond3A_48 = arith.cmpi ne, %convert_element_type3A, %cond3A : i32
      scf.if %cond3A_48 {
        %add3A_270 = arith.addi %select_n3A_10, %add3A_47 : i32
        %dma_start3A_271 = arith.constant 1 : i32
        %dma_start3A_272 = arith.constant 0 : i32
        %dma_start3A_273 = arith.constant 0 : i32
        %dma_start3A_274 = tpu.memref_slice %arg8[%dma_start3A_271, %dma_start3A_272, %dma_start3A_273] : memref<2x4x128xi32, #tpu.memory_space<vmem>> -> memref<1x4x128xi32, #tpu.memory_space<vmem>>
        %dma_start3A_275 = tpu.memref_squeeze %dma_start3A_274 : memref<1x4x128xi32, #tpu.memory_space<vmem>> -> memref<4x128xi32, #tpu.memory_space<vmem>>
        %dma_start3A_276 = arith.constant 0 : i32
        %dma_start3A_277 = tpu.memref_slice %arg3[%add3A_270, %dma_start3A_276] : memref<2560x128xi32, #tpu.memory_space<hbm>> -> memref<4x128xi32, #tpu.memory_space<hbm>>
        %dma_start3A_278 = arith.constant 0 : i32
        %dma_start3A_279 = arith.constant 0 : i32
        %dma_start3A_280 = tpu.memref_slice %arg8[%dma_start3A_271, %dma_start3A_278, %dma_start3A_279] : memref<2x4x128xi32, #tpu.memory_space<vmem>> -> memref<1x4x128xi32, #tpu.memory_space<vmem>>
        %dma_start3A_281 = tpu.memref_squeeze %dma_start3A_280 : memref<1x4x128xi32, #tpu.memory_space<vmem>> -> memref<4x128xi32, #tpu.memory_space<vmem>>
        %dma_start3A_282 = arith.constant 0 : i32
        %dma_start3A_283 = tpu.memref_slice %arg3[%add3A_270, %dma_start3A_282] : memref<2560x128xi32, #tpu.memory_space<hbm>> -> memref<4x128xi32, #tpu.memory_space<hbm>>
        tpu.enqueue_dma source(%dma_start3A_283 : memref<4x128xi32, #tpu.memory_space<hbm>>) target(%dma_start3A_281 : memref<4x128xi32, #tpu.memory_space<vmem>>) target_semaphore(%arg11 : memref<!tpu.dma_semaphore, #tpu.memory_space<semaphore_mem>>)
        %add3A_284 = arith.addi %select_n3A_10, %add3A_47 : i32
        %dma_start3A_285 = arith.constant 1 : i32
        %dma_start3A_286 = arith.constant 0 : i32
        %dma_start3A_287 = arith.constant 0 : i32
        %dma_start3A_288 = tpu.memref_slice %arg9[%dma_start3A_285, %dma_start3A_286, %dma_start3A_287] : memref<2x4x128xi32, #tpu.memory_space<vmem>> -> memref<1x4x128xi32, #tpu.memory_space<vmem>>
        %dma_start3A_289 = tpu.memref_squeeze %dma_start3A_288 : memref<1x4x128xi32, #tpu.memory_space<vmem>> -> memref<4x128xi32, #tpu.memory_space<vmem>>
        %dma_start3A_290 = arith.constant 0 : i32
        %dma_start3A_291 = tpu.memref_slice %arg4[%add3A_284, %dma_start3A_290] : memref<2560x128xi32, #tpu.memory_space<hbm>> -> memref<4x128xi32, #tpu.memory_space<hbm>>
        %dma_start3A_292 = arith.constant 0 : i32
        %dma_start3A_293 = arith.constant 0 : i32
        %dma_start3A_294 = tpu.memref_slice %arg9[%dma_start3A_285, %dma_start3A_292, %dma_start3A_293] : memref<2x4x128xi32, #tpu.memory_space<vmem>> -> memref<1x4x128xi32, #tpu.memory_space<vmem>>
        %dma_start3A_295 = tpu.memref_squeeze %dma_start3A_294 : memref<1x4x128xi32, #tpu.memory_space<vmem>> -> memref<4x128xi32, #tpu.memory_space<vmem>>
        %dma_start3A_296 = arith.constant 0 : i32
        %dma_start3A_297 = tpu.memref_slice %arg4[%add3A_284, %dma_start3A_296] : memref<2560x128xi32, #tpu.memory_space<hbm>> -> memref<4x128xi32, #tpu.memory_space<hbm>>
        tpu.enqueue_dma source(%dma_start3A_297 : memref<4x128xi32, #tpu.memory_space<hbm>>) target(%dma_start3A_295 : memref<4x128xi32, #tpu.memory_space<vmem>>) target_semaphore(%arg11 : memref<!tpu.dma_semaphore, #tpu.memory_space<semaphore_mem>>)
      } else {
      }
      %dma_wait3A = arith.constant 0 : i32
      %dma_wait3A_49 = arith.constant 0 : i32
      %dma_wait3A_50 = arith.constant 0 : i32
      %dma_wait3A_51 = arith.constant 0 : i32
      %dma_wait3A_52 = arith.constant 0 : i32
      %dma_wait3A_53 = tpu.memref_slice %arg10[%dma_wait3A_50, %dma_wait3A_51, %dma_wait3A_52] : memref<2x128x128xf32, #tpu.memory_space<vmem>> -> memref<1x128x128xf32, #tpu.memory_space<vmem>>
      %dma_wait3A_54 = tpu.memref_squeeze %dma_wait3A_53 : memref<1x128x128xf32, #tpu.memory_space<vmem>> -> memref<128x128xf32, #tpu.memory_space<vmem>>
      %dma_wait3A_55 = arith.constant 0 : i32
      %dma_wait3A_56 = tpu.memref_slice %arg8[%dma_wait3A, %dma_wait3A_49, %dma_wait3A_55] : memref<2x4x128xi32, #tpu.memory_space<vmem>> -> memref<1x1x128xi32, #tpu.memory_space<vmem>>
      %dma_wait3A_57 = tpu.memref_squeeze %dma_wait3A_56 : memref<1x1x128xi32, #tpu.memory_space<vmem>> -> memref<128xi32, #tpu.memory_space<vmem>>
      %dma_wait3A_58 = arith.constant 0 : i32
      %dma_wait3A_59 = arith.constant 0 : i32
      %dma_wait3A_60 = tpu.memref_slice %arg2[%dma_wait3A_58, %dma_wait3A_59] : memref<10240x128xf32, #tpu.memory_space<hbm>> -> memref<10240x128xf32, #tpu.memory_space<hbm>>
      tpu.wait_indirect_dma semaphore(%arg12 : memref<!tpu.dma_semaphore, #tpu.memory_space<semaphore_mem>>) src(%dma_wait3A_60 : memref<10240x128xf32, #tpu.memory_space<hbm>>) dst(%dma_wait3A_54 : memref<128x128xf32, #tpu.memory_space<vmem>>)
      %dma_start3A_61 = arith.constant 0 : i32
      %dma_start3A_62 = arith.constant 1 : i32
      %dma_start3A_63 = arith.constant 1 : i32
      %dma_start3A_64 = arith.constant 0 : i32
      %dma_start3A_65 = arith.constant 0 : i32
      %dma_start3A_66 = tpu.memref_slice %arg10[%dma_start3A_63, %dma_start3A_64, %dma_start3A_65] : memref<2x128x128xf32, #tpu.memory_space<vmem>> -> memref<1x128x128xf32, #tpu.memory_space<vmem>>
      %dma_start3A_67 = tpu.memref_squeeze %dma_start3A_66 : memref<1x128x128xf32, #tpu.memory_space<vmem>> -> memref<128x128xf32, #tpu.memory_space<vmem>>
      %dma_start3A_68 = arith.constant 0 : i32
      %dma_start3A_69 = tpu.memref_slice %arg8[%dma_start3A_61, %dma_start3A_62, %dma_start3A_68] : memref<2x4x128xi32, #tpu.memory_space<vmem>> -> memref<1x1x128xi32, #tpu.memory_space<vmem>>
      %dma_start3A_70 = tpu.memref_squeeze %dma_start3A_69 : memref<1x1x128xi32, #tpu.memory_space<vmem>> -> memref<128xi32, #tpu.memory_space<vmem>>
      %dma_start3A_71 = arith.constant 0 : i32
      %dma_start3A_72 = arith.constant 0 : i32
      %dma_start3A_73 = tpu.memref_slice %arg2[%dma_start3A_71, %dma_start3A_72] : memref<10240x128xf32, #tpu.memory_space<hbm>> -> memref<10240x128xf32, #tpu.memory_space<hbm>>
      tpu.enqueue_indirect_dma source(%dma_start3A_73 : memref<10240x128xf32, #tpu.memory_space<hbm>>) target(%dma_start3A_67 : memref<128x128xf32, #tpu.memory_space<vmem>>) offsets(%dma_start3A_70 : memref<128xi32, #tpu.memory_space<vmem>>) semaphore(%arg13 : memref<!tpu.dma_semaphore, #tpu.memory_space<semaphore_mem>>)
      %run_scoped3A_74 = arith.constant 0 : i32
      %run_scoped3A_75 = arith.constant 0 : i32
      %run_scoped3A_76 = arith.constant 0 : i32
      "tpu.region"() ({
        %run_scoped3A_270 = tpu.sem_alloc : memref<!tpu.dma_semaphore, #tpu.memory_space<semaphore_mem>>
        %dma_start3A_271 = arith.constant 0 : i32
        %dma_start3A_272 = arith.constant 0 : i32
        %dma_start3A_273 = tpu.memref_slice %arg10[%run_scoped3A_74, %dma_start3A_271, %dma_start3A_272] : memref<2x128x128xf32, #tpu.memory_space<vmem>> -> memref<1x128x128xf32, #tpu.memory_space<vmem>>
        %dma_start3A_274 = tpu.memref_squeeze %dma_start3A_273 : memref<1x128x128xf32, #tpu.memory_space<vmem>> -> memref<128x128xf32, #tpu.memory_space<vmem>>
        %dma_start3A_275 = arith.constant 0 : i32
        %dma_start3A_276 = tpu.memref_slice %arg9[%run_scoped3A_75, %run_scoped3A_76, %dma_start3A_275] : memref<2x4x128xi32, #tpu.memory_space<vmem>> -> memref<1x1x128xi32, #tpu.memory_space<vmem>>
        %dma_start3A_277 = tpu.memref_squeeze %dma_start3A_276 : memref<1x1x128xi32, #tpu.memory_space<vmem>> -> memref<128xi32, #tpu.memory_space<vmem>>
        %dma_start3A_278 = arith.constant 0 : i32
        %dma_start3A_279 = arith.constant 0 : i32
        %dma_start3A_280 = tpu.memref_slice %arg7[%dma_start3A_278, %dma_start3A_279] : memref<10240x128xf32, #tpu.memory_space<vmem_shared>> -> memref<10240x128xf32, #tpu.memory_space<vmem_shared>>
        tpu.enqueue_indirect_dma source(%dma_start3A_274 : memref<128x128xf32, #tpu.memory_space<vmem>>) target(%dma_start3A_280 : memref<10240x128xf32, #tpu.memory_space<vmem_shared>>) offsets(%dma_start3A_277 : memref<128xi32, #tpu.memory_space<vmem>>) semaphore(%run_scoped3A_270 : memref<!tpu.dma_semaphore, #tpu.memory_space<semaphore_mem>>) {add = true}
        %dma_wait3A_281 = arith.constant 0 : i32
        %dma_wait3A_282 = arith.constant 0 : i32
        %dma_wait3A_283 = tpu.memref_slice %arg10[%run_scoped3A_74, %dma_wait3A_281, %dma_wait3A_282] : memref<2x128x128xf32, #tpu.memory_space<vmem>> -> memref<1x128x128xf32, #tpu.memory_space<vmem>>
        %dma_wait3A_284 = tpu.memref_squeeze %dma_wait3A_283 : memref<1x128x128xf32, #tpu.memory_space<vmem>> -> memref<128x128xf32, #tpu.memory_space<vmem>>
        %dma_wait3A_285 = arith.constant 0 : i32
        %dma_wait3A_286 = tpu.memref_slice %arg9[%run_scoped3A_75, %run_scoped3A_76, %dma_wait3A_285] : memref<2x4x128xi32, #tpu.memory_space<vmem>> -> memref<1x1x128xi32, #tpu.memory_space<vmem>>
        %dma_wait3A_287 = tpu.memref_squeeze %dma_wait3A_286 : memref<1x1x128xi32, #tpu.memory_space<vmem>> -> memref<128xi32, #tpu.memory_space<vmem>>
        %dma_wait3A_288 = arith.constant 0 : i32
        %dma_wait3A_289 = arith.constant 0 : i32
        %dma_wait3A_290 = tpu.memref_slice %arg7[%dma_wait3A_288, %dma_wait3A_289] : memref<10240x128xf32, #tpu.memory_space<vmem_shared>> -> memref<10240x128xf32, #tpu.memory_space<vmem_shared>>
        tpu.wait_indirect_dma semaphore(%run_scoped3A_270 : memref<!tpu.dma_semaphore, #tpu.memory_space<semaphore_mem>>) src(%dma_wait3A_284 : memref<128x128xf32, #tpu.memory_space<vmem>>) dst(%dma_wait3A_290 : memref<10240x128xf32, #tpu.memory_space<vmem_shared>>)
        tpu.yield
      }) : () -> ()
      %dma_wait3A_77 = arith.constant 0 : i32
      %dma_wait3A_78 = arith.constant 1 : i32
      %dma_wait3A_79 = arith.constant 1 : i32
      %dma_wait3A_80 = arith.constant 0 : i32
      %dma_wait3A_81 = arith.constant 0 : i32
      %dma_wait3A_82 = tpu.memref_slice %arg10[%dma_wait3A_79, %dma_wait3A_80, %dma_wait3A_81] : memref<2x128x128xf32, #tpu.memory_space<vmem>> -> memref<1x128x128xf32, #tpu.memory_space<vmem>>
      %dma_wait3A_83 = tpu.memref_squeeze %dma_wait3A_82 : memref<1x128x128xf32, #tpu.memory_space<vmem>> -> memref<128x128xf32, #tpu.memory_space<vmem>>
      %dma_wait3A_84 = arith.constant 0 : i32
      %dma_wait3A_85 = tpu.memref_slice %arg8[%dma_wait3A_77, %dma_wait3A_78, %dma_wait3A_84] : memref<2x4x128xi32, #tpu.memory_space<vmem>> -> memref<1x1x128xi32, #tpu.memory_space<vmem>>
      %dma_wait3A_86 = tpu.memref_squeeze %dma_wait3A_85 : memref<1x1x128xi32, #tpu.memory_space<vmem>> -> memref<128xi32, #tpu.memory_space<vmem>>
      %dma_wait3A_87 = arith.constant 0 : i32
      %dma_wait3A_88 = arith.constant 0 : i32
      %dma_wait3A_89 = tpu.memref_slice %arg2[%dma_wait3A_87, %dma_wait3A_88] : memref<10240x128xf32, #tpu.memory_space<hbm>> -> memref<10240x128xf32, #tpu.memory_space<hbm>>
      tpu.wait_indirect_dma semaphore(%arg13 : memref<!tpu.dma_semaphore, #tpu.memory_space<semaphore_mem>>) src(%dma_wait3A_89 : memref<10240x128xf32, #tpu.memory_space<hbm>>) dst(%dma_wait3A_83 : memref<128x128xf32, #tpu.memory_space<vmem>>)
      %dma_start3A_90 = arith.constant 0 : i32
      %dma_start3A_91 = arith.constant 2 : i32
      %dma_start3A_92 = arith.constant 0 : i32
      %dma_start3A_93 = arith.constant 0 : i32
      %dma_start3A_94 = arith.constant 0 : i32
      %dma_start3A_95 = tpu.memref_slice %arg10[%dma_start3A_92, %dma_start3A_93, %dma_start3A_94] : memref<2x128x128xf32, #tpu.memory_space<vmem>> -> memref<1x128x128xf32, #tpu.memory_space<vmem>>
      %dma_start3A_96 = tpu.memref_squeeze %dma_start3A_95 : memref<1x128x128xf32, #tpu.memory_space<vmem>> -> memref<128x128xf32, #tpu.memory_space<vmem>>
      %dma_start3A_97 = arith.constant 0 : i32
      %dma_start3A_98 = tpu.memref_slice %arg8[%dma_start3A_90, %dma_start3A_91, %dma_start3A_97] : memref<2x4x128xi32, #tpu.memory_space<vmem>> -> memref<1x1x128xi32, #tpu.memory_space<vmem>>
      %dma_start3A_99 = tpu.memref_squeeze %dma_start3A_98 : memref<1x1x128xi32, #tpu.memory_space<vmem>> -> memref<128xi32, #tpu.memory_space<vmem>>
      %dma_start3A_100 = arith.constant 0 : i32
      %dma_start3A_101 = arith.constant 0 : i32
      %dma_start3A_102 = tpu.memref_slice %arg2[%dma_start3A_100, %dma_start3A_101] : memref<10240x128xf32, #tpu.memory_space<hbm>> -> memref<10240x128xf32, #tpu.memory_space<hbm>>
      tpu.enqueue_indirect_dma source(%dma_start3A_102 : memref<10240x128xf32, #tpu.memory_space<hbm>>) target(%dma_start3A_96 : memref<128x128xf32, #tpu.memory_space<vmem>>) offsets(%dma_start3A_99 : memref<128xi32, #tpu.memory_space<vmem>>) semaphore(%arg12 : memref<!tpu.dma_semaphore, #tpu.memory_space<semaphore_mem>>)
      %run_scoped3A_103 = arith.constant 1 : i32
      %run_scoped3A_104 = arith.constant 0 : i32
      %run_scoped3A_105 = arith.constant 1 : i32
      "tpu.region"() ({
        %run_scoped3A_270 = tpu.sem_alloc : memref<!tpu.dma_semaphore, #tpu.memory_space<semaphore_mem>>
        %dma_start3A_271 = arith.constant 0 : i32
        %dma_start3A_272 = arith.constant 0 : i32
        %dma_start3A_273 = tpu.memref_slice %arg10[%run_scoped3A_103, %dma_start3A_271, %dma_start3A_272] : memref<2x128x128xf32, #tpu.memory_space<vmem>> -> memref<1x128x128xf32, #tpu.memory_space<vmem>>
        %dma_start3A_274 = tpu.memref_squeeze %dma_start3A_273 : memref<1x128x128xf32, #tpu.memory_space<vmem>> -> memref<128x128xf32, #tpu.memory_space<vmem>>
        %dma_start3A_275 = arith.constant 0 : i32
        %dma_start3A_276 = tpu.memref_slice %arg9[%run_scoped3A_104, %run_scoped3A_105, %dma_start3A_275] : memref<2x4x128xi32, #tpu.memory_space<vmem>> -> memref<1x1x128xi32, #tpu.memory_space<vmem>>
        %dma_start3A_277 = tpu.memref_squeeze %dma_start3A_276 : memref<1x1x128xi32, #tpu.memory_space<vmem>> -> memref<128xi32, #tpu.memory_space<vmem>>
        %dma_start3A_278 = arith.constant 0 : i32
        %dma_start3A_279 = arith.constant 0 : i32
        %dma_start3A_280 = tpu.memref_slice %arg7[%dma_start3A_278, %dma_start3A_279] : memref<10240x128xf32, #tpu.memory_space<vmem_shared>> -> memref<10240x128xf32, #tpu.memory_space<vmem_shared>>
        tpu.enqueue_indirect_dma source(%dma_start3A_274 : memref<128x128xf32, #tpu.memory_space<vmem>>) target(%dma_start3A_280 : memref<10240x128xf32, #tpu.memory_space<vmem_shared>>) offsets(%dma_start3A_277 : memref<128xi32, #tpu.memory_space<vmem>>) semaphore(%run_scoped3A_270 : memref<!tpu.dma_semaphore, #tpu.memory_space<semaphore_mem>>) {add = true}
        %dma_wait3A_281 = arith.constant 0 : i32
        %dma_wait3A_282 = arith.constant 0 : i32
        %dma_wait3A_283 = tpu.memref_slice %arg10[%run_scoped3A_103, %dma_wait3A_281, %dma_wait3A_282] : memref<2x128x128xf32, #tpu.memory_space<vmem>> -> memref<1x128x128xf32, #tpu.memory_space<vmem>>
        %dma_wait3A_284 = tpu.memref_squeeze %dma_wait3A_283 : memref<1x128x128xf32, #tpu.memory_space<vmem>> -> memref<128x128xf32, #tpu.memory_space<vmem>>
        %dma_wait3A_285 = arith.constant 0 : i32
        %dma_wait3A_286 = tpu.memref_slice %arg9[%run_scoped3A_104, %run_scoped3A_105, %dma_wait3A_285] : memref<2x4x128xi32, #tpu.memory_space<vmem>> -> memref<1x1x128xi32, #tpu.memory_space<vmem>>
        %dma_wait3A_287 = tpu.memref_squeeze %dma_wait3A_286 : memref<1x1x128xi32, #tpu.memory_space<vmem>> -> memref<128xi32, #tpu.memory_space<vmem>>
        %dma_wait3A_288 = arith.constant 0 : i32
        %dma_wait3A_289 = arith.constant 0 : i32
        %dma_wait3A_290 = tpu.memref_slice %arg7[%dma_wait3A_288, %dma_wait3A_289] : memref<10240x128xf32, #tpu.memory_space<vmem_shared>> -> memref<10240x128xf32, #tpu.memory_space<vmem_shared>>
        tpu.wait_indirect_dma semaphore(%run_scoped3A_270 : memref<!tpu.dma_semaphore, #tpu.memory_space<semaphore_mem>>) src(%dma_wait3A_284 : memref<128x128xf32, #tpu.memory_space<vmem>>) dst(%dma_wait3A_290 : memref<10240x128xf32, #tpu.memory_space<vmem_shared>>)
        tpu.yield
      }) : () -> ()
      %dma_wait3A_106 = arith.constant 0 : i32
      %dma_wait3A_107 = arith.constant 2 : i32
      %dma_wait3A_108 = arith.constant 0 : i32
      %dma_wait3A_109 = arith.constant 0 : i32
      %dma_wait3A_110 = arith.constant 0 : i32
      %dma_wait3A_111 = tpu.memref_slice %arg10[%dma_wait3A_108, %dma_wait3A_109, %dma_wait3A_110] : memref<2x128x128xf32, #tpu.memory_space<vmem>> -> memref<1x128x128xf32, #tpu.memory_space<vmem>>
      %dma_wait3A_112 = tpu.memref_squeeze %dma_wait3A_111 : memref<1x128x128xf32, #tpu.memory_space<vmem>> -> memref<128x128xf32, #tpu.memory_space<vmem>>
      %dma_wait3A_113 = arith.constant 0 : i32
      %dma_wait3A_114 = tpu.memref_slice %arg8[%dma_wait3A_106, %dma_wait3A_107, %dma_wait3A_113] : memref<2x4x128xi32, #tpu.memory_space<vmem>> -> memref<1x1x128xi32, #tpu.memory_space<vmem>>
      %dma_wait3A_115 = tpu.memref_squeeze %dma_wait3A_114 : memref<1x1x128xi32, #tpu.memory_space<vmem>> -> memref<128xi32, #tpu.memory_space<vmem>>
      %dma_wait3A_116 = arith.constant 0 : i32
      %dma_wait3A_117 = arith.constant 0 : i32
      %dma_wait3A_118 = tpu.memref_slice %arg2[%dma_wait3A_116, %dma_wait3A_117] : memref<10240x128xf32, #tpu.memory_space<hbm>> -> memref<10240x128xf32, #tpu.memory_space<hbm>>
      tpu.wait_indirect_dma semaphore(%arg12 : memref<!tpu.dma_semaphore, #tpu.memory_space<semaphore_mem>>) src(%dma_wait3A_118 : memref<10240x128xf32, #tpu.memory_space<hbm>>) dst(%dma_wait3A_112 : memref<128x128xf32, #tpu.memory_space<vmem>>)
      %dma_start3A_119 = arith.constant 0 : i32
      %dma_start3A_120 = arith.constant 3 : i32
      %dma_start3A_121 = arith.constant 1 : i32
      %dma_start3A_122 = arith.constant 0 : i32
      %dma_start3A_123 = arith.constant 0 : i32
      %dma_start3A_124 = tpu.memref_slice %arg10[%dma_start3A_121, %dma_start3A_122, %dma_start3A_123] : memref<2x128x128xf32, #tpu.memory_space<vmem>> -> memref<1x128x128xf32, #tpu.memory_space<vmem>>
      %dma_start3A_125 = tpu.memref_squeeze %dma_start3A_124 : memref<1x128x128xf32, #tpu.memory_space<vmem>> -> memref<128x128xf32, #tpu.memory_space<vmem>>
      %dma_start3A_126 = arith.constant 0 : i32
      %dma_start3A_127 = tpu.memref_slice %arg8[%dma_start3A_119, %dma_start3A_120, %dma_start3A_126] : memref<2x4x128xi32, #tpu.memory_space<vmem>> -> memref<1x1x128xi32, #tpu.memory_space<vmem>>
      %dma_start3A_128 = tpu.memref_squeeze %dma_start3A_127 : memref<1x1x128xi32, #tpu.memory_space<vmem>> -> memref<128xi32, #tpu.memory_space<vmem>>
      %dma_start3A_129 = arith.constant 0 : i32
      %dma_start3A_130 = arith.constant 0 : i32
      %dma_start3A_131 = tpu.memref_slice %arg2[%dma_start3A_129, %dma_start3A_130] : memref<10240x128xf32, #tpu.memory_space<hbm>> -> memref<10240x128xf32, #tpu.memory_space<hbm>>
      tpu.enqueue_indirect_dma source(%dma_start3A_131 : memref<10240x128xf32, #tpu.memory_space<hbm>>) target(%dma_start3A_125 : memref<128x128xf32, #tpu.memory_space<vmem>>) offsets(%dma_start3A_128 : memref<128xi32, #tpu.memory_space<vmem>>) semaphore(%arg13 : memref<!tpu.dma_semaphore, #tpu.memory_space<semaphore_mem>>)
      %run_scoped3A_132 = arith.constant 0 : i32
      %run_scoped3A_133 = arith.constant 0 : i32
      %run_scoped3A_134 = arith.constant 2 : i32
      "tpu.region"() ({
        %run_scoped3A_270 = tpu.sem_alloc : memref<!tpu.dma_semaphore, #tpu.memory_space<semaphore_mem>>
        %dma_start3A_271 = arith.constant 0 : i32
        %dma_start3A_272 = arith.constant 0 : i32
        %dma_start3A_273 = tpu.memref_slice %arg10[%run_scoped3A_132, %dma_start3A_271, %dma_start3A_272] : memref<2x128x128xf32, #tpu.memory_space<vmem>> -> memref<1x128x128xf32, #tpu.memory_space<vmem>>
        %dma_start3A_274 = tpu.memref_squeeze %dma_start3A_273 : memref<1x128x128xf32, #tpu.memory_space<vmem>> -> memref<128x128xf32, #tpu.memory_space<vmem>>
        %dma_start3A_275 = arith.constant 0 : i32
        %dma_start3A_276 = tpu.memref_slice %arg9[%run_scoped3A_133, %run_scoped3A_134, %dma_start3A_275] : memref<2x4x128xi32, #tpu.memory_space<vmem>> -> memref<1x1x128xi32, #tpu.memory_space<vmem>>
        %dma_start3A_277 = tpu.memref_squeeze %dma_start3A_276 : memref<1x1x128xi32, #tpu.memory_space<vmem>> -> memref<128xi32, #tpu.memory_space<vmem>>
        %dma_start3A_278 = arith.constant 0 : i32
        %dma_start3A_279 = arith.constant 0 : i32
        %dma_start3A_280 = tpu.memref_slice %arg7[%dma_start3A_278, %dma_start3A_279] : memref<10240x128xf32, #tpu.memory_space<vmem_shared>> -> memref<10240x128xf32, #tpu.memory_space<vmem_shared>>
        tpu.enqueue_indirect_dma source(%dma_start3A_274 : memref<128x128xf32, #tpu.memory_space<vmem>>) target(%dma_start3A_280 : memref<10240x128xf32, #tpu.memory_space<vmem_shared>>) offsets(%dma_start3A_277 : memref<128xi32, #tpu.memory_space<vmem>>) semaphore(%run_scoped3A_270 : memref<!tpu.dma_semaphore, #tpu.memory_space<semaphore_mem>>) {add = true}
        %dma_wait3A_281 = arith.constant 0 : i32
        %dma_wait3A_282 = arith.constant 0 : i32
        %dma_wait3A_283 = tpu.memref_slice %arg10[%run_scoped3A_132, %dma_wait3A_281, %dma_wait3A_282] : memref<2x128x128xf32, #tpu.memory_space<vmem>> -> memref<1x128x128xf32, #tpu.memory_space<vmem>>
        %dma_wait3A_284 = tpu.memref_squeeze %dma_wait3A_283 : memref<1x128x128xf32, #tpu.memory_space<vmem>> -> memref<128x128xf32, #tpu.memory_space<vmem>>
        %dma_wait3A_285 = arith.constant 0 : i32
        %dma_wait3A_286 = tpu.memref_slice %arg9[%run_scoped3A_133, %run_scoped3A_134, %dma_wait3A_285] : memref<2x4x128xi32, #tpu.memory_space<vmem>> -> memref<1x1x128xi32, #tpu.memory_space<vmem>>
        %dma_wait3A_287 = tpu.memref_squeeze %dma_wait3A_286 : memref<1x1x128xi32, #tpu.memory_space<vmem>> -> memref<128xi32, #tpu.memory_space<vmem>>
        %dma_wait3A_288 = arith.constant 0 : i32
        %dma_wait3A_289 = arith.constant 0 : i32
        %dma_wait3A_290 = tpu.memref_slice %arg7[%dma_wait3A_288, %dma_wait3A_289] : memref<10240x128xf32, #tpu.memory_space<vmem_shared>> -> memref<10240x128xf32, #tpu.memory_space<vmem_shared>>
        tpu.wait_indirect_dma semaphore(%run_scoped3A_270 : memref<!tpu.dma_semaphore, #tpu.memory_space<semaphore_mem>>) src(%dma_wait3A_284 : memref<128x128xf32, #tpu.memory_space<vmem>>) dst(%dma_wait3A_290 : memref<10240x128xf32, #tpu.memory_space<vmem_shared>>)
        tpu.yield
      }) : () -> ()
      %dma_wait3A_135 = arith.constant 0 : i32
      %dma_wait3A_136 = arith.constant 3 : i32
      %dma_wait3A_137 = arith.constant 1 : i32
      %dma_wait3A_138 = arith.constant 0 : i32
      %dma_wait3A_139 = arith.constant 0 : i32
      %dma_wait3A_140 = tpu.memref_slice %arg10[%dma_wait3A_137, %dma_wait3A_138, %dma_wait3A_139] : memref<2x128x128xf32, #tpu.memory_space<vmem>> -> memref<1x128x128xf32, #tpu.memory_space<vmem>>
      %dma_wait3A_141 = tpu.memref_squeeze %dma_wait3A_140 : memref<1x128x128xf32, #tpu.memory_space<vmem>> -> memref<128x128xf32, #tpu.memory_space<vmem>>
      %dma_wait3A_142 = arith.constant 0 : i32
      %dma_wait3A_143 = tpu.memref_slice %arg8[%dma_wait3A_135, %dma_wait3A_136, %dma_wait3A_142] : memref<2x4x128xi32, #tpu.memory_space<vmem>> -> memref<1x1x128xi32, #tpu.memory_space<vmem>>
      %dma_wait3A_144 = tpu.memref_squeeze %dma_wait3A_143 : memref<1x1x128xi32, #tpu.memory_space<vmem>> -> memref<128xi32, #tpu.memory_space<vmem>>
      %dma_wait3A_145 = arith.constant 0 : i32
      %dma_wait3A_146 = arith.constant 0 : i32
      %dma_wait3A_147 = tpu.memref_slice %arg2[%dma_wait3A_145, %dma_wait3A_146] : memref<10240x128xf32, #tpu.memory_space<hbm>> -> memref<10240x128xf32, #tpu.memory_space<hbm>>
      tpu.wait_indirect_dma semaphore(%arg13 : memref<!tpu.dma_semaphore, #tpu.memory_space<semaphore_mem>>) src(%dma_wait3A_147 : memref<10240x128xf32, #tpu.memory_space<hbm>>) dst(%dma_wait3A_141 : memref<128x128xf32, #tpu.memory_space<vmem>>)
      %lt3A_148 = arith.cmpi slt, %add3A_47, %select_n3A : i32
      %convert_element_type3A_149 = arith.extui %lt3A_148 : i1 to i32
      %cond3A_150 = arith.constant 0 : i32
      %cond3A_151 = arith.cmpi ne, %convert_element_type3A_149, %cond3A_150 : i32
      scf.if %cond3A_151 {
        %add3A_270 = arith.addi %select_n3A_10, %add3A_47 : i32
        %dma_wait3A_271 = arith.constant 1 : i32
        %dma_wait3A_272 = arith.constant 0 : i32
        %dma_wait3A_273 = arith.constant 0 : i32
        %dma_wait3A_274 = tpu.memref_slice %arg8[%dma_wait3A_271, %dma_wait3A_272, %dma_wait3A_273] : memref<2x4x128xi32, #tpu.memory_space<vmem>> -> memref<1x4x128xi32, #tpu.memory_space<vmem>>
        %dma_wait3A_275 = tpu.memref_squeeze %dma_wait3A_274 : memref<1x4x128xi32, #tpu.memory_space<vmem>> -> memref<4x128xi32, #tpu.memory_space<vmem>>
        %dma_wait3A_276 = arith.constant 0 : i32
        %dma_wait3A_277 = tpu.memref_slice %arg3[%add3A_270, %dma_wait3A_276] : memref<2560x128xi32, #tpu.memory_space<hbm>> -> memref<4x128xi32, #tpu.memory_space<hbm>>
        %dma_wait3A_278 = arith.constant 0 : i32
        %dma_wait3A_279 = arith.constant 0 : i32
        %dma_wait3A_280 = tpu.memref_slice %arg8[%dma_wait3A_271, %dma_wait3A_278, %dma_wait3A_279] : memref<2x4x128xi32, #tpu.memory_space<vmem>> -> memref<1x4x128xi32, #tpu.memory_space<vmem>>
        %dma_wait3A_281 = tpu.memref_squeeze %dma_wait3A_280 : memref<1x4x128xi32, #tpu.memory_space<vmem>> -> memref<4x128xi32, #tpu.memory_space<vmem>>
        %dma_wait3A_282 = arith.constant 0 : i32
        %dma_wait3A_283 = tpu.memref_slice %arg3[%add3A_270, %dma_wait3A_282] : memref<2560x128xi32, #tpu.memory_space<hbm>> -> memref<4x128xi32, #tpu.memory_space<hbm>>
        tpu.wait_dma2 semaphore(%arg11 : memref<!tpu.dma_semaphore, #tpu.memory_space<semaphore_mem>>) src(%dma_wait3A_283 : memref<4x128xi32, #tpu.memory_space<hbm>>) dst(%dma_wait3A_281 : memref<4x128xi32, #tpu.memory_space<vmem>>)
        %add3A_284 = arith.addi %select_n3A_10, %add3A_47 : i32
        %dma_wait3A_285 = arith.constant 1 : i32
        %dma_wait3A_286 = arith.constant 0 : i32
        %dma_wait3A_287 = arith.constant 0 : i32
        %dma_wait3A_288 = tpu.memref_slice %arg9[%dma_wait3A_285, %dma_wait3A_286, %dma_wait3A_287] : memref<2x4x128xi32, #tpu.memory_space<vmem>> -> memref<1x4x128xi32, #tpu.memory_space<vmem>>
        %dma_wait3A_289 = tpu.memref_squeeze %dma_wait3A_288 : memref<1x4x128xi32, #tpu.memory_space<vmem>> -> memref<4x128xi32, #tpu.memory_space<vmem>>
        %dma_wait3A_290 = arith.constant 0 : i32
        %dma_wait3A_291 = tpu.memref_slice %arg4[%add3A_284, %dma_wait3A_290] : memref<2560x128xi32, #tpu.memory_space<hbm>> -> memref<4x128xi32, #tpu.memory_space<hbm>>
        %dma_wait3A_292 = arith.constant 0 : i32
        %dma_wait3A_293 = arith.constant 0 : i32
        %dma_wait3A_294 = tpu.memref_slice %arg9[%dma_wait3A_285, %dma_wait3A_292, %dma_wait3A_293] : memref<2x4x128xi32, #tpu.memory_space<vmem>> -> memref<1x4x128xi32, #tpu.memory_space<vmem>>
        %dma_wait3A_295 = tpu.memref_squeeze %dma_wait3A_294 : memref<1x4x128xi32, #tpu.memory_space<vmem>> -> memref<4x128xi32, #tpu.memory_space<vmem>>
        %dma_wait3A_296 = arith.constant 0 : i32
        %dma_wait3A_297 = tpu.memref_slice %arg4[%add3A_284, %dma_wait3A_296] : memref<2560x128xi32, #tpu.memory_space<hbm>> -> memref<4x128xi32, #tpu.memory_space<hbm>>
        tpu.wait_dma2 semaphore(%arg11 : memref<!tpu.dma_semaphore, #tpu.memory_space<semaphore_mem>>) src(%dma_wait3A_297 : memref<4x128xi32, #tpu.memory_space<hbm>>) dst(%dma_wait3A_295 : memref<4x128xi32, #tpu.memory_space<vmem>>)
        %dma_start3A_298 = arith.constant 1 : i32
        %dma_start3A_299 = arith.constant 0 : i32
        %dma_start3A_300 = arith.constant 0 : i32
        %dma_start3A_301 = arith.constant 0 : i32
        %dma_start3A_302 = arith.constant 0 : i32
        %dma_start3A_303 = tpu.memref_slice %arg10[%dma_start3A_300, %dma_start3A_301, %dma_start3A_302] : memref<2x128x128xf32, #tpu.memory_space<vmem>> -> memref<1x128x128xf32, #tpu.memory_space<vmem>>
        %dma_start3A_304 = tpu.memref_squeeze %dma_start3A_303 : memref<1x128x128xf32, #tpu.memory_space<vmem>> -> memref<128x128xf32, #tpu.memory_space<vmem>>
        %dma_start3A_305 = arith.constant 0 : i32
        %dma_start3A_306 = tpu.memref_slice %arg8[%dma_start3A_298, %dma_start3A_299, %dma_start3A_305] : memref<2x4x128xi32, #tpu.memory_space<vmem>> -> memref<1x1x128xi32, #tpu.memory_space<vmem>>
        %dma_start3A_307 = tpu.memref_squeeze %dma_start3A_306 : memref<1x1x128xi32, #tpu.memory_space<vmem>> -> memref<128xi32, #tpu.memory_space<vmem>>
        %dma_start3A_308 = arith.constant 0 : i32
        %dma_start3A_309 = arith.constant 0 : i32
        %dma_start3A_310 = tpu.memref_slice %arg2[%dma_start3A_308, %dma_start3A_309] : memref<10240x128xf32, #tpu.memory_space<hbm>> -> memref<10240x128xf32, #tpu.memory_space<hbm>>
        tpu.enqueue_indirect_dma source(%dma_start3A_310 : memref<10240x128xf32, #tpu.memory_space<hbm>>) target(%dma_start3A_304 : memref<128x128xf32, #tpu.memory_space<vmem>>) offsets(%dma_start3A_307 : memref<128xi32, #tpu.memory_space<vmem>>) semaphore(%arg12 : memref<!tpu.dma_semaphore, #tpu.memory_space<semaphore_mem>>)
      } else {
      }
      %run_scoped3A_152 = arith.constant 1 : i32
      %run_scoped3A_153 = arith.constant 0 : i32
      %run_scoped3A_154 = arith.constant 3 : i32
      "tpu.region"() ({
        %run_scoped3A_270 = tpu.sem_alloc : memref<!tpu.dma_semaphore, #tpu.memory_space<semaphore_mem>>
        %dma_start3A_271 = arith.constant 0 : i32
        %dma_start3A_272 = arith.constant 0 : i32
        %dma_start3A_273 = tpu.memref_slice %arg10[%run_scoped3A_152, %dma_start3A_271, %dma_start3A_272] : memref<2x128x128xf32, #tpu.memory_space<vmem>> -> memref<1x128x128xf32, #tpu.memory_space<vmem>>
        %dma_start3A_274 = tpu.memref_squeeze %dma_start3A_273 : memref<1x128x128xf32, #tpu.memory_space<vmem>> -> memref<128x128xf32, #tpu.memory_space<vmem>>
        %dma_start3A_275 = arith.constant 0 : i32
        %dma_start3A_276 = tpu.memref_slice %arg9[%run_scoped3A_153, %run_scoped3A_154, %dma_start3A_275] : memref<2x4x128xi32, #tpu.memory_space<vmem>> -> memref<1x1x128xi32, #tpu.memory_space<vmem>>
        %dma_start3A_277 = tpu.memref_squeeze %dma_start3A_276 : memref<1x1x128xi32, #tpu.memory_space<vmem>> -> memref<128xi32, #tpu.memory_space<vmem>>
        %dma_start3A_278 = arith.constant 0 : i32
        %dma_start3A_279 = arith.constant 0 : i32
        %dma_start3A_280 = tpu.memref_slice %arg7[%dma_start3A_278, %dma_start3A_279] : memref<10240x128xf32, #tpu.memory_space<vmem_shared>> -> memref<10240x128xf32, #tpu.memory_space<vmem_shared>>
        tpu.enqueue_indirect_dma source(%dma_start3A_274 : memref<128x128xf32, #tpu.memory_space<vmem>>) target(%dma_start3A_280 : memref<10240x128xf32, #tpu.memory_space<vmem_shared>>) offsets(%dma_start3A_277 : memref<128xi32, #tpu.memory_space<vmem>>) semaphore(%run_scoped3A_270 : memref<!tpu.dma_semaphore, #tpu.memory_space<semaphore_mem>>) {add = true}
        %dma_wait3A_281 = arith.constant 0 : i32
        %dma_wait3A_282 = arith.constant 0 : i32
        %dma_wait3A_283 = tpu.memref_slice %arg10[%run_scoped3A_152, %dma_wait3A_281, %dma_wait3A_282] : memref<2x128x128xf32, #tpu.memory_space<vmem>> -> memref<1x128x128xf32, #tpu.memory_space<vmem>>
        %dma_wait3A_284 = tpu.memref_squeeze %dma_wait3A_283 : memref<1x128x128xf32, #tpu.memory_space<vmem>> -> memref<128x128xf32, #tpu.memory_space<vmem>>
        %dma_wait3A_285 = arith.constant 0 : i32
        %dma_wait3A_286 = tpu.memref_slice %arg9[%run_scoped3A_153, %run_scoped3A_154, %dma_wait3A_285] : memref<2x4x128xi32, #tpu.memory_space<vmem>> -> memref<1x1x128xi32, #tpu.memory_space<vmem>>
        %dma_wait3A_287 = tpu.memref_squeeze %dma_wait3A_286 : memref<1x1x128xi32, #tpu.memory_space<vmem>> -> memref<128xi32, #tpu.memory_space<vmem>>
        %dma_wait3A_288 = arith.constant 0 : i32
        %dma_wait3A_289 = arith.constant 0 : i32
        %dma_wait3A_290 = tpu.memref_slice %arg7[%dma_wait3A_288, %dma_wait3A_289] : memref<10240x128xf32, #tpu.memory_space<vmem_shared>> -> memref<10240x128xf32, #tpu.memory_space<vmem_shared>>
        tpu.wait_indirect_dma semaphore(%run_scoped3A_270 : memref<!tpu.dma_semaphore, #tpu.memory_space<semaphore_mem>>) src(%dma_wait3A_284 : memref<128x128xf32, #tpu.memory_space<vmem>>) dst(%dma_wait3A_290 : memref<10240x128xf32, #tpu.memory_space<vmem_shared>>)
        tpu.yield
      }) : () -> ()
      %add3A_155 = arith.constant 4 : i32
      %add3A_156 = arith.addi %add3A_43, %add3A_155 : i32
      %add3A_157 = arith.constant 4 : i32
      %add3A_158 = arith.addi %add3A_156, %add3A_157 : i32
      %lt3A_159 = arith.cmpi slt, %add3A_158, %select_n3A : i32
      %convert_element_type3A_160 = arith.extui %lt3A_159 : i1 to i32
      %cond3A_161 = arith.constant 0 : i32
      %cond3A_162 = arith.cmpi ne, %convert_element_type3A_160, %cond3A_161 : i32
      scf.if %cond3A_162 {
        %add3A_270 = arith.addi %select_n3A_10, %add3A_158 : i32
        %dma_start3A_271 = arith.constant 0 : i32
        %dma_start3A_272 = arith.constant 0 : i32
        %dma_start3A_273 = arith.constant 0 : i32
        %dma_start3A_274 = tpu.memref_slice %arg8[%dma_start3A_271, %dma_start3A_272, %dma_start3A_273] : memref<2x4x128xi32, #tpu.memory_space<vmem>> -> memref<1x4x128xi32, #tpu.memory_space<vmem>>
        %dma_start3A_275 = tpu.memref_squeeze %dma_start3A_274 : memref<1x4x128xi32, #tpu.memory_space<vmem>> -> memref<4x128xi32, #tpu.memory_space<vmem>>
        %dma_start3A_276 = arith.constant 0 : i32
        %dma_start3A_277 = tpu.memref_slice %arg3[%add3A_270, %dma_start3A_276] : memref<2560x128xi32, #tpu.memory_space<hbm>> -> memref<4x128xi32, #tpu.memory_space<hbm>>
        %dma_start3A_278 = arith.constant 0 : i32
        %dma_start3A_279 = arith.constant 0 : i32
        %dma_start3A_280 = tpu.memref_slice %arg8[%dma_start3A_271, %dma_start3A_278, %dma_start3A_279] : memref<2x4x128xi32, #tpu.memory_space<vmem>> -> memref<1x4x128xi32, #tpu.memory_space<vmem>>
        %dma_start3A_281 = tpu.memref_squeeze %dma_start3A_280 : memref<1x4x128xi32, #tpu.memory_space<vmem>> -> memref<4x128xi32, #tpu.memory_space<vmem>>
        %dma_start3A_282 = arith.constant 0 : i32
        %dma_start3A_283 = tpu.memref_slice %arg3[%add3A_270, %dma_start3A_282] : memref<2560x128xi32, #tpu.memory_space<hbm>> -> memref<4x128xi32, #tpu.memory_space<hbm>>
        tpu.enqueue_dma source(%dma_start3A_283 : memref<4x128xi32, #tpu.memory_space<hbm>>) target(%dma_start3A_281 : memref<4x128xi32, #tpu.memory_space<vmem>>) target_semaphore(%arg11 : memref<!tpu.dma_semaphore, #tpu.memory_space<semaphore_mem>>)
        %add3A_284 = arith.addi %select_n3A_10, %add3A_158 : i32
        %dma_start3A_285 = arith.constant 0 : i32
        %dma_start3A_286 = arith.constant 0 : i32
        %dma_start3A_287 = arith.constant 0 : i32
        %dma_start3A_288 = tpu.memref_slice %arg9[%dma_start3A_285, %dma_start3A_286, %dma_start3A_287] : memref<2x4x128xi32, #tpu.memory_space<vmem>> -> memref<1x4x128xi32, #tpu.memory_space<vmem>>
        %dma_start3A_289 = tpu.memref_squeeze %dma_start3A_288 : memref<1x4x128xi32, #tpu.memory_space<vmem>> -> memref<4x128xi32, #tpu.memory_space<vmem>>
        %dma_start3A_290 = arith.constant 0 : i32
        %dma_start3A_291 = tpu.memref_slice %arg4[%add3A_284, %dma_start3A_290] : memref<2560x128xi32, #tpu.memory_space<hbm>> -> memref<4x128xi32, #tpu.memory_space<hbm>>
        %dma_start3A_292 = arith.constant 0 : i32
        %dma_start3A_293 = arith.constant 0 : i32
        %dma_start3A_294 = tpu.memref_slice %arg9[%dma_start3A_285, %dma_start3A_292, %dma_start3A_293] : memref<2x4x128xi32, #tpu.memory_space<vmem>> -> memref<1x4x128xi32, #tpu.memory_space<vmem>>
        %dma_start3A_295 = tpu.memref_squeeze %dma_start3A_294 : memref<1x4x128xi32, #tpu.memory_space<vmem>> -> memref<4x128xi32, #tpu.memory_space<vmem>>
        %dma_start3A_296 = arith.constant 0 : i32
        %dma_start3A_297 = tpu.memref_slice %arg4[%add3A_284, %dma_start3A_296] : memref<2560x128xi32, #tpu.memory_space<hbm>> -> memref<4x128xi32, #tpu.memory_space<hbm>>
        tpu.enqueue_dma source(%dma_start3A_297 : memref<4x128xi32, #tpu.memory_space<hbm>>) target(%dma_start3A_295 : memref<4x128xi32, #tpu.memory_space<vmem>>) target_semaphore(%arg11 : memref<!tpu.dma_semaphore, #tpu.memory_space<semaphore_mem>>)
      } else {
      }
      %dma_wait3A_163 = arith.constant 1 : i32
      %dma_wait3A_164 = arith.constant 0 : i32
      %dma_wait3A_165 = arith.constant 0 : i32
      %dma_wait3A_166 = arith.constant 0 : i32
      %dma_wait3A_167 = arith.constant 0 : i32
      %dma_wait3A_168 = tpu.memref_slice %arg10[%dma_wait3A_165, %dma_wait3A_166, %dma_wait3A_167] : memref<2x128x128xf32, #tpu.memory_space<vmem>> -> memref<1x128x128xf32, #tpu.memory_space<vmem>>
      %dma_wait3A_169 = tpu.memref_squeeze %dma_wait3A_168 : memref<1x128x128xf32, #tpu.memory_space<vmem>> -> memref<128x128xf32, #tpu.memory_space<vmem>>
      %dma_wait3A_170 = arith.constant 0 : i32
      %dma_wait3A_171 = tpu.memref_slice %arg8[%dma_wait3A_163, %dma_wait3A_164, %dma_wait3A_170] : memref<2x4x128xi32, #tpu.memory_space<vmem>> -> memref<1x1x128xi32, #tpu.memory_space<vmem>>
      %dma_wait3A_172 = tpu.memref_squeeze %dma_wait3A_171 : memref<1x1x128xi32, #tpu.memory_space<vmem>> -> memref<128xi32, #tpu.memory_space<vmem>>
      %dma_wait3A_173 = arith.constant 0 : i32
      %dma_wait3A_174 = arith.constant 0 : i32
      %dma_wait3A_175 = tpu.memref_slice %arg2[%dma_wait3A_173, %dma_wait3A_174] : memref<10240x128xf32, #tpu.memory_space<hbm>> -> memref<10240x128xf32, #tpu.memory_space<hbm>>
      tpu.wait_indirect_dma semaphore(%arg12 : memref<!tpu.dma_semaphore, #tpu.memory_space<semaphore_mem>>) src(%dma_wait3A_175 : memref<10240x128xf32, #tpu.memory_space<hbm>>) dst(%dma_wait3A_169 : memref<128x128xf32, #tpu.memory_space<vmem>>)
      %dma_start3A_176 = arith.constant 1 : i32
      %dma_start3A_177 = arith.constant 1 : i32
      %dma_start3A_178 = arith.constant 1 : i32
      %dma_start3A_179 = arith.constant 0 : i32
      %dma_start3A_180 = arith.constant 0 : i32
      %dma_start3A_181 = tpu.memref_slice %arg10[%dma_start3A_178, %dma_start3A_179, %dma_start3A_180] : memref<2x128x128xf32, #tpu.memory_space<vmem>> -> memref<1x128x128xf32, #tpu.memory_space<vmem>>
      %dma_start3A_182 = tpu.memref_squeeze %dma_start3A_181 : memref<1x128x128xf32, #tpu.memory_space<vmem>> -> memref<128x128xf32, #tpu.memory_space<vmem>>
      %dma_start3A_183 = arith.constant 0 : i32
      %dma_start3A_184 = tpu.memref_slice %arg8[%dma_start3A_176, %dma_start3A_177, %dma_start3A_183] : memref<2x4x128xi32, #tpu.memory_space<vmem>> -> memref<1x1x128xi32, #tpu.memory_space<vmem>>
      %dma_start3A_185 = tpu.memref_squeeze %dma_start3A_184 : memref<1x1x128xi32, #tpu.memory_space<vmem>> -> memref<128xi32, #tpu.memory_space<vmem>>
      %dma_start3A_186 = arith.constant 0 : i32
      %dma_start3A_187 = arith.constant 0 : i32
      %dma_start3A_188 = tpu.memref_slice %arg2[%dma_start3A_186, %dma_start3A_187] : memref<10240x128xf32, #tpu.memory_space<hbm>> -> memref<10240x128xf32, #tpu.memory_space<hbm>>
      tpu.enqueue_indirect_dma source(%dma_start3A_188 : memref<10240x128xf32, #tpu.memory_space<hbm>>) target(%dma_start3A_182 : memref<128x128xf32, #tpu.memory_space<vmem>>) offsets(%dma_start3A_185 : memref<128xi32, #tpu.memory_space<vmem>>) semaphore(%arg13 : memref<!tpu.dma_semaphore, #tpu.memory_space<semaphore_mem>>)
      %run_scoped3A_189 = arith.constant 0 : i32
      %run_scoped3A_190 = arith.constant 1 : i32
      %run_scoped3A_191 = arith.constant 0 : i32
      "tpu.region"() ({
        %run_scoped3A_270 = tpu.sem_alloc : memref<!tpu.dma_semaphore, #tpu.memory_space<semaphore_mem>>
        %dma_start3A_271 = arith.constant 0 : i32
        %dma_start3A_272 = arith.constant 0 : i32
        %dma_start3A_273 = tpu.memref_slice %arg10[%run_scoped3A_189, %dma_start3A_271, %dma_start3A_272] : memref<2x128x128xf32, #tpu.memory_space<vmem>> -> memref<1x128x128xf32, #tpu.memory_space<vmem>>
        %dma_start3A_274 = tpu.memref_squeeze %dma_start3A_273 : memref<1x128x128xf32, #tpu.memory_space<vmem>> -> memref<128x128xf32, #tpu.memory_space<vmem>>
        %dma_start3A_275 = arith.constant 0 : i32
        %dma_start3A_276 = tpu.memref_slice %arg9[%run_scoped3A_190, %run_scoped3A_191, %dma_start3A_275] : memref<2x4x128xi32, #tpu.memory_space<vmem>> -> memref<1x1x128xi32, #tpu.memory_space<vmem>>
        %dma_start3A_277 = tpu.memref_squeeze %dma_start3A_276 : memref<1x1x128xi32, #tpu.memory_space<vmem>> -> memref<128xi32, #tpu.memory_space<vmem>>
        %dma_start3A_278 = arith.constant 0 : i32
        %dma_start3A_279 = arith.constant 0 : i32
        %dma_start3A_280 = tpu.memref_slice %arg7[%dma_start3A_278, %dma_start3A_279] : memref<10240x128xf32, #tpu.memory_space<vmem_shared>> -> memref<10240x128xf32, #tpu.memory_space<vmem_shared>>
        tpu.enqueue_indirect_dma source(%dma_start3A_274 : memref<128x128xf32, #tpu.memory_space<vmem>>) target(%dma_start3A_280 : memref<10240x128xf32, #tpu.memory_space<vmem_shared>>) offsets(%dma_start3A_277 : memref<128xi32, #tpu.memory_space<vmem>>) semaphore(%run_scoped3A_270 : memref<!tpu.dma_semaphore, #tpu.memory_space<semaphore_mem>>) {add = true}
        %dma_wait3A_281 = arith.constant 0 : i32
        %dma_wait3A_282 = arith.constant 0 : i32
        %dma_wait3A_283 = tpu.memref_slice %arg10[%run_scoped3A_189, %dma_wait3A_281, %dma_wait3A_282] : memref<2x128x128xf32, #tpu.memory_space<vmem>> -> memref<1x128x128xf32, #tpu.memory_space<vmem>>
        %dma_wait3A_284 = tpu.memref_squeeze %dma_wait3A_283 : memref<1x128x128xf32, #tpu.memory_space<vmem>> -> memref<128x128xf32, #tpu.memory_space<vmem>>
        %dma_wait3A_285 = arith.constant 0 : i32
        %dma_wait3A_286 = tpu.memref_slice %arg9[%run_scoped3A_190, %run_scoped3A_191, %dma_wait3A_285] : memref<2x4x128xi32, #tpu.memory_space<vmem>> -> memref<1x1x128xi32, #tpu.memory_space<vmem>>
        %dma_wait3A_287 = tpu.memref_squeeze %dma_wait3A_286 : memref<1x1x128xi32, #tpu.memory_space<vmem>> -> memref<128xi32, #tpu.memory_space<vmem>>
        %dma_wait3A_288 = arith.constant 0 : i32
        %dma_wait3A_289 = arith.constant 0 : i32
        %dma_wait3A_290 = tpu.memref_slice %arg7[%dma_wait3A_288, %dma_wait3A_289] : memref<10240x128xf32, #tpu.memory_space<vmem_shared>> -> memref<10240x128xf32, #tpu.memory_space<vmem_shared>>
        tpu.wait_indirect_dma semaphore(%run_scoped3A_270 : memref<!tpu.dma_semaphore, #tpu.memory_space<semaphore_mem>>) src(%dma_wait3A_284 : memref<128x128xf32, #tpu.memory_space<vmem>>) dst(%dma_wait3A_290 : memref<10240x128xf32, #tpu.memory_space<vmem_shared>>)
        tpu.yield
      }) : () -> ()
      %dma_wait3A_192 = arith.constant 1 : i32
      %dma_wait3A_193 = arith.constant 1 : i32
      %dma_wait3A_194 = arith.constant 1 : i32
      %dma_wait3A_195 = arith.constant 0 : i32
      %dma_wait3A_196 = arith.constant 0 : i32
      %dma_wait3A_197 = tpu.memref_slice %arg10[%dma_wait3A_194, %dma_wait3A_195, %dma_wait3A_196] : memref<2x128x128xf32, #tpu.memory_space<vmem>> -> memref<1x128x128xf32, #tpu.memory_space<vmem>>
      %dma_wait3A_198 = tpu.memref_squeeze %dma_wait3A_197 : memref<1x128x128xf32, #tpu.memory_space<vmem>> -> memref<128x128xf32, #tpu.memory_space<vmem>>
      %dma_wait3A_199 = arith.constant 0 : i32
      %dma_wait3A_200 = tpu.memref_slice %arg8[%dma_wait3A_192, %dma_wait3A_193, %dma_wait3A_199] : memref<2x4x128xi32, #tpu.memory_space<vmem>> -> memref<1x1x128xi32, #tpu.memory_space<vmem>>
      %dma_wait3A_201 = tpu.memref_squeeze %dma_wait3A_200 : memref<1x1x128xi32, #tpu.memory_space<vmem>> -> memref<128xi32, #tpu.memory_space<vmem>>
      %dma_wait3A_202 = arith.constant 0 : i32
      %dma_wait3A_203 = arith.constant 0 : i32
      %dma_wait3A_204 = tpu.memref_slice %arg2[%dma_wait3A_202, %dma_wait3A_203] : memref<10240x128xf32, #tpu.memory_space<hbm>> -> memref<10240x128xf32, #tpu.memory_space<hbm>>
      tpu.wait_indirect_dma semaphore(%arg13 : memref<!tpu.dma_semaphore, #tpu.memory_space<semaphore_mem>>) src(%dma_wait3A_204 : memref<10240x128xf32, #tpu.memory_space<hbm>>) dst(%dma_wait3A_198 : memref<128x128xf32, #tpu.memory_space<vmem>>)
      %dma_start3A_205 = arith.constant 1 : i32
      %dma_start3A_206 = arith.constant 2 : i32
      %dma_start3A_207 = arith.constant 0 : i32
      %dma_start3A_208 = arith.constant 0 : i32
      %dma_start3A_209 = arith.constant 0 : i32
      %dma_start3A_210 = tpu.memref_slice %arg10[%dma_start3A_207, %dma_start3A_208, %dma_start3A_209] : memref<2x128x128xf32, #tpu.memory_space<vmem>> -> memref<1x128x128xf32, #tpu.memory_space<vmem>>
      %dma_start3A_211 = tpu.memref_squeeze %dma_start3A_210 : memref<1x128x128xf32, #tpu.memory_space<vmem>> -> memref<128x128xf32, #tpu.memory_space<vmem>>
      %dma_start3A_212 = arith.constant 0 : i32
      %dma_start3A_213 = tpu.memref_slice %arg8[%dma_start3A_205, %dma_start3A_206, %dma_start3A_212] : memref<2x4x128xi32, #tpu.memory_space<vmem>> -> memref<1x1x128xi32, #tpu.memory_space<vmem>>
      %dma_start3A_214 = tpu.memref_squeeze %dma_start3A_213 : memref<1x1x128xi32, #tpu.memory_space<vmem>> -> memref<128xi32, #tpu.memory_space<vmem>>
      %dma_start3A_215 = arith.constant 0 : i32
      %dma_start3A_216 = arith.constant 0 : i32
      %dma_start3A_217 = tpu.memref_slice %arg2[%dma_start3A_215, %dma_start3A_216] : memref<10240x128xf32, #tpu.memory_space<hbm>> -> memref<10240x128xf32, #tpu.memory_space<hbm>>
      tpu.enqueue_indirect_dma source(%dma_start3A_217 : memref<10240x128xf32, #tpu.memory_space<hbm>>) target(%dma_start3A_211 : memref<128x128xf32, #tpu.memory_space<vmem>>) offsets(%dma_start3A_214 : memref<128xi32, #tpu.memory_space<vmem>>) semaphore(%arg12 : memref<!tpu.dma_semaphore, #tpu.memory_space<semaphore_mem>>)
      %run_scoped3A_218 = arith.constant 1 : i32
      %run_scoped3A_219 = arith.constant 1 : i32
      %run_scoped3A_220 = arith.constant 1 : i32
      "tpu.region"() ({
        %run_scoped3A_270 = tpu.sem_alloc : memref<!tpu.dma_semaphore, #tpu.memory_space<semaphore_mem>>
        %dma_start3A_271 = arith.constant 0 : i32
        %dma_start3A_272 = arith.constant 0 : i32
        %dma_start3A_273 = tpu.memref_slice %arg10[%run_scoped3A_218, %dma_start3A_271, %dma_start3A_272] : memref<2x128x128xf32, #tpu.memory_space<vmem>> -> memref<1x128x128xf32, #tpu.memory_space<vmem>>
        %dma_start3A_274 = tpu.memref_squeeze %dma_start3A_273 : memref<1x128x128xf32, #tpu.memory_space<vmem>> -> memref<128x128xf32, #tpu.memory_space<vmem>>
        %dma_start3A_275 = arith.constant 0 : i32
        %dma_start3A_276 = tpu.memref_slice %arg9[%run_scoped3A_219, %run_scoped3A_220, %dma_start3A_275] : memref<2x4x128xi32, #tpu.memory_space<vmem>> -> memref<1x1x128xi32, #tpu.memory_space<vmem>>
        %dma_start3A_277 = tpu.memref_squeeze %dma_start3A_276 : memref<1x1x128xi32, #tpu.memory_space<vmem>> -> memref<128xi32, #tpu.memory_space<vmem>>
        %dma_start3A_278 = arith.constant 0 : i32
        %dma_start3A_279 = arith.constant 0 : i32
        %dma_start3A_280 = tpu.memref_slice %arg7[%dma_start3A_278, %dma_start3A_279] : memref<10240x128xf32, #tpu.memory_space<vmem_shared>> -> memref<10240x128xf32, #tpu.memory_space<vmem_shared>>
        tpu.enqueue_indirect_dma source(%dma_start3A_274 : memref<128x128xf32, #tpu.memory_space<vmem>>) target(%dma_start3A_280 : memref<10240x128xf32, #tpu.memory_space<vmem_shared>>) offsets(%dma_start3A_277 : memref<128xi32, #tpu.memory_space<vmem>>) semaphore(%run_scoped3A_270 : memref<!tpu.dma_semaphore, #tpu.memory_space<semaphore_mem>>) {add = true}
        %dma_wait3A_281 = arith.constant 0 : i32
        %dma_wait3A_282 = arith.constant 0 : i32
        %dma_wait3A_283 = tpu.memref_slice %arg10[%run_scoped3A_218, %dma_wait3A_281, %dma_wait3A_282] : memref<2x128x128xf32, #tpu.memory_space<vmem>> -> memref<1x128x128xf32, #tpu.memory_space<vmem>>
        %dma_wait3A_284 = tpu.memref_squeeze %dma_wait3A_283 : memref<1x128x128xf32, #tpu.memory_space<vmem>> -> memref<128x128xf32, #tpu.memory_space<vmem>>
        %dma_wait3A_285 = arith.constant 0 : i32
        %dma_wait3A_286 = tpu.memref_slice %arg9[%run_scoped3A_219, %run_scoped3A_220, %dma_wait3A_285] : memref<2x4x128xi32, #tpu.memory_space<vmem>> -> memref<1x1x128xi32, #tpu.memory_space<vmem>>
        %dma_wait3A_287 = tpu.memref_squeeze %dma_wait3A_286 : memref<1x1x128xi32, #tpu.memory_space<vmem>> -> memref<128xi32, #tpu.memory_space<vmem>>
        %dma_wait3A_288 = arith.constant 0 : i32
        %dma_wait3A_289 = arith.constant 0 : i32
        %dma_wait3A_290 = tpu.memref_slice %arg7[%dma_wait3A_288, %dma_wait3A_289] : memref<10240x128xf32, #tpu.memory_space<vmem_shared>> -> memref<10240x128xf32, #tpu.memory_space<vmem_shared>>
        tpu.wait_indirect_dma semaphore(%run_scoped3A_270 : memref<!tpu.dma_semaphore, #tpu.memory_space<semaphore_mem>>) src(%dma_wait3A_284 : memref<128x128xf32, #tpu.memory_space<vmem>>) dst(%dma_wait3A_290 : memref<10240x128xf32, #tpu.memory_space<vmem_shared>>)
        tpu.yield
      }) : () -> ()
      %dma_wait3A_221 = arith.constant 1 : i32
      %dma_wait3A_222 = arith.constant 2 : i32
      %dma_wait3A_223 = arith.constant 0 : i32
      %dma_wait3A_224 = arith.constant 0 : i32
      %dma_wait3A_225 = arith.constant 0 : i32
      %dma_wait3A_226 = tpu.memref_slice %arg10[%dma_wait3A_223, %dma_wait3A_224, %dma_wait3A_225] : memref<2x128x128xf32, #tpu.memory_space<vmem>> -> memref<1x128x128xf32, #tpu.memory_space<vmem>>
      %dma_wait3A_227 = tpu.memref_squeeze %dma_wait3A_226 : memref<1x128x128xf32, #tpu.memory_space<vmem>> -> memref<128x128xf32, #tpu.memory_space<vmem>>
      %dma_wait3A_228 = arith.constant 0 : i32
      %dma_wait3A_229 = tpu.memref_slice %arg8[%dma_wait3A_221, %dma_wait3A_222, %dma_wait3A_228] : memref<2x4x128xi32, #tpu.memory_space<vmem>> -> memref<1x1x128xi32, #tpu.memory_space<vmem>>
      %dma_wait3A_230 = tpu.memref_squeeze %dma_wait3A_229 : memref<1x1x128xi32, #tpu.memory_space<vmem>> -> memref<128xi32, #tpu.memory_space<vmem>>
      %dma_wait3A_231 = arith.constant 0 : i32
      %dma_wait3A_232 = arith.constant 0 : i32
      %dma_wait3A_233 = tpu.memref_slice %arg2[%dma_wait3A_231, %dma_wait3A_232] : memref<10240x128xf32, #tpu.memory_space<hbm>> -> memref<10240x128xf32, #tpu.memory_space<hbm>>
      tpu.wait_indirect_dma semaphore(%arg12 : memref<!tpu.dma_semaphore, #tpu.memory_space<semaphore_mem>>) src(%dma_wait3A_233 : memref<10240x128xf32, #tpu.memory_space<hbm>>) dst(%dma_wait3A_227 : memref<128x128xf32, #tpu.memory_space<vmem>>)
      %dma_start3A_234 = arith.constant 1 : i32
      %dma_start3A_235 = arith.constant 3 : i32
      %dma_start3A_236 = arith.constant 1 : i32
      %dma_start3A_237 = arith.constant 0 : i32
      %dma_start3A_238 = arith.constant 0 : i32
      %dma_start3A_239 = tpu.memref_slice %arg10[%dma_start3A_236, %dma_start3A_237, %dma_start3A_238] : memref<2x128x128xf32, #tpu.memory_space<vmem>> -> memref<1x128x128xf32, #tpu.memory_space<vmem>>
      %dma_start3A_240 = tpu.memref_squeeze %dma_start3A_239 : memref<1x128x128xf32, #tpu.memory_space<vmem>> -> memref<128x128xf32, #tpu.memory_space<vmem>>
      %dma_start3A_241 = arith.constant 0 : i32
      %dma_start3A_242 = tpu.memref_slice %arg8[%dma_start3A_234, %dma_start3A_235, %dma_start3A_241] : memref<2x4x128xi32, #tpu.memory_space<vmem>> -> memref<1x1x128xi32, #tpu.memory_space<vmem>>
      %dma_start3A_243 = tpu.memref_squeeze %dma_start3A_242 : memref<1x1x128xi32, #tpu.memory_space<vmem>> -> memref<128xi32, #tpu.memory_space<vmem>>
      %dma_start3A_244 = arith.constant 0 : i32
      %dma_start3A_245 = arith.constant 0 : i32
      %dma_start3A_246 = tpu.memref_slice %arg2[%dma_start3A_244, %dma_start3A_245] : memref<10240x128xf32, #tpu.memory_space<hbm>> -> memref<10240x128xf32, #tpu.memory_space<hbm>>
      tpu.enqueue_indirect_dma source(%dma_start3A_246 : memref<10240x128xf32, #tpu.memory_space<hbm>>) target(%dma_start3A_240 : memref<128x128xf32, #tpu.memory_space<vmem>>) offsets(%dma_start3A_243 : memref<128xi32, #tpu.memory_space<vmem>>) semaphore(%arg13 : memref<!tpu.dma_semaphore, #tpu.memory_space<semaphore_mem>>)
      %run_scoped3A_247 = arith.constant 0 : i32
      %run_scoped3A_248 = arith.constant 1 : i32
      %run_scoped3A_249 = arith.constant 2 : i32
      "tpu.region"() ({
        %run_scoped3A_270 = tpu.sem_alloc : memref<!tpu.dma_semaphore, #tpu.memory_space<semaphore_mem>>
        %dma_start3A_271 = arith.constant 0 : i32
        %dma_start3A_272 = arith.constant 0 : i32
        %dma_start3A_273 = tpu.memref_slice %arg10[%run_scoped3A_247, %dma_start3A_271, %dma_start3A_272] : memref<2x128x128xf32, #tpu.memory_space<vmem>> -> memref<1x128x128xf32, #tpu.memory_space<vmem>>
        %dma_start3A_274 = tpu.memref_squeeze %dma_start3A_273 : memref<1x128x128xf32, #tpu.memory_space<vmem>> -> memref<128x128xf32, #tpu.memory_space<vmem>>
        %dma_start3A_275 = arith.constant 0 : i32
        %dma_start3A_276 = tpu.memref_slice %arg9[%run_scoped3A_248, %run_scoped3A_249, %dma_start3A_275] : memref<2x4x128xi32, #tpu.memory_space<vmem>> -> memref<1x1x128xi32, #tpu.memory_space<vmem>>
        %dma_start3A_277 = tpu.memref_squeeze %dma_start3A_276 : memref<1x1x128xi32, #tpu.memory_space<vmem>> -> memref<128xi32, #tpu.memory_space<vmem>>
        %dma_start3A_278 = arith.constant 0 : i32
        %dma_start3A_279 = arith.constant 0 : i32
        %dma_start3A_280 = tpu.memref_slice %arg7[%dma_start3A_278, %dma_start3A_279] : memref<10240x128xf32, #tpu.memory_space<vmem_shared>> -> memref<10240x128xf32, #tpu.memory_space<vmem_shared>>
        tpu.enqueue_indirect_dma source(%dma_start3A_274 : memref<128x128xf32, #tpu.memory_space<vmem>>) target(%dma_start3A_280 : memref<10240x128xf32, #tpu.memory_space<vmem_shared>>) offsets(%dma_start3A_277 : memref<128xi32, #tpu.memory_space<vmem>>) semaphore(%run_scoped3A_270 : memref<!tpu.dma_semaphore, #tpu.memory_space<semaphore_mem>>) {add = true}
        %dma_wait3A_281 = arith.constant 0 : i32
        %dma_wait3A_282 = arith.constant 0 : i32
        %dma_wait3A_283 = tpu.memref_slice %arg10[%run_scoped3A_247, %dma_wait3A_281, %dma_wait3A_282] : memref<2x128x128xf32, #tpu.memory_space<vmem>> -> memref<1x128x128xf32, #tpu.memory_space<vmem>>
        %dma_wait3A_284 = tpu.memref_squeeze %dma_wait3A_283 : memref<1x128x128xf32, #tpu.memory_space<vmem>> -> memref<128x128xf32, #tpu.memory_space<vmem>>
        %dma_wait3A_285 = arith.constant 0 : i32
        %dma_wait3A_286 = tpu.memref_slice %arg9[%run_scoped3A_248, %run_scoped3A_249, %dma_wait3A_285] : memref<2x4x128xi32, #tpu.memory_space<vmem>> -> memref<1x1x128xi32, #tpu.memory_space<vmem>>
        %dma_wait3A_287 = tpu.memref_squeeze %dma_wait3A_286 : memref<1x1x128xi32, #tpu.memory_space<vmem>> -> memref<128xi32, #tpu.memory_space<vmem>>
        %dma_wait3A_288 = arith.constant 0 : i32
        %dma_wait3A_289 = arith.constant 0 : i32
        %dma_wait3A_290 = tpu.memref_slice %arg7[%dma_wait3A_288, %dma_wait3A_289] : memref<10240x128xf32, #tpu.memory_space<vmem_shared>> -> memref<10240x128xf32, #tpu.memory_space<vmem_shared>>
        tpu.wait_indirect_dma semaphore(%run_scoped3A_270 : memref<!tpu.dma_semaphore, #tpu.memory_space<semaphore_mem>>) src(%dma_wait3A_284 : memref<128x128xf32, #tpu.memory_space<vmem>>) dst(%dma_wait3A_290 : memref<10240x128xf32, #tpu.memory_space<vmem_shared>>)
        tpu.yield
      }) : () -> ()
      %dma_wait3A_250 = arith.constant 1 : i32
      %dma_wait3A_251 = arith.constant 3 : i32
      %dma_wait3A_252 = arith.constant 1 : i32
      %dma_wait3A_253 = arith.constant 0 : i32
      %dma_wait3A_254 = arith.constant 0 : i32
      %dma_wait3A_255 = tpu.memref_slice %arg10[%dma_wait3A_252, %dma_wait3A_253, %dma_wait3A_254] : memref<2x128x128xf32, #tpu.memory_space<vmem>> -> memref<1x128x128xf32, #tpu.memory_space<vmem>>
      %dma_wait3A_256 = tpu.memref_squeeze %dma_wait3A_255 : memref<1x128x128xf32, #tpu.memory_space<vmem>> -> memref<128x128xf32, #tpu.memory_space<vmem>>
      %dma_wait3A_257 = arith.constant 0 : i32
      %dma_wait3A_258 = tpu.memref_slice %arg8[%dma_wait3A_250, %dma_wait3A_251, %dma_wait3A_257] : memref<2x4x128xi32, #tpu.memory_space<vmem>> -> memref<1x1x128xi32, #tpu.memory_space<vmem>>
      %dma_wait3A_259 = tpu.memref_squeeze %dma_wait3A_258 : memref<1x1x128xi32, #tpu.memory_space<vmem>> -> memref<128xi32, #tpu.memory_space<vmem>>
      %dma_wait3A_260 = arith.constant 0 : i32
      %dma_wait3A_261 = arith.constant 0 : i32
      %dma_wait3A_262 = tpu.memref_slice %arg2[%dma_wait3A_260, %dma_wait3A_261] : memref<10240x128xf32, #tpu.memory_space<hbm>> -> memref<10240x128xf32, #tpu.memory_space<hbm>>
      tpu.wait_indirect_dma semaphore(%arg13 : memref<!tpu.dma_semaphore, #tpu.memory_space<semaphore_mem>>) src(%dma_wait3A_262 : memref<10240x128xf32, #tpu.memory_space<hbm>>) dst(%dma_wait3A_256 : memref<128x128xf32, #tpu.memory_space<vmem>>)
      %lt3A_263 = arith.cmpi slt, %add3A_158, %select_n3A : i32
      %convert_element_type3A_264 = arith.extui %lt3A_263 : i1 to i32
      %cond3A_265 = arith.constant 0 : i32
      %cond3A_266 = arith.cmpi ne, %convert_element_type3A_264, %cond3A_265 : i32
      scf.if %cond3A_266 {
        %add3A_270 = arith.addi %select_n3A_10, %add3A_158 : i32
        %dma_wait3A_271 = arith.constant 0 : i32
        %dma_wait3A_272 = arith.constant 0 : i32
        %dma_wait3A_273 = arith.constant 0 : i32
        %dma_wait3A_274 = tpu.memref_slice %arg8[%dma_wait3A_271, %dma_wait3A_272, %dma_wait3A_273] : memref<2x4x128xi32, #tpu.memory_space<vmem>> -> memref<1x4x128xi32, #tpu.memory_space<vmem>>
        %dma_wait3A_275 = tpu.memref_squeeze %dma_wait3A_274 : memref<1x4x128xi32, #tpu.memory_space<vmem>> -> memref<4x128xi32, #tpu.memory_space<vmem>>
        %dma_wait3A_276 = arith.constant 0 : i32
        %dma_wait3A_277 = tpu.memref_slice %arg3[%add3A_270, %dma_wait3A_276] : memref<2560x128xi32, #tpu.memory_space<hbm>> -> memref<4x128xi32, #tpu.memory_space<hbm>>
        %dma_wait3A_278 = arith.constant 0 : i32
        %dma_wait3A_279 = arith.constant 0 : i32
        %dma_wait3A_280 = tpu.memref_slice %arg8[%dma_wait3A_271, %dma_wait3A_278, %dma_wait3A_279] : memref<2x4x128xi32, #tpu.memory_space<vmem>> -> memref<1x4x128xi32, #tpu.memory_space<vmem>>
        %dma_wait3A_281 = tpu.memref_squeeze %dma_wait3A_280 : memref<1x4x128xi32, #tpu.memory_space<vmem>> -> memref<4x128xi32, #tpu.memory_space<vmem>>
        %dma_wait3A_282 = arith.constant 0 : i32
        %dma_wait3A_283 = tpu.memref_slice %arg3[%add3A_270, %dma_wait3A_282] : memref<2560x128xi32, #tpu.memory_space<hbm>> -> memref<4x128xi32, #tpu.memory_space<hbm>>
        tpu.wait_dma2 semaphore(%arg11 : memref<!tpu.dma_semaphore, #tpu.memory_space<semaphore_mem>>) src(%dma_wait3A_283 : memref<4x128xi32, #tpu.memory_space<hbm>>) dst(%dma_wait3A_281 : memref<4x128xi32, #tpu.memory_space<vmem>>)
        %add3A_284 = arith.addi %select_n3A_10, %add3A_158 : i32
        %dma_wait3A_285 = arith.constant 0 : i32
        %dma_wait3A_286 = arith.constant 0 : i32
        %dma_wait3A_287 = arith.constant 0 : i32
        %dma_wait3A_288 = tpu.memref_slice %arg9[%dma_wait3A_285, %dma_wait3A_286, %dma_wait3A_287] : memref<2x4x128xi32, #tpu.memory_space<vmem>> -> memref<1x4x128xi32, #tpu.memory_space<vmem>>
        %dma_wait3A_289 = tpu.memref_squeeze %dma_wait3A_288 : memref<1x4x128xi32, #tpu.memory_space<vmem>> -> memref<4x128xi32, #tpu.memory_space<vmem>>
        %dma_wait3A_290 = arith.constant 0 : i32
        %dma_wait3A_291 = tpu.memref_slice %arg4[%add3A_284, %dma_wait3A_290] : memref<2560x128xi32, #tpu.memory_space<hbm>> -> memref<4x128xi32, #tpu.memory_space<hbm>>
        %dma_wait3A_292 = arith.constant 0 : i32
        %dma_wait3A_293 = arith.constant 0 : i32
        %dma_wait3A_294 = tpu.memref_slice %arg9[%dma_wait3A_285, %dma_wait3A_292, %dma_wait3A_293] : memref<2x4x128xi32, #tpu.memory_space<vmem>> -> memref<1x4x128xi32, #tpu.memory_space<vmem>>
        %dma_wait3A_295 = tpu.memref_squeeze %dma_wait3A_294 : memref<1x4x128xi32, #tpu.memory_space<vmem>> -> memref<4x128xi32, #tpu.memory_space<vmem>>
        %dma_wait3A_296 = arith.constant 0 : i32
        %dma_wait3A_297 = tpu.memref_slice %arg4[%add3A_284, %dma_wait3A_296] : memref<2560x128xi32, #tpu.memory_space<hbm>> -> memref<4x128xi32, #tpu.memory_space<hbm>>
        tpu.wait_dma2 semaphore(%arg11 : memref<!tpu.dma_semaphore, #tpu.memory_space<semaphore_mem>>) src(%dma_wait3A_297 : memref<4x128xi32, #tpu.memory_space<hbm>>) dst(%dma_wait3A_295 : memref<4x128xi32, #tpu.memory_space<vmem>>)
        %dma_start3A_298 = arith.constant 0 : i32
        %dma_start3A_299 = arith.constant 0 : i32
        %dma_start3A_300 = arith.constant 0 : i32
        %dma_start3A_301 = arith.constant 0 : i32
        %dma_start3A_302 = arith.constant 0 : i32
        %dma_start3A_303 = tpu.memref_slice %arg10[%dma_start3A_300, %dma_start3A_301, %dma_start3A_302] : memref<2x128x128xf32, #tpu.memory_space<vmem>> -> memref<1x128x128xf32, #tpu.memory_space<vmem>>
        %dma_start3A_304 = tpu.memref_squeeze %dma_start3A_303 : memref<1x128x128xf32, #tpu.memory_space<vmem>> -> memref<128x128xf32, #tpu.memory_space<vmem>>
        %dma_start3A_305 = arith.constant 0 : i32
        %dma_start3A_306 = tpu.memref_slice %arg8[%dma_start3A_298, %dma_start3A_299, %dma_start3A_305] : memref<2x4x128xi32, #tpu.memory_space<vmem>> -> memref<1x1x128xi32, #tpu.memory_space<vmem>>
        %dma_start3A_307 = tpu.memref_squeeze %dma_start3A_306 : memref<1x1x128xi32, #tpu.memory_space<vmem>> -> memref<128xi32, #tpu.memory_space<vmem>>
        %dma_start3A_308 = arith.constant 0 : i32
        %dma_start3A_309 = arith.constant 0 : i32
        %dma_start3A_310 = tpu.memref_slice %arg2[%dma_start3A_308, %dma_start3A_309] : memref<10240x128xf32, #tpu.memory_space<hbm>> -> memref<10240x128xf32, #tpu.memory_space<hbm>>
        tpu.enqueue_indirect_dma source(%dma_start3A_310 : memref<10240x128xf32, #tpu.memory_space<hbm>>) target(%dma_start3A_304 : memref<128x128xf32, #tpu.memory_space<vmem>>) offsets(%dma_start3A_307 : memref<128xi32, #tpu.memory_space<vmem>>) semaphore(%arg12 : memref<!tpu.dma_semaphore, #tpu.memory_space<semaphore_mem>>)
      } else {
      }
      %run_scoped3A_267 = arith.constant 1 : i32
      %run_scoped3A_268 = arith.constant 1 : i32
      %run_scoped3A_269 = arith.constant 3 : i32
      "tpu.region"() ({
        %run_scoped3A_270 = tpu.sem_alloc : memref<!tpu.dma_semaphore, #tpu.memory_space<semaphore_mem>>
        %dma_start3A_271 = arith.constant 0 : i32
        %dma_start3A_272 = arith.constant 0 : i32
        %dma_start3A_273 = tpu.memref_slice %arg10[%run_scoped3A_267, %dma_start3A_271, %dma_start3A_272] : memref<2x128x128xf32, #tpu.memory_space<vmem>> -> memref<1x128x128xf32, #tpu.memory_space<vmem>>
        %dma_start3A_274 = tpu.memref_squeeze %dma_start3A_273 : memref<1x128x128xf32, #tpu.memory_space<vmem>> -> memref<128x128xf32, #tpu.memory_space<vmem>>
        %dma_start3A_275 = arith.constant 0 : i32
        %dma_start3A_276 = tpu.memref_slice %arg9[%run_scoped3A_268, %run_scoped3A_269, %dma_start3A_275] : memref<2x4x128xi32, #tpu.memory_space<vmem>> -> memref<1x1x128xi32, #tpu.memory_space<vmem>>
        %dma_start3A_277 = tpu.memref_squeeze %dma_start3A_276 : memref<1x1x128xi32, #tpu.memory_space<vmem>> -> memref<128xi32, #tpu.memory_space<vmem>>
        %dma_start3A_278 = arith.constant 0 : i32
        %dma_start3A_279 = arith.constant 0 : i32
        %dma_start3A_280 = tpu.memref_slice %arg7[%dma_start3A_278, %dma_start3A_279] : memref<10240x128xf32, #tpu.memory_space<vmem_shared>> -> memref<10240x128xf32, #tpu.memory_space<vmem_shared>>
        tpu.enqueue_indirect_dma source(%dma_start3A_274 : memref<128x128xf32, #tpu.memory_space<vmem>>) target(%dma_start3A_280 : memref<10240x128xf32, #tpu.memory_space<vmem_shared>>) offsets(%dma_start3A_277 : memref<128xi32, #tpu.memory_space<vmem>>) semaphore(%run_scoped3A_270 : memref<!tpu.dma_semaphore, #tpu.memory_space<semaphore_mem>>) {add = true}
        %dma_wait3A_281 = arith.constant 0 : i32
        %dma_wait3A_282 = arith.constant 0 : i32
        %dma_wait3A_283 = tpu.memref_slice %arg10[%run_scoped3A_267, %dma_wait3A_281, %dma_wait3A_282] : memref<2x128x128xf32, #tpu.memory_space<vmem>> -> memref<1x128x128xf32, #tpu.memory_space<vmem>>
        %dma_wait3A_284 = tpu.memref_squeeze %dma_wait3A_283 : memref<1x128x128xf32, #tpu.memory_space<vmem>> -> memref<128x128xf32, #tpu.memory_space<vmem>>
        %dma_wait3A_285 = arith.constant 0 : i32
        %dma_wait3A_286 = tpu.memref_slice %arg9[%run_scoped3A_268, %run_scoped3A_269, %dma_wait3A_285] : memref<2x4x128xi32, #tpu.memory_space<vmem>> -> memref<1x1x128xi32, #tpu.memory_space<vmem>>
        %dma_wait3A_287 = tpu.memref_squeeze %dma_wait3A_286 : memref<1x1x128xi32, #tpu.memory_space<vmem>> -> memref<128xi32, #tpu.memory_space<vmem>>
        %dma_wait3A_288 = arith.constant 0 : i32
        %dma_wait3A_289 = arith.constant 0 : i32
        %dma_wait3A_290 = tpu.memref_slice %arg7[%dma_wait3A_288, %dma_wait3A_289] : memref<10240x128xf32, #tpu.memory_space<vmem_shared>> -> memref<10240x128xf32, #tpu.memory_space<vmem_shared>>
        tpu.wait_indirect_dma semaphore(%run_scoped3A_270 : memref<!tpu.dma_semaphore, #tpu.memory_space<semaphore_mem>>) src(%dma_wait3A_284 : memref<128x128xf32, #tpu.memory_space<vmem>>) dst(%dma_wait3A_290 : memref<10240x128xf32, #tpu.memory_space<vmem_shared>>)
        tpu.yield
      }) : () -> ()
    }
    %while3A_39 = arith.constant 1 : i32
    scf.for %while3A_41 = %while3A_37 to %while3A_33 step %while3A_39  : i32 {
      %mul3A_42 = arith.muli %while3A_41, %while3A : i32
      %add3A_43 = arith.addi %while3A_30, %mul3A_42 : i32
      %add3A_44 = arith.constant 0 : i32
      %add3A_45 = arith.addi %add3A_43, %add3A_44 : i32
      %add3A_46 = arith.constant 4 : i32
      %add3A_47 = arith.addi %add3A_45, %add3A_46 : i32
      %lt3A = arith.cmpi slt, %add3A_47, %select_n3A : i32
      %convert_element_type3A = arith.extui %lt3A : i1 to i32
      %cond3A = arith.constant 0 : i32
      %cond3A_48 = arith.cmpi ne, %convert_element_type3A, %cond3A : i32
      scf.if %cond3A_48 {
        %add3A_270 = arith.addi %select_n3A_10, %add3A_47 : i32
        %dma_start3A_271 = arith.constant 1 : i32
        %dma_start3A_272 = arith.constant 0 : i32
        %dma_start3A_273 = arith.constant 0 : i32
        %dma_start3A_274 = tpu.memref_slice %arg8[%dma_start3A_271, %dma_start3A_272, %dma_start3A_273] : memref<2x4x128xi32, #tpu.memory_space<vmem>> -> memref<1x4x128xi32, #tpu.memory_space<vmem>>
        %dma_start3A_275 = tpu.memref_squeeze %dma_start3A_274 : memref<1x4x128xi32, #tpu.memory_space<vmem>> -> memref<4x128xi32, #tpu.memory_space<vmem>>
        %dma_start3A_276 = arith.constant 0 : i32
        %dma_start3A_277 = tpu.memref_slice %arg3[%add3A_270, %dma_start3A_276] : memref<2560x128xi32, #tpu.memory_space<hbm>> -> memref<4x128xi32, #tpu.memory_space<hbm>>
        %dma_start3A_278 = arith.constant 0 : i32
        %dma_start3A_279 = arith.constant 0 : i32
        %dma_start3A_280 = tpu.memref_slice %arg8[%dma_start3A_271, %dma_start3A_278, %dma_start3A_279] : memref<2x4x128xi32, #tpu.memory_space<vmem>> -> memref<1x4x128xi32, #tpu.memory_space<vmem>>
        %dma_start3A_281 = tpu.memref_squeeze %dma_start3A_280 : memref<1x4x128xi32, #tpu.memory_space<vmem>> -> memref<4x128xi32, #tpu.memory_space<vmem>>
        %dma_start3A_282 = arith.constant 0 : i32
        %dma_start3A_283 = tpu.memref_slice %arg3[%add3A_270, %dma_start3A_282] : memref<2560x128xi32, #tpu.memory_space<hbm>> -> memref<4x128xi32, #tpu.memory_space<hbm>>
        tpu.enqueue_dma source(%dma_start3A_283 : memref<4x128xi32, #tpu.memory_space<hbm>>) target(%dma_start3A_281 : memref<4x128xi32, #tpu.memory_space<vmem>>) target_semaphore(%arg11 : memref<!tpu.dma_semaphore, #tpu.memory_space<semaphore_mem>>)
        %add3A_284 = arith.addi %select_n3A_10, %add3A_47 : i32
        %dma_start3A_285 = arith.constant 1 : i32
        %dma_start3A_286 = arith.constant 0 : i32
        %dma_start3A_287 = arith.constant 0 : i32
        %dma_start3A_288 = tpu.memref_slice %arg9[%dma_start3A_285, %dma_start3A_286, %dma_start3A_287] : memref<2x4x128xi32, #tpu.memory_space<vmem>> -> memref<1x4x128xi32, #tpu.memory_space<vmem>>
        %dma_start3A_289 = tpu.memref_squeeze %dma_start3A_288 : memref<1x4x128xi32, #tpu.memory_space<vmem>> -> memref<4x128xi32, #tpu.memory_space<vmem>>
        %dma_start3A_290 = arith.constant 0 : i32
        %dma_start3A_291 = tpu.memref_slice %arg4[%add3A_284, %dma_start3A_290] : memref<2560x128xi32, #tpu.memory_space<hbm>> -> memref<4x128xi32, #tpu.memory_space<hbm>>
        %dma_start3A_292 = arith.constant 0 : i32
        %dma_start3A_293 = arith.constant 0 : i32
        %dma_start3A_294 = tpu.memref_slice %arg9[%dma_start3A_285, %dma_start3A_292, %dma_start3A_293] : memref<2x4x128xi32, #tpu.memory_space<vmem>> -> memref<1x4x128xi32, #tpu.memory_space<vmem>>
        %dma_start3A_295 = tpu.memref_squeeze %dma_start3A_294 : memref<1x4x128xi32, #tpu.memory_space<vmem>> -> memref<4x128xi32, #tpu.memory_space<vmem>>
        %dma_start3A_296 = arith.constant 0 : i32
        %dma_start3A_297 = tpu.memref_slice %arg4[%add3A_284, %dma_start3A_296] : memref<2560x128xi32, #tpu.memory_space<hbm>> -> memref<4x128xi32, #tpu.memory_space<hbm>>
        tpu.enqueue_dma source(%dma_start3A_297 : memref<4x128xi32, #tpu.memory_space<hbm>>) target(%dma_start3A_295 : memref<4x128xi32, #tpu.memory_space<vmem>>) target_semaphore(%arg11 : memref<!tpu.dma_semaphore, #tpu.memory_space<semaphore_mem>>)
      } else {
      }
      %dma_wait3A = arith.constant 0 : i32
      %dma_wait3A_49 = arith.constant 0 : i32
      %dma_wait3A_50 = arith.constant 0 : i32
      %dma_wait3A_51 = arith.constant 0 : i32
      %dma_wait3A_52 = arith.constant 0 : i32
      %dma_wait3A_53 = tpu.memref_slice %arg10[%dma_wait3A_50, %dma_wait3A_51, %dma_wait3A_52] : memref<2x128x128xf32, #tpu.memory_space<vmem>> -> memref<1x128x128xf32, #tpu.memory_space<vmem>>
      %dma_wait3A_54 = tpu.memref_squeeze %dma_wait3A_53 : memref<1x128x128xf32, #tpu.memory_space<vmem>> -> memref<128x128xf32, #tpu.memory_space<vmem>>
      %dma_wait3A_55 = arith.constant 0 : i32
      %dma_wait3A_56 = tpu.memref_slice %arg8[%dma_wait3A, %dma_wait3A_49, %dma_wait3A_55] : memref<2x4x128xi32, #tpu.memory_space<vmem>> -> memref<1x1x128xi32, #tpu.memory_space<vmem>>
      %dma_wait3A_57 = tpu.memref_squeeze %dma_wait3A_56 : memref<1x1x128xi32, #tpu.memory_space<vmem>> -> memref<128xi32, #tpu.memory_space<vmem>>
      %dma_wait3A_58 = arith.constant 0 : i32
      %dma_wait3A_59 = arith.constant 0 : i32
      %dma_wait3A_60 = tpu.memref_slice %arg2[%dma_wait3A_58, %dma_wait3A_59] : memref<10240x128xf32, #tpu.memory_space<hbm>> -> memref<10240x128xf32, #tpu.memory_space<hbm>>
      tpu.wait_indirect_dma semaphore(%arg12 : memref<!tpu.dma_semaphore, #tpu.memory_space<semaphore_mem>>) src(%dma_wait3A_60 : memref<10240x128xf32, #tpu.memory_space<hbm>>) dst(%dma_wait3A_54 : memref<128x128xf32, #tpu.memory_space<vmem>>)
      %dma_start3A_61 = arith.constant 0 : i32
      %dma_start3A_62 = arith.constant 1 : i32
      %dma_start3A_63 = arith.constant 1 : i32
      %dma_start3A_64 = arith.constant 0 : i32
      %dma_start3A_65 = arith.constant 0 : i32
      %dma_start3A_66 = tpu.memref_slice %arg10[%dma_start3A_63, %dma_start3A_64, %dma_start3A_65] : memref<2x128x128xf32, #tpu.memory_space<vmem>> -> memref<1x128x128xf32, #tpu.memory_space<vmem>>
      %dma_start3A_67 = tpu.memref_squeeze %dma_start3A_66 : memref<1x128x128xf32, #tpu.memory_space<vmem>> -> memref<128x128xf32, #tpu.memory_space<vmem>>
      %dma_start3A_68 = arith.constant 0 : i32
      %dma_start3A_69 = tpu.memref_slice %arg8[%dma_start3A_61, %dma_start3A_62, %dma_start3A_68] : memref<2x4x128xi32, #tpu.memory_space<vmem>> -> memref<1x1x128xi32, #tpu.memory_space<vmem>>
      %dma_start3A_70 = tpu.memref_squeeze %dma_start3A_69 : memref<1x1x128xi32, #tpu.memory_space<vmem>> -> memref<128xi32, #tpu.memory_space<vmem>>
      %dma_start3A_71 = arith.constant 0 : i32
      %dma_start3A_72 = arith.constant 0 : i32
      %dma_start3A_73 = tpu.memref_slice %arg2[%dma_start3A_71, %dma_start3A_72] : memref<10240x128xf32, #tpu.memory_space<hbm>> -> memref<10240x128xf32, #tpu.memory_space<hbm>>
      tpu.enqueue_indirect_dma source(%dma_start3A_73 : memref<10240x128xf32, #tpu.memory_space<hbm>>) target(%dma_start3A_67 : memref<128x128xf32, #tpu.memory_space<vmem>>) offsets(%dma_start3A_70 : memref<128xi32, #tpu.memory_space<vmem>>) semaphore(%arg13 : memref<!tpu.dma_semaphore, #tpu.memory_space<semaphore_mem>>)
      %run_scoped3A_74 = arith.constant 0 : i32
      %run_scoped3A_75 = arith.constant 0 : i32
      %run_scoped3A_76 = arith.constant 0 : i32
      "tpu.region"() ({
        %run_scoped3A_270 = tpu.sem_alloc : memref<!tpu.dma_semaphore, #tpu.memory_space<semaphore_mem>>
        %dma_start3A_271 = arith.constant 0 : i32
        %dma_start3A_272 = arith.constant 0 : i32
        %dma_start3A_273 = tpu.memref_slice %arg10[%run_scoped3A_74, %dma_start3A_271, %dma_start3A_272] : memref<2x128x128xf32, #tpu.memory_space<vmem>> -> memref<1x128x128xf32, #tpu.memory_space<vmem>>
        %dma_start3A_274 = tpu.memref_squeeze %dma_start3A_273 : memref<1x128x128xf32, #tpu.memory_space<vmem>> -> memref<128x128xf32, #tpu.memory_space<vmem>>
        %dma_start3A_275 = arith.constant 0 : i32
        %dma_start3A_276 = tpu.memref_slice %arg9[%run_scoped3A_75, %run_scoped3A_76, %dma_start3A_275] : memref<2x4x128xi32, #tpu.memory_space<vmem>> -> memref<1x1x128xi32, #tpu.memory_space<vmem>>
        %dma_start3A_277 = tpu.memref_squeeze %dma_start3A_276 : memref<1x1x128xi32, #tpu.memory_space<vmem>> -> memref<128xi32, #tpu.memory_space<vmem>>
        %dma_start3A_278 = arith.constant 0 : i32
        %dma_start3A_279 = arith.constant 0 : i32
        %dma_start3A_280 = tpu.memref_slice %arg7[%dma_start3A_278, %dma_start3A_279] : memref<10240x128xf32, #tpu.memory_space<vmem_shared>> -> memref<10240x128xf32, #tpu.memory_space<vmem_shared>>
        tpu.enqueue_indirect_dma source(%dma_start3A_274 : memref<128x128xf32, #tpu.memory_space<vmem>>) target(%dma_start3A_280 : memref<10240x128xf32, #tpu.memory_space<vmem_shared>>) offsets(%dma_start3A_277 : memref<128xi32, #tpu.memory_space<vmem>>) semaphore(%run_scoped3A_270 : memref<!tpu.dma_semaphore, #tpu.memory_space<semaphore_mem>>) {add = true}
        %dma_wait3A_281 = arith.constant 0 : i32
        %dma_wait3A_282 = arith.constant 0 : i32
        %dma_wait3A_283 = tpu.memref_slice %arg10[%run_scoped3A_74, %dma_wait3A_281, %dma_wait3A_282] : memref<2x128x128xf32, #tpu.memory_space<vmem>> -> memref<1x128x128xf32, #tpu.memory_space<vmem>>
        %dma_wait3A_284 = tpu.memref_squeeze %dma_wait3A_283 : memref<1x128x128xf32, #tpu.memory_space<vmem>> -> memref<128x128xf32, #tpu.memory_space<vmem>>
        %dma_wait3A_285 = arith.constant 0 : i32
        %dma_wait3A_286 = tpu.memref_slice %arg9[%run_scoped3A_75, %run_scoped3A_76, %dma_wait3A_285] : memref<2x4x128xi32, #tpu.memory_space<vmem>> -> memref<1x1x128xi32, #tpu.memory_space<vmem>>
        %dma_wait3A_287 = tpu.memref_squeeze %dma_wait3A_286 : memref<1x1x128xi32, #tpu.memory_space<vmem>> -> memref<128xi32, #tpu.memory_space<vmem>>
        %dma_wait3A_288 = arith.constant 0 : i32
        %dma_wait3A_289 = arith.constant 0 : i32
        %dma_wait3A_290 = tpu.memref_slice %arg7[%dma_wait3A_288, %dma_wait3A_289] : memref<10240x128xf32, #tpu.memory_space<vmem_shared>> -> memref<10240x128xf32, #tpu.memory_space<vmem_shared>>
        tpu.wait_indirect_dma semaphore(%run_scoped3A_270 : memref<!tpu.dma_semaphore, #tpu.memory_space<semaphore_mem>>) src(%dma_wait3A_284 : memref<128x128xf32, #tpu.memory_space<vmem>>) dst(%dma_wait3A_290 : memref<10240x128xf32, #tpu.memory_space<vmem_shared>>)
        tpu.yield
      }) : () -> ()
      %dma_wait3A_77 = arith.constant 0 : i32
      %dma_wait3A_78 = arith.constant 1 : i32
      %dma_wait3A_79 = arith.constant 1 : i32
      %dma_wait3A_80 = arith.constant 0 : i32
      %dma_wait3A_81 = arith.constant 0 : i32
      %dma_wait3A_82 = tpu.memref_slice %arg10[%dma_wait3A_79, %dma_wait3A_80, %dma_wait3A_81] : memref<2x128x128xf32, #tpu.memory_space<vmem>> -> memref<1x128x128xf32, #tpu.memory_space<vmem>>
      %dma_wait3A_83 = tpu.memref_squeeze %dma_wait3A_82 : memref<1x128x128xf32, #tpu.memory_space<vmem>> -> memref<128x128xf32, #tpu.memory_space<vmem>>
      %dma_wait3A_84 = arith.constant 0 : i32
      %dma_wait3A_85 = tpu.memref_slice %arg8[%dma_wait3A_77, %dma_wait3A_78, %dma_wait3A_84] : memref<2x4x128xi32, #tpu.memory_space<vmem>> -> memref<1x1x128xi32, #tpu.memory_space<vmem>>
      %dma_wait3A_86 = tpu.memref_squeeze %dma_wait3A_85 : memref<1x1x128xi32, #tpu.memory_space<vmem>> -> memref<128xi32, #tpu.memory_space<vmem>>
      %dma_wait3A_87 = arith.constant 0 : i32
      %dma_wait3A_88 = arith.constant 0 : i32
      %dma_wait3A_89 = tpu.memref_slice %arg2[%dma_wait3A_87, %dma_wait3A_88] : memref<10240x128xf32, #tpu.memory_space<hbm>> -> memref<10240x128xf32, #tpu.memory_space<hbm>>
      tpu.wait_indirect_dma semaphore(%arg13 : memref<!tpu.dma_semaphore, #tpu.memory_space<semaphore_mem>>) src(%dma_wait3A_89 : memref<10240x128xf32, #tpu.memory_space<hbm>>) dst(%dma_wait3A_83 : memref<128x128xf32, #tpu.memory_space<vmem>>)
      %dma_start3A_90 = arith.constant 0 : i32
      %dma_start3A_91 = arith.constant 2 : i32
      %dma_start3A_92 = arith.constant 0 : i32
      %dma_start3A_93 = arith.constant 0 : i32
      %dma_start3A_94 = arith.constant 0 : i32
      %dma_start3A_95 = tpu.memref_slice %arg10[%dma_start3A_92, %dma_start3A_93, %dma_start3A_94] : memref<2x128x128xf32, #tpu.memory_space<vmem>> -> memref<1x128x128xf32, #tpu.memory_space<vmem>>
      %dma_start3A_96 = tpu.memref_squeeze %dma_start3A_95 : memref<1x128x128xf32, #tpu.memory_space<vmem>> -> memref<128x128xf32, #tpu.memory_space<vmem>>
      %dma_start3A_97 = arith.constant 0 : i32
      %dma_start3A_98 = tpu.memref_slice %arg8[%dma_start3A_90, %dma_start3A_91, %dma_start3A_97] : memref<2x4x128xi32, #tpu.memory_space<vmem>> -> memref<1x1x128xi32, #tpu.memory_space<vmem>>
      %dma_start3A_99 = tpu.memref_squeeze %dma_start3A_98 : memref<1x1x128xi32, #tpu.memory_space<vmem>> -> memref<128xi32, #tpu.memory_space<vmem>>
      %dma_start3A_100 = arith.constant 0 : i32
      %dma_start3A_101 = arith.constant 0 : i32
      %dma_start3A_102 = tpu.memref_slice %arg2[%dma_start3A_100, %dma_start3A_101] : memref<10240x128xf32, #tpu.memory_space<hbm>> -> memref<10240x128xf32, #tpu.memory_space<hbm>>
      tpu.enqueue_indirect_dma source(%dma_start3A_102 : memref<10240x128xf32, #tpu.memory_space<hbm>>) target(%dma_start3A_96 : memref<128x128xf32, #tpu.memory_space<vmem>>) offsets(%dma_start3A_99 : memref<128xi32, #tpu.memory_space<vmem>>) semaphore(%arg12 : memref<!tpu.dma_semaphore, #tpu.memory_space<semaphore_mem>>)
      %run_scoped3A_103 = arith.constant 1 : i32
      %run_scoped3A_104 = arith.constant 0 : i32
      %run_scoped3A_105 = arith.constant 1 : i32
      "tpu.region"() ({
        %run_scoped3A_270 = tpu.sem_alloc : memref<!tpu.dma_semaphore, #tpu.memory_space<semaphore_mem>>
        %dma_start3A_271 = arith.constant 0 : i32
        %dma_start3A_272 = arith.constant 0 : i32
        %dma_start3A_273 = tpu.memref_slice %arg10[%run_scoped3A_103, %dma_start3A_271, %dma_start3A_272] : memref<2x128x128xf32, #tpu.memory_space<vmem>> -> memref<1x128x128xf32, #tpu.memory_space<vmem>>
        %dma_start3A_274 = tpu.memref_squeeze %dma_start3A_273 : memref<1x128x128xf32, #tpu.memory_space<vmem>> -> memref<128x128xf32, #tpu.memory_space<vmem>>
        %dma_start3A_275 = arith.constant 0 : i32
        %dma_start3A_276 = tpu.memref_slice %arg9[%run_scoped3A_104, %run_scoped3A_105, %dma_start3A_275] : memref<2x4x128xi32, #tpu.memory_space<vmem>> -> memref<1x1x128xi32, #tpu.memory_space<vmem>>
        %dma_start3A_277 = tpu.memref_squeeze %dma_start3A_276 : memref<1x1x128xi32, #tpu.memory_space<vmem>> -> memref<128xi32, #tpu.memory_space<vmem>>
        %dma_start3A_278 = arith.constant 0 : i32
        %dma_start3A_279 = arith.constant 0 : i32
        %dma_start3A_280 = tpu.memref_slice %arg7[%dma_start3A_278, %dma_start3A_279] : memref<10240x128xf32, #tpu.memory_space<vmem_shared>> -> memref<10240x128xf32, #tpu.memory_space<vmem_shared>>
        tpu.enqueue_indirect_dma source(%dma_start3A_274 : memref<128x128xf32, #tpu.memory_space<vmem>>) target(%dma_start3A_280 : memref<10240x128xf32, #tpu.memory_space<vmem_shared>>) offsets(%dma_start3A_277 : memref<128xi32, #tpu.memory_space<vmem>>) semaphore(%run_scoped3A_270 : memref<!tpu.dma_semaphore, #tpu.memory_space<semaphore_mem>>) {add = true}
        %dma_wait3A_281 = arith.constant 0 : i32
        %dma_wait3A_282 = arith.constant 0 : i32
        %dma_wait3A_283 = tpu.memref_slice %arg10[%run_scoped3A_103, %dma_wait3A_281, %dma_wait3A_282] : memref<2x128x128xf32, #tpu.memory_space<vmem>> -> memref<1x128x128xf32, #tpu.memory_space<vmem>>
        %dma_wait3A_284 = tpu.memref_squeeze %dma_wait3A_283 : memref<1x128x128xf32, #tpu.memory_space<vmem>> -> memref<128x128xf32, #tpu.memory_space<vmem>>
        %dma_wait3A_285 = arith.constant 0 : i32
        %dma_wait3A_286 = tpu.memref_slice %arg9[%run_scoped3A_104, %run_scoped3A_105, %dma_wait3A_285] : memref<2x4x128xi32, #tpu.memory_space<vmem>> -> memref<1x1x128xi32, #tpu.memory_space<vmem>>
        %dma_wait3A_287 = tpu.memref_squeeze %dma_wait3A_286 : memref<1x1x128xi32, #tpu.memory_space<vmem>> -> memref<128xi32, #tpu.memory_space<vmem>>
        %dma_wait3A_288 = arith.constant 0 : i32
        %dma_wait3A_289 = arith.constant 0 : i32
        %dma_wait3A_290 = tpu.memref_slice %arg7[%dma_wait3A_288, %dma_wait3A_289] : memref<10240x128xf32, #tpu.memory_space<vmem_shared>> -> memref<10240x128xf32, #tpu.memory_space<vmem_shared>>
        tpu.wait_indirect_dma semaphore(%run_scoped3A_270 : memref<!tpu.dma_semaphore, #tpu.memory_space<semaphore_mem>>) src(%dma_wait3A_284 : memref<128x128xf32, #tpu.memory_space<vmem>>) dst(%dma_wait3A_290 : memref<10240x128xf32, #tpu.memory_space<vmem_shared>>)
        tpu.yield
      }) : () -> ()
      %dma_wait3A_106 = arith.constant 0 : i32
      %dma_wait3A_107 = arith.constant 2 : i32
      %dma_wait3A_108 = arith.constant 0 : i32
      %dma_wait3A_109 = arith.constant 0 : i32
      %dma_wait3A_110 = arith.constant 0 : i32
      %dma_wait3A_111 = tpu.memref_slice %arg10[%dma_wait3A_108, %dma_wait3A_109, %dma_wait3A_110] : memref<2x128x128xf32, #tpu.memory_space<vmem>> -> memref<1x128x128xf32, #tpu.memory_space<vmem>>
      %dma_wait3A_112 = tpu.memref_squeeze %dma_wait3A_111 : memref<1x128x128xf32, #tpu.memory_space<vmem>> -> memref<128x128xf32, #tpu.memory_space<vmem>>
      %dma_wait3A_113 = arith.constant 0 : i32
      %dma_wait3A_114 = tpu.memref_slice %arg8[%dma_wait3A_106, %dma_wait3A_107, %dma_wait3A_113] : memref<2x4x128xi32, #tpu.memory_space<vmem>> -> memref<1x1x128xi32, #tpu.memory_space<vmem>>
      %dma_wait3A_115 = tpu.memref_squeeze %dma_wait3A_114 : memref<1x1x128xi32, #tpu.memory_space<vmem>> -> memref<128xi32, #tpu.memory_space<vmem>>
      %dma_wait3A_116 = arith.constant 0 : i32
      %dma_wait3A_117 = arith.constant 0 : i32
      %dma_wait3A_118 = tpu.memref_slice %arg2[%dma_wait3A_116, %dma_wait3A_117] : memref<10240x128xf32, #tpu.memory_space<hbm>> -> memref<10240x128xf32, #tpu.memory_space<hbm>>
      tpu.wait_indirect_dma semaphore(%arg12 : memref<!tpu.dma_semaphore, #tpu.memory_space<semaphore_mem>>) src(%dma_wait3A_118 : memref<10240x128xf32, #tpu.memory_space<hbm>>) dst(%dma_wait3A_112 : memref<128x128xf32, #tpu.memory_space<vmem>>)
      %dma_start3A_119 = arith.constant 0 : i32
      %dma_start3A_120 = arith.constant 3 : i32
      %dma_start3A_121 = arith.constant 1 : i32
      %dma_start3A_122 = arith.constant 0 : i32
      %dma_start3A_123 = arith.constant 0 : i32
      %dma_start3A_124 = tpu.memref_slice %arg10[%dma_start3A_121, %dma_start3A_122, %dma_start3A_123] : memref<2x128x128xf32, #tpu.memory_space<vmem>> -> memref<1x128x128xf32, #tpu.memory_space<vmem>>
      %dma_start3A_125 = tpu.memref_squeeze %dma_start3A_124 : memref<1x128x128xf32, #tpu.memory_space<vmem>> -> memref<128x128xf32, #tpu.memory_space<vmem>>
      %dma_start3A_126 = arith.constant 0 : i32
      %dma_start3A_127 = tpu.memref_slice %arg8[%dma_start3A_119, %dma_start3A_120, %dma_start3A_126] : memref<2x4x128xi32, #tpu.memory_space<vmem>> -> memref<1x1x128xi32, #tpu.memory_space<vmem>>
      %dma_start3A_128 = tpu.memref_squeeze %dma_start3A_127 : memref<1x1x128xi32, #tpu.memory_space<vmem>> -> memref<128xi32, #tpu.memory_space<vmem>>
      %dma_start3A_129 = arith.constant 0 : i32
      %dma_start3A_130 = arith.constant 0 : i32
      %dma_start3A_131 = tpu.memref_slice %arg2[%dma_start3A_129, %dma_start3A_130] : memref<10240x128xf32, #tpu.memory_space<hbm>> -> memref<10240x128xf32, #tpu.memory_space<hbm>>
      tpu.enqueue_indirect_dma source(%dma_start3A_131 : memref<10240x128xf32, #tpu.memory_space<hbm>>) target(%dma_start3A_125 : memref<128x128xf32, #tpu.memory_space<vmem>>) offsets(%dma_start3A_128 : memref<128xi32, #tpu.memory_space<vmem>>) semaphore(%arg13 : memref<!tpu.dma_semaphore, #tpu.memory_space<semaphore_mem>>)
      %run_scoped3A_132 = arith.constant 0 : i32
      %run_scoped3A_133 = arith.constant 0 : i32
      %run_scoped3A_134 = arith.constant 2 : i32
      "tpu.region"() ({
        %run_scoped3A_270 = tpu.sem_alloc : memref<!tpu.dma_semaphore, #tpu.memory_space<semaphore_mem>>
        %dma_start3A_271 = arith.constant 0 : i32
        %dma_start3A_272 = arith.constant 0 : i32
        %dma_start3A_273 = tpu.memref_slice %arg10[%run_scoped3A_132, %dma_start3A_271, %dma_start3A_272] : memref<2x128x128xf32, #tpu.memory_space<vmem>> -> memref<1x128x128xf32, #tpu.memory_space<vmem>>
        %dma_start3A_274 = tpu.memref_squeeze %dma_start3A_273 : memref<1x128x128xf32, #tpu.memory_space<vmem>> -> memref<128x128xf32, #tpu.memory_space<vmem>>
        %dma_start3A_275 = arith.constant 0 : i32
        %dma_start3A_276 = tpu.memref_slice %arg9[%run_scoped3A_133, %run_scoped3A_134, %dma_start3A_275] : memref<2x4x128xi32, #tpu.memory_space<vmem>> -> memref<1x1x128xi32, #tpu.memory_space<vmem>>
        %dma_start3A_277 = tpu.memref_squeeze %dma_start3A_276 : memref<1x1x128xi32, #tpu.memory_space<vmem>> -> memref<128xi32, #tpu.memory_space<vmem>>
        %dma_start3A_278 = arith.constant 0 : i32
        %dma_start3A_279 = arith.constant 0 : i32
        %dma_start3A_280 = tpu.memref_slice %arg7[%dma_start3A_278, %dma_start3A_279] : memref<10240x128xf32, #tpu.memory_space<vmem_shared>> -> memref<10240x128xf32, #tpu.memory_space<vmem_shared>>
        tpu.enqueue_indirect_dma source(%dma_start3A_274 : memref<128x128xf32, #tpu.memory_space<vmem>>) target(%dma_start3A_280 : memref<10240x128xf32, #tpu.memory_space<vmem_shared>>) offsets(%dma_start3A_277 : memref<128xi32, #tpu.memory_space<vmem>>) semaphore(%run_scoped3A_270 : memref<!tpu.dma_semaphore, #tpu.memory_space<semaphore_mem>>) {add = true}
        %dma_wait3A_281 = arith.constant 0 : i32
        %dma_wait3A_282 = arith.constant 0 : i32
        %dma_wait3A_283 = tpu.memref_slice %arg10[%run_scoped3A_132, %dma_wait3A_281, %dma_wait3A_282] : memref<2x128x128xf32, #tpu.memory_space<vmem>> -> memref<1x128x128xf32, #tpu.memory_space<vmem>>
        %dma_wait3A_284 = tpu.memref_squeeze %dma_wait3A_283 : memref<1x128x128xf32, #tpu.memory_space<vmem>> -> memref<128x128xf32, #tpu.memory_space<vmem>>
        %dma_wait3A_285 = arith.constant 0 : i32
        %dma_wait3A_286 = tpu.memref_slice %arg9[%run_scoped3A_133, %run_scoped3A_134, %dma_wait3A_285] : memref<2x4x128xi32, #tpu.memory_space<vmem>> -> memref<1x1x128xi32, #tpu.memory_space<vmem>>
        %dma_wait3A_287 = tpu.memref_squeeze %dma_wait3A_286 : memref<1x1x128xi32, #tpu.memory_space<vmem>> -> memref<128xi32, #tpu.memory_space<vmem>>
        %dma_wait3A_288 = arith.constant 0 : i32
        %dma_wait3A_289 = arith.constant 0 : i32
        %dma_wait3A_290 = tpu.memref_slice %arg7[%dma_wait3A_288, %dma_wait3A_289] : memref<10240x128xf32, #tpu.memory_space<vmem_shared>> -> memref<10240x128xf32, #tpu.memory_space<vmem_shared>>
        tpu.wait_indirect_dma semaphore(%run_scoped3A_270 : memref<!tpu.dma_semaphore, #tpu.memory_space<semaphore_mem>>) src(%dma_wait3A_284 : memref<128x128xf32, #tpu.memory_space<vmem>>) dst(%dma_wait3A_290 : memref<10240x128xf32, #tpu.memory_space<vmem_shared>>)
        tpu.yield
      }) : () -> ()
      %dma_wait3A_135 = arith.constant 0 : i32
      %dma_wait3A_136 = arith.constant 3 : i32
      %dma_wait3A_137 = arith.constant 1 : i32
      %dma_wait3A_138 = arith.constant 0 : i32
      %dma_wait3A_139 = arith.constant 0 : i32
      %dma_wait3A_140 = tpu.memref_slice %arg10[%dma_wait3A_137, %dma_wait3A_138, %dma_wait3A_139] : memref<2x128x128xf32, #tpu.memory_space<vmem>> -> memref<1x128x128xf32, #tpu.memory_space<vmem>>
      %dma_wait3A_141 = tpu.memref_squeeze %dma_wait3A_140 : memref<1x128x128xf32, #tpu.memory_space<vmem>> -> memref<128x128xf32, #tpu.memory_space<vmem>>
      %dma_wait3A_142 = arith.constant 0 : i32
      %dma_wait3A_143 = tpu.memref_slice %arg8[%dma_wait3A_135, %dma_wait3A_136, %dma_wait3A_142] : memref<2x4x128xi32, #tpu.memory_space<vmem>> -> memref<1x1x128xi32, #tpu.memory_space<vmem>>
      %dma_wait3A_144 = tpu.memref_squeeze %dma_wait3A_143 : memref<1x1x128xi32, #tpu.memory_space<vmem>> -> memref<128xi32, #tpu.memory_space<vmem>>
      %dma_wait3A_145 = arith.constant 0 : i32
      %dma_wait3A_146 = arith.constant 0 : i32
      %dma_wait3A_147 = tpu.memref_slice %arg2[%dma_wait3A_145, %dma_wait3A_146] : memref<10240x128xf32, #tpu.memory_space<hbm>> -> memref<10240x128xf32, #tpu.memory_space<hbm>>
      tpu.wait_indirect_dma semaphore(%arg13 : memref<!tpu.dma_semaphore, #tpu.memory_space<semaphore_mem>>) src(%dma_wait3A_147 : memref<10240x128xf32, #tpu.memory_space<hbm>>) dst(%dma_wait3A_141 : memref<128x128xf32, #tpu.memory_space<vmem>>)
      %lt3A_148 = arith.cmpi slt, %add3A_47, %select_n3A : i32
      %convert_element_type3A_149 = arith.extui %lt3A_148 : i1 to i32
      %cond3A_150 = arith.constant 0 : i32
      %cond3A_151 = arith.cmpi ne, %convert_element_type3A_149, %cond3A_150 : i32
      scf.if %cond3A_151 {
        %add3A_270 = arith.addi %select_n3A_10, %add3A_47 : i32
        %dma_wait3A_271 = arith.constant 1 : i32
        %dma_wait3A_272 = arith.constant 0 : i32
        %dma_wait3A_273 = arith.constant 0 : i32
        %dma_wait3A_274 = tpu.memref_slice %arg8[%dma_wait3A_271, %dma_wait3A_272, %dma_wait3A_273] : memref<2x4x128xi32, #tpu.memory_space<vmem>> -> memref<1x4x128xi32, #tpu.memory_space<vmem>>
        %dma_wait3A_275 = tpu.memref_squeeze %dma_wait3A_274 : memref<1x4x128xi32, #tpu.memory_space<vmem>> -> memref<4x128xi32, #tpu.memory_space<vmem>>
        %dma_wait3A_276 = arith.constant 0 : i32
        %dma_wait3A_277 = tpu.memref_slice %arg3[%add3A_270, %dma_wait3A_276] : memref<2560x128xi32, #tpu.memory_space<hbm>> -> memref<4x128xi32, #tpu.memory_space<hbm>>
        %dma_wait3A_278 = arith.constant 0 : i32
        %dma_wait3A_279 = arith.constant 0 : i32
        %dma_wait3A_280 = tpu.memref_slice %arg8[%dma_wait3A_271, %dma_wait3A_278, %dma_wait3A_279] : memref<2x4x128xi32, #tpu.memory_space<vmem>> -> memref<1x4x128xi32, #tpu.memory_space<vmem>>
        %dma_wait3A_281 = tpu.memref_squeeze %dma_wait3A_280 : memref<1x4x128xi32, #tpu.memory_space<vmem>> -> memref<4x128xi32, #tpu.memory_space<vmem>>
        %dma_wait3A_282 = arith.constant 0 : i32
        %dma_wait3A_283 = tpu.memref_slice %arg3[%add3A_270, %dma_wait3A_282] : memref<2560x128xi32, #tpu.memory_space<hbm>> -> memref<4x128xi32, #tpu.memory_space<hbm>>
        tpu.wait_dma2 semaphore(%arg11 : memref<!tpu.dma_semaphore, #tpu.memory_space<semaphore_mem>>) src(%dma_wait3A_283 : memref<4x128xi32, #tpu.memory_space<hbm>>) dst(%dma_wait3A_281 : memref<4x128xi32, #tpu.memory_space<vmem>>)
        %add3A_284 = arith.addi %select_n3A_10, %add3A_47 : i32
        %dma_wait3A_285 = arith.constant 1 : i32
        %dma_wait3A_286 = arith.constant 0 : i32
        %dma_wait3A_287 = arith.constant 0 : i32
        %dma_wait3A_288 = tpu.memref_slice %arg9[%dma_wait3A_285, %dma_wait3A_286, %dma_wait3A_287] : memref<2x4x128xi32, #tpu.memory_space<vmem>> -> memref<1x4x128xi32, #tpu.memory_space<vmem>>
        %dma_wait3A_289 = tpu.memref_squeeze %dma_wait3A_288 : memref<1x4x128xi32, #tpu.memory_space<vmem>> -> memref<4x128xi32, #tpu.memory_space<vmem>>
        %dma_wait3A_290 = arith.constant 0 : i32
        %dma_wait3A_291 = tpu.memref_slice %arg4[%add3A_284, %dma_wait3A_290] : memref<2560x128xi32, #tpu.memory_space<hbm>> -> memref<4x128xi32, #tpu.memory_space<hbm>>
        %dma_wait3A_292 = arith.constant 0 : i32
        %dma_wait3A_293 = arith.constant 0 : i32
        %dma_wait3A_294 = tpu.memref_slice %arg9[%dma_wait3A_285, %dma_wait3A_292, %dma_wait3A_293] : memref<2x4x128xi32, #tpu.memory_space<vmem>> -> memref<1x4x128xi32, #tpu.memory_space<vmem>>
        %dma_wait3A_295 = tpu.memref_squeeze %dma_wait3A_294 : memref<1x4x128xi32, #tpu.memory_space<vmem>> -> memref<4x128xi32, #tpu.memory_space<vmem>>
        %dma_wait3A_296 = arith.constant 0 : i32
        %dma_wait3A_297 = tpu.memref_slice %arg4[%add3A_284, %dma_wait3A_296] : memref<2560x128xi32, #tpu.memory_space<hbm>> -> memref<4x128xi32, #tpu.memory_space<hbm>>
        tpu.wait_dma2 semaphore(%arg11 : memref<!tpu.dma_semaphore, #tpu.memory_space<semaphore_mem>>) src(%dma_wait3A_297 : memref<4x128xi32, #tpu.memory_space<hbm>>) dst(%dma_wait3A_295 : memref<4x128xi32, #tpu.memory_space<vmem>>)
        %dma_start3A_298 = arith.constant 1 : i32
        %dma_start3A_299 = arith.constant 0 : i32
        %dma_start3A_300 = arith.constant 0 : i32
        %dma_start3A_301 = arith.constant 0 : i32
        %dma_start3A_302 = arith.constant 0 : i32
        %dma_start3A_303 = tpu.memref_slice %arg10[%dma_start3A_300, %dma_start3A_301, %dma_start3A_302] : memref<2x128x128xf32, #tpu.memory_space<vmem>> -> memref<1x128x128xf32, #tpu.memory_space<vmem>>
        %dma_start3A_304 = tpu.memref_squeeze %dma_start3A_303 : memref<1x128x128xf32, #tpu.memory_space<vmem>> -> memref<128x128xf32, #tpu.memory_space<vmem>>
        %dma_start3A_305 = arith.constant 0 : i32
        %dma_start3A_306 = tpu.memref_slice %arg8[%dma_start3A_298, %dma_start3A_299, %dma_start3A_305] : memref<2x4x128xi32, #tpu.memory_space<vmem>> -> memref<1x1x128xi32, #tpu.memory_space<vmem>>
        %dma_start3A_307 = tpu.memref_squeeze %dma_start3A_306 : memref<1x1x128xi32, #tpu.memory_space<vmem>> -> memref<128xi32, #tpu.memory_space<vmem>>
        %dma_start3A_308 = arith.constant 0 : i32
        %dma_start3A_309 = arith.constant 0 : i32
        %dma_start3A_310 = tpu.memref_slice %arg2[%dma_start3A_308, %dma_start3A_309] : memref<10240x128xf32, #tpu.memory_space<hbm>> -> memref<10240x128xf32, #tpu.memory_space<hbm>>
        tpu.enqueue_indirect_dma source(%dma_start3A_310 : memref<10240x128xf32, #tpu.memory_space<hbm>>) target(%dma_start3A_304 : memref<128x128xf32, #tpu.memory_space<vmem>>) offsets(%dma_start3A_307 : memref<128xi32, #tpu.memory_space<vmem>>) semaphore(%arg12 : memref<!tpu.dma_semaphore, #tpu.memory_space<semaphore_mem>>)
      } else {
      }
      %run_scoped3A_152 = arith.constant 1 : i32
      %run_scoped3A_153 = arith.constant 0 : i32
      %run_scoped3A_154 = arith.constant 3 : i32
      "tpu.region"() ({
        %run_scoped3A_270 = tpu.sem_alloc : memref<!tpu.dma_semaphore, #tpu.memory_space<semaphore_mem>>
        %dma_start3A_271 = arith.constant 0 : i32
        %dma_start3A_272 = arith.constant 0 : i32
        %dma_start3A_273 = tpu.memref_slice %arg10[%run_scoped3A_152, %dma_start3A_271, %dma_start3A_272] : memref<2x128x128xf32, #tpu.memory_space<vmem>> -> memref<1x128x128xf32, #tpu.memory_space<vmem>>
        %dma_start3A_274 = tpu.memref_squeeze %dma_start3A_273 : memref<1x128x128xf32, #tpu.memory_space<vmem>> -> memref<128x128xf32, #tpu.memory_space<vmem>>
        %dma_start3A_275 = arith.constant 0 : i32
        %dma_start3A_276 = tpu.memref_slice %arg9[%run_scoped3A_153, %run_scoped3A_154, %dma_start3A_275] : memref<2x4x128xi32, #tpu.memory_space<vmem>> -> memref<1x1x128xi32, #tpu.memory_space<vmem>>
        %dma_start3A_277 = tpu.memref_squeeze %dma_start3A_276 : memref<1x1x128xi32, #tpu.memory_space<vmem>> -> memref<128xi32, #tpu.memory_space<vmem>>
        %dma_start3A_278 = arith.constant 0 : i32
        %dma_start3A_279 = arith.constant 0 : i32
        %dma_start3A_280 = tpu.memref_slice %arg7[%dma_start3A_278, %dma_start3A_279] : memref<10240x128xf32, #tpu.memory_space<vmem_shared>> -> memref<10240x128xf32, #tpu.memory_space<vmem_shared>>
        tpu.enqueue_indirect_dma source(%dma_start3A_274 : memref<128x128xf32, #tpu.memory_space<vmem>>) target(%dma_start3A_280 : memref<10240x128xf32, #tpu.memory_space<vmem_shared>>) offsets(%dma_start3A_277 : memref<128xi32, #tpu.memory_space<vmem>>) semaphore(%run_scoped3A_270 : memref<!tpu.dma_semaphore, #tpu.memory_space<semaphore_mem>>) {add = true}
        %dma_wait3A_281 = arith.constant 0 : i32
        %dma_wait3A_282 = arith.constant 0 : i32
        %dma_wait3A_283 = tpu.memref_slice %arg10[%run_scoped3A_152, %dma_wait3A_281, %dma_wait3A_282] : memref<2x128x128xf32, #tpu.memory_space<vmem>> -> memref<1x128x128xf32, #tpu.memory_space<vmem>>
        %dma_wait3A_284 = tpu.memref_squeeze %dma_wait3A_283 : memref<1x128x128xf32, #tpu.memory_space<vmem>> -> memref<128x128xf32, #tpu.memory_space<vmem>>
        %dma_wait3A_285 = arith.constant 0 : i32
        %dma_wait3A_286 = tpu.memref_slice %arg9[%run_scoped3A_153, %run_scoped3A_154, %dma_wait3A_285] : memref<2x4x128xi32, #tpu.memory_space<vmem>> -> memref<1x1x128xi32, #tpu.memory_space<vmem>>
        %dma_wait3A_287 = tpu.memref_squeeze %dma_wait3A_286 : memref<1x1x128xi32, #tpu.memory_space<vmem>> -> memref<128xi32, #tpu.memory_space<vmem>>
        %dma_wait3A_288 = arith.constant 0 : i32
        %dma_wait3A_289 = arith.constant 0 : i32
        %dma_wait3A_290 = tpu.memref_slice %arg7[%dma_wait3A_288, %dma_wait3A_289] : memref<10240x128xf32, #tpu.memory_space<vmem_shared>> -> memref<10240x128xf32, #tpu.memory_space<vmem_shared>>
        tpu.wait_indirect_dma semaphore(%run_scoped3A_270 : memref<!tpu.dma_semaphore, #tpu.memory_space<semaphore_mem>>) src(%dma_wait3A_284 : memref<128x128xf32, #tpu.memory_space<vmem>>) dst(%dma_wait3A_290 : memref<10240x128xf32, #tpu.memory_space<vmem_shared>>)
        tpu.yield
      }) : () -> ()
      %add3A_155 = arith.constant 4 : i32
      %add3A_156 = arith.addi %add3A_43, %add3A_155 : i32
      %add3A_157 = arith.constant 4 : i32
      %add3A_158 = arith.addi %add3A_156, %add3A_157 : i32
      %lt3A_159 = arith.cmpi slt, %add3A_158, %select_n3A : i32
      %convert_element_type3A_160 = arith.extui %lt3A_159 : i1 to i32
      %cond3A_161 = arith.constant 0 : i32
      %cond3A_162 = arith.cmpi ne, %convert_element_type3A_160, %cond3A_161 : i32
      scf.if %cond3A_162 {
        %add3A_270 = arith.addi %select_n3A_10, %add3A_158 : i32
        %dma_start3A_271 = arith.constant 0 : i32
        %dma_start3A_272 = arith.constant 0 : i32
        %dma_start3A_273 = arith.constant 0 : i32
        %dma_start3A_274 = tpu.memref_slice %arg8[%dma_start3A_271, %dma_start3A_272, %dma_start3A_273] : memref<2x4x128xi32, #tpu.memory_space<vmem>> -> memref<1x4x128xi32, #tpu.memory_space<vmem>>
        %dma_start3A_275 = tpu.memref_squeeze %dma_start3A_274 : memref<1x4x128xi32, #tpu.memory_space<vmem>> -> memref<4x128xi32, #tpu.memory_space<vmem>>
        %dma_start3A_276 = arith.constant 0 : i32
        %dma_start3A_277 = tpu.memref_slice %arg3[%add3A_270, %dma_start3A_276] : memref<2560x128xi32, #tpu.memory_space<hbm>> -> memref<4x128xi32, #tpu.memory_space<hbm>>
        %dma_start3A_278 = arith.constant 0 : i32
        %dma_start3A_279 = arith.constant 0 : i32
        %dma_start3A_280 = tpu.memref_slice %arg8[%dma_start3A_271, %dma_start3A_278, %dma_start3A_279] : memref<2x4x128xi32, #tpu.memory_space<vmem>> -> memref<1x4x128xi32, #tpu.memory_space<vmem>>
        %dma_start3A_281 = tpu.memref_squeeze %dma_start3A_280 : memref<1x4x128xi32, #tpu.memory_space<vmem>> -> memref<4x128xi32, #tpu.memory_space<vmem>>
        %dma_start3A_282 = arith.constant 0 : i32
        %dma_start3A_283 = tpu.memref_slice %arg3[%add3A_270, %dma_start3A_282] : memref<2560x128xi32, #tpu.memory_space<hbm>> -> memref<4x128xi32, #tpu.memory_space<hbm>>
        tpu.enqueue_dma source(%dma_start3A_283 : memref<4x128xi32, #tpu.memory_space<hbm>>) target(%dma_start3A_281 : memref<4x128xi32, #tpu.memory_space<vmem>>) target_semaphore(%arg11 : memref<!tpu.dma_semaphore, #tpu.memory_space<semaphore_mem>>)
        %add3A_284 = arith.addi %select_n3A_10, %add3A_158 : i32
        %dma_start3A_285 = arith.constant 0 : i32
        %dma_start3A_286 = arith.constant 0 : i32
        %dma_start3A_287 = arith.constant 0 : i32
        %dma_start3A_288 = tpu.memref_slice %arg9[%dma_start3A_285, %dma_start3A_286, %dma_start3A_287] : memref<2x4x128xi32, #tpu.memory_space<vmem>> -> memref<1x4x128xi32, #tpu.memory_space<vmem>>
        %dma_start3A_289 = tpu.memref_squeeze %dma_start3A_288 : memref<1x4x128xi32, #tpu.memory_space<vmem>> -> memref<4x128xi32, #tpu.memory_space<vmem>>
        %dma_start3A_290 = arith.constant 0 : i32
        %dma_start3A_291 = tpu.memref_slice %arg4[%add3A_284, %dma_start3A_290] : memref<2560x128xi32, #tpu.memory_space<hbm>> -> memref<4x128xi32, #tpu.memory_space<hbm>>
        %dma_start3A_292 = arith.constant 0 : i32
        %dma_start3A_293 = arith.constant 0 : i32
        %dma_start3A_294 = tpu.memref_slice %arg9[%dma_start3A_285, %dma_start3A_292, %dma_start3A_293] : memref<2x4x128xi32, #tpu.memory_space<vmem>> -> memref<1x4x128xi32, #tpu.memory_space<vmem>>
        %dma_start3A_295 = tpu.memref_squeeze %dma_start3A_294 : memref<1x4x128xi32, #tpu.memory_space<vmem>> -> memref<4x128xi32, #tpu.memory_space<vmem>>
        %dma_start3A_296 = arith.constant 0 : i32
        %dma_start3A_297 = tpu.memref_slice %arg4[%add3A_284, %dma_start3A_296] : memref<2560x128xi32, #tpu.memory_space<hbm>> -> memref<4x128xi32, #tpu.memory_space<hbm>>
        tpu.enqueue_dma source(%dma_start3A_297 : memref<4x128xi32, #tpu.memory_space<hbm>>) target(%dma_start3A_295 : memref<4x128xi32, #tpu.memory_space<vmem>>) target_semaphore(%arg11 : memref<!tpu.dma_semaphore, #tpu.memory_space<semaphore_mem>>)
      } else {
      }
      %dma_wait3A_163 = arith.constant 1 : i32
      %dma_wait3A_164 = arith.constant 0 : i32
      %dma_wait3A_165 = arith.constant 0 : i32
      %dma_wait3A_166 = arith.constant 0 : i32
      %dma_wait3A_167 = arith.constant 0 : i32
      %dma_wait3A_168 = tpu.memref_slice %arg10[%dma_wait3A_165, %dma_wait3A_166, %dma_wait3A_167] : memref<2x128x128xf32, #tpu.memory_space<vmem>> -> memref<1x128x128xf32, #tpu.memory_space<vmem>>
      %dma_wait3A_169 = tpu.memref_squeeze %dma_wait3A_168 : memref<1x128x128xf32, #tpu.memory_space<vmem>> -> memref<128x128xf32, #tpu.memory_space<vmem>>
      %dma_wait3A_170 = arith.constant 0 : i32
      %dma_wait3A_171 = tpu.memref_slice %arg8[%dma_wait3A_163, %dma_wait3A_164, %dma_wait3A_170] : memref<2x4x128xi32, #tpu.memory_space<vmem>> -> memref<1x1x128xi32, #tpu.memory_space<vmem>>
      %dma_wait3A_172 = tpu.memref_squeeze %dma_wait3A_171 : memref<1x1x128xi32, #tpu.memory_space<vmem>> -> memref<128xi32, #tpu.memory_space<vmem>>
      %dma_wait3A_173 = arith.constant 0 : i32
      %dma_wait3A_174 = arith.constant 0 : i32
      %dma_wait3A_175 = tpu.memref_slice %arg2[%dma_wait3A_173, %dma_wait3A_174] : memref<10240x128xf32, #tpu.memory_space<hbm>> -> memref<10240x128xf32, #tpu.memory_space<hbm>>
      tpu.wait_indirect_dma semaphore(%arg12 : memref<!tpu.dma_semaphore, #tpu.memory_space<semaphore_mem>>) src(%dma_wait3A_175 : memref<10240x128xf32, #tpu.memory_space<hbm>>) dst(%dma_wait3A_169 : memref<128x128xf32, #tpu.memory_space<vmem>>)
      %dma_start3A_176 = arith.constant 1 : i32
      %dma_start3A_177 = arith.constant 1 : i32
      %dma_start3A_178 = arith.constant 1 : i32
      %dma_start3A_179 = arith.constant 0 : i32
      %dma_start3A_180 = arith.constant 0 : i32
      %dma_start3A_181 = tpu.memref_slice %arg10[%dma_start3A_178, %dma_start3A_179, %dma_start3A_180] : memref<2x128x128xf32, #tpu.memory_space<vmem>> -> memref<1x128x128xf32, #tpu.memory_space<vmem>>
      %dma_start3A_182 = tpu.memref_squeeze %dma_start3A_181 : memref<1x128x128xf32, #tpu.memory_space<vmem>> -> memref<128x128xf32, #tpu.memory_space<vmem>>
      %dma_start3A_183 = arith.constant 0 : i32
      %dma_start3A_184 = tpu.memref_slice %arg8[%dma_start3A_176, %dma_start3A_177, %dma_start3A_183] : memref<2x4x128xi32, #tpu.memory_space<vmem>> -> memref<1x1x128xi32, #tpu.memory_space<vmem>>
      %dma_start3A_185 = tpu.memref_squeeze %dma_start3A_184 : memref<1x1x128xi32, #tpu.memory_space<vmem>> -> memref<128xi32, #tpu.memory_space<vmem>>
      %dma_start3A_186 = arith.constant 0 : i32
      %dma_start3A_187 = arith.constant 0 : i32
      %dma_start3A_188 = tpu.memref_slice %arg2[%dma_start3A_186, %dma_start3A_187] : memref<10240x128xf32, #tpu.memory_space<hbm>> -> memref<10240x128xf32, #tpu.memory_space<hbm>>
      tpu.enqueue_indirect_dma source(%dma_start3A_188 : memref<10240x128xf32, #tpu.memory_space<hbm>>) target(%dma_start3A_182 : memref<128x128xf32, #tpu.memory_space<vmem>>) offsets(%dma_start3A_185 : memref<128xi32, #tpu.memory_space<vmem>>) semaphore(%arg13 : memref<!tpu.dma_semaphore, #tpu.memory_space<semaphore_mem>>)
      %run_scoped3A_189 = arith.constant 0 : i32
      %run_scoped3A_190 = arith.constant 1 : i32
      %run_scoped3A_191 = arith.constant 0 : i32
      "tpu.region"() ({
        %run_scoped3A_270 = tpu.sem_alloc : memref<!tpu.dma_semaphore, #tpu.memory_space<semaphore_mem>>
        %dma_start3A_271 = arith.constant 0 : i32
        %dma_start3A_272 = arith.constant 0 : i32
        %dma_start3A_273 = tpu.memref_slice %arg10[%run_scoped3A_189, %dma_start3A_271, %dma_start3A_272] : memref<2x128x128xf32, #tpu.memory_space<vmem>> -> memref<1x128x128xf32, #tpu.memory_space<vmem>>
        %dma_start3A_274 = tpu.memref_squeeze %dma_start3A_273 : memref<1x128x128xf32, #tpu.memory_space<vmem>> -> memref<128x128xf32, #tpu.memory_space<vmem>>
        %dma_start3A_275 = arith.constant 0 : i32
        %dma_start3A_276 = tpu.memref_slice %arg9[%run_scoped3A_190, %run_scoped3A_191, %dma_start3A_275] : memref<2x4x128xi32, #tpu.memory_space<vmem>> -> memref<1x1x128xi32, #tpu.memory_space<vmem>>
        %dma_start3A_277 = tpu.memref_squeeze %dma_start3A_276 : memref<1x1x128xi32, #tpu.memory_space<vmem>> -> memref<128xi32, #tpu.memory_space<vmem>>
        %dma_start3A_278 = arith.constant 0 : i32
        %dma_start3A_279 = arith.constant 0 : i32
        %dma_start3A_280 = tpu.memref_slice %arg7[%dma_start3A_278, %dma_start3A_279] : memref<10240x128xf32, #tpu.memory_space<vmem_shared>> -> memref<10240x128xf32, #tpu.memory_space<vmem_shared>>
        tpu.enqueue_indirect_dma source(%dma_start3A_274 : memref<128x128xf32, #tpu.memory_space<vmem>>) target(%dma_start3A_280 : memref<10240x128xf32, #tpu.memory_space<vmem_shared>>) offsets(%dma_start3A_277 : memref<128xi32, #tpu.memory_space<vmem>>) semaphore(%run_scoped3A_270 : memref<!tpu.dma_semaphore, #tpu.memory_space<semaphore_mem>>) {add = true}
        %dma_wait3A_281 = arith.constant 0 : i32
        %dma_wait3A_282 = arith.constant 0 : i32
        %dma_wait3A_283 = tpu.memref_slice %arg10[%run_scoped3A_189, %dma_wait3A_281, %dma_wait3A_282] : memref<2x128x128xf32, #tpu.memory_space<vmem>> -> memref<1x128x128xf32, #tpu.memory_space<vmem>>
        %dma_wait3A_284 = tpu.memref_squeeze %dma_wait3A_283 : memref<1x128x128xf32, #tpu.memory_space<vmem>> -> memref<128x128xf32, #tpu.memory_space<vmem>>
        %dma_wait3A_285 = arith.constant 0 : i32
        %dma_wait3A_286 = tpu.memref_slice %arg9[%run_scoped3A_190, %run_scoped3A_191, %dma_wait3A_285] : memref<2x4x128xi32, #tpu.memory_space<vmem>> -> memref<1x1x128xi32, #tpu.memory_space<vmem>>
        %dma_wait3A_287 = tpu.memref_squeeze %dma_wait3A_286 : memref<1x1x128xi32, #tpu.memory_space<vmem>> -> memref<128xi32, #tpu.memory_space<vmem>>
        %dma_wait3A_288 = arith.constant 0 : i32
        %dma_wait3A_289 = arith.constant 0 : i32
        %dma_wait3A_290 = tpu.memref_slice %arg7[%dma_wait3A_288, %dma_wait3A_289] : memref<10240x128xf32, #tpu.memory_space<vmem_shared>> -> memref<10240x128xf32, #tpu.memory_space<vmem_shared>>
        tpu.wait_indirect_dma semaphore(%run_scoped3A_270 : memref<!tpu.dma_semaphore, #tpu.memory_space<semaphore_mem>>) src(%dma_wait3A_284 : memref<128x128xf32, #tpu.memory_space<vmem>>) dst(%dma_wait3A_290 : memref<10240x128xf32, #tpu.memory_space<vmem_shared>>)
        tpu.yield
      }) : () -> ()
      %dma_wait3A_192 = arith.constant 1 : i32
      %dma_wait3A_193 = arith.constant 1 : i32
      %dma_wait3A_194 = arith.constant 1 : i32
      %dma_wait3A_195 = arith.constant 0 : i32
      %dma_wait3A_196 = arith.constant 0 : i32
      %dma_wait3A_197 = tpu.memref_slice %arg10[%dma_wait3A_194, %dma_wait3A_195, %dma_wait3A_196] : memref<2x128x128xf32, #tpu.memory_space<vmem>> -> memref<1x128x128xf32, #tpu.memory_space<vmem>>
      %dma_wait3A_198 = tpu.memref_squeeze %dma_wait3A_197 : memref<1x128x128xf32, #tpu.memory_space<vmem>> -> memref<128x128xf32, #tpu.memory_space<vmem>>
      %dma_wait3A_199 = arith.constant 0 : i32
      %dma_wait3A_200 = tpu.memref_slice %arg8[%dma_wait3A_192, %dma_wait3A_193, %dma_wait3A_199] : memref<2x4x128xi32, #tpu.memory_space<vmem>> -> memref<1x1x128xi32, #tpu.memory_space<vmem>>
      %dma_wait3A_201 = tpu.memref_squeeze %dma_wait3A_200 : memref<1x1x128xi32, #tpu.memory_space<vmem>> -> memref<128xi32, #tpu.memory_space<vmem>>
      %dma_wait3A_202 = arith.constant 0 : i32
      %dma_wait3A_203 = arith.constant 0 : i32
      %dma_wait3A_204 = tpu.memref_slice %arg2[%dma_wait3A_202, %dma_wait3A_203] : memref<10240x128xf32, #tpu.memory_space<hbm>> -> memref<10240x128xf32, #tpu.memory_space<hbm>>
      tpu.wait_indirect_dma semaphore(%arg13 : memref<!tpu.dma_semaphore, #tpu.memory_space<semaphore_mem>>) src(%dma_wait3A_204 : memref<10240x128xf32, #tpu.memory_space<hbm>>) dst(%dma_wait3A_198 : memref<128x128xf32, #tpu.memory_space<vmem>>)
      %dma_start3A_205 = arith.constant 1 : i32
      %dma_start3A_206 = arith.constant 2 : i32
      %dma_start3A_207 = arith.constant 0 : i32
      %dma_start3A_208 = arith.constant 0 : i32
      %dma_start3A_209 = arith.constant 0 : i32
      %dma_start3A_210 = tpu.memref_slice %arg10[%dma_start3A_207, %dma_start3A_208, %dma_start3A_209] : memref<2x128x128xf32, #tpu.memory_space<vmem>> -> memref<1x128x128xf32, #tpu.memory_space<vmem>>
      %dma_start3A_211 = tpu.memref_squeeze %dma_start3A_210 : memref<1x128x128xf32, #tpu.memory_space<vmem>> -> memref<128x128xf32, #tpu.memory_space<vmem>>
      %dma_start3A_212 = arith.constant 0 : i32
      %dma_start3A_213 = tpu.memref_slice %arg8[%dma_start3A_205, %dma_start3A_206, %dma_start3A_212] : memref<2x4x128xi32, #tpu.memory_space<vmem>> -> memref<1x1x128xi32, #tpu.memory_space<vmem>>
      %dma_start3A_214 = tpu.memref_squeeze %dma_start3A_213 : memref<1x1x128xi32, #tpu.memory_space<vmem>> -> memref<128xi32, #tpu.memory_space<vmem>>
      %dma_start3A_215 = arith.constant 0 : i32
      %dma_start3A_216 = arith.constant 0 : i32
      %dma_start3A_217 = tpu.memref_slice %arg2[%dma_start3A_215, %dma_start3A_216] : memref<10240x128xf32, #tpu.memory_space<hbm>> -> memref<10240x128xf32, #tpu.memory_space<hbm>>
      tpu.enqueue_indirect_dma source(%dma_start3A_217 : memref<10240x128xf32, #tpu.memory_space<hbm>>) target(%dma_start3A_211 : memref<128x128xf32, #tpu.memory_space<vmem>>) offsets(%dma_start3A_214 : memref<128xi32, #tpu.memory_space<vmem>>) semaphore(%arg12 : memref<!tpu.dma_semaphore, #tpu.memory_space<semaphore_mem>>)
      %run_scoped3A_218 = arith.constant 1 : i32
      %run_scoped3A_219 = arith.constant 1 : i32
      %run_scoped3A_220 = arith.constant 1 : i32
      "tpu.region"() ({
        %run_scoped3A_270 = tpu.sem_alloc : memref<!tpu.dma_semaphore, #tpu.memory_space<semaphore_mem>>
        %dma_start3A_271 = arith.constant 0 : i32
        %dma_start3A_272 = arith.constant 0 : i32
        %dma_start3A_273 = tpu.memref_slice %arg10[%run_scoped3A_218, %dma_start3A_271, %dma_start3A_272] : memref<2x128x128xf32, #tpu.memory_space<vmem>> -> memref<1x128x128xf32, #tpu.memory_space<vmem>>
        %dma_start3A_274 = tpu.memref_squeeze %dma_start3A_273 : memref<1x128x128xf32, #tpu.memory_space<vmem>> -> memref<128x128xf32, #tpu.memory_space<vmem>>
        %dma_start3A_275 = arith.constant 0 : i32
        %dma_start3A_276 = tpu.memref_slice %arg9[%run_scoped3A_219, %run_scoped3A_220, %dma_start3A_275] : memref<2x4x128xi32, #tpu.memory_space<vmem>> -> memref<1x1x128xi32, #tpu.memory_space<vmem>>
        %dma_start3A_277 = tpu.memref_squeeze %dma_start3A_276 : memref<1x1x128xi32, #tpu.memory_space<vmem>> -> memref<128xi32, #tpu.memory_space<vmem>>
        %dma_start3A_278 = arith.constant 0 : i32
        %dma_start3A_279 = arith.constant 0 : i32
        %dma_start3A_280 = tpu.memref_slice %arg7[%dma_start3A_278, %dma_start3A_279] : memref<10240x128xf32, #tpu.memory_space<vmem_shared>> -> memref<10240x128xf32, #tpu.memory_space<vmem_shared>>
        tpu.enqueue_indirect_dma source(%dma_start3A_274 : memref<128x128xf32, #tpu.memory_space<vmem>>) target(%dma_start3A_280 : memref<10240x128xf32, #tpu.memory_space<vmem_shared>>) offsets(%dma_start3A_277 : memref<128xi32, #tpu.memory_space<vmem>>) semaphore(%run_scoped3A_270 : memref<!tpu.dma_semaphore, #tpu.memory_space<semaphore_mem>>) {add = true}
        %dma_wait3A_281 = arith.constant 0 : i32
        %dma_wait3A_282 = arith.constant 0 : i32
        %dma_wait3A_283 = tpu.memref_slice %arg10[%run_scoped3A_218, %dma_wait3A_281, %dma_wait3A_282] : memref<2x128x128xf32, #tpu.memory_space<vmem>> -> memref<1x128x128xf32, #tpu.memory_space<vmem>>
        %dma_wait3A_284 = tpu.memref_squeeze %dma_wait3A_283 : memref<1x128x128xf32, #tpu.memory_space<vmem>> -> memref<128x128xf32, #tpu.memory_space<vmem>>
        %dma_wait3A_285 = arith.constant 0 : i32
        %dma_wait3A_286 = tpu.memref_slice %arg9[%run_scoped3A_219, %run_scoped3A_220, %dma_wait3A_285] : memref<2x4x128xi32, #tpu.memory_space<vmem>> -> memref<1x1x128xi32, #tpu.memory_space<vmem>>
        %dma_wait3A_287 = tpu.memref_squeeze %dma_wait3A_286 : memref<1x1x128xi32, #tpu.memory_space<vmem>> -> memref<128xi32, #tpu.memory_space<vmem>>
        %dma_wait3A_288 = arith.constant 0 : i32
        %dma_wait3A_289 = arith.constant 0 : i32
        %dma_wait3A_290 = tpu.memref_slice %arg7[%dma_wait3A_288, %dma_wait3A_289] : memref<10240x128xf32, #tpu.memory_space<vmem_shared>> -> memref<10240x128xf32, #tpu.memory_space<vmem_shared>>
        tpu.wait_indirect_dma semaphore(%run_scoped3A_270 : memref<!tpu.dma_semaphore, #tpu.memory_space<semaphore_mem>>) src(%dma_wait3A_284 : memref<128x128xf32, #tpu.memory_space<vmem>>) dst(%dma_wait3A_290 : memref<10240x128xf32, #tpu.memory_space<vmem_shared>>)
        tpu.yield
      }) : () -> ()
      %dma_wait3A_221 = arith.constant 1 : i32
      %dma_wait3A_222 = arith.constant 2 : i32
      %dma_wait3A_223 = arith.constant 0 : i32
      %dma_wait3A_224 = arith.constant 0 : i32
      %dma_wait3A_225 = arith.constant 0 : i32
      %dma_wait3A_226 = tpu.memref_slice %arg10[%dma_wait3A_223, %dma_wait3A_224, %dma_wait3A_225] : memref<2x128x128xf32, #tpu.memory_space<vmem>> -> memref<1x128x128xf32, #tpu.memory_space<vmem>>
      %dma_wait3A_227 = tpu.memref_squeeze %dma_wait3A_226 : memref<1x128x128xf32, #tpu.memory_space<vmem>> -> memref<128x128xf32, #tpu.memory_space<vmem>>
      %dma_wait3A_228 = arith.constant 0 : i32
      %dma_wait3A_229 = tpu.memref_slice %arg8[%dma_wait3A_221, %dma_wait3A_222, %dma_wait3A_228] : memref<2x4x128xi32, #tpu.memory_space<vmem>> -> memref<1x1x128xi32, #tpu.memory_space<vmem>>
      %dma_wait3A_230 = tpu.memref_squeeze %dma_wait3A_229 : memref<1x1x128xi32, #tpu.memory_space<vmem>> -> memref<128xi32, #tpu.memory_space<vmem>>
      %dma_wait3A_231 = arith.constant 0 : i32
      %dma_wait3A_232 = arith.constant 0 : i32
      %dma_wait3A_233 = tpu.memref_slice %arg2[%dma_wait3A_231, %dma_wait3A_232] : memref<10240x128xf32, #tpu.memory_space<hbm>> -> memref<10240x128xf32, #tpu.memory_space<hbm>>
      tpu.wait_indirect_dma semaphore(%arg12 : memref<!tpu.dma_semaphore, #tpu.memory_space<semaphore_mem>>) src(%dma_wait3A_233 : memref<10240x128xf32, #tpu.memory_space<hbm>>) dst(%dma_wait3A_227 : memref<128x128xf32, #tpu.memory_space<vmem>>)
      %dma_start3A_234 = arith.constant 1 : i32
      %dma_start3A_235 = arith.constant 3 : i32
      %dma_start3A_236 = arith.constant 1 : i32
      %dma_start3A_237 = arith.constant 0 : i32
      %dma_start3A_238 = arith.constant 0 : i32
      %dma_start3A_239 = tpu.memref_slice %arg10[%dma_start3A_236, %dma_start3A_237, %dma_start3A_238] : memref<2x128x128xf32, #tpu.memory_space<vmem>> -> memref<1x128x128xf32, #tpu.memory_space<vmem>>
      %dma_start3A_240 = tpu.memref_squeeze %dma_start3A_239 : memref<1x128x128xf32, #tpu.memory_space<vmem>> -> memref<128x128xf32, #tpu.memory_space<vmem>>
      %dma_start3A_241 = arith.constant 0 : i32
      %dma_start3A_242 = tpu.memref_slice %arg8[%dma_start3A_234, %dma_start3A_235, %dma_start3A_241] : memref<2x4x128xi32, #tpu.memory_space<vmem>> -> memref<1x1x128xi32, #tpu.memory_space<vmem>>
      %dma_start3A_243 = tpu.memref_squeeze %dma_start3A_242 : memref<1x1x128xi32, #tpu.memory_space<vmem>> -> memref<128xi32, #tpu.memory_space<vmem>>
      %dma_start3A_244 = arith.constant 0 : i32
      %dma_start3A_245 = arith.constant 0 : i32
      %dma_start3A_246 = tpu.memref_slice %arg2[%dma_start3A_244, %dma_start3A_245] : memref<10240x128xf32, #tpu.memory_space<hbm>> -> memref<10240x128xf32, #tpu.memory_space<hbm>>
      tpu.enqueue_indirect_dma source(%dma_start3A_246 : memref<10240x128xf32, #tpu.memory_space<hbm>>) target(%dma_start3A_240 : memref<128x128xf32, #tpu.memory_space<vmem>>) offsets(%dma_start3A_243 : memref<128xi32, #tpu.memory_space<vmem>>) semaphore(%arg13 : memref<!tpu.dma_semaphore, #tpu.memory_space<semaphore_mem>>)
      %run_scoped3A_247 = arith.constant 0 : i32
      %run_scoped3A_248 = arith.constant 1 : i32
      %run_scoped3A_249 = arith.constant 2 : i32
      "tpu.region"() ({
        %run_scoped3A_270 = tpu.sem_alloc : memref<!tpu.dma_semaphore, #tpu.memory_space<semaphore_mem>>
        %dma_start3A_271 = arith.constant 0 : i32
        %dma_start3A_272 = arith.constant 0 : i32
        %dma_start3A_273 = tpu.memref_slice %arg10[%run_scoped3A_247, %dma_start3A_271, %dma_start3A_272] : memref<2x128x128xf32, #tpu.memory_space<vmem>> -> memref<1x128x128xf32, #tpu.memory_space<vmem>>
        %dma_start3A_274 = tpu.memref_squeeze %dma_start3A_273 : memref<1x128x128xf32, #tpu.memory_space<vmem>> -> memref<128x128xf32, #tpu.memory_space<vmem>>
        %dma_start3A_275 = arith.constant 0 : i32
        %dma_start3A_276 = tpu.memref_slice %arg9[%run_scoped3A_248, %run_scoped3A_249, %dma_start3A_275] : memref<2x4x128xi32, #tpu.memory_space<vmem>> -> memref<1x1x128xi32, #tpu.memory_space<vmem>>
        %dma_start3A_277 = tpu.memref_squeeze %dma_start3A_276 : memref<1x1x128xi32, #tpu.memory_space<vmem>> -> memref<128xi32, #tpu.memory_space<vmem>>
        %dma_start3A_278 = arith.constant 0 : i32
        %dma_start3A_279 = arith.constant 0 : i32
        %dma_start3A_280 = tpu.memref_slice %arg7[%dma_start3A_278, %dma_start3A_279] : memref<10240x128xf32, #tpu.memory_space<vmem_shared>> -> memref<10240x128xf32, #tpu.memory_space<vmem_shared>>
        tpu.enqueue_indirect_dma source(%dma_start3A_274 : memref<128x128xf32, #tpu.memory_space<vmem>>) target(%dma_start3A_280 : memref<10240x128xf32, #tpu.memory_space<vmem_shared>>) offsets(%dma_start3A_277 : memref<128xi32, #tpu.memory_space<vmem>>) semaphore(%run_scoped3A_270 : memref<!tpu.dma_semaphore, #tpu.memory_space<semaphore_mem>>) {add = true}
        %dma_wait3A_281 = arith.constant 0 : i32
        %dma_wait3A_282 = arith.constant 0 : i32
        %dma_wait3A_283 = tpu.memref_slice %arg10[%run_scoped3A_247, %dma_wait3A_281, %dma_wait3A_282] : memref<2x128x128xf32, #tpu.memory_space<vmem>> -> memref<1x128x128xf32, #tpu.memory_space<vmem>>
        %dma_wait3A_284 = tpu.memref_squeeze %dma_wait3A_283 : memref<1x128x128xf32, #tpu.memory_space<vmem>> -> memref<128x128xf32, #tpu.memory_space<vmem>>
        %dma_wait3A_285 = arith.constant 0 : i32
        %dma_wait3A_286 = tpu.memref_slice %arg9[%run_scoped3A_248, %run_scoped3A_249, %dma_wait3A_285] : memref<2x4x128xi32, #tpu.memory_space<vmem>> -> memref<1x1x128xi32, #tpu.memory_space<vmem>>
        %dma_wait3A_287 = tpu.memref_squeeze %dma_wait3A_286 : memref<1x1x128xi32, #tpu.memory_space<vmem>> -> memref<128xi32, #tpu.memory_space<vmem>>
        %dma_wait3A_288 = arith.constant 0 : i32
        %dma_wait3A_289 = arith.constant 0 : i32
        %dma_wait3A_290 = tpu.memref_slice %arg7[%dma_wait3A_288, %dma_wait3A_289] : memref<10240x128xf32, #tpu.memory_space<vmem_shared>> -> memref<10240x128xf32, #tpu.memory_space<vmem_shared>>
        tpu.wait_indirect_dma semaphore(%run_scoped3A_270 : memref<!tpu.dma_semaphore, #tpu.memory_space<semaphore_mem>>) src(%dma_wait3A_284 : memref<128x128xf32, #tpu.memory_space<vmem>>) dst(%dma_wait3A_290 : memref<10240x128xf32, #tpu.memory_space<vmem_shared>>)
        tpu.yield
      }) : () -> ()
      %dma_wait3A_250 = arith.constant 1 : i32
      %dma_wait3A_251 = arith.constant 3 : i32
      %dma_wait3A_252 = arith.constant 1 : i32
      %dma_wait3A_253 = arith.constant 0 : i32
      %dma_wait3A_254 = arith.constant 0 : i32
      %dma_wait3A_255 = tpu.memref_slice %arg10[%dma_wait3A_252, %dma_wait3A_253, %dma_wait3A_254] : memref<2x128x128xf32, #tpu.memory_space<vmem>> -> memref<1x128x128xf32, #tpu.memory_space<vmem>>
      %dma_wait3A_256 = tpu.memref_squeeze %dma_wait3A_255 : memref<1x128x128xf32, #tpu.memory_space<vmem>> -> memref<128x128xf32, #tpu.memory_space<vmem>>
      %dma_wait3A_257 = arith.constant 0 : i32
      %dma_wait3A_258 = tpu.memref_slice %arg8[%dma_wait3A_250, %dma_wait3A_251, %dma_wait3A_257] : memref<2x4x128xi32, #tpu.memory_space<vmem>> -> memref<1x1x128xi32, #tpu.memory_space<vmem>>
      %dma_wait3A_259 = tpu.memref_squeeze %dma_wait3A_258 : memref<1x1x128xi32, #tpu.memory_space<vmem>> -> memref<128xi32, #tpu.memory_space<vmem>>
      %dma_wait3A_260 = arith.constant 0 : i32
      %dma_wait3A_261 = arith.constant 0 : i32
      %dma_wait3A_262 = tpu.memref_slice %arg2[%dma_wait3A_260, %dma_wait3A_261] : memref<10240x128xf32, #tpu.memory_space<hbm>> -> memref<10240x128xf32, #tpu.memory_space<hbm>>
      tpu.wait_indirect_dma semaphore(%arg13 : memref<!tpu.dma_semaphore, #tpu.memory_space<semaphore_mem>>) src(%dma_wait3A_262 : memref<10240x128xf32, #tpu.memory_space<hbm>>) dst(%dma_wait3A_256 : memref<128x128xf32, #tpu.memory_space<vmem>>)
      %lt3A_263 = arith.cmpi slt, %add3A_158, %select_n3A : i32
      %convert_element_type3A_264 = arith.extui %lt3A_263 : i1 to i32
      %cond3A_265 = arith.constant 0 : i32
      %cond3A_266 = arith.cmpi ne, %convert_element_type3A_264, %cond3A_265 : i32
      scf.if %cond3A_266 {
        %add3A_270 = arith.addi %select_n3A_10, %add3A_158 : i32
        %dma_wait3A_271 = arith.constant 0 : i32
        %dma_wait3A_272 = arith.constant 0 : i32
        %dma_wait3A_273 = arith.constant 0 : i32
        %dma_wait3A_274 = tpu.memref_slice %arg8[%dma_wait3A_271, %dma_wait3A_272, %dma_wait3A_273] : memref<2x4x128xi32, #tpu.memory_space<vmem>> -> memref<1x4x128xi32, #tpu.memory_space<vmem>>
        %dma_wait3A_275 = tpu.memref_squeeze %dma_wait3A_274 : memref<1x4x128xi32, #tpu.memory_space<vmem>> -> memref<4x128xi32, #tpu.memory_space<vmem>>
        %dma_wait3A_276 = arith.constant 0 : i32
        %dma_wait3A_277 = tpu.memref_slice %arg3[%add3A_270, %dma_wait3A_276] : memref<2560x128xi32, #tpu.memory_space<hbm>> -> memref<4x128xi32, #tpu.memory_space<hbm>>
        %dma_wait3A_278 = arith.constant 0 : i32
        %dma_wait3A_279 = arith.constant 0 : i32
        %dma_wait3A_280 = tpu.memref_slice %arg8[%dma_wait3A_271, %dma_wait3A_278, %dma_wait3A_279] : memref<2x4x128xi32, #tpu.memory_space<vmem>> -> memref<1x4x128xi32, #tpu.memory_space<vmem>>
        %dma_wait3A_281 = tpu.memref_squeeze %dma_wait3A_280 : memref<1x4x128xi32, #tpu.memory_space<vmem>> -> memref<4x128xi32, #tpu.memory_space<vmem>>
        %dma_wait3A_282 = arith.constant 0 : i32
        %dma_wait3A_283 = tpu.memref_slice %arg3[%add3A_270, %dma_wait3A_282] : memref<2560x128xi32, #tpu.memory_space<hbm>> -> memref<4x128xi32, #tpu.memory_space<hbm>>
        tpu.wait_dma2 semaphore(%arg11 : memref<!tpu.dma_semaphore, #tpu.memory_space<semaphore_mem>>) src(%dma_wait3A_283 : memref<4x128xi32, #tpu.memory_space<hbm>>) dst(%dma_wait3A_281 : memref<4x128xi32, #tpu.memory_space<vmem>>)
        %add3A_284 = arith.addi %select_n3A_10, %add3A_158 : i32
        %dma_wait3A_285 = arith.constant 0 : i32
        %dma_wait3A_286 = arith.constant 0 : i32
        %dma_wait3A_287 = arith.constant 0 : i32
        %dma_wait3A_288 = tpu.memref_slice %arg9[%dma_wait3A_285, %dma_wait3A_286, %dma_wait3A_287] : memref<2x4x128xi32, #tpu.memory_space<vmem>> -> memref<1x4x128xi32, #tpu.memory_space<vmem>>
        %dma_wait3A_289 = tpu.memref_squeeze %dma_wait3A_288 : memref<1x4x128xi32, #tpu.memory_space<vmem>> -> memref<4x128xi32, #tpu.memory_space<vmem>>
        %dma_wait3A_290 = arith.constant 0 : i32
        %dma_wait3A_291 = tpu.memref_slice %arg4[%add3A_284, %dma_wait3A_290] : memref<2560x128xi32, #tpu.memory_space<hbm>> -> memref<4x128xi32, #tpu.memory_space<hbm>>
        %dma_wait3A_292 = arith.constant 0 : i32
        %dma_wait3A_293 = arith.constant 0 : i32
        %dma_wait3A_294 = tpu.memref_slice %arg9[%dma_wait3A_285, %dma_wait3A_292, %dma_wait3A_293] : memref<2x4x128xi32, #tpu.memory_space<vmem>> -> memref<1x4x128xi32, #tpu.memory_space<vmem>>
        %dma_wait3A_295 = tpu.memref_squeeze %dma_wait3A_294 : memref<1x4x128xi32, #tpu.memory_space<vmem>> -> memref<4x128xi32, #tpu.memory_space<vmem>>
        %dma_wait3A_296 = arith.constant 0 : i32
        %dma_wait3A_297 = tpu.memref_slice %arg4[%add3A_284, %dma_wait3A_296] : memref<2560x128xi32, #tpu.memory_space<hbm>> -> memref<4x128xi32, #tpu.memory_space<hbm>>
        tpu.wait_dma2 semaphore(%arg11 : memref<!tpu.dma_semaphore, #tpu.memory_space<semaphore_mem>>) src(%dma_wait3A_297 : memref<4x128xi32, #tpu.memory_space<hbm>>) dst(%dma_wait3A_295 : memref<4x128xi32, #tpu.memory_space<vmem>>)
        %dma_start3A_298 = arith.constant 0 : i32
        %dma_start3A_299 = arith.constant 0 : i32
        %dma_start3A_300 = arith.constant 0 : i32
        %dma_start3A_301 = arith.constant 0 : i32
        %dma_start3A_302 = arith.constant 0 : i32
        %dma_start3A_303 = tpu.memref_slice %arg10[%dma_start3A_300, %dma_start3A_301, %dma_start3A_302] : memref<2x128x128xf32, #tpu.memory_space<vmem>> -> memref<1x128x128xf32, #tpu.memory_space<vmem>>
        %dma_start3A_304 = tpu.memref_squeeze %dma_start3A_303 : memref<1x128x128xf32, #tpu.memory_space<vmem>> -> memref<128x128xf32, #tpu.memory_space<vmem>>
        %dma_start3A_305 = arith.constant 0 : i32
        %dma_start3A_306 = tpu.memref_slice %arg8[%dma_start3A_298, %dma_start3A_299, %dma_start3A_305] : memref<2x4x128xi32, #tpu.memory_space<vmem>> -> memref<1x1x128xi32, #tpu.memory_space<vmem>>
        %dma_start3A_307 = tpu.memref_squeeze %dma_start3A_306 : memref<1x1x128xi32, #tpu.memory_space<vmem>> -> memref<128xi32, #tpu.memory_space<vmem>>
        %dma_start3A_308 = arith.constant 0 : i32
        %dma_start3A_309 = arith.constant 0 : i32
        %dma_start3A_310 = tpu.memref_slice %arg2[%dma_start3A_308, %dma_start3A_309] : memref<10240x128xf32, #tpu.memory_space<hbm>> -> memref<10240x128xf32, #tpu.memory_space<hbm>>
        tpu.enqueue_indirect_dma source(%dma_start3A_310 : memref<10240x128xf32, #tpu.memory_space<hbm>>) target(%dma_start3A_304 : memref<128x128xf32, #tpu.memory_space<vmem>>) offsets(%dma_start3A_307 : memref<128xi32, #tpu.memory_space<vmem>>) semaphore(%arg12 : memref<!tpu.dma_semaphore, #tpu.memory_space<semaphore_mem>>)
      } else {
      }
      %run_scoped3A_267 = arith.constant 1 : i32
      %run_scoped3A_268 = arith.constant 1 : i32
      %run_scoped3A_269 = arith.constant 3 : i32
      "tpu.region"() ({
        %run_scoped3A_270 = tpu.sem_alloc : memref<!tpu.dma_semaphore, #tpu.memory_space<semaphore_mem>>
        %dma_start3A_271 = arith.constant 0 : i32
        %dma_start3A_272 = arith.constant 0 : i32
        %dma_start3A_273 = tpu.memref_slice %arg10[%run_scoped3A_267, %dma_start3A_271, %dma_start3A_272] : memref<2x128x128xf32, #tpu.memory_space<vmem>> -> memref<1x128x128xf32, #tpu.memory_space<vmem>>
        %dma_start3A_274 = tpu.memref_squeeze %dma_start3A_273 : memref<1x128x128xf32, #tpu.memory_space<vmem>> -> memref<128x128xf32, #tpu.memory_space<vmem>>
        %dma_start3A_275 = arith.constant 0 : i32
        %dma_start3A_276 = tpu.memref_slice %arg9[%run_scoped3A_268, %run_scoped3A_269, %dma_start3A_275] : memref<2x4x128xi32, #tpu.memory_space<vmem>> -> memref<1x1x128xi32, #tpu.memory_space<vmem>>
        %dma_start3A_277 = tpu.memref_squeeze %dma_start3A_276 : memref<1x1x128xi32, #tpu.memory_space<vmem>> -> memref<128xi32, #tpu.memory_space<vmem>>
        %dma_start3A_278 = arith.constant 0 : i32
        %dma_start3A_279 = arith.constant 0 : i32
        %dma_start3A_280 = tpu.memref_slice %arg7[%dma_start3A_278, %dma_start3A_279] : memref<10240x128xf32, #tpu.memory_space<vmem_shared>> -> memref<10240x128xf32, #tpu.memory_space<vmem_shared>>
        tpu.enqueue_indirect_dma source(%dma_start3A_274 : memref<128x128xf32, #tpu.memory_space<vmem>>) target(%dma_start3A_280 : memref<10240x128xf32, #tpu.memory_space<vmem_shared>>) offsets(%dma_start3A_277 : memref<128xi32, #tpu.memory_space<vmem>>) semaphore(%run_scoped3A_270 : memref<!tpu.dma_semaphore, #tpu.memory_space<semaphore_mem>>) {add = true}
        %dma_wait3A_281 = arith.constant 0 : i32
        %dma_wait3A_282 = arith.constant 0 : i32
        %dma_wait3A_283 = tpu.memref_slice %arg10[%run_scoped3A_267, %dma_wait3A_281, %dma_wait3A_282] : memref<2x128x128xf32, #tpu.memory_space<vmem>> -> memref<1x128x128xf32, #tpu.memory_space<vmem>>
        %dma_wait3A_284 = tpu.memref_squeeze %dma_wait3A_283 : memref<1x128x128xf32, #tpu.memory_space<vmem>> -> memref<128x128xf32, #tpu.memory_space<vmem>>
        %dma_wait3A_285 = arith.constant 0 : i32
        %dma_wait3A_286 = tpu.memref_slice %arg9[%run_scoped3A_268, %run_scoped3A_269, %dma_wait3A_285] : memref<2x4x128xi32, #tpu.memory_space<vmem>> -> memref<1x1x128xi32, #tpu.memory_space<vmem>>
        %dma_wait3A_287 = tpu.memref_squeeze %dma_wait3A_286 : memref<1x1x128xi32, #tpu.memory_space<vmem>> -> memref<128xi32, #tpu.memory_space<vmem>>
        %dma_wait3A_288 = arith.constant 0 : i32
        %dma_wait3A_289 = arith.constant 0 : i32
        %dma_wait3A_290 = tpu.memref_slice %arg7[%dma_wait3A_288, %dma_wait3A_289] : memref<10240x128xf32, #tpu.memory_space<vmem_shared>> -> memref<10240x128xf32, #tpu.memory_space<vmem_shared>>
        tpu.wait_indirect_dma semaphore(%run_scoped3A_270 : memref<!tpu.dma_semaphore, #tpu.memory_space<semaphore_mem>>) src(%dma_wait3A_284 : memref<128x128xf32, #tpu.memory_space<vmem>>) dst(%dma_wait3A_290 : memref<10240x128xf32, #tpu.memory_space<vmem_shared>>)
        tpu.yield
      }) : () -> ()
    }
    %barrier3A_40 = arith.constant 0 : index
    tpu.barrier barrier_id(%barrier3A_40)
    "tpu.region"() ({
      %run_scoped3A_41 = tpu.sem_alloc : memref<!tpu.dma_semaphore, #tpu.memory_space<semaphore_mem>>
      %dma_start3A_42 = arith.constant 0 : i32
      %dma_start3A_43 = tpu.memref_slice %arg6[%arg0, %mul3A_0, %dma_start3A_42] : memref<2x10240x128xf32, #tpu.memory_space<hbm>> -> memref<1x640x128xf32, #tpu.memory_space<hbm>>
      %dma_start3A_44 = tpu.memref_squeeze %dma_start3A_43 : memref<1x640x128xf32, #tpu.memory_space<hbm>> -> memref<640x128xf32, #tpu.memory_space<hbm>>
      %dma_start3A_45 = arith.constant 0 : i32
      %dma_start3A_46 = tpu.memref_slice %arg7[%mul3A_0, %dma_start3A_45] : memref<10240x128xf32, #tpu.memory_space<vmem_shared>> -> memref<640x128xf32, #tpu.memory_space<vmem_shared>>
      tpu.enqueue_dma source(%dma_start3A_46 : memref<640x128xf32, #tpu.memory_space<vmem_shared>>) target(%dma_start3A_44 : memref<640x128xf32, #tpu.memory_space<hbm>>) target_semaphore(%run_scoped3A_41 : memref<!tpu.dma_semaphore, #tpu.memory_space<semaphore_mem>>)
      %dma_wait3A = arith.constant 0 : i32
      %dma_wait3A_47 = tpu.memref_slice %arg6[%arg0, %mul3A_0, %dma_wait3A] : memref<2x10240x128xf32, #tpu.memory_space<hbm>> -> memref<1x640x128xf32, #tpu.memory_space<hbm>>
      %dma_wait3A_48 = tpu.memref_squeeze %dma_wait3A_47 : memref<1x640x128xf32, #tpu.memory_space<hbm>> -> memref<640x128xf32, #tpu.memory_space<hbm>>
      %dma_wait3A_49 = arith.constant 0 : i32
      %dma_wait3A_50 = tpu.memref_slice %arg7[%mul3A_0, %dma_wait3A_49] : memref<10240x128xf32, #tpu.memory_space<vmem_shared>> -> memref<640x128xf32, #tpu.memory_space<vmem_shared>>
      tpu.wait_dma2 semaphore(%run_scoped3A_41 : memref<!tpu.dma_semaphore, #tpu.memory_space<semaphore_mem>>) src(%dma_wait3A_50 : memref<640x128xf32, #tpu.memory_space<vmem_shared>>) dst(%dma_wait3A_48 : memref<640x128xf32, #tpu.memory_space<hbm>>)
      tpu.yield
    }) : () -> ()
    return
  }
}

module attributes {stable_mosaic.version = 14 : i64} {
  func.func @body(%arg0: i32, %arg1: memref<1024x128xf32, #tpu.memory_space<vmem>>, %arg2: memref<128x128xf32, #tpu.memory_space<vmem>>, %arg3: memref<1024x128xf32, #tpu.memory_space<vmem>>) attributes {dimension_semantics = [#tpu.dimension_semantics<arbitrary>], iteration_bounds = array<i64: 10>, scalar_prefetch = 0 : i64, scratch_operands = 0 : i64, tpu.core_type = #tpu.core_type<tc>, window_params = [{transform_indices = @transform_0, window_bounds = array<i64: 1024, 128>}, {pipeline_mode = #tpu.pipeline_mode<synchronous>, transform_indices = @transform_1, window_bounds = array<i64: 128, 128>}, {transform_indices = @transform_2, window_bounds = array<i64: 1024, 128>}]} {
    %get3A = arith.constant 0 : index
    %get3A_0 = arith.constant 0 : index
    %get3A_1 = vector.load %arg1[%get3A, %get3A_0] : memref<1024x128xf32, #tpu.memory_space<vmem>>, vector<1024x128xf32>
    %get3A_2 = arith.constant 0 : index
    %get3A_3 = arith.constant 0 : index
    %get3A_4 = vector.load %arg2[%get3A_2, %get3A_3] : memref<128x128xf32, #tpu.memory_space<vmem>>, vector<128x128xf32>
    %dot_general3A = arith.constant dense<0.000000e+00> : vector<1024x128xf32>
    %dot_general3A_5 = tpu.matmul %get3A_1, %get3A_4, %dot_general3A {dimension_numbers = #tpu.dot_dimension_numbers<[1], [0], [0], [1], [0, 0, 1, 1], [], []>, transpose_lhs_hint = false} : vector<1024x128xf32>, vector<128x128xf32>, vector<1024x128xf32> -> vector<1024x128xf32>
    %swap3A = arith.constant 0 : index
    %swap3A_6 = arith.constant 0 : index
    %swap3A_7 = vector.load %arg3[%swap3A, %swap3A_6] : memref<1024x128xf32, #tpu.memory_space<vmem>>, vector<1024x128xf32>
    tpu.vector_store %arg3[%swap3A, %swap3A_6], %dot_general3A_5 {strides = array<i32>} : memref<1024x128xf32, #tpu.memory_space<vmem>>, vector<1024x128xf32>,
    return
  }
  func.func @transform_0(%arg0: i32) -> (i32, i32) {
    %c0_i32 = arith.constant 0 : i32
    %c0_i32_0 = arith.constant 0 : i32
    return %arg0, %c0_i32 : i32, i32
  }
  func.func @transform_1(%arg0: i32) -> (i32, i32) {
    %c0_i32 = arith.constant 0 : i32
    %c0_i32_0 = arith.constant 0 : i32
    %c0_i32_1 = arith.constant 0 : i32
    return %c0_i32, %c0_i32_0 : i32, i32
  }
  func.func @transform_2(%arg0: i32) -> (i32, i32) {
    %c0_i32 = arith.constant 0 : i32
    %c0_i32_0 = arith.constant 0 : i32
    return %arg0, %c0_i32 : i32, i32
  }
}

module attributes {stable_mosaic.version = 14 : i64} {
  func.func @body(%arg0: i32, %arg1: memref<1024x128xf32, #tpu.memory_space<vmem>>, %arg2: memref<1024x128xf32, #tpu.memory_space<vmem>>, %arg3: memref<1024x128xf32, #tpu.memory_space<vmem>>, %arg4: memref<1024x128xf32, #tpu.memory_space<vmem>>) attributes {dimension_semantics = [#tpu.dimension_semantics<arbitrary>], iteration_bounds = array<i64: 10>, scalar_prefetch = 0 : i64, scratch_operands = 0 : i64, tpu.core_type = #tpu.core_type<tc>, window_params = [{transform_indices = @transform_0, window_bounds = array<i64: 1024, 128>}, {transform_indices = @transform_1, window_bounds = array<i64: 1024, 128>}, {transform_indices = @transform_2, window_bounds = array<i64: 1024, 128>}, {transform_indices = @transform_3, window_bounds = array<i64: 1024, 128>}]} {
    %get3A = arith.constant 0 : index
    %get3A_0 = arith.constant 0 : index
    %get3A_1 = vector.load %arg2[%get3A, %get3A_0] : memref<1024x128xf32, #tpu.memory_space<vmem>>, vector<1024x1xf32>
    %get3A_2 = arith.constant 0 : index
    %get3A_3 = arith.constant 0 : index
    %get3A_4 = vector.load %arg3[%get3A_2, %get3A_3] : memref<1024x128xf32, #tpu.memory_space<vmem>>, vector<1024x1xf32>
    %add3A = arith.addf %get3A_1, %get3A_4 : vector<1024x1xf32>
    %add3A_5 = arith.constant 1.000000e+00 : f32
    %add3A_6 = vector.broadcast %add3A_5 : f32 to vector<1024x1xf32>
    %add3A_7 = arith.addf %add3A, %add3A_6 : vector<1024x1xf32>
    %rsqrt3A = math.rsqrt %add3A_7 : vector<1024x1xf32>
    %get3A_8 = arith.constant 0 : index
    %get3A_9 = arith.constant 0 : index
    %get3A_10 = vector.load %arg1[%get3A_8, %get3A_9] : memref<1024x128xf32, #tpu.memory_space<vmem>>, vector<1024x128xf32>
    %mul3A = vector.broadcast %rsqrt3A : vector<1024x1xf32> to vector<1024x128xf32>
    %mul3A_11 = arith.mulf %mul3A, %get3A_10 : vector<1024x128xf32>
    %swap3A = arith.constant 0 : index
    %swap3A_12 = arith.constant 0 : index
    %swap3A_13 = vector.load %arg4[%swap3A, %swap3A_12] : memref<1024x128xf32, #tpu.memory_space<vmem>>, vector<1024x128xf32>
    tpu.vector_store %arg4[%swap3A, %swap3A_12], %mul3A_11 {strides = array<i32>} : memref<1024x128xf32, #tpu.memory_space<vmem>>, vector<1024x128xf32>,
    return
  }
  func.func @transform_0(%arg0: i32) -> (i32, i32) {
    %c0_i32 = arith.constant 0 : i32
    %c0_i32_0 = arith.constant 0 : i32
    return %arg0, %c0_i32 : i32, i32
  }
  func.func @transform_1(%arg0: i32) -> (i32, i32) {
    %c0_i32 = arith.constant 0 : i32
    %c0_i32_0 = arith.constant 0 : i32
    return %arg0, %c0_i32 : i32, i32
  }
  func.func @transform_2(%arg0: i32) -> (i32, i32) {
    %c0_i32 = arith.constant 0 : i32
    %c0_i32_0 = arith.constant 0 : i32
    return %arg0, %c0_i32 : i32, i32
  }
  func.func @transform_3(%arg0: i32) -> (i32, i32) {
    %c0_i32 = arith.constant 0 : i32
    %c0_i32_0 = arith.constant 0 : i32
    return %arg0, %c0_i32 : i32, i32
  }
}

module attributes {stable_mosaic.version = 14 : i64} {
  func.func @body(%arg0: i32, %arg1: memref<1024x128xf32, #tpu.memory_space<vmem>>, %arg2: memref<1024x128xf32, #tpu.memory_space<vmem>>, %arg3: memref<1024x128xf32, #tpu.memory_space<vmem>>, %arg4: memref<1024x128xf32, #tpu.memory_space<vmem>>, %arg5: memref<1024x128xf32, #tpu.memory_space<vmem>>, %arg6: memref<1x128xf32, #tpu.memory_space<vmem>>, %arg7: memref<128x128xf32, #tpu.memory_space<vmem>>, %arg8: memref<1024x128xf32, #tpu.memory_space<vmem>>) attributes {dimension_semantics = [#tpu.dimension_semantics<arbitrary>], iteration_bounds = array<i64: 10>, scalar_prefetch = 0 : i64, scratch_operands = 0 : i64, tpu.core_type = #tpu.core_type<tc>, window_params = [{transform_indices = @transform_0, window_bounds = array<i64: 1024, 128>}, {transform_indices = @transform_1, window_bounds = array<i64: 1024, 128>}, {transform_indices = @transform_2, window_bounds = array<i64: 1024, 128>}, {transform_indices = @transform_3, window_bounds = array<i64: 1024, 128>}, {transform_indices = @transform_4, window_bounds = array<i64: 1024, 128>}, {pipeline_mode = #tpu.pipeline_mode<synchronous>, transform_indices = @transform_5, window_bounds = array<i64: 1, 128>}, {pipeline_mode = #tpu.pipeline_mode<synchronous>, transform_indices = @transform_6, window_bounds = array<i64: 128, 128>}, {transform_indices = @transform_7, window_bounds = array<i64: 1024, 128>}]} {
    %get3A = arith.constant 0 : index
    %get3A_0 = arith.constant 0 : index
    %get3A_1 = vector.load %arg4[%get3A, %get3A_0] : memref<1024x128xf32, #tpu.memory_space<vmem>>, vector<1024x1xf32>
    %get3A_2 = arith.constant 0 : index
    %get3A_3 = arith.constant 0 : index
    %get3A_4 = vector.load %arg5[%get3A_2, %get3A_3] : memref<1024x128xf32, #tpu.memory_space<vmem>>, vector<1024x1xf32>
    %add3A = arith.addf %get3A_1, %get3A_4 : vector<1024x1xf32>
    %add3A_5 = arith.constant 1.000000e+00 : f32
    %add3A_6 = vector.broadcast %add3A_5 : f32 to vector<1024x1xf32>
    %add3A_7 = arith.addf %add3A, %add3A_6 : vector<1024x1xf32>
    %rsqrt3A = math.rsqrt %add3A_7 : vector<1024x1xf32>
    %get3A_8 = arith.constant 0 : index
    %get3A_9 = arith.constant 0 : index
    %get3A_10 = vector.load %arg1[%get3A_8, %get3A_9] : memref<1024x128xf32, #tpu.memory_space<vmem>>, vector<1024x128xf32>
    %get3A_11 = arith.constant 0 : index
    %get3A_12 = arith.constant 0 : index
    %get3A_13 = vector.load %arg2[%get3A_11, %get3A_12] : memref<1024x128xf32, #tpu.memory_space<vmem>>, vector<1024x128xf32>
    %add3A_14 = arith.addf %get3A_10, %get3A_13 : vector<1024x128xf32>
    %get3A_15 = arith.constant 0 : index
    %get3A_16 = arith.constant 0 : index
    %get3A_17 = vector.load %arg3[%get3A_15, %get3A_16] : memref<1024x128xf32, #tpu.memory_space<vmem>>, vector<1024x128xf32>
    %add3A_18 = arith.addf %add3A_14, %get3A_17 : vector<1024x128xf32>
    %mul3A = vector.broadcast %rsqrt3A : vector<1024x1xf32> to vector<1024x128xf32>
    %mul3A_19 = arith.mulf %mul3A, %add3A_18 : vector<1024x128xf32>
    %get3A_20 = arith.constant 0 : index
    %get3A_21 = arith.constant 0 : index
    %get3A_22 = vector.load %arg6[%get3A_20, %get3A_21] : memref<1x128xf32, #tpu.memory_space<vmem>>, vector<1x128xf32>
    %add3A_23 = vector.broadcast %get3A_22 : vector<1x128xf32> to vector<1024x128xf32>
    %add3A_24 = arith.addf %mul3A_19, %add3A_23 : vector<1024x128xf32>
    %max3A = arith.constant 0.000000e+00 : f32
    %max3A_25 = vector.broadcast %max3A : f32 to vector<1024x128xf32>
    %max3A_26 = arith.maximumf %add3A_24, %max3A_25 : vector<1024x128xf32>
    %get3A_27 = arith.constant 0 : index
    %get3A_28 = arith.constant 0 : index
    %get3A_29 = vector.load %arg7[%get3A_27, %get3A_28] : memref<128x128xf32, #tpu.memory_space<vmem>>, vector<128x128xf32>
    %dot_general3A = arith.constant dense<0.000000e+00> : vector<1024x128xf32>
    %dot_general3A_30 = tpu.matmul %max3A_26, %get3A_29, %dot_general3A {dimension_numbers = #tpu.dot_dimension_numbers<[1], [0], [0], [1], [0, 0, 1, 1], [], []>, transpose_lhs_hint = false} : vector<1024x128xf32>, vector<128x128xf32>, vector<1024x128xf32> -> vector<1024x128xf32>
    %mul3A_31 = vector.broadcast %rsqrt3A : vector<1024x1xf32> to vector<1024x128xf32>
    %mul3A_32 = arith.mulf %mul3A_31, %dot_general3A_30 : vector<1024x128xf32>
    %swap3A = arith.constant 0 : index
    %swap3A_33 = arith.constant 0 : index
    %swap3A_34 = vector.load %arg8[%swap3A, %swap3A_33] : memref<1024x128xf32, #tpu.memory_space<vmem>>, vector<1024x128xf32>
    tpu.vector_store %arg8[%swap3A, %swap3A_33], %mul3A_32 {strides = array<i32>} : memref<1024x128xf32, #tpu.memory_space<vmem>>, vector<1024x128xf32>,
    return
  }
  func.func @transform_0(%arg0: i32) -> (i32, i32) {
    %c0_i32 = arith.constant 0 : i32
    %c0_i32_0 = arith.constant 0 : i32
    return %arg0, %c0_i32 : i32, i32
  }
  func.func @transform_1(%arg0: i32) -> (i32, i32) {
    %c0_i32 = arith.constant 0 : i32
    %c0_i32_0 = arith.constant 0 : i32
    return %arg0, %c0_i32 : i32, i32
  }
  func.func @transform_2(%arg0: i32) -> (i32, i32) {
    %c0_i32 = arith.constant 0 : i32
    %c0_i32_0 = arith.constant 0 : i32
    return %arg0, %c0_i32 : i32, i32
  }
  func.func @transform_3(%arg0: i32) -> (i32, i32) {
    %c0_i32 = arith.constant 0 : i32
    %c0_i32_0 = arith.constant 0 : i32
    return %arg0, %c0_i32 : i32, i32
  }
  func.func @transform_4(%arg0: i32) -> (i32, i32) {
    %c0_i32 = arith.constant 0 : i32
    %c0_i32_0 = arith.constant 0 : i32
    return %arg0, %c0_i32 : i32, i32
  }
  func.func @transform_5(%arg0: i32) -> (i32, i32) {
    %c0_i32 = arith.constant 0 : i32
    %c0_i32_0 = arith.constant 0 : i32
    %c0_i32_1 = arith.constant 0 : i32
    return %c0_i32, %c0_i32_0 : i32, i32
  }
  func.func @transform_6(%arg0: i32) -> (i32, i32) {
    %c0_i32 = arith.constant 0 : i32
    %c0_i32_0 = arith.constant 0 : i32
    %c0_i32_1 = arith.constant 0 : i32
    return %c0_i32, %c0_i32_0 : i32, i32
  }
  func.func @transform_7(%arg0: i32) -> (i32, i32) {
    %c0_i32 = arith.constant 0 : i32
    %c0_i32_0 = arith.constant 0 : i32
    return %arg0, %c0_i32 : i32, i32
  }
}

module attributes {stable_mosaic.version = 14 : i64} {
  func.func @body(%arg0: i32, %arg1: memref<1024x128xf32, #tpu.memory_space<vmem>>, %arg2: memref<1024x128xf32, #tpu.memory_space<vmem>>, %arg3: memref<1024x128xf32, #tpu.memory_space<vmem>>, %arg4: memref<1024x128xf32, #tpu.memory_space<vmem>>, %arg5: memref<1024x128xf32, #tpu.memory_space<vmem>>, %arg6: memref<1x128xf32, #tpu.memory_space<vmem>>, %arg7: memref<1024x128xf32, #tpu.memory_space<vmem>>) attributes {dimension_semantics = [#tpu.dimension_semantics<arbitrary>], iteration_bounds = array<i64: 10>, scalar_prefetch = 0 : i64, scratch_operands = 0 : i64, tpu.core_type = #tpu.core_type<tc>, window_params = [{transform_indices = @transform_0, window_bounds = array<i64: 1024, 128>}, {transform_indices = @transform_1, window_bounds = array<i64: 1024, 128>}, {transform_indices = @transform_2, window_bounds = array<i64: 1024, 128>}, {transform_indices = @transform_3, window_bounds = array<i64: 1024, 128>}, {transform_indices = @transform_4, window_bounds = array<i64: 1024, 128>}, {pipeline_mode = #tpu.pipeline_mode<synchronous>, transform_indices = @transform_5, window_bounds = array<i64: 1, 128>}, {transform_indices = @transform_6, window_bounds = array<i64: 1024, 128>}]} {
    %get3A = arith.constant 0 : index
    %get3A_0 = arith.constant 0 : index
    %get3A_1 = vector.load %arg4[%get3A, %get3A_0] : memref<1024x128xf32, #tpu.memory_space<vmem>>, vector<1024x1xf32>
    %get3A_2 = arith.constant 0 : index
    %get3A_3 = arith.constant 0 : index
    %get3A_4 = vector.load %arg5[%get3A_2, %get3A_3] : memref<1024x128xf32, #tpu.memory_space<vmem>>, vector<1024x1xf32>
    %add3A = arith.addf %get3A_1, %get3A_4 : vector<1024x1xf32>
    %add3A_5 = arith.constant 1.000000e+00 : f32
    %add3A_6 = vector.broadcast %add3A_5 : f32 to vector<1024x1xf32>
    %add3A_7 = arith.addf %add3A, %add3A_6 : vector<1024x1xf32>
    %rsqrt3A = math.rsqrt %add3A_7 : vector<1024x1xf32>
    %get3A_8 = arith.constant 0 : index
    %get3A_9 = arith.constant 0 : index
    %get3A_10 = vector.load %arg1[%get3A_8, %get3A_9] : memref<1024x128xf32, #tpu.memory_space<vmem>>, vector<1024x128xf32>
    %get3A_11 = arith.constant 0 : index
    %get3A_12 = arith.constant 0 : index
    %get3A_13 = vector.load %arg2[%get3A_11, %get3A_12] : memref<1024x128xf32, #tpu.memory_space<vmem>>, vector<1024x128xf32>
    %add3A_14 = arith.addf %get3A_10, %get3A_13 : vector<1024x128xf32>
    %get3A_15 = arith.constant 0 : index
    %get3A_16 = arith.constant 0 : index
    %get3A_17 = vector.load %arg3[%get3A_15, %get3A_16] : memref<1024x128xf32, #tpu.memory_space<vmem>>, vector<1024x128xf32>
    %add3A_18 = arith.addf %add3A_14, %get3A_17 : vector<1024x128xf32>
    %mul3A = vector.broadcast %rsqrt3A : vector<1024x1xf32> to vector<1024x128xf32>
    %mul3A_19 = arith.mulf %mul3A, %add3A_18 : vector<1024x128xf32>
    %get3A_20 = arith.constant 0 : index
    %get3A_21 = arith.constant 0 : index
    %get3A_22 = vector.load %arg6[%get3A_20, %get3A_21] : memref<1x128xf32, #tpu.memory_space<vmem>>, vector<1x128xf32>
    %add3A_23 = vector.broadcast %get3A_22 : vector<1x128xf32> to vector<1024x128xf32>
    %add3A_24 = arith.addf %mul3A_19, %add3A_23 : vector<1024x128xf32>
    %swap3A = arith.constant 0 : index
    %swap3A_25 = arith.constant 0 : index
    %swap3A_26 = vector.load %arg7[%swap3A, %swap3A_25] : memref<1024x128xf32, #tpu.memory_space<vmem>>, vector<1024x128xf32>
    tpu.vector_store %arg7[%swap3A, %swap3A_25], %add3A_24 {strides = array<i32>} : memref<1024x128xf32, #tpu.memory_space<vmem>>, vector<1024x128xf32>,
    return
  }
  func.func @transform_0(%arg0: i32) -> (i32, i32) {
    %c0_i32 = arith.constant 0 : i32
    %c0_i32_0 = arith.constant 0 : i32
    return %arg0, %c0_i32 : i32, i32
  }
  func.func @transform_1(%arg0: i32) -> (i32, i32) {
    %c0_i32 = arith.constant 0 : i32
    %c0_i32_0 = arith.constant 0 : i32
    return %arg0, %c0_i32 : i32, i32
  }
  func.func @transform_2(%arg0: i32) -> (i32, i32) {
    %c0_i32 = arith.constant 0 : i32
    %c0_i32_0 = arith.constant 0 : i32
    return %arg0, %c0_i32 : i32, i32
  }
  func.func @transform_3(%arg0: i32) -> (i32, i32) {
    %c0_i32 = arith.constant 0 : i32
    %c0_i32_0 = arith.constant 0 : i32
    return %arg0, %c0_i32 : i32, i32
  }
  func.func @transform_4(%arg0: i32) -> (i32, i32) {
    %c0_i32 = arith.constant 0 : i32
    %c0_i32_0 = arith.constant 0 : i32
    return %arg0, %c0_i32 : i32, i32
  }
  func.func @transform_5(%arg0: i32) -> (i32, i32) {
    %c0_i32 = arith.constant 0 : i32
    %c0_i32_0 = arith.constant 0 : i32
    %c0_i32_1 = arith.constant 0 : i32
    return %c0_i32, %c0_i32_0 : i32, i32
  }
  func.func @transform_6(%arg0: i32) -> (i32, i32) {
    %c0_i32 = arith.constant 0 : i32
    %c0_i32_0 = arith.constant 0 : i32
    return %arg0, %c0_i32 : i32, i32
  }
}

</mosaic_0001>

<sc_bundles>
// kernel: kernel.12.cloned.1.call-start
scs
__scs_entry_jumppad:
0x0: {  	(pc) =	sbr.rel $0x88, $3  }
0x1: {  	(tag) =	ssettag $0x0;
	lr =	simm.s32 $0x1  }
0x2: {  	[smem:$0x3F9B] =	sst lr;
	_ =	strace $0xD0000000  }
0x3: {  	_ = 	snop  }
0x4: {  	_ = 	snop  }
0x5: {  	_ = 	snop  }
0x6: {  	_ = 	snop  }
0x7: {  	_ = 	snop  }
__scs_overlays_trampoline_lowered:
0x8: {  	[smem:$0x3FAA] =	sst s0  }
0x9: {  	[smem:$0x3FAB] =	sst s1  }
0xa: {  	[smem:$0x3FAC] =	sst s2  }
0xb: {  	[smem:$0x3FAD] =	sst s3  }
0xc: {  	[smem:$0x3FAE] =	sst s4  }
0xd: {  	[smem:$0x3FAF] =	sst s5  }
0xe: {  	[smem:$0x3FB0] =	sst s6  }
0xf: {  	[smem:$0x3FB1] =	sst s7  }
0x10: {  	[smem:$0x3FB2] =	sst s8  }
0x11: {  	[smem:$0x3FB3] =	sst s9;
	s0 =	simm.s32 @!p0 $0x0  }
0x12: {  	s1 =	sld [smem:$0x3F99];
	s0 =	simm.s32 @p0 $0x1  }
0x13: {  	[smem:$0x3FB4] =	sst s0;
	s0 =	simm.s32 @!p1 $0x0  }
0x14: {  	s2 =	sld [smem:$0x3F98];
	s0 =	simm.s32 @p1 $0x1  }
0x15: {  	[smem:$0x3FB5] =	sst s0;
	s0 =	simm.s32 @!p2 $0x0  }
0x16: {  	s3 =	sld [smem:$0x3FDB];
	s0 =	simm.s32 @p2 $0x1  }
0x17: {  	s4 =	simm.s32 $0x1BF5;
	[smem:$0x3FB7] =	sst s0  }
0x18: {  	s0 =	sld [smem:$0x3F9A];
	_ =	swait.ge [sflag:s4], $0x0  }
0x19: {  	s7 =	sld [smem:$0x3F9B]  }
0x1a: {  	s8 =	sadd.s32 $0xFFFFE003, lr  }
0x1b: {  	s9 =	sadd.s32 $0xFFFFFEF7, lr;
	s5 =	simm.s32 $0xFFFFFFFF;
	p2 =	slt.u32 s8, $0xFFFFF086  }
0x1c: {  	p1 =	slt.u32 s9, $0xF7A;
	s5 =	simm.s32 @!p2 $0x0  }
0x1d: {  	s5 =	simm.s32 @p1 $0x1;
	p0 =	seq.s32 s7, s2  }
0x1e: {  	s7 =	smul.u32 @!p0 $0xF7A, s2;
	p2 =	seq.s32 @!p0 s5, $0x0  }
0x1f: {  	s9 =	smul.u32 $0xF7A, s1;
	s8 =	simm.s32 @!p0 $0x1BF5;
	p2 =	por !p2, p0  }
0x20: {  	[sflag:s8] =	ssyncset.s32 @!p0 $0xFFFFF086;
	s6 =	sadd.s32 @!p0 s3, s7;
	s7 =	simm.s32 @!p0 $0x108  }
0x21: {  	s3 =	sadd.s32 s3, s9;
	s6 =	sadd.s32 @!p0 $0x88, s6;
	s7 =	simm.s32 @p2 $0x1082  }
0x22: {  	[simem:s7], [sflag:s8] =	dma.local @!p0 [hbm:s6], $0xF7A  }
0x23: {  	s9 =	sor.u32 $0xD0000000, s2;
	s6 =	simm.s32 $0x108;
	_ =	swait.ge @!p0 [sflag:s8], $0x0  }
0x24: {  	s3 =	sadd.s32 $0x88, s3;
	s6 =	simm.s32 @!p1 $0x1082;
	[sflag:s4] =	ssyncset.s32 $0xFFFFF086  }
0x25: {  	[simem:s6], [sflag:s4] =	dma.local [hbm:s3], $0xF7A  }
0x26: {  	[smem:$0x3F9B] =	sst s1;
	(tag) =	ssettag s2;
	_ =	strace s9  }
0x27: {  	s1 =	sld [smem:$0x3FAB]  }
0x28: {  	s2 =	sld [smem:$0x3FAC]  }
0x29: {  	s4 =	sld [smem:$0x3FAE]  }
0x2a: {  	p0 =	seq.s32 s5, $0x0;
	s5 =	sld [smem:$0x3FAF]  }
0x2b: {  	s6 =	sld [smem:$0x3FB0]  }
0x2c: {  	s7 =	sld [smem:$0x3FB1]  }
0x2d: {  	s3 =	simm.s32 $0x108;
	s8 =	sld [smem:$0x3FB2]  }
0x2e: {  	s3 =	simm.s32 @!p0 $0x1082;
	s9 =	sld [smem:$0x3FB3]  }
0x2f: {  	lr =	sadd.s32 s0, s3;
	s0 =	sld [smem:$0x3FAA]  }
0x30: {  	s3 =	sld [smem:$0x3FAD]  }
0x31: {  	[smem:$0x3FB6] =	sst s10  }
0x32: {  	s10 =	sld [smem:$0x3FB4];
	_ =	sdelay $0x3  }
0x33: {  	p0 =	seq.s32 s10, $0x1;
	s10 =	sld [smem:$0x3FB6];
	_ =	sdelay $0x3  }
0x34: {  	[smem:$0x3FB6] =	sst s10  }
0x35: {  	s10 =	sld [smem:$0x3FB5];
	_ =	sdelay $0x3  }
0x36: {  	p1 =	seq.s32 s10, $0x1;
	s10 =	sld [smem:$0x3FB6];
	_ =	sdelay $0x3  }
0x37: {  	[smem:$0x3FB6] =	sst s10  }
0x38: {  	s10 =	sld [smem:$0x3FB7]  }
0x39: {  	_ = 	snop;
	(pc) =	sbr.ind lr, $3  }
0x3a: {  	_ = 	snop  }
0x3b: {  	_ = 	snop  }
0x3c: {  	p2 =	seq.s32 s10, $0x1;
	s10 =	sld [smem:$0x3FB6]  }
0x3d: {  	_ =	shalt  }
0x3e: {  	_ =	shalt  }
0x3f: {  	_ =	shalt  }
0x40: {  	_ =	shalt  }
0x41: {  	_ =	shalt  }
0x42: {  	_ =	shalt  }
0x43: {  	_ =	shalt  }
0x44: {  	_ =	shalt  }
0x45: {  	_ =	shalt  }
0x46: {  	_ =	shalt  }
0x47: {  	_ =	shalt  }
0x48: {  	_ =	shalt  }
0x49: {  	_ =	shalt  }
0x4a: {  	_ =	shalt  }
0x4b: {  	_ =	shalt  }
0x4c: {  	_ =	shalt  }
0x4d: {  	_ =	shalt  }
0x4e: {  	_ =	shalt  }
0x4f: {  	_ =	shalt  }
0x50: {  	_ =	shalt  }
0x51: {  	_ =	shalt  }
0x52: {  	_ =	shalt  }
0x53: {  	_ =	shalt  }
0x54: {  	_ =	shalt  }
0x55: {  	_ =	shalt  }
0x56: {  	_ =	shalt  }
0x57: {  	_ =	shalt  }
0x58: {  	_ =	shalt  }
0x59: {  	_ =	shalt  }
0x5a: {  	_ =	shalt  }
0x5b: {  	_ =	shalt  }
0x5c: {  	_ =	shalt  }
0x5d: {  	_ =	shalt  }
0x5e: {  	_ =	shalt  }
0x5f: {  	_ =	shalt  }
0x60: {  	_ =	shalt  }
0x61: {  	_ =	shalt  }
0x62: {  	_ =	shalt  }
0x63: {  	_ =	shalt  }
0x64: {  	_ =	shalt  }
0x65: {  	_ =	shalt  }
0x66: {  	_ =	shalt  }
0x67: {  	_ =	shalt  }
0x68: {  	_ =	shalt  }
0x69: {  	_ =	shalt  }
0x6a: {  	_ =	shalt  }
0x6b: {  	_ =	shalt  }
0x6c: {  	_ =	shalt  }
0x6d: {  	_ =	shalt  }
0x6e: {  	_ =	shalt  }
0x6f: {  	_ =	shalt  }
0x70: {  	_ =	shalt  }
0x71: {  	_ =	shalt  }
0x72: {  	_ =	shalt  }
0x73: {  	_ =	shalt  }
0x74: {  	_ =	shalt  }
0x75: {  	_ =	shalt  }
0x76: {  	_ =	shalt  }
0x77: {  	_ =	shalt  }
0x78: {  	_ =	shalt  }
0x79: {  	_ =	shalt  }
0x7a: {  	_ =	shalt  }
0x7b: {  	_ =	shalt  }
0x7c: {  	_ =	shalt  }
0x7d: {  	_ =	shalt  }
0x7e: {  	_ =	shalt  }
0x7f: {  	_ =	shalt  }
0x80: {  	_ =	shalt  }
0x81: {  	_ =	shalt  }
0x82: {  	_ =	shalt  }
0x83: {  	_ =	shalt  }
0x84: {  	_ =	shalt  }
0x85: {  	_ =	shalt  }
0x86: {  	_ =	shalt  }
0x87: {  	_ =	shalt  }
.Lfunc_end0:
.L_simem_size_0:
called_computation.1_lowered:
.L_overlay_start_0:
0x88: {  	s2 =	sld [smem:$0x3FD9]  }
0x89: {  	s3 =	sld [smem:$0x3FFE];
	_ =	sdelay $0x1  }
0x8a: {  	s1 =	srdreg.scid  }
0x8b: {  	s0 =	sand.u32 $0x1, s1  }
0x8c: {  	s17 =	sshll.u32 s0, $0xA;
	s2 =	sadd.s32 s3, s2  }
0x8d: {  	s2 =	sadd.s32 s2, s17  }
0x8e: {  	[smem:$0x3FC2] =	sst s2  }
0x8f: {  	_ = 	snop  }
0x90: {  	s2 =	sld [smem:$0x3FD0];
	(tm) =	ssettm $0x1  }
0x91: {  	s18 =	sld [smem:$0x3FFB];
	_ =	sdelay $0x3  }
0x92: {  	_ =	strace s18  }
0x93: {  	s3 =	sld [smem:$0x3FFC];
	_ =	sdelay $0x3  }
0x94: {  	_ =	strace s3  }
0x95: {  	s3 =	sld [smem:$0x3FFD];
	_ =	sdelay $0x3  }
0x96: {  	_ =	strace s3  }
0x97: {  	_ =	strace $0x8FFFFFFF  }
0x98: {  	s19 =	sld [smem:$0x3FDB];
	_ =	sdelay $0x1  }
0x99: {  	s4 =	simm.s32 $_scs_section_size  }
0x9a: {  	s5 =	simm.s32 $_size__tile_overlayer_lowered;
	s6 =	simm.s32 $_tile_overlayer_lowered  }
0x9b: {  	s22 =	simm.s32 $0x1BFF;
	s21 =	sshll.u32 s6, $0x1;
	s3 =	sadd.s32 s4, s19  }
0x9c: {  	s7 =	simm.s32 $0x0;
	s20 =	sshll.u32 s5, $0x1;
	s5 =	sadd.s32 s21, s3  }
0x9d: {  	[timem:s7], [sflag:s22] =	dma.local [hbm:s5], s20  }
0x9e: {  	_ =	swait.ge [sflag:s22], s20  }
0x9f: {  	s4 =	ssub.s32 $0x0, s20;
	[sflag:s22] =	ssyncset.done $0x0  }
0xa0: {  	[sflag:s22] =	ssyncadd.s32 s4;
	_ =	sdelay $0x1  }
0xa1: {  	s23 =	simm.s32 $0x1B8B  }
0xa2: {  	_ =	swait.ge [sflag:s23], $0x1  }
0xa3: {  	[sflag:s23] =	ssyncset.done $0x0  }
0xa4: {  	s25 =	simm.s32 $0x1B8E;
	s24 =	sld [smem:$0x3FFE];
	[sflag:s23] =	ssyncadd.s32 $0xFFFFFFFF  }
0xa5: {  	s26 =	simm.s32 $execute0_lowered;
	[smem:$0x3FD2] =	sst s25  }
0xa6: {  	s5 =	sshll.u32 s26, $0x1;
	_ =	strace $0x80000049;
	[dreg:$0x1] =	wrdreg $0xFFFFFFFF  }
0xa7: {  	s28 =	simm.s32 $_size_execute0_lowered;
	s3 =	sadd.s32 s3, s5;
	[dreg:$0x0] =	wrdreg $0x0  }
0xa8: {  	s5 =	sshll.u32 s28, $0x1;
	[dreg:$0x2] =	wrdreg s3  }
0xa9: {  	[dreg:$0x3] =	wrdreg s5  }
0xaa: {  	[dreg:$0x4] =	wrdreg $0xC0  }
0xab: {  	_ =	task [dreg:s7], $0x5FFFF  }
0xac: {  	[dreg:$0x1] =	wrdreg $0xFFFFFFFF  }
0xad: {  	[dreg:$0x0] =	wrdreg $0x60  }
0xae: {  	[dreg:$0x2] =	wrdreg s24  }
0xaf: {  	[dreg:$0x3] =	wrdreg s2  }
0xb0: {  	[dreg:$0x4] =	wrdreg $0x0  }
0xb1: {  	[dreg:$0x5] =	wrdreg $0x9  }
0xb2: {  	_ =	task.clear_ibuf [dreg:s7], $0x6FFFF;
	_ =	strace $0x90000049  }
0xb3: {  	s29 =	simm.s32 $0x9;
	_ =	strace $0x8000004B  }
0xb4: {  	_ =	swait.ge [sflag:s29], $0x1  }
0xb5: {  	[sflag:s29] =	ssyncadd.s32 $0xFFFFFFFF  }
0xb6: {  	_ =	strace $0x9000004B  }
0xb7: {  	_ =	sfence  }
0xb8: {  	s30 =	sld [smem:$0x0];
	_ =	sdelay $0x2  }
0xb9: {  	s31 =	sshll.u32 s1, $0xD;
	s1 =	sshrl.u32 s1, $0x2  }
0xba: {  	s3 =	sand.u32 $0x4000, s31;
	s1 =	sadd.s32 s1, s30  }
0xbb: {  	s0 =	sor.u32 s3, s0;
	s1 =	sshll.u32 s1, $0x11  }
0xbc: {  	s0 =	sor.u32 s1, s0  }
0xbd: {  	s0 =	sadd.s32 $0x8F2B, s0  }
0xbe: {  	[sflag:s0] =	ssyncadd.remote.s32 $0x1  }
0xbf: {  	_ =	sfence.sel $0xFFFF  }
0xc0: {  	[dreg:$0x0] =	wrdreg $0xFFFFFFFF;
	(pc) =	sbr.abs _section_cstart, $3  }
0xc1: {  	[dreg:$0x1] =	wrdreg $0xFFFFFFFF  }
0xc2: {  	_ =	task.clear_ibuf [dreg:s7], $0x2FFFF;
	_ =	strace $0x9FFFFFFF  }
0xc3: {  	(tm) =	ssettm $0x7FFFFFFF  }
tec
execute0_lowered:
.L_overlay_start_1:
0x0: {  	(tag) =	ssettag $0x1  }
0x1: {  	s5 =	rddreg [dreg:$0x0]  }
0x2: {  	s10 =	rddreg [dreg:$0x1]  }
0x3: {  	s2 =	rddreg [dreg:$0x2]  }
0x4: {  	s1 =	simm.s32 $0x0;
	s4 =	srdreg.scid;
	s0 =	stileid.u32  }
0x5: {  	s17 =	simm.s32 $0x14080;
	s28 =	simm.s32 $0x14100;
	s29 =	simm.s32 $0x14480  }
0x6: {  	s30 =	simm.s32 $0x14180;
	s18 =	simm.s32 $0x14500;
	s19 =	simm.s32 $0x14580  }
0x7: {  	s20 =	simm.s32 $0x14280;
	s31 =	simm.s32 $0x14700;
	[smem:$0x7FF] =	sst s1  }
0x8: {  	s6 =	sand.u32 $0x1, s4;
	_ =	strace $0x8000004A;
	[dreg:$0x4] =	wrdreg s17  }
0x9: {  	s21 =	sshll.u32 s0, $0x5;
	s22 =	smul.u32 $0x14000, s0;
	[dreg:$0x5] =	wrdreg s28  }
0xa: {  	s7 =	sshll.u32 s0, $0x7;
	s12 =	smul.u32 $0x50000, s0;
	[dreg:$0x6] =	wrdreg s29  }
0xb: {  	s26 =	sshll.u32 s0, $0x6;
	p0 =	seq.s32 s6, $0x0;
	[dreg:$0x7] =	wrdreg s30  }
0xc: {  	s4 =	sor.u32 $0x800, s21;
	s8 =	smul.u32 $0x140000, s6;
	[dreg:$0x8] =	wrdreg s18  }
0xd: {  	s6 =	ssub.s32 $0x2, s6;
	s17 =	simm.s32 $0x14000;
	[dreg:$0x9] =	wrdreg s19  }
0xe: {  	s18 =	simm.s32 $0x14400;
	s19 =	simm.s32 $0x14800;
	[dreg:$0xa] =	wrdreg s20  }
0xf: {  	s21 =	simm.s32 $0x14600;
	s20 =	simm.s32 $0x2;
	[dreg:$0xf] =	wrdreg s31  }
0x10: {  	s4 =	smov.u32 @p0 s7;
	s9 =	sshrl.u32 s22, $0x3;
	s23 =	sshrl.u32 s6, $0x1  }
0x11: {  	s24 =	sshrl.u32 s12, $0x2;
	[dreg:$0xb] =	wrdreg s21;
	s21 =	simm.s32 $0x18800  }
0x12: {  	s11 =	sshll.u32 s4, $0x4;
	s4 =	sadd.s32 $0x8F400, s5;
	s9 =	sadd.s32 s9, s5  }
0x13: {  	s7 =	sadd.s32 s22, s8;
	s14 =	ssub.s32 s6, s23;
	s6 =	simm.s32 $0x80  }
0x14: {  	s16 =	sadd.s32 s24, s2;
	s8 =	sor.u32 $0x1C04, s26;
	s22 =	simm.s32 $0x14300  }
0x15: {  	s23 =	simm.s32 $0x14680;
	s24 =	simm.s32 $0x14380;
	s15 =	sadd.s32 s11, s5  }
0x16: {  	s7 =	sshrl.u32 s7, $0x3;
	s25 =	sadd.s32 $0xD400, s9;
	[dreg:$0xc] =	wrdreg s22  }
0x17: {  	s10 =	sadd.s32 s10, s11;
	s16 =	sshrl.u32 s16, $0x3;
	[dreg:$0xd] =	wrdreg s23  }
0x18: {  	s22 =	simm.s32 $0x4;
	s23 =	simm.s32 $0x3;
	[dreg:$0xe] =	wrdreg s24  }
0x19: {  	s24 =	simm.s32 $0x14780;
	s13 =	sadd.s32 s7, s5;
	s5 =	simm.s32 $0x80  }
0x1a: {  	[dreg:$0x10] =	wrdreg s25;
	s9 =	sadd.s32 $0x85400, s15;
	s15 =	sadd.s32 $0x85440, s15  }
0x1b: {  	s25 =	simm.s32 $0x0;
	s5 =	simm.s32 @!p0 $0x20;
	s12 =	sadd.s32 $0xB7400, s13  }
0x1c: {  	s13 =	smax.u32 s14, $0x1;
	s14 =	sadd.s32 $0x40, s10;
	s11 =	sshrl.u32 s5, $0x3  }
.LBB2_1:
0x1d: {  	s0 =	rddreg [dreg:$0x10]  }
0x1e: {  	[spmem:s16], [sflag:s8] =	dma.local [hbm:s0], $0x2800  }
0x1f: {  	_ =	swait.ge [sflag:s22], $0x2800  }
0x20: {  	[sflag:s22] =	ssyncset.done $0x0  }
0x21: {  	s31 =	simm.s32 $0x0;
	[sflag:s22] =	ssyncadd.s32 $0xFFFFD800  }
0x22: {  	[tilespmem:s17], [sflag:$0x4] =	stream.linear.gather [hbm4b:s9+s31], $0x200, $0x38;
	[tilespmem:$0x1C800] =	vst v63  }
0x23: {  	_ =	swait.ge [sflag:s22], $0x200  }
0x24: {  	s30 =	sadd.s32 $0xFFFFFFFF, s11;
	[sflag:s22] =	ssyncset.done $0x0  }
0x25: {  	p1 =	sne.s32 s30, $0x0;
	[sflag:s22] =	ssyncadd.s32 $0xFFFFFE00  }
0x26: {  	[tilespmem:s18], [sflag:$0x4] =	stream.linear.gather [hbm4b:s10+s31], $0x200, $0x38;
	[tilespmem:$0x1C800] =	vst v63  }
.Ltmp0:
0x27: {  	_ =	swait.ge [sflag:s22], $0x200;
	(pc) =	sbr.rel @!p1 .LBB2_4-.Ltmp0, $4  }
0x28: {  	[sflag:s22] =	ssyncset.done $0x0  }
0x29: {  	p0 =	por $0x0, $0x0;
	s29 =	simm.s32 $0x4;
	[sflag:s22] =	ssyncadd.s32 $0xFFFFFE00  }
0x2a: {  	s28 =	smov.u32 s15;
	s26 =	smov.u32 s14;
	[bflag:$0x0] =	sbarrier.arrive $0xFFFF  }
0x2b: {  	[tilespmem:s19], [sflag:$0x2] =	stream.indirect.gather [hbm4b:s4+s6], $0x80, s17, s6, $0xb8;
	[tilespmem:$0x1C800] =	vst v63  }
0x2c: {  	p0 =	sle.u32 s5, $0x4  }
0x2d: {  	s26 =	simm.s32 @!p0 $0x0;
	s28 =	simm.s32 @!p0 $0x14200  }
0x2e: {  	[tilespmem:s28], [sflag:$0x1] =	stream.linear.gather @!p0 [hbm4b:s15+s26], $0x200, $0x38;
	[tilespmem:$0x1C800] =	vst v63  }
0x2f: {  	s29 =	simm.s32 @!p0 $0x14600  }
0x30: {  	[tilespmem:s29], [sflag:$0x1] =	stream.linear.gather @!p0 [hbm4b:s14+s26], $0x200, $0x38;
	[tilespmem:$0x1C800] =	vst v63  }
0x31: {  	_ =	swait.ge [sflag:s20], $0x4000  }
0x32: {  	[sflag:s20] =	ssyncset.done $0x0  }
0x33: {  	s31 =	rddreg [dreg:$0x4];
	[sflag:s20] =	ssyncadd.s32 $0xFFFFC000  }
0x34: {  	[tilespmem:s21], [sflag:$0x3] =	stream.indirect.gather [hbm4b:s4+s6], $0x80, s31, s6, $0xb8;
	[tilespmem:$0x1C800] =	vst v63  }
0x35: {  	_ = 	snop  }
0x36: {  	[spmem:s2] =	stream.indirect.scatter.add.f32 [tilespmem:s19], [sflag:$0x4], $0x80, s18, s6, $0xb8;
	[tilespmem:$0x1C800] =	vst v63  }
0x37: {  	_ =	swait.ge [sflag:s22], $0x4000  }
0x38: {  	[sflag:s22] =	ssyncset.done $0x0  }
0x39: {  	[sflag:s22] =	ssyncadd.s32 $0xFFFFC000  }
0x3a: {  	_ =	swait.ge [sflag:s23], $0x4000  }
0x3b: {  	[sflag:s23] =	ssyncset.done $0x0  }
0x3c: {  	s0 =	rddreg [dreg:$0x5];
	[sflag:s23] =	ssyncadd.s32 $0xFFFFC000  }
0x3d: {  	[tilespmem:s19], [sflag:$0x2] =	stream.indirect.gather [hbm4b:s4+s6], $0x80, s0, s6, $0xb8;
	[tilespmem:$0x1C800] =	vst v63  }
0x3e: {  	s29 =	rddreg [dreg:$0x6]  }
0x3f: {  	[spmem:s2] =	stream.indirect.scatter.add.f32 [tilespmem:s21], [sflag:$0x4], $0x80, s29, s6, $0xb8;
	[tilespmem:$0x1C800] =	vst v63  }
0x40: {  	_ =	swait.ge [sflag:s22], $0x4000  }
0x41: {  	[sflag:s22] =	ssyncset.done $0x0  }
0x42: {  	[sflag:s22] =	ssyncadd.s32 $0xFFFFC000  }
0x43: {  	_ =	swait.ge [sflag:s20], $0x4000  }
0x44: {  	[sflag:s20] =	ssyncset.done $0x0  }
0x45: {  	s1 =	rddreg [dreg:$0x7];
	[sflag:s20] =	ssyncadd.s32 $0xFFFFC000  }
0x46: {  	[tilespmem:s21], [sflag:$0x3] =	stream.indirect.gather [hbm4b:s4+s6], $0x80, s1, s6, $0xb8;
	[tilespmem:$0x1C800] =	vst v63  }
0x47: {  	s29 =	rddreg [dreg:$0x8]  }
0x48: {  	[spmem:s2] =	stream.indirect.scatter.add.f32 [tilespmem:s19], [sflag:$0x4], $0x80, s29, s6, $0xb8;
	[tilespmem:$0x1C800] =	vst v63  }
0x49: {  	_ =	swait.ge [sflag:s22], $0x4000  }
0x4a: {  	[sflag:s22] =	ssyncset.done $0x0  }
0x4b: {  	[sflag:s22] =	ssyncadd.s32 $0xFFFFC000  }
0x4c: {  	_ =	swait.ge [sflag:s23], $0x4000  }
0x4d: {  	[sflag:s23] =	ssyncset.done $0x0  }
0x4e: {  	s26 =	simm.s32 @!p0 $0x1;
	[sflag:s23] =	ssyncadd.s32 $0xFFFFC000  }
0x4f: {  	_ =	swait.ge @!p0 [sflag:s26], $0x200  }
0x50: {  	[sflag:s26] =	ssyncset.done @!p0 $0x0  }
0x51: {  	[sflag:s26] =	ssyncadd.s32 @!p0 $0xFFFFFE00  }
0x52: {  	_ =	swait.ge @!p0 [sflag:s26], $0x200  }
0x53: {  	[sflag:s26] =	ssyncset.done @!p0 $0x0  }
0x54: {  	s29 =	simm.s32 @!p0 $0x14800;
	[sflag:s26] =	ssyncadd.s32 @!p0 $0xFFFFFE00;
	s26 =	simm.s32 @!p0 $0x80  }
0x55: {  	[tilespmem:s29], [sflag:$0x2] =	stream.indirect.gather @!p0 [hbm4b:s4+s26], $0x80, s28, s26, $0xb8;
	[tilespmem:$0x1C800] =	vst v63  }
0x56: {  	s31 =	rddreg [dreg:$0x9]  }
0x57: {  	[spmem:s2] =	stream.indirect.scatter.add.f32 [tilespmem:s21], [sflag:$0x4], $0x80, s31, s6, $0xb8;
	[tilespmem:$0x1C800] =	vst v63  }
0x58: {  	p0 =	sle.u32 s5, $0x8;
	_ =	swait.ge [sflag:s22], $0x4000  }
0x59: {  	s26 =	sadd.s32 @!p0 $0x40, s15;
	[sflag:s22] =	ssyncset.done $0x0  }
0x5a: {  	s28 =	simm.s32 @!p0 $0x0;
	s29 =	simm.s32 @!p0 $0x14000;
	[sflag:s22] =	ssyncadd.s32 $0xFFFFC000  }
0x5b: {  	[tilespmem:s29], [sflag:$0x1] =	stream.linear.gather @!p0 [hbm4b:s26+s28], $0x200, $0x38;
	[tilespmem:$0x1C800] =	vst v63  }
0x5c: {  	s31 =	simm.s32 @!p0 $0x14400;
	s26 =	sadd.s32 @!p0 $0x40, s14  }
0x5d: {  	[tilespmem:s31], [sflag:$0x1] =	stream.linear.gather @!p0 [hbm4b:s26+s28], $0x200, $0x38;
	[tilespmem:$0x1C800] =	vst v63  }
0x5e: {  	_ =	swait.ge [sflag:s20], $0x4000  }
0x5f: {  	[sflag:s20] =	ssyncset.done $0x0  }
0x60: {  	s3 =	rddreg [dreg:$0xa];
	[sflag:s20] =	ssyncadd.s32 $0xFFFFC000  }
0x61: {  	[tilespmem:s21], [sflag:$0x3] =	stream.indirect.gather [hbm4b:s4+s6], $0x80, s3, s6, $0xb8;
	[tilespmem:$0x1C800] =	vst v63  }
0x62: {  	s28 =	rddreg [dreg:$0xb]  }
0x63: {  	[spmem:s2] =	stream.indirect.scatter.add.f32 [tilespmem:s19], [sflag:$0x4], $0x80, s28, s6, $0xb8;
	[tilespmem:$0x1C800] =	vst v63  }
0x64: {  	_ =	swait.ge [sflag:s22], $0x4000  }
0x65: {  	[sflag:s22] =	ssyncset.done $0x0  }
0x66: {  	[sflag:s22] =	ssyncadd.s32 $0xFFFFC000  }
0x67: {  	_ =	swait.ge [sflag:s23], $0x4000  }
0x68: {  	[sflag:s23] =	ssyncset.done $0x0  }
0x69: {  	s7 =	rddreg [dreg:$0xc];
	[sflag:s23] =	ssyncadd.s32 $0xFFFFC000  }
0x6a: {  	[tilespmem:s19], [sflag:$0x2] =	stream.indirect.gather [hbm4b:s4+s6], $0x80, s7, s6, $0xb8;
	[tilespmem:$0x1C800] =	vst v63  }
0x6b: {  	s28 =	rddreg [dreg:$0xd]  }
0x6c: {  	[spmem:s2] =	stream.indirect.scatter.add.f32 [tilespmem:s21], [sflag:$0x4], $0x80, s28, s6, $0xb8;
	[tilespmem:$0x1C800] =	vst v63  }
0x6d: {  	_ =	swait.ge [sflag:s22], $0x4000  }
0x6e: {  	[sflag:s22] =	ssyncset.done $0x0  }
0x6f: {  	[sflag:s22] =	ssyncadd.s32 $0xFFFFC000  }
0x70: {  	_ =	swait.ge [sflag:s20], $0x4000  }
0x71: {  	[sflag:s20] =	ssyncset.done $0x0  }
0x72: {  	s31 =	rddreg [dreg:$0xe];
	[sflag:s20] =	ssyncadd.s32 $0xFFFFC000  }
0x73: {  	[tilespmem:s21], [sflag:$0x3] =	stream.indirect.gather [hbm4b:s4+s6], $0x80, s31, s6, $0xb8;
	[tilespmem:$0x1C800] =	vst v63  }
0x74: {  	s28 =	rddreg [dreg:$0xf]  }
0x75: {  	[spmem:s2] =	stream.indirect.scatter.add.f32 [tilespmem:s19], [sflag:$0x4], $0x80, s28, s6, $0xb8;
	[tilespmem:$0x1C800] =	vst v63  }
0x76: {  	_ =	swait.ge [sflag:s22], $0x4000  }
0x77: {  	[sflag:s22] =	ssyncset.done $0x0  }
0x78: {  	[sflag:s22] =	ssyncadd.s32 $0xFFFFC000  }
0x79: {  	_ =	swait.ge [sflag:s23], $0x4000  }
0x7a: {  	[sflag:s23] =	ssyncset.done $0x0  }
0x7b: {  	s26 =	simm.s32 @!p0 $0x1;
	[sflag:s23] =	ssyncadd.s32 $0xFFFFC000  }
0x7c: {  	_ =	swait.ge @!p0 [sflag:s26], $0x200  }
0x7d: {  	[sflag:s26] =	ssyncset.done @!p0 $0x0  }
0x7e: {  	[sflag:s26] =	ssyncadd.s32 @!p0 $0xFFFFFE00  }
0x7f: {  	s30 =	sadd.s32 $0xFFFFFFFF, s30;
	_ =	swait.ge @!p0 [sflag:s26], $0x200  }
0x80: {  	p1 =	sne.s32 s30, $0x0;
	s31 =	simm.s32 @!p0 $0x14800;
	[sflag:s26] =	ssyncset.done @!p0 $0x0  }
.Ltmp1:
0x81: {  	s28 =	simm.s32 @!p0 $0x80;
	[sflag:s26] =	ssyncadd.s32 @!p0 $0xFFFFFE00;
	(pc) =	sbr.rel @!p1 .LBB2_4-.Ltmp1, $4  }
0x82: {  	[tilespmem:s31], [sflag:$0x2] =	stream.indirect.gather @!p0 [hbm4b:s4+s28], $0x80, s29, s28, $0xb8;
	[tilespmem:$0x1C800] =	vst v63  }
0x83: {  	s26 =	sadd.s32 $0x80, s14;
	s28 =	sadd.s32 $0x80, s15  }
0x84: {  	[spmem:s2] =	stream.indirect.scatter.add.f32 [tilespmem:s21], [sflag:$0x4], $0x80, s24, s6, $0xb8;
	[tilespmem:$0x1C800] =	vst v63  }
0x85: {  	s29 =	simm.s32 $0xC;
	p0 =	por $0x1, $0x1;
	_ =	swait.ge [sflag:s22], $0x4000  }
.LBB2_3:
0x86: {  	p2 =	sge.u32 s29, s5;
	[sflag:s22] =	ssyncset.done $0x0  }
0x87: {  	s0 =	simm.s32 @!p2 $0x0;
	s31 =	simm.s32 @!p2 $0x14200;
	[sflag:s22] =	ssyncadd.s32 $0xFFFFC000  }
0x88: {  	[tilespmem:s31], [sflag:$0x1] =	stream.linear.gather @!p2 [hbm4b:s28+s0], $0x200, $0x38;
	[tilespmem:$0x1C800] =	vst v63  }
0x89: {  	s1 =	simm.s32 @!p2 $0x14600  }
0x8a: {  	[tilespmem:s1], [sflag:$0x1] =	stream.linear.gather @!p2 [hbm4b:s26+s0], $0x200, $0x38;
	[tilespmem:$0x1C800] =	vst v63  }
0x8b: {  	_ =	swait.ge [sflag:s20], $0x4000  }
0x8c: {  	[sflag:s20] =	ssyncset.done $0x0  }
0x8d: {  	s1 =	rddreg [dreg:$0x4];
	[sflag:s20] =	ssyncadd.s32 $0xFFFFC000  }
0x8e: {  	[tilespmem:s21], [sflag:$0x3] =	stream.indirect.gather [hbm4b:s4+s6], $0x80, s1, s6, $0xb8;
	[tilespmem:$0x1C800] =	vst v63  }
0x8f: {  	_ = 	snop  }
0x90: {  	[spmem:s2] =	stream.indirect.scatter.add.f32 [tilespmem:s19], [sflag:$0x4], $0x80, s18, s6, $0xb8;
	[tilespmem:$0x1C800] =	vst v63  }
0x91: {  	_ =	swait.ge [sflag:s22], $0x4000  }
0x92: {  	[sflag:s22] =	ssyncset.done $0x0  }
0x93: {  	[sflag:s22] =	ssyncadd.s32 $0xFFFFC000  }
0x94: {  	_ =	swait.ge [sflag:s23], $0x4000  }
0x95: {  	[sflag:s23] =	ssyncset.done $0x0  }
0x96: {  	s3 =	rddreg [dreg:$0x5];
	[sflag:s23] =	ssyncadd.s32 $0xFFFFC000  }
0x97: {  	[tilespmem:s19], [sflag:$0x2] =	stream.indirect.gather [hbm4b:s4+s6], $0x80, s3, s6, $0xb8;
	[tilespmem:$0x1C800] =	vst v63  }
0x98: {  	s7 =	rddreg [dreg:$0x6]  }
0x99: {  	[spmem:s2] =	stream.indirect.scatter.add.f32 [tilespmem:s21], [sflag:$0x4], $0x80, s7, s6, $0xb8;
	[tilespmem:$0x1C800] =	vst v63  }
0x9a: {  	_ =	swait.ge [sflag:s22], $0x4000  }
0x9b: {  	[sflag:s22] =	ssyncset.done $0x0  }
0x9c: {  	[sflag:s22] =	ssyncadd.s32 $0xFFFFC000  }
0x9d: {  	_ =	swait.ge [sflag:s20], $0x4000  }
0x9e: {  	[sflag:s20] =	ssyncset.done $0x0  }
0x9f: {  	s3 =	rddreg [dreg:$0x7];
	[sflag:s20] =	ssyncadd.s32 $0xFFFFC000  }
0xa0: {  	[tilespmem:s21], [sflag:$0x3] =	stream.indirect.gather [hbm4b:s4+s6], $0x80, s3, s6, $0xb8;
	[tilespmem:$0x1C800] =	vst v63  }
0xa1: {  	s7 =	rddreg [dreg:$0x8]  }
0xa2: {  	[spmem:s2] =	stream.indirect.scatter.add.f32 [tilespmem:s19], [sflag:$0x4], $0x80, s7, s6, $0xb8;
	[tilespmem:$0x1C800] =	vst v63  }
0xa3: {  	_ =	swait.ge [sflag:s22], $0x4000  }
0xa4: {  	[sflag:s22] =	ssyncset.done $0x0  }
0xa5: {  	[sflag:s22] =	ssyncadd.s32 $0xFFFFC000  }
0xa6: {  	_ =	swait.ge [sflag:s23], $0x4000  }
0xa7: {  	[sflag:s23] =	ssyncset.done $0x0  }
0xa8: {  	s0 =	simm.s32 @!p2 $0x1;
	[sflag:s23] =	ssyncadd.s32 $0xFFFFC000  }
0xa9: {  	_ =	swait.ge @!p2 [sflag:s0], $0x200  }
0xaa: {  	[sflag:s0] =	ssyncset.done @!p2 $0x0  }
0xab: {  	[sflag:s0] =	ssyncadd.s32 @!p2 $0xFFFFFE00  }
0xac: {  	_ =	swait.ge @!p2 [sflag:s0], $0x200  }
0xad: {  	[sflag:s0] =	ssyncset.done @!p2 $0x0  }
0xae: {  	s1 =	simm.s32 @!p2 $0x14800;
	[sflag:s0] =	ssyncadd.s32 @!p2 $0xFFFFFE00;
	s0 =	simm.s32 @!p2 $0x80  }
0xaf: {  	[tilespmem:s1], [sflag:$0x2] =	stream.indirect.gather @!p2 [hbm4b:s4+s0], $0x80, s31, s0, $0xb8;
	[tilespmem:$0x1C800] =	vst v63  }
0xb0: {  	s3 =	rddreg [dreg:$0x9];
	s1 =	sadd.s32 $0x4, s29  }
0xb1: {  	[spmem:s2] =	stream.indirect.scatter.add.f32 [tilespmem:s21], [sflag:$0x4], $0x80, s3, s6, $0xb8;
	[tilespmem:$0x1C800] =	vst v63  }
0xb2: {  	p2 =	sge.u32 s1, s5;
	_ =	swait.ge [sflag:s22], $0x4000  }
0xb3: {  	s0 =	sadd.s32 @!p2 $0x40, s28;
	[sflag:s22] =	ssyncset.done $0x0  }
0xb4: {  	s1 =	simm.s32 @!p2 $0x0;
	s31 =	simm.s32 @!p2 $0x14000;
	[sflag:s22] =	ssyncadd.s32 $0xFFFFC000  }
0xb5: {  	[tilespmem:s31], [sflag:$0x1] =	stream.linear.gather @!p2 [hbm4b:s0+s1], $0x200, $0x38;
	[tilespmem:$0x1C800] =	vst v63  }
0xb6: {  	s3 =	sadd.s32 @!p2 $0x40, s26;
	s7 =	simm.s32 @!p2 $0x14400  }
0xb7: {  	[tilespmem:s7], [sflag:$0x1] =	stream.linear.gather @!p2 [hbm4b:s3+s1], $0x200, $0x38;
	[tilespmem:$0x1C800] =	vst v63  }
0xb8: {  	_ =	swait.ge [sflag:s20], $0x4000  }
0xb9: {  	[sflag:s20] =	ssyncset.done $0x0  }
0xba: {  	s3 =	rddreg [dreg:$0xa];
	[sflag:s20] =	ssyncadd.s32 $0xFFFFC000  }
0xbb: {  	[tilespmem:s21], [sflag:$0x3] =	stream.indirect.gather [hbm4b:s4+s6], $0x80, s3, s6, $0xb8;
	[tilespmem:$0x1C800] =	vst v63  }
0xbc: {  	s7 =	rddreg [dreg:$0xb]  }
0xbd: {  	[spmem:s2] =	stream.indirect.scatter.add.f32 [tilespmem:s19], [sflag:$0x4], $0x80, s7, s6, $0xb8;
	[tilespmem:$0x1C800] =	vst v63  }
0xbe: {  	_ =	swait.ge [sflag:s22], $0x4000  }
0xbf: {  	[sflag:s22] =	ssyncset.done $0x0  }
0xc0: {  	[sflag:s22] =	ssyncadd.s32 $0xFFFFC000  }
0xc1: {  	_ =	swait.ge [sflag:s23], $0x4000  }
0xc2: {  	[sflag:s23] =	ssyncset.done $0x0  }
0xc3: {  	s3 =	rddreg [dreg:$0xc];
	[sflag:s23] =	ssyncadd.s32 $0xFFFFC000  }
0xc4: {  	[tilespmem:s19], [sflag:$0x2] =	stream.indirect.gather [hbm4b:s4+s6], $0x80, s3, s6, $0xb8;
	[tilespmem:$0x1C800] =	vst v63  }
0xc5: {  	s7 =	rddreg [dreg:$0xd]  }
0xc6: {  	[spmem:s2] =	stream.indirect.scatter.add.f32 [tilespmem:s21], [sflag:$0x4], $0x80, s7, s6, $0xb8;
	[tilespmem:$0x1C800] =	vst v63  }
0xc7: {  	_ =	swait.ge [sflag:s22], $0x4000  }
0xc8: {  	[sflag:s22] =	ssyncset.done $0x0  }
0xc9: {  	[sflag:s22] =	ssyncadd.s32 $0xFFFFC000  }
0xca: {  	_ =	swait.ge [sflag:s20], $0x4000  }
0xcb: {  	[sflag:s20] =	ssyncset.done $0x0  }
0xcc: {  	s3 =	rddreg [dreg:$0xe];
	[sflag:s20] =	ssyncadd.s32 $0xFFFFC000  }
0xcd: {  	[tilespmem:s21], [sflag:$0x3] =	stream.indirect.gather [hbm4b:s4+s6], $0x80, s3, s6, $0xb8;
	[tilespmem:$0x1C800] =	vst v63  }
0xce: {  	s7 =	rddreg [dreg:$0xf]  }
0xcf: {  	[spmem:s2] =	stream.indirect.scatter.add.f32 [tilespmem:s19], [sflag:$0x4], $0x80, s7, s6, $0xb8;
	[tilespmem:$0x1C800] =	vst v63  }
0xd0: {  	_ =	swait.ge [sflag:s22], $0x4000  }
0xd1: {  	[sflag:s22] =	ssyncset.done $0x0  }
0xd2: {  	[sflag:s22] =	ssyncadd.s32 $0xFFFFC000  }
0xd3: {  	_ =	swait.ge [sflag:s23], $0x4000  }
0xd4: {  	[sflag:s23] =	ssyncset.done $0x0  }
0xd5: {  	s0 =	simm.s32 @!p2 $0x1;
	[sflag:s23] =	ssyncadd.s32 $0xFFFFC000  }
0xd6: {  	_ =	swait.ge @!p2 [sflag:s0], $0x200  }
0xd7: {  	[sflag:s0] =	ssyncset.done @!p2 $0x0  }
0xd8: {  	[sflag:s0] =	ssyncadd.s32 @!p2 $0xFFFFFE00  }
0xd9: {  	s30 =	sadd.s32 $0xFFFFFFFF, s30;
	_ =	swait.ge @!p2 [sflag:s0], $0x200  }
0xda: {  	p1 =	sne.s32 s30, $0x0;
	s1 =	simm.s32 @!p2 $0x80;
	[sflag:s0] =	ssyncset.done @!p2 $0x0  }
.Ltmp2:
0xdb: {  	s3 =	simm.s32 @!p2 $0x14800;
	[sflag:s0] =	ssyncadd.s32 @!p2 $0xFFFFFE00;
	(pc) =	sbr.rel @p1 .LBB2_3-.Ltmp2, $4  }
0xdc: {  	[tilespmem:s3], [sflag:$0x2] =	stream.indirect.gather @!p2 [hbm4b:s4+s1], $0x80, s31, s1, $0xb8;
	[tilespmem:$0x1C800] =	vst v63  }
0xdd: {  	s29 =	sadd.s32 $0x8, s29  }
0xde: {  	[spmem:s2] =	stream.indirect.scatter.add.f32 [tilespmem:s21], [sflag:$0x4], $0x80, s24, s6, $0xb8;
	[tilespmem:$0x1C800] =	vst v63  }
0xdf: {  	s28 =	sadd.s32 $0x80, s28;
	s26 =	sadd.s32 $0x80, s26;
	_ =	swait.ge [sflag:s22], $0x4000  }
.LBB2_4:
0xe0: {  	p1 =	sge.u32 s29, s5;
	[sflag:s22] =	ssyncset.done @p0 $0x0  }
0xe1: {  	s0 =	simm.s32 @!p1 $0x0;
	s1 =	simm.s32 @!p1 $0x14200;
	[sflag:s22] =	ssyncadd.s32 @p0 $0xFFFFC000  }
0xe2: {  	[tilespmem:s1], [sflag:$0x1] =	stream.linear.gather @!p1 [hbm4b:s28+s0], $0x200, $0x38;
	[tilespmem:$0x1C800] =	vst v63  }
0xe3: {  	s3 =	simm.s32 @!p1 $0x14600  }
0xe4: {  	[tilespmem:s3], [sflag:$0x1] =	stream.linear.gather @!p1 [hbm4b:s26+s0], $0x200, $0x38;
	[tilespmem:$0x1C800] =	vst v63  }
0xe5: {  	_ =	swait.ge [sflag:s20], $0x4000  }
0xe6: {  	[sflag:s20] =	ssyncset.done $0x0  }
0xe7: {  	s31 =	rddreg [dreg:$0x4];
	[sflag:s20] =	ssyncadd.s32 $0xFFFFC000  }
0xe8: {  	[tilespmem:s21], [sflag:$0x3] =	stream.indirect.gather [hbm4b:s4+s6], $0x80, s31, s6, $0xb8;
	[tilespmem:$0x1C800] =	vst v63  }
0xe9: {  	_ = 	snop  }
0xea: {  	[spmem:s2] =	stream.indirect.scatter.add.f32 [tilespmem:s19], [sflag:$0x4], $0x80, s18, s6, $0xb8;
	[tilespmem:$0x1C800] =	vst v63  }
0xeb: {  	_ =	swait.ge [sflag:s22], $0x4000  }
0xec: {  	[sflag:s22] =	ssyncset.done $0x0  }
0xed: {  	[sflag:s22] =	ssyncadd.s32 $0xFFFFC000  }
0xee: {  	_ =	swait.ge [sflag:s23], $0x4000  }
0xef: {  	[sflag:s23] =	ssyncset.done $0x0  }
0xf0: {  	s3 =	rddreg [dreg:$0x5];
	[sflag:s23] =	ssyncadd.s32 $0xFFFFC000  }
0xf1: {  	[tilespmem:s19], [sflag:$0x2] =	stream.indirect.gather [hbm4b:s4+s6], $0x80, s3, s6, $0xb8;
	[tilespmem:$0x1C800] =	vst v63  }
0xf2: {  	s7 =	rddreg [dreg:$0x6]  }
0xf3: {  	[spmem:s2] =	stream.indirect.scatter.add.f32 [tilespmem:s21], [sflag:$0x4], $0x80, s7, s6, $0xb8;
	[tilespmem:$0x1C800] =	vst v63  }
0xf4: {  	_ =	swait.ge [sflag:s22], $0x4000  }
0xf5: {  	[sflag:s22] =	ssyncset.done $0x0  }
0xf6: {  	[sflag:s22] =	ssyncadd.s32 $0xFFFFC000  }
0xf7: {  	_ =	swait.ge [sflag:s20], $0x4000  }
0xf8: {  	[sflag:s20] =	ssyncset.done $0x0  }
0xf9: {  	s30 =	rddreg [dreg:$0x7];
	[sflag:s20] =	ssyncadd.s32 $0xFFFFC000  }
0xfa: {  	[tilespmem:s21], [sflag:$0x3] =	stream.indirect.gather [hbm4b:s4+s6], $0x80, s30, s6, $0xb8;
	[tilespmem:$0x1C800] =	vst v63  }
0xfb: {  	s31 =	rddreg [dreg:$0x8]  }
0xfc: {  	[spmem:s2] =	stream.indirect.scatter.add.f32 [tilespmem:s19], [sflag:$0x4], $0x80, s31, s6, $0xb8;
	[tilespmem:$0x1C800] =	vst v63  }
0xfd: {  	_ =	swait.ge [sflag:s22], $0x4000  }
0xfe: {  	[sflag:s22] =	ssyncset.done $0x0  }
0xff: {  	[sflag:s22] =	ssyncadd.s32 $0xFFFFC000  }
0x100: {  	_ =	swait.ge [sflag:s23], $0x4000  }
0x101: {  	[sflag:s23] =	ssyncset.done $0x0  }
0x102: {  	s0 =	simm.s32 @!p1 $0x1;
	[sflag:s23] =	ssyncadd.s32 $0xFFFFC000  }
0x103: {  	_ =	swait.ge @!p1 [sflag:s0], $0x200  }
0x104: {  	[sflag:s0] =	ssyncset.done @!p1 $0x0  }
0x105: {  	[sflag:s0] =	ssyncadd.s32 @!p1 $0xFFFFFE00  }
0x106: {  	_ =	swait.ge @!p1 [sflag:s0], $0x200  }
0x107: {  	[sflag:s0] =	ssyncset.done @!p1 $0x0  }
0x108: {  	s3 =	simm.s32 @!p1 $0x14800;
	[sflag:s0] =	ssyncadd.s32 @!p1 $0xFFFFFE00;
	s0 =	simm.s32 @!p1 $0x80  }
0x109: {  	[tilespmem:s3], [sflag:$0x2] =	stream.indirect.gather @!p1 [hbm4b:s4+s0], $0x80, s1, s0, $0xb8;
	[tilespmem:$0x1C800] =	vst v63  }
0x10a: {  	s7 =	rddreg [dreg:$0x9];
	s3 =	sadd.s32 $0x4, s29  }
0x10b: {  	[spmem:s2] =	stream.indirect.scatter.add.f32 [tilespmem:s21], [sflag:$0x4], $0x80, s7, s6, $0xb8;
	[tilespmem:$0x1C800] =	vst v63  }
0x10c: {  	p0 =	sge.u32 s3, s5;
	_ =	swait.ge [sflag:s22], $0x4000  }
0x10d: {  	s0 =	sadd.s32 @!p0 $0x40, s28;
	[sflag:s22] =	ssyncset.done $0x0  }
0x10e: {  	s1 =	simm.s32 @!p0 $0x0;
	s3 =	simm.s32 @!p0 $0x14000;
	[sflag:s22] =	ssyncadd.s32 $0xFFFFC000  }
0x10f: {  	[tilespmem:s3], [sflag:$0x1] =	stream.linear.gather @!p0 [hbm4b:s0+s1], $0x200, $0x38;
	[tilespmem:$0x1C800] =	vst v63  }
0x110: {  	s7 =	simm.s32 @!p0 $0x14400;
	s0 =	sadd.s32 @!p0 $0x40, s26  }
0x111: {  	[tilespmem:s7], [sflag:$0x1] =	stream.linear.gather @!p0 [hbm4b:s0+s1], $0x200, $0x38;
	[tilespmem:$0x1C800] =	vst v63  }
0x112: {  	_ =	swait.ge [sflag:s20], $0x4000  }
0x113: {  	[sflag:s20] =	ssyncset.done $0x0  }
0x114: {  	s7 =	rddreg [dreg:$0xa];
	[sflag:s20] =	ssyncadd.s32 $0xFFFFC000  }
0x115: {  	[tilespmem:s21], [sflag:$0x3] =	stream.indirect.gather [hbm4b:s4+s6], $0x80, s7, s6, $0xb8;
	[tilespmem:$0x1C800] =	vst v63  }
0x116: {  	s26 =	rddreg [dreg:$0xb]  }
0x117: {  	[spmem:s2] =	stream.indirect.scatter.add.f32 [tilespmem:s19], [sflag:$0x4], $0x80, s26, s6, $0xb8;
	[tilespmem:$0x1C800] =	vst v63  }
0x118: {  	_ =	swait.ge [sflag:s22], $0x4000  }
0x119: {  	[sflag:s22] =	ssyncset.done $0x0  }
0x11a: {  	[sflag:s22] =	ssyncadd.s32 $0xFFFFC000  }
0x11b: {  	_ =	swait.ge [sflag:s23], $0x4000  }
0x11c: {  	[sflag:s23] =	ssyncset.done $0x0  }
0x11d: {  	s28 =	rddreg [dreg:$0xc];
	[sflag:s23] =	ssyncadd.s32 $0xFFFFC000  }
0x11e: {  	[tilespmem:s19], [sflag:$0x2] =	stream.indirect.gather [hbm4b:s4+s6], $0x80, s28, s6, $0xb8;
	[tilespmem:$0x1C800] =	vst v63  }
0x11f: {  	s29 =	rddreg [dreg:$0xd]  }
0x120: {  	[spmem:s2] =	stream.indirect.scatter.add.f32 [tilespmem:s21], [sflag:$0x4], $0x80, s29, s6, $0xb8;
	[tilespmem:$0x1C800] =	vst v63  }
0x121: {  	_ =	swait.ge [sflag:s22], $0x4000  }
0x122: {  	[sflag:s22] =	ssyncset.done $0x0  }
0x123: {  	[sflag:s22] =	ssyncadd.s32 $0xFFFFC000  }
0x124: {  	_ =	swait.ge [sflag:s20], $0x4000  }
0x125: {  	[sflag:s20] =	ssyncset.done $0x0  }
0x126: {  	s30 =	rddreg [dreg:$0xe];
	[sflag:s20] =	ssyncadd.s32 $0xFFFFC000  }
0x127: {  	[tilespmem:s21], [sflag:$0x3] =	stream.indirect.gather [hbm4b:s4+s6], $0x80, s30, s6, $0xb8;
	[tilespmem:$0x1C800] =	vst v63  }
0x128: {  	s31 =	rddreg [dreg:$0xf]  }
0x129: {  	[spmem:s2] =	stream.indirect.scatter.add.f32 [tilespmem:s19], [sflag:$0x4], $0x80, s31, s6, $0xb8;
	[tilespmem:$0x1C800] =	vst v63  }
0x12a: {  	_ =	swait.ge [sflag:s22], $0x4000  }
0x12b: {  	[sflag:s22] =	ssyncset.done $0x0  }
0x12c: {  	[sflag:s22] =	ssyncadd.s32 $0xFFFFC000  }
0x12d: {  	_ =	swait.ge [sflag:s23], $0x4000  }
0x12e: {  	[sflag:s23] =	ssyncset.done $0x0  }
0x12f: {  	s0 =	simm.s32 @!p0 $0x1;
	[sflag:s23] =	ssyncadd.s32 $0xFFFFC000  }
0x130: {  	_ =	swait.ge @!p0 [sflag:s0], $0x200  }
0x131: {  	[sflag:s0] =	ssyncset.done @!p0 $0x0  }
0x132: {  	[sflag:s0] =	ssyncadd.s32 @!p0 $0xFFFFFE00  }
0x133: {  	_ =	swait.ge @!p0 [sflag:s0], $0x200  }
0x134: {  	[sflag:s0] =	ssyncset.done @!p0 $0x0  }
0x135: {  	s1 =	simm.s32 @!p0 $0x80;
	s7 =	simm.s32 @!p0 $0x14800;
	[sflag:s0] =	ssyncadd.s32 @!p0 $0xFFFFFE00  }
0x136: {  	[tilespmem:s7], [sflag:$0x2] =	stream.indirect.gather @!p0 [hbm4b:s4+s1], $0x80, s3, s1, $0xb8;
	[tilespmem:$0x1C800] =	vst v63  }
0x137: {  	_ = 	snop  }
0x138: {  	[spmem:s2] =	stream.indirect.scatter.add.f32 [tilespmem:s21], [sflag:$0x4], $0x80, s24, s6, $0xb8;
	[tilespmem:$0x1C800] =	vst v63  }
0x139: {  	_ =	swait.ge [sflag:s22], $0x4000  }
0x13a: {  	s25 =	sadd.s32 $0x1, s25;
	[sflag:s22] =	ssyncset.done $0x0  }
0x13b: {  	p0 =	sne.s32 s25, s13;
	[sflag:s22] =	ssyncadd.s32 $0xFFFFC000  }
.Ltmp3:
0x13c: {  	[bflag:$0x0] =	sbarrier.arrive $0xFFFF;
	(pc) =	sbr.rel @p0 .LBB2_1-.Ltmp3, $4  }
0x13d: {  	[hbm:s12], [sflag:s8] =	dma.local [spmem:s16], $0x2800  }
0x13e: {  	_ =	swait.ge [sflag:s22], $0x2800  }
0x13f: {  	[sflag:s22] =	ssyncset.done $0x0  }
0x140: {  	[sflag:s22] =	ssyncadd.s32 $0xFFFFD800  }
0x141: {  	_ =	sfence.sel $0x180000  }
0x142: {  	[bflag:$0x0] =	sbarrier.arrive $0xFFFF  }
0x143: {  	_ =	strace $0x9000004A  }
0x144: {  	s0 =	stileid.u32;
	[bflag:$0x2] =	sbarrier.arrive $0xFFFF  }
0x145: {  	p0 =	sne.s32 s0, $0x0;
	s0 =	rddreg [dreg:$0x3]  }
0x146: {  	s0 =	sadd.s32 @!p0 $0x100000, s0  }
0x147: {  	[sflag:s0] =	ssyncadd.tile.s32 @!p0 $0x1;
	_ =	shalt  }
.Lfunc_end2:
_tile_overlayer_lowered:
.L_overlay_start_2:
0x148: {  	(tag) =	ssettag $0x2  }
0x149: {  	s0 =	rddreg [dreg:$0x0];
	s2 =	stileid.u32  }
0x14a: {  	s1 =	rddreg [dreg:$0x1];
	p0 =	sne.s32 s2, $0x0  }
0x14b: {  	s3 =	rddreg [dreg:$0x2];
	[bflag:$0x3] =	sbarrier.arrive $0xFFFF;
	s2 =	simm.s32 @!p0 $0x1C04  }
0x14c: {  	[timem:s3], [sflag:s2] =	dma.local @!p0 [hbm:s0], s1  }
0x14d: {  	s0 =	simm.s32 @!p0 $0x4  }
0x14e: {  	_ =	swait.ge @!p0 [sflag:s0], s1  }
0x14f: {  	s1 =	ssub.s32 @!p0 $0x0, s1;
	[sflag:s0] =	ssyncset.done @!p0 $0x0  }
0x150: {  	[sflag:s0] =	ssyncadd.s32 @!p0 s1  }
0x151: {  	[bflag:$0x3] =	sbarrier.arrive $0xFFFF  }
0x152: {  	_ =	shalt  }

// kernel: kernel.15.cloned.1.call-start
scs
__scs_entry_jumppad:
0x0: {  	(pc) =	sbr.rel $0x88, $3  }
0x1: {  	(tag) =	ssettag $0x0;
	lr =	simm.s32 $0x1  }
0x2: {  	[smem:$0x3F9B] =	sst lr;
	_ =	strace $0xD0000000  }
0x3: {  	_ = 	snop  }
0x4: {  	_ = 	snop  }
0x5: {  	_ = 	snop  }
0x6: {  	_ = 	snop  }
0x7: {  	_ = 	snop  }
__scs_overlays_trampoline_lowered:
0x8: {  	[smem:$0x3FAA] =	sst s0  }
0x9: {  	[smem:$0x3FAB] =	sst s1  }
0xa: {  	[smem:$0x3FAC] =	sst s2  }
0xb: {  	[smem:$0x3FAD] =	sst s3  }
0xc: {  	[smem:$0x3FAE] =	sst s4  }
0xd: {  	[smem:$0x3FAF] =	sst s5  }
0xe: {  	[smem:$0x3FB0] =	sst s6  }
0xf: {  	[smem:$0x3FB1] =	sst s7  }
0x10: {  	[smem:$0x3FB2] =	sst s8  }
0x11: {  	[smem:$0x3FB3] =	sst s9;
	s0 =	simm.s32 @!p0 $0x0  }
0x12: {  	s1 =	sld [smem:$0x3F99];
	s0 =	simm.s32 @p0 $0x1  }
0x13: {  	[smem:$0x3FB4] =	sst s0;
	s0 =	simm.s32 @!p1 $0x0  }
0x14: {  	s2 =	sld [smem:$0x3F98];
	s0 =	simm.s32 @p1 $0x1  }
0x15: {  	[smem:$0x3FB5] =	sst s0;
	s0 =	simm.s32 @!p2 $0x0  }
0x16: {  	s3 =	sld [smem:$0x3FDB];
	s0 =	simm.s32 @p2 $0x1  }
0x17: {  	s4 =	simm.s32 $0x1BF5;
	[smem:$0x3FB7] =	sst s0  }
0x18: {  	s0 =	sld [smem:$0x3F9A];
	_ =	swait.ge [sflag:s4], $0x0  }
0x19: {  	s7 =	sld [smem:$0x3F9B]  }
0x1a: {  	s8 =	sadd.s32 $0xFFFFE003, lr  }
0x1b: {  	s9 =	sadd.s32 $0xFFFFFEF7, lr;
	s5 =	simm.s32 $0xFFFFFFFF;
	p2 =	slt.u32 s8, $0xFFFFF086  }
0x1c: {  	p1 =	slt.u32 s9, $0xF7A;
	s5 =	simm.s32 @!p2 $0x0  }
0x1d: {  	s5 =	simm.s32 @p1 $0x1;
	p0 =	seq.s32 s7, s2  }
0x1e: {  	s7 =	smul.u32 @!p0 $0xF7A, s2;
	p2 =	seq.s32 @!p0 s5, $0x0  }
0x1f: {  	s9 =	smul.u32 $0xF7A, s1;
	s8 =	simm.s32 @!p0 $0x1BF5;
	p2 =	por !p2, p0  }
0x20: {  	[sflag:s8] =	ssyncset.s32 @!p0 $0xFFFFF086;
	s6 =	sadd.s32 @!p0 s3, s7;
	s7 =	simm.s32 @!p0 $0x108  }
0x21: {  	s3 =	sadd.s32 s3, s9;
	s6 =	sadd.s32 @!p0 $0x88, s6;
	s7 =	simm.s32 @p2 $0x1082  }
0x22: {  	[simem:s7], [sflag:s8] =	dma.local @!p0 [hbm:s6], $0xF7A  }
0x23: {  	s9 =	sor.u32 $0xD0000000, s2;
	s6 =	simm.s32 $0x108;
	_ =	swait.ge @!p0 [sflag:s8], $0x0  }
0x24: {  	s3 =	sadd.s32 $0x88, s3;
	s6 =	simm.s32 @!p1 $0x1082;
	[sflag:s4] =	ssyncset.s32 $0xFFFFF086  }
0x25: {  	[simem:s6], [sflag:s4] =	dma.local [hbm:s3], $0xF7A  }
0x26: {  	[smem:$0x3F9B] =	sst s1;
	(tag) =	ssettag s2;
	_ =	strace s9  }
0x27: {  	s1 =	sld [smem:$0x3FAB]  }
0x28: {  	s2 =	sld [smem:$0x3FAC]  }
0x29: {  	s4 =	sld [smem:$0x3FAE]  }
0x2a: {  	p0 =	seq.s32 s5, $0x0;
	s5 =	sld [smem:$0x3FAF]  }
0x2b: {  	s6 =	sld [smem:$0x3FB0]  }
0x2c: {  	s7 =	sld [smem:$0x3FB1]  }
0x2d: {  	s3 =	simm.s32 $0x108;
	s8 =	sld [smem:$0x3FB2]  }
0x2e: {  	s3 =	simm.s32 @!p0 $0x1082;
	s9 =	sld [smem:$0x3FB3]  }
0x2f: {  	lr =	sadd.s32 s0, s3;
	s0 =	sld [smem:$0x3FAA]  }
0x30: {  	s3 =	sld [smem:$0x3FAD]  }
0x31: {  	[smem:$0x3FB6] =	sst s10  }
0x32: {  	s10 =	sld [smem:$0x3FB4];
	_ =	sdelay $0x3  }
0x33: {  	p0 =	seq.s32 s10, $0x1;
	s10 =	sld [smem:$0x3FB6];
	_ =	sdelay $0x3  }
0x34: {  	[smem:$0x3FB6] =	sst s10  }
0x35: {  	s10 =	sld [smem:$0x3FB5];
	_ =	sdelay $0x3  }
0x36: {  	p1 =	seq.s32 s10, $0x1;
	s10 =	sld [smem:$0x3FB6];
	_ =	sdelay $0x3  }
0x37: {  	[smem:$0x3FB6] =	sst s10  }
0x38: {  	s10 =	sld [smem:$0x3FB7]  }
0x39: {  	_ = 	snop;
	(pc) =	sbr.ind lr, $3  }
0x3a: {  	_ = 	snop  }
0x3b: {  	_ = 	snop  }
0x3c: {  	p2 =	seq.s32 s10, $0x1;
	s10 =	sld [smem:$0x3FB6]  }
0x3d: {  	_ =	shalt  }
0x3e: {  	_ =	shalt  }
0x3f: {  	_ =	shalt  }
0x40: {  	_ =	shalt  }
0x41: {  	_ =	shalt  }
0x42: {  	_ =	shalt  }
0x43: {  	_ =	shalt  }
0x44: {  	_ =	shalt  }
0x45: {  	_ =	shalt  }
0x46: {  	_ =	shalt  }
0x47: {  	_ =	shalt  }
0x48: {  	_ =	shalt  }
0x49: {  	_ =	shalt  }
0x4a: {  	_ =	shalt  }
0x4b: {  	_ =	shalt  }
0x4c: {  	_ =	shalt  }
0x4d: {  	_ =	shalt  }
0x4e: {  	_ =	shalt  }
0x4f: {  	_ =	shalt  }
0x50: {  	_ =	shalt  }
0x51: {  	_ =	shalt  }
0x52: {  	_ =	shalt  }
0x53: {  	_ =	shalt  }
0x54: {  	_ =	shalt  }
0x55: {  	_ =	shalt  }
0x56: {  	_ =	shalt  }
0x57: {  	_ =	shalt  }
0x58: {  	_ =	shalt  }
0x59: {  	_ =	shalt  }
0x5a: {  	_ =	shalt  }
0x5b: {  	_ =	shalt  }
0x5c: {  	_ =	shalt  }
0x5d: {  	_ =	shalt  }
0x5e: {  	_ =	shalt  }
0x5f: {  	_ =	shalt  }
0x60: {  	_ =	shalt  }
0x61: {  	_ =	shalt  }
0x62: {  	_ =	shalt  }
0x63: {  	_ =	shalt  }
0x64: {  	_ =	shalt  }
0x65: {  	_ =	shalt  }
0x66: {  	_ =	shalt  }
0x67: {  	_ =	shalt  }
0x68: {  	_ =	shalt  }
0x69: {  	_ =	shalt  }
0x6a: {  	_ =	shalt  }
0x6b: {  	_ =	shalt  }
0x6c: {  	_ =	shalt  }
0x6d: {  	_ =	shalt  }
0x6e: {  	_ =	shalt  }
0x6f: {  	_ =	shalt  }
0x70: {  	_ =	shalt  }
0x71: {  	_ =	shalt  }
0x72: {  	_ =	shalt  }
0x73: {  	_ =	shalt  }
0x74: {  	_ =	shalt  }
0x75: {  	_ =	shalt  }
0x76: {  	_ =	shalt  }
0x77: {  	_ =	shalt  }
0x78: {  	_ =	shalt  }
0x79: {  	_ =	shalt  }
0x7a: {  	_ =	shalt  }
0x7b: {  	_ =	shalt  }
0x7c: {  	_ =	shalt  }
0x7d: {  	_ =	shalt  }
0x7e: {  	_ =	shalt  }
0x7f: {  	_ =	shalt  }
0x80: {  	_ =	shalt  }
0x81: {  	_ =	shalt  }
0x82: {  	_ =	shalt  }
0x83: {  	_ =	shalt  }
0x84: {  	_ =	shalt  }
0x85: {  	_ =	shalt  }
0x86: {  	_ =	shalt  }
0x87: {  	_ =	shalt  }
.Lfunc_end0:
.L_simem_size_0:
called_computation.2_lowered:
.L_overlay_start_0:
0x88: {  	s2 =	sld [smem:$0x3FD9]  }
0x89: {  	s3 =	sld [smem:$0x3FFE];
	_ =	sdelay $0x1  }
0x8a: {  	s1 =	srdreg.scid  }
0x8b: {  	s0 =	sand.u32 $0x1, s1  }
0x8c: {  	s17 =	sshll.u32 s0, $0xA;
	s2 =	sadd.s32 s3, s2  }
0x8d: {  	s2 =	sadd.s32 s2, s17  }
0x8e: {  	[smem:$0x3FC2] =	sst s2  }
0x8f: {  	_ = 	snop  }
0x90: {  	s2 =	sld [smem:$0x3FD0];
	(tm) =	ssettm $0x1  }
0x91: {  	s18 =	sld [smem:$0x3FFB];
	_ =	sdelay $0x3  }
0x92: {  	_ =	strace s18  }
0x93: {  	s3 =	sld [smem:$0x3FFC];
	_ =	sdelay $0x3  }
0x94: {  	_ =	strace s3  }
0x95: {  	s3 =	sld [smem:$0x3FFD];
	_ =	sdelay $0x3  }
0x96: {  	_ =	strace s3  }
0x97: {  	_ =	strace $0x8FFFFFFF  }
0x98: {  	s19 =	sld [smem:$0x3FDB];
	_ =	sdelay $0x1  }
0x99: {  	s4 =	simm.s32 $_scs_section_size  }
0x9a: {  	s5 =	simm.s32 $_size__tile_overlayer_lowered;
	s6 =	simm.s32 $_tile_overlayer_lowered  }
0x9b: {  	s22 =	simm.s32 $0x1BFF;
	s21 =	sshll.u32 s6, $0x1;
	s3 =	sadd.s32 s4, s19  }
0x9c: {  	s7 =	simm.s32 $0x0;
	s20 =	sshll.u32 s5, $0x1;
	s5 =	sadd.s32 s21, s3  }
0x9d: {  	[timem:s7], [sflag:s22] =	dma.local [hbm:s5], s20  }
0x9e: {  	_ =	swait.ge [sflag:s22], s20  }
0x9f: {  	s4 =	ssub.s32 $0x0, s20;
	[sflag:s22] =	ssyncset.done $0x0  }
0xa0: {  	[sflag:s22] =	ssyncadd.s32 s4;
	_ =	sdelay $0x1  }
0xa1: {  	s23 =	simm.s32 $0x1B8B  }
0xa2: {  	_ =	swait.ge [sflag:s23], $0x1  }
0xa3: {  	[sflag:s23] =	ssyncset.done $0x0  }
0xa4: {  	s25 =	simm.s32 $0x1B8E;
	s24 =	sld [smem:$0x3FFE];
	[sflag:s23] =	ssyncadd.s32 $0xFFFFFFFF  }
0xa5: {  	s26 =	simm.s32 $execute0_lowered;
	[smem:$0x3FD2] =	sst s25  }
0xa6: {  	s5 =	sshll.u32 s26, $0x1;
	_ =	strace $0x8000004C;
	[dreg:$0x1] =	wrdreg $0xFFFFFFFF  }
0xa7: {  	s28 =	simm.s32 $_size_execute0_lowered;
	s3 =	sadd.s32 s3, s5;
	[dreg:$0x0] =	wrdreg $0x0  }
0xa8: {  	s5 =	sshll.u32 s28, $0x1;
	[dreg:$0x2] =	wrdreg s3  }
0xa9: {  	[dreg:$0x3] =	wrdreg s5  }
0xaa: {  	[dreg:$0x4] =	wrdreg $0xC0  }
0xab: {  	_ =	task [dreg:s7], $0x5FFFF  }
0xac: {  	[dreg:$0x1] =	wrdreg $0xFFFFFFFF  }
0xad: {  	[dreg:$0x0] =	wrdreg $0x60  }
0xae: {  	[dreg:$0x2] =	wrdreg s24  }
0xaf: {  	[dreg:$0x3] =	wrdreg s2  }
0xb0: {  	[dreg:$0x4] =	wrdreg $0x0  }
0xb1: {  	[dreg:$0x5] =	wrdreg $0x9  }
0xb2: {  	_ =	task.clear_ibuf [dreg:s7], $0x6FFFF;
	_ =	strace $0x9000004C  }
0xb3: {  	s29 =	simm.s32 $0x9;
	_ =	strace $0x8000004E  }
0xb4: {  	_ =	swait.ge [sflag:s29], $0x1  }
0xb5: {  	[sflag:s29] =	ssyncadd.s32 $0xFFFFFFFF  }
0xb6: {  	_ =	strace $0x9000004E  }
0xb7: {  	_ =	sfence  }
0xb8: {  	s30 =	sld [smem:$0x0];
	_ =	sdelay $0x2  }
0xb9: {  	s31 =	sshll.u32 s1, $0xD;
	s1 =	sshrl.u32 s1, $0x2  }
0xba: {  	s3 =	sand.u32 $0x4000, s31;
	s1 =	sadd.s32 s1, s30  }
0xbb: {  	s0 =	sor.u32 s3, s0;
	s1 =	sshll.u32 s1, $0x11  }
0xbc: {  	s0 =	sor.u32 s1, s0  }
0xbd: {  	s0 =	sadd.s32 $0x8F2B, s0  }
0xbe: {  	[sflag:s0] =	ssyncadd.remote.s32 $0x1  }
0xbf: {  	_ =	sfence.sel $0xFFFF  }
0xc0: {  	[dreg:$0x0] =	wrdreg $0xFFFFFFFF;
	(pc) =	sbr.abs _section_cstart, $3  }
0xc1: {  	[dreg:$0x1] =	wrdreg $0xFFFFFFFF  }
0xc2: {  	_ =	task.clear_ibuf [dreg:s7], $0x2FFFF;
	_ =	strace $0x9FFFFFFF  }
0xc3: {  	(tm) =	ssettm $0x7FFFFFFF  }
tec
execute0_lowered:
.L_overlay_start_1:
0x0: {  	(tag) =	ssettag $0x1  }
0x1: {  	s5 =	rddreg [dreg:$0x0]  }
0x2: {  	s10 =	rddreg [dreg:$0x1]  }
0x3: {  	s2 =	rddreg [dreg:$0x2]  }
0x4: {  	s1 =	simm.s32 $0x0;
	s4 =	srdreg.scid;
	s0 =	stileid.u32  }
0x5: {  	s17 =	simm.s32 $0x14080;
	s28 =	simm.s32 $0x14100;
	s29 =	simm.s32 $0x14480  }
0x6: {  	s30 =	simm.s32 $0x14180;
	s18 =	simm.s32 $0x14500;
	s19 =	simm.s32 $0x14580  }
0x7: {  	s20 =	simm.s32 $0x14280;
	s31 =	simm.s32 $0x14700;
	[smem:$0x7FF] =	sst s1  }
0x8: {  	s6 =	sand.u32 $0x1, s4;
	_ =	strace $0x8000004D;
	[dreg:$0x4] =	wrdreg s17  }
0x9: {  	s21 =	sshll.u32 s0, $0x5;
	s22 =	smul.u32 $0x14000, s0;
	[dreg:$0x5] =	wrdreg s28  }
0xa: {  	s7 =	sshll.u32 s0, $0x7;
	s12 =	smul.u32 $0x50000, s0;
	[dreg:$0x6] =	wrdreg s29  }
0xb: {  	s26 =	sshll.u32 s0, $0x6;
	p0 =	seq.s32 s6, $0x0;
	[dreg:$0x7] =	wrdreg s30  }
0xc: {  	s4 =	sor.u32 $0x800, s21;
	s8 =	smul.u32 $0x140000, s6;
	[dreg:$0x8] =	wrdreg s18  }
0xd: {  	s6 =	ssub.s32 $0x2, s6;
	s17 =	simm.s32 $0x14000;
	[dreg:$0x9] =	wrdreg s19  }
0xe: {  	s18 =	simm.s32 $0x14400;
	s19 =	simm.s32 $0x14800;
	[dreg:$0xa] =	wrdreg s20  }
0xf: {  	s21 =	simm.s32 $0x14600;
	s20 =	simm.s32 $0x2;
	[dreg:$0xf] =	wrdreg s31  }
0x10: {  	s4 =	smov.u32 @p0 s7;
	s9 =	sshrl.u32 s22, $0x3;
	s23 =	sshrl.u32 s6, $0x1  }
0x11: {  	s24 =	sshrl.u32 s12, $0x2;
	[dreg:$0xb] =	wrdreg s21;
	s21 =	simm.s32 $0x18800  }
0x12: {  	s11 =	sshll.u32 s4, $0x4;
	s4 =	sadd.s32 $0x8F400, s5;
	s9 =	sadd.s32 s9, s5  }
0x13: {  	s7 =	sadd.s32 s22, s8;
	s14 =	ssub.s32 s6, s23;
	s6 =	simm.s32 $0x80  }
0x14: {  	s16 =	sadd.s32 s24, s2;
	s8 =	sor.u32 $0x1C04, s26;
	s22 =	simm.s32 $0x14300  }
0x15: {  	s23 =	simm.s32 $0x14680;
	s24 =	simm.s32 $0x14380;
	s15 =	sadd.s32 s11, s5  }
0x16: {  	s7 =	sshrl.u32 s7, $0x3;
	s25 =	sadd.s32 $0xD400, s9;
	[dreg:$0xc] =	wrdreg s22  }
0x17: {  	s10 =	sadd.s32 s10, s11;
	s16 =	sshrl.u32 s16, $0x3;
	[dreg:$0xd] =	wrdreg s23  }
0x18: {  	s22 =	simm.s32 $0x4;
	s23 =	simm.s32 $0x3;
	[dreg:$0xe] =	wrdreg s24  }
0x19: {  	s24 =	simm.s32 $0x14780;
	s13 =	sadd.s32 s7, s5;
	s5 =	simm.s32 $0x80  }
0x1a: {  	[dreg:$0x10] =	wrdreg s25;
	s9 =	sadd.s32 $0x85400, s15;
	s15 =	sadd.s32 $0x85440, s15  }
0x1b: {  	s25 =	simm.s32 $0x0;
	s5 =	simm.s32 @!p0 $0x20;
	s12 =	sadd.s32 $0xB7400, s13  }
0x1c: {  	s13 =	smax.u32 s14, $0x1;
	s14 =	sadd.s32 $0x40, s10;
	s11 =	sshrl.u32 s5, $0x3  }
.LBB2_1:
0x1d: {  	s0 =	rddreg [dreg:$0x10]  }
0x1e: {  	[spmem:s16], [sflag:s8] =	dma.local [hbm:s0], $0x2800  }
0x1f: {  	_ =	swait.ge [sflag:s22], $0x2800  }
0x20: {  	[sflag:s22] =	ssyncset.done $0x0  }
0x21: {  	s31 =	simm.s32 $0x0;
	[sflag:s22] =	ssyncadd.s32 $0xFFFFD800  }
0x22: {  	[tilespmem:s17], [sflag:$0x4] =	stream.linear.gather [hbm4b:s9+s31], $0x200, $0x38;
	[tilespmem:$0x1C800] =	vst v63  }
0x23: {  	_ =	swait.ge [sflag:s22], $0x200  }
0x24: {  	s30 =	sadd.s32 $0xFFFFFFFF, s11;
	[sflag:s22] =	ssyncset.done $0x0  }
0x25: {  	p1 =	sne.s32 s30, $0x0;
	[sflag:s22] =	ssyncadd.s32 $0xFFFFFE00  }
0x26: {  	[tilespmem:s18], [sflag:$0x4] =	stream.linear.gather [hbm4b:s10+s31], $0x200, $0x38;
	[tilespmem:$0x1C800] =	vst v63  }
.Ltmp0:
0x27: {  	_ =	swait.ge [sflag:s22], $0x200;
	(pc) =	sbr.rel @!p1 .LBB2_4-.Ltmp0, $4  }
0x28: {  	[sflag:s22] =	ssyncset.done $0x0  }
0x29: {  	p0 =	por $0x0, $0x0;
	s29 =	simm.s32 $0x4;
	[sflag:s22] =	ssyncadd.s32 $0xFFFFFE00  }
0x2a: {  	s28 =	smov.u32 s15;
	s26 =	smov.u32 s14;
	[bflag:$0x0] =	sbarrier.arrive $0xFFFF  }
0x2b: {  	[tilespmem:s19], [sflag:$0x2] =	stream.indirect.gather [hbm4b:s4+s6], $0x80, s17, s6, $0xb8;
	[tilespmem:$0x1C800] =	vst v63  }
0x2c: {  	p0 =	sle.u32 s5, $0x4  }
0x2d: {  	s26 =	simm.s32 @!p0 $0x0;
	s28 =	simm.s32 @!p0 $0x14200  }
0x2e: {  	[tilespmem:s28], [sflag:$0x1] =	stream.linear.gather @!p0 [hbm4b:s15+s26], $0x200, $0x38;
	[tilespmem:$0x1C800] =	vst v63  }
0x2f: {  	s29 =	simm.s32 @!p0 $0x14600  }
0x30: {  	[tilespmem:s29], [sflag:$0x1] =	stream.linear.gather @!p0 [hbm4b:s14+s26], $0x200, $0x38;
	[tilespmem:$0x1C800] =	vst v63  }
0x31: {  	_ =	swait.ge [sflag:s20], $0x4000  }
0x32: {  	[sflag:s20] =	ssyncset.done $0x0  }
0x33: {  	s31 =	rddreg [dreg:$0x4];
	[sflag:s20] =	ssyncadd.s32 $0xFFFFC000  }
0x34: {  	[tilespmem:s21], [sflag:$0x3] =	stream.indirect.gather [hbm4b:s4+s6], $0x80, s31, s6, $0xb8;
	[tilespmem:$0x1C800] =	vst v63  }
0x35: {  	_ = 	snop  }
0x36: {  	[spmem:s2] =	stream.indirect.scatter.add.f32 [tilespmem:s19], [sflag:$0x4], $0x80, s18, s6, $0xb8;
	[tilespmem:$0x1C800] =	vst v63  }
0x37: {  	_ =	swait.ge [sflag:s22], $0x4000  }
0x38: {  	[sflag:s22] =	ssyncset.done $0x0  }
0x39: {  	[sflag:s22] =	ssyncadd.s32 $0xFFFFC000  }
0x3a: {  	_ =	swait.ge [sflag:s23], $0x4000  }
0x3b: {  	[sflag:s23] =	ssyncset.done $0x0  }
0x3c: {  	s0 =	rddreg [dreg:$0x5];
	[sflag:s23] =	ssyncadd.s32 $0xFFFFC000  }
0x3d: {  	[tilespmem:s19], [sflag:$0x2] =	stream.indirect.gather [hbm4b:s4+s6], $0x80, s0, s6, $0xb8;
	[tilespmem:$0x1C800] =	vst v63  }
0x3e: {  	s29 =	rddreg [dreg:$0x6]  }
0x3f: {  	[spmem:s2] =	stream.indirect.scatter.add.f32 [tilespmem:s21], [sflag:$0x4], $0x80, s29, s6, $0xb8;
	[tilespmem:$0x1C800] =	vst v63  }
0x40: {  	_ =	swait.ge [sflag:s22], $0x4000  }
0x41: {  	[sflag:s22] =	ssyncset.done $0x0  }
0x42: {  	[sflag:s22] =	ssyncadd.s32 $0xFFFFC000  }
0x43: {  	_ =	swait.ge [sflag:s20], $0x4000  }
0x44: {  	[sflag:s20] =	ssyncset.done $0x0  }
0x45: {  	s1 =	rddreg [dreg:$0x7];
	[sflag:s20] =	ssyncadd.s32 $0xFFFFC000  }
0x46: {  	[tilespmem:s21], [sflag:$0x3] =	stream.indirect.gather [hbm4b:s4+s6], $0x80, s1, s6, $0xb8;
	[tilespmem:$0x1C800] =	vst v63  }
0x47: {  	s29 =	rddreg [dreg:$0x8]  }
0x48: {  	[spmem:s2] =	stream.indirect.scatter.add.f32 [tilespmem:s19], [sflag:$0x4], $0x80, s29, s6, $0xb8;
	[tilespmem:$0x1C800] =	vst v63  }
0x49: {  	_ =	swait.ge [sflag:s22], $0x4000  }
0x4a: {  	[sflag:s22] =	ssyncset.done $0x0  }
0x4b: {  	[sflag:s22] =	ssyncadd.s32 $0xFFFFC000  }
0x4c: {  	_ =	swait.ge [sflag:s23], $0x4000  }
0x4d: {  	[sflag:s23] =	ssyncset.done $0x0  }
0x4e: {  	s26 =	simm.s32 @!p0 $0x1;
	[sflag:s23] =	ssyncadd.s32 $0xFFFFC000  }
0x4f: {  	_ =	swait.ge @!p0 [sflag:s26], $0x200  }
0x50: {  	[sflag:s26] =	ssyncset.done @!p0 $0x0  }
0x51: {  	[sflag:s26] =	ssyncadd.s32 @!p0 $0xFFFFFE00  }
0x52: {  	_ =	swait.ge @!p0 [sflag:s26], $0x200  }
0x53: {  	[sflag:s26] =	ssyncset.done @!p0 $0x0  }
0x54: {  	s29 =	simm.s32 @!p0 $0x14800;
	[sflag:s26] =	ssyncadd.s32 @!p0 $0xFFFFFE00;
	s26 =	simm.s32 @!p0 $0x80  }
0x55: {  	[tilespmem:s29], [sflag:$0x2] =	stream.indirect.gather @!p0 [hbm4b:s4+s26], $0x80, s28, s26, $0xb8;
	[tilespmem:$0x1C800] =	vst v63  }
0x56: {  	s31 =	rddreg [dreg:$0x9]  }
0x57: {  	[spmem:s2] =	stream.indirect.scatter.add.f32 [tilespmem:s21], [sflag:$0x4], $0x80, s31, s6, $0xb8;
	[tilespmem:$0x1C800] =	vst v63  }
0x58: {  	p0 =	sle.u32 s5, $0x8;
	_ =	swait.ge [sflag:s22], $0x4000  }
0x59: {  	s26 =	sadd.s32 @!p0 $0x40, s15;
	[sflag:s22] =	ssyncset.done $0x0  }
0x5a: {  	s28 =	simm.s32 @!p0 $0x0;
	s29 =	simm.s32 @!p0 $0x14000;
	[sflag:s22] =	ssyncadd.s32 $0xFFFFC000  }
0x5b: {  	[tilespmem:s29], [sflag:$0x1] =	stream.linear.gather @!p0 [hbm4b:s26+s28], $0x200, $0x38;
	[tilespmem:$0x1C800] =	vst v63  }
0x5c: {  	s31 =	simm.s32 @!p0 $0x14400;
	s26 =	sadd.s32 @!p0 $0x40, s14  }
0x5d: {  	[tilespmem:s31], [sflag:$0x1] =	stream.linear.gather @!p0 [hbm4b:s26+s28], $0x200, $0x38;
	[tilespmem:$0x1C800] =	vst v63  }
0x5e: {  	_ =	swait.ge [sflag:s20], $0x4000  }
0x5f: {  	[sflag:s20] =	ssyncset.done $0x0  }
0x60: {  	s3 =	rddreg [dreg:$0xa];
	[sflag:s20] =	ssyncadd.s32 $0xFFFFC000  }
0x61: {  	[tilespmem:s21], [sflag:$0x3] =	stream.indirect.gather [hbm4b:s4+s6], $0x80, s3, s6, $0xb8;
	[tilespmem:$0x1C800] =	vst v63  }
0x62: {  	s28 =	rddreg [dreg:$0xb]  }
0x63: {  	[spmem:s2] =	stream.indirect.scatter.add.f32 [tilespmem:s19], [sflag:$0x4], $0x80, s28, s6, $0xb8;
	[tilespmem:$0x1C800] =	vst v63  }
0x64: {  	_ =	swait.ge [sflag:s22], $0x4000  }
0x65: {  	[sflag:s22] =	ssyncset.done $0x0  }
0x66: {  	[sflag:s22] =	ssyncadd.s32 $0xFFFFC000  }
0x67: {  	_ =	swait.ge [sflag:s23], $0x4000  }
0x68: {  	[sflag:s23] =	ssyncset.done $0x0  }
0x69: {  	s7 =	rddreg [dreg:$0xc];
	[sflag:s23] =	ssyncadd.s32 $0xFFFFC000  }
0x6a: {  	[tilespmem:s19], [sflag:$0x2] =	stream.indirect.gather [hbm4b:s4+s6], $0x80, s7, s6, $0xb8;
	[tilespmem:$0x1C800] =	vst v63  }
0x6b: {  	s28 =	rddreg [dreg:$0xd]  }
0x6c: {  	[spmem:s2] =	stream.indirect.scatter.add.f32 [tilespmem:s21], [sflag:$0x4], $0x80, s28, s6, $0xb8;
	[tilespmem:$0x1C800] =	vst v63  }
0x6d: {  	_ =	swait.ge [sflag:s22], $0x4000  }
0x6e: {  	[sflag:s22] =	ssyncset.done $0x0  }
0x6f: {  	[sflag:s22] =	ssyncadd.s32 $0xFFFFC000  }
0x70: {  	_ =	swait.ge [sflag:s20], $0x4000  }
0x71: {  	[sflag:s20] =	ssyncset.done $0x0  }
0x72: {  	s31 =	rddreg [dreg:$0xe];
	[sflag:s20] =	ssyncadd.s32 $0xFFFFC000  }
0x73: {  	[tilespmem:s21], [sflag:$0x3] =	stream.indirect.gather [hbm4b:s4+s6], $0x80, s31, s6, $0xb8;
	[tilespmem:$0x1C800] =	vst v63  }
0x74: {  	s28 =	rddreg [dreg:$0xf]  }
0x75: {  	[spmem:s2] =	stream.indirect.scatter.add.f32 [tilespmem:s19], [sflag:$0x4], $0x80, s28, s6, $0xb8;
	[tilespmem:$0x1C800] =	vst v63  }
0x76: {  	_ =	swait.ge [sflag:s22], $0x4000  }
0x77: {  	[sflag:s22] =	ssyncset.done $0x0  }
0x78: {  	[sflag:s22] =	ssyncadd.s32 $0xFFFFC000  }
0x79: {  	_ =	swait.ge [sflag:s23], $0x4000  }
0x7a: {  	[sflag:s23] =	ssyncset.done $0x0  }
0x7b: {  	s26 =	simm.s32 @!p0 $0x1;
	[sflag:s23] =	ssyncadd.s32 $0xFFFFC000  }
0x7c: {  	_ =	swait.ge @!p0 [sflag:s26], $0x200  }
0x7d: {  	[sflag:s26] =	ssyncset.done @!p0 $0x0  }
0x7e: {  	[sflag:s26] =	ssyncadd.s32 @!p0 $0xFFFFFE00  }
0x7f: {  	s30 =	sadd.s32 $0xFFFFFFFF, s30;
	_ =	swait.ge @!p0 [sflag:s26], $0x200  }
0x80: {  	p1 =	sne.s32 s30, $0x0;
	s31 =	simm.s32 @!p0 $0x14800;
	[sflag:s26] =	ssyncset.done @!p0 $0x0  }
.Ltmp1:
0x81: {  	s28 =	simm.s32 @!p0 $0x80;
	[sflag:s26] =	ssyncadd.s32 @!p0 $0xFFFFFE00;
	(pc) =	sbr.rel @!p1 .LBB2_4-.Ltmp1, $4  }
0x82: {  	[tilespmem:s31], [sflag:$0x2] =	stream.indirect.gather @!p0 [hbm4b:s4+s28], $0x80, s29, s28, $0xb8;
	[tilespmem:$0x1C800] =	vst v63  }
0x83: {  	s26 =	sadd.s32 $0x80, s14;
	s28 =	sadd.s32 $0x80, s15  }
0x84: {  	[spmem:s2] =	stream.indirect.scatter.add.f32 [tilespmem:s21], [sflag:$0x4], $0x80, s24, s6, $0xb8;
	[tilespmem:$0x1C800] =	vst v63  }
0x85: {  	s29 =	simm.s32 $0xC;
	p0 =	por $0x1, $0x1;
	_ =	swait.ge [sflag:s22], $0x4000  }
.LBB2_3:
0x86: {  	p2 =	sge.u32 s29, s5;
	[sflag:s22] =	ssyncset.done $0x0  }
0x87: {  	s0 =	simm.s32 @!p2 $0x0;
	s31 =	simm.s32 @!p2 $0x14200;
	[sflag:s22] =	ssyncadd.s32 $0xFFFFC000  }
0x88: {  	[tilespmem:s31], [sflag:$0x1] =	stream.linear.gather @!p2 [hbm4b:s28+s0], $0x200, $0x38;
	[tilespmem:$0x1C800] =	vst v63  }
0x89: {  	s1 =	simm.s32 @!p2 $0x14600  }
0x8a: {  	[tilespmem:s1], [sflag:$0x1] =	stream.linear.gather @!p2 [hbm4b:s26+s0], $0x200, $0x38;
	[tilespmem:$0x1C800] =	vst v63  }
0x8b: {  	_ =	swait.ge [sflag:s20], $0x4000  }
0x8c: {  	[sflag:s20] =	ssyncset.done $0x0  }
0x8d: {  	s1 =	rddreg [dreg:$0x4];
	[sflag:s20] =	ssyncadd.s32 $0xFFFFC000  }
0x8e: {  	[tilespmem:s21], [sflag:$0x3] =	stream.indirect.gather [hbm4b:s4+s6], $0x80, s1, s6, $0xb8;
	[tilespmem:$0x1C800] =	vst v63  }
0x8f: {  	_ = 	snop  }
0x90: {  	[spmem:s2] =	stream.indirect.scatter.add.f32 [tilespmem:s19], [sflag:$0x4], $0x80, s18, s6, $0xb8;
	[tilespmem:$0x1C800] =	vst v63  }
0x91: {  	_ =	swait.ge [sflag:s22], $0x4000  }
0x92: {  	[sflag:s22] =	ssyncset.done $0x0  }
0x93: {  	[sflag:s22] =	ssyncadd.s32 $0xFFFFC000  }
0x94: {  	_ =	swait.ge [sflag:s23], $0x4000  }
0x95: {  	[sflag:s23] =	ssyncset.done $0x0  }
0x96: {  	s3 =	rddreg [dreg:$0x5];
	[sflag:s23] =	ssyncadd.s32 $0xFFFFC000  }
0x97: {  	[tilespmem:s19], [sflag:$0x2] =	stream.indirect.gather [hbm4b:s4+s6], $0x80, s3, s6, $0xb8;
	[tilespmem:$0x1C800] =	vst v63  }
0x98: {  	s7 =	rddreg [dreg:$0x6]  }
0x99: {  	[spmem:s2] =	stream.indirect.scatter.add.f32 [tilespmem:s21], [sflag:$0x4], $0x80, s7, s6, $0xb8;
	[tilespmem:$0x1C800] =	vst v63  }
0x9a: {  	_ =	swait.ge [sflag:s22], $0x4000  }
0x9b: {  	[sflag:s22] =	ssyncset.done $0x0  }
0x9c: {  	[sflag:s22] =	ssyncadd.s32 $0xFFFFC000  }
0x9d: {  	_ =	swait.ge [sflag:s20], $0x4000  }
0x9e: {  	[sflag:s20] =	ssyncset.done $0x0  }
0x9f: {  	s3 =	rddreg [dreg:$0x7];
	[sflag:s20] =	ssyncadd.s32 $0xFFFFC000  }
0xa0: {  	[tilespmem:s21], [sflag:$0x3] =	stream.indirect.gather [hbm4b:s4+s6], $0x80, s3, s6, $0xb8;
	[tilespmem:$0x1C800] =	vst v63  }
0xa1: {  	s7 =	rddreg [dreg:$0x8]  }
0xa2: {  	[spmem:s2] =	stream.indirect.scatter.add.f32 [tilespmem:s19], [sflag:$0x4], $0x80, s7, s6, $0xb8;
	[tilespmem:$0x1C800] =	vst v63  }
0xa3: {  	_ =	swait.ge [sflag:s22], $0x4000  }
0xa4: {  	[sflag:s22] =	ssyncset.done $0x0  }
0xa5: {  	[sflag:s22] =	ssyncadd.s32 $0xFFFFC000  }
0xa6: {  	_ =	swait.ge [sflag:s23], $0x4000  }
0xa7: {  	[sflag:s23] =	ssyncset.done $0x0  }
0xa8: {  	s0 =	simm.s32 @!p2 $0x1;
	[sflag:s23] =	ssyncadd.s32 $0xFFFFC000  }
0xa9: {  	_ =	swait.ge @!p2 [sflag:s0], $0x200  }
0xaa: {  	[sflag:s0] =	ssyncset.done @!p2 $0x0  }
0xab: {  	[sflag:s0] =	ssyncadd.s32 @!p2 $0xFFFFFE00  }
0xac: {  	_ =	swait.ge @!p2 [sflag:s0], $0x200  }
0xad: {  	[sflag:s0] =	ssyncset.done @!p2 $0x0  }
0xae: {  	s1 =	simm.s32 @!p2 $0x14800;
	[sflag:s0] =	ssyncadd.s32 @!p2 $0xFFFFFE00;
	s0 =	simm.s32 @!p2 $0x80  }
0xaf: {  	[tilespmem:s1], [sflag:$0x2] =	stream.indirect.gather @!p2 [hbm4b:s4+s0], $0x80, s31, s0, $0xb8;
	[tilespmem:$0x1C800] =	vst v63  }
0xb0: {  	s3 =	rddreg [dreg:$0x9];
	s1 =	sadd.s32 $0x4, s29  }
0xb1: {  	[spmem:s2] =	stream.indirect.scatter.add.f32 [tilespmem:s21], [sflag:$0x4], $0x80, s3, s6, $0xb8;
	[tilespmem:$0x1C800] =	vst v63  }
0xb2: {  	p2 =	sge.u32 s1, s5;
	_ =	swait.ge [sflag:s22], $0x4000  }
0xb3: {  	s0 =	sadd.s32 @!p2 $0x40, s28;
	[sflag:s22] =	ssyncset.done $0x0  }
0xb4: {  	s1 =	simm.s32 @!p2 $0x0;
	s31 =	simm.s32 @!p2 $0x14000;
	[sflag:s22] =	ssyncadd.s32 $0xFFFFC000  }
0xb5: {  	[tilespmem:s31], [sflag:$0x1] =	stream.linear.gather @!p2 [hbm4b:s0+s1], $0x200, $0x38;
	[tilespmem:$0x1C800] =	vst v63  }
0xb6: {  	s3 =	sadd.s32 @!p2 $0x40, s26;
	s7 =	simm.s32 @!p2 $0x14400  }
0xb7: {  	[tilespmem:s7], [sflag:$0x1] =	stream.linear.gather @!p2 [hbm4b:s3+s1], $0x200, $0x38;
	[tilespmem:$0x1C800] =	vst v63  }
0xb8: {  	_ =	swait.ge [sflag:s20], $0x4000  }
0xb9: {  	[sflag:s20] =	ssyncset.done $0x0  }
0xba: {  	s3 =	rddreg [dreg:$0xa];
	[sflag:s20] =	ssyncadd.s32 $0xFFFFC000  }
0xbb: {  	[tilespmem:s21], [sflag:$0x3] =	stream.indirect.gather [hbm4b:s4+s6], $0x80, s3, s6, $0xb8;
	[tilespmem:$0x1C800] =	vst v63  }
0xbc: {  	s7 =	rddreg [dreg:$0xb]  }
0xbd: {  	[spmem:s2] =	stream.indirect.scatter.add.f32 [tilespmem:s19], [sflag:$0x4], $0x80, s7, s6, $0xb8;
	[tilespmem:$0x1C800] =	vst v63  }
0xbe: {  	_ =	swait.ge [sflag:s22], $0x4000  }
0xbf: {  	[sflag:s22] =	ssyncset.done $0x0  }
0xc0: {  	[sflag:s22] =	ssyncadd.s32 $0xFFFFC000  }
0xc1: {  	_ =	swait.ge [sflag:s23], $0x4000  }
0xc2: {  	[sflag:s23] =	ssyncset.done $0x0  }
0xc3: {  	s3 =	rddreg [dreg:$0xc];
	[sflag:s23] =	ssyncadd.s32 $0xFFFFC000  }
0xc4: {  	[tilespmem:s19], [sflag:$0x2] =	stream.indirect.gather [hbm4b:s4+s6], $0x80, s3, s6, $0xb8;
	[tilespmem:$0x1C800] =	vst v63  }
0xc5: {  	s7 =	rddreg [dreg:$0xd]  }
0xc6: {  	[spmem:s2] =	stream.indirect.scatter.add.f32 [tilespmem:s21], [sflag:$0x4], $0x80, s7, s6, $0xb8;
	[tilespmem:$0x1C800] =	vst v63  }
0xc7: {  	_ =	swait.ge [sflag:s22], $0x4000  }
0xc8: {  	[sflag:s22] =	ssyncset.done $0x0  }
0xc9: {  	[sflag:s22] =	ssyncadd.s32 $0xFFFFC000  }
0xca: {  	_ =	swait.ge [sflag:s20], $0x4000  }
0xcb: {  	[sflag:s20] =	ssyncset.done $0x0  }
0xcc: {  	s3 =	rddreg [dreg:$0xe];
	[sflag:s20] =	ssyncadd.s32 $0xFFFFC000  }
0xcd: {  	[tilespmem:s21], [sflag:$0x3] =	stream.indirect.gather [hbm4b:s4+s6], $0x80, s3, s6, $0xb8;
	[tilespmem:$0x1C800] =	vst v63  }
0xce: {  	s7 =	rddreg [dreg:$0xf]  }
0xcf: {  	[spmem:s2] =	stream.indirect.scatter.add.f32 [tilespmem:s19], [sflag:$0x4], $0x80, s7, s6, $0xb8;
	[tilespmem:$0x1C800] =	vst v63  }
0xd0: {  	_ =	swait.ge [sflag:s22], $0x4000  }
0xd1: {  	[sflag:s22] =	ssyncset.done $0x0  }
0xd2: {  	[sflag:s22] =	ssyncadd.s32 $0xFFFFC000  }
0xd3: {  	_ =	swait.ge [sflag:s23], $0x4000  }
0xd4: {  	[sflag:s23] =	ssyncset.done $0x0  }
0xd5: {  	s0 =	simm.s32 @!p2 $0x1;
	[sflag:s23] =	ssyncadd.s32 $0xFFFFC000  }
0xd6: {  	_ =	swait.ge @!p2 [sflag:s0], $0x200  }
0xd7: {  	[sflag:s0] =	ssyncset.done @!p2 $0x0  }
0xd8: {  	[sflag:s0] =	ssyncadd.s32 @!p2 $0xFFFFFE00  }
0xd9: {  	s30 =	sadd.s32 $0xFFFFFFFF, s30;
	_ =	swait.ge @!p2 [sflag:s0], $0x200  }
0xda: {  	p1 =	sne.s32 s30, $0x0;
	s1 =	simm.s32 @!p2 $0x80;
	[sflag:s0] =	ssyncset.done @!p2 $0x0  }
.Ltmp2:
0xdb: {  	s3 =	simm.s32 @!p2 $0x14800;
	[sflag:s0] =	ssyncadd.s32 @!p2 $0xFFFFFE00;
	(pc) =	sbr.rel @p1 .LBB2_3-.Ltmp2, $4  }
0xdc: {  	[tilespmem:s3], [sflag:$0x2] =	stream.indirect.gather @!p2 [hbm4b:s4+s1], $0x80, s31, s1, $0xb8;
	[tilespmem:$0x1C800] =	vst v63  }
0xdd: {  	s29 =	sadd.s32 $0x8, s29  }
0xde: {  	[spmem:s2] =	stream.indirect.scatter.add.f32 [tilespmem:s21], [sflag:$0x4], $0x80, s24, s6, $0xb8;
	[tilespmem:$0x1C800] =	vst v63  }
0xdf: {  	s28 =	sadd.s32 $0x80, s28;
	s26 =	sadd.s32 $0x80, s26;
	_ =	swait.ge [sflag:s22], $0x4000  }
.LBB2_4:
0xe0: {  	p1 =	sge.u32 s29, s5;
	[sflag:s22] =	ssyncset.done @p0 $0x0  }
0xe1: {  	s0 =	simm.s32 @!p1 $0x0;
	s1 =	simm.s32 @!p1 $0x14200;
	[sflag:s22] =	ssyncadd.s32 @p0 $0xFFFFC000  }
0xe2: {  	[tilespmem:s1], [sflag:$0x1] =	stream.linear.gather @!p1 [hbm4b:s28+s0], $0x200, $0x38;
	[tilespmem:$0x1C800] =	vst v63  }
0xe3: {  	s3 =	simm.s32 @!p1 $0x14600  }
0xe4: {  	[tilespmem:s3], [sflag:$0x1] =	stream.linear.gather @!p1 [hbm4b:s26+s0], $0x200, $0x38;
	[tilespmem:$0x1C800] =	vst v63  }
0xe5: {  	_ =	swait.ge [sflag:s20], $0x4000  }
0xe6: {  	[sflag:s20] =	ssyncset.done $0x0  }
0xe7: {  	s31 =	rddreg [dreg:$0x4];
	[sflag:s20] =	ssyncadd.s32 $0xFFFFC000  }
0xe8: {  	[tilespmem:s21], [sflag:$0x3] =	stream.indirect.gather [hbm4b:s4+s6], $0x80, s31, s6, $0xb8;
	[tilespmem:$0x1C800] =	vst v63  }
0xe9: {  	_ = 	snop  }
0xea: {  	[spmem:s2] =	stream.indirect.scatter.add.f32 [tilespmem:s19], [sflag:$0x4], $0x80, s18, s6, $0xb8;
	[tilespmem:$0x1C800] =	vst v63  }
0xeb: {  	_ =	swait.ge [sflag:s22], $0x4000  }
0xec: {  	[sflag:s22] =	ssyncset.done $0x0  }
0xed: {  	[sflag:s22] =	ssyncadd.s32 $0xFFFFC000  }
0xee: {  	_ =	swait.ge [sflag:s23], $0x4000  }
0xef: {  	[sflag:s23] =	ssyncset.done $0x0  }
0xf0: {  	s3 =	rddreg [dreg:$0x5];
	[sflag:s23] =	ssyncadd.s32 $0xFFFFC000  }
0xf1: {  	[tilespmem:s19], [sflag:$0x2] =	stream.indirect.gather [hbm4b:s4+s6], $0x80, s3, s6, $0xb8;
	[tilespmem:$0x1C800] =	vst v63  }
0xf2: {  	s7 =	rddreg [dreg:$0x6]  }
0xf3: {  	[spmem:s2] =	stream.indirect.scatter.add.f32 [tilespmem:s21], [sflag:$0x4], $0x80, s7, s6, $0xb8;
	[tilespmem:$0x1C800] =	vst v63  }
0xf4: {  	_ =	swait.ge [sflag:s22], $0x4000  }
0xf5: {  	[sflag:s22] =	ssyncset.done $0x0  }
0xf6: {  	[sflag:s22] =	ssyncadd.s32 $0xFFFFC000  }
0xf7: {  	_ =	swait.ge [sflag:s20], $0x4000  }
0xf8: {  	[sflag:s20] =	ssyncset.done $0x0  }
0xf9: {  	s30 =	rddreg [dreg:$0x7];
	[sflag:s20] =	ssyncadd.s32 $0xFFFFC000  }
0xfa: {  	[tilespmem:s21], [sflag:$0x3] =	stream.indirect.gather [hbm4b:s4+s6], $0x80, s30, s6, $0xb8;
	[tilespmem:$0x1C800] =	vst v63  }
0xfb: {  	s31 =	rddreg [dreg:$0x8]  }
0xfc: {  	[spmem:s2] =	stream.indirect.scatter.add.f32 [tilespmem:s19], [sflag:$0x4], $0x80, s31, s6, $0xb8;
	[tilespmem:$0x1C800] =	vst v63  }
0xfd: {  	_ =	swait.ge [sflag:s22], $0x4000  }
0xfe: {  	[sflag:s22] =	ssyncset.done $0x0  }
0xff: {  	[sflag:s22] =	ssyncadd.s32 $0xFFFFC000  }
0x100: {  	_ =	swait.ge [sflag:s23], $0x4000  }
0x101: {  	[sflag:s23] =	ssyncset.done $0x0  }
0x102: {  	s0 =	simm.s32 @!p1 $0x1;
	[sflag:s23] =	ssyncadd.s32 $0xFFFFC000  }
0x103: {  	_ =	swait.ge @!p1 [sflag:s0], $0x200  }
0x104: {  	[sflag:s0] =	ssyncset.done @!p1 $0x0  }
0x105: {  	[sflag:s0] =	ssyncadd.s32 @!p1 $0xFFFFFE00  }
0x106: {  	_ =	swait.ge @!p1 [sflag:s0], $0x200  }
0x107: {  	[sflag:s0] =	ssyncset.done @!p1 $0x0  }
0x108: {  	s3 =	simm.s32 @!p1 $0x14800;
	[sflag:s0] =	ssyncadd.s32 @!p1 $0xFFFFFE00;
	s0 =	simm.s32 @!p1 $0x80  }
0x109: {  	[tilespmem:s3], [sflag:$0x2] =	stream.indirect.gather @!p1 [hbm4b:s4+s0], $0x80, s1, s0, $0xb8;
	[tilespmem:$0x1C800] =	vst v63  }
0x10a: {  	s7 =	rddreg [dreg:$0x9];
	s3 =	sadd.s32 $0x4, s29  }
0x10b: {  	[spmem:s2] =	stream.indirect.scatter.add.f32 [tilespmem:s21], [sflag:$0x4], $0x80, s7, s6, $0xb8;
	[tilespmem:$0x1C800] =	vst v63  }
0x10c: {  	p0 =	sge.u32 s3, s5;
	_ =	swait.ge [sflag:s22], $0x4000  }
0x10d: {  	s0 =	sadd.s32 @!p0 $0x40, s28;
	[sflag:s22] =	ssyncset.done $0x0  }
0x10e: {  	s1 =	simm.s32 @!p0 $0x0;
	s3 =	simm.s32 @!p0 $0x14000;
	[sflag:s22] =	ssyncadd.s32 $0xFFFFC000  }
0x10f: {  	[tilespmem:s3], [sflag:$0x1] =	stream.linear.gather @!p0 [hbm4b:s0+s1], $0x200, $0x38;
	[tilespmem:$0x1C800] =	vst v63  }
0x110: {  	s7 =	simm.s32 @!p0 $0x14400;
	s0 =	sadd.s32 @!p0 $0x40, s26  }
0x111: {  	[tilespmem:s7], [sflag:$0x1] =	stream.linear.gather @!p0 [hbm4b:s0+s1], $0x200, $0x38;
	[tilespmem:$0x1C800] =	vst v63  }
0x112: {  	_ =	swait.ge [sflag:s20], $0x4000  }
0x113: {  	[sflag:s20] =	ssyncset.done $0x0  }
0x114: {  	s7 =	rddreg [dreg:$0xa];
	[sflag:s20] =	ssyncadd.s32 $0xFFFFC000  }
0x115: {  	[tilespmem:s21], [sflag:$0x3] =	stream.indirect.gather [hbm4b:s4+s6], $0x80, s7, s6, $0xb8;
	[tilespmem:$0x1C800] =	vst v63  }
0x116: {  	s26 =	rddreg [dreg:$0xb]  }
0x117: {  	[spmem:s2] =	stream.indirect.scatter.add.f32 [tilespmem:s19], [sflag:$0x4], $0x80, s26, s6, $0xb8;
	[tilespmem:$0x1C800] =	vst v63  }
0x118: {  	_ =	swait.ge [sflag:s22], $0x4000  }
0x119: {  	[sflag:s22] =	ssyncset.done $0x0  }
0x11a: {  	[sflag:s22] =	ssyncadd.s32 $0xFFFFC000  }
0x11b: {  	_ =	swait.ge [sflag:s23], $0x4000  }
0x11c: {  	[sflag:s23] =	ssyncset.done $0x0  }
0x11d: {  	s28 =	rddreg [dreg:$0xc];
	[sflag:s23] =	ssyncadd.s32 $0xFFFFC000  }
0x11e: {  	[tilespmem:s19], [sflag:$0x2] =	stream.indirect.gather [hbm4b:s4+s6], $0x80, s28, s6, $0xb8;
	[tilespmem:$0x1C800] =	vst v63  }
0x11f: {  	s29 =	rddreg [dreg:$0xd]  }
0x120: {  	[spmem:s2] =	stream.indirect.scatter.add.f32 [tilespmem:s21], [sflag:$0x4], $0x80, s29, s6, $0xb8;
	[tilespmem:$0x1C800] =	vst v63  }
0x121: {  	_ =	swait.ge [sflag:s22], $0x4000  }
0x122: {  	[sflag:s22] =	ssyncset.done $0x0  }
0x123: {  	[sflag:s22] =	ssyncadd.s32 $0xFFFFC000  }
0x124: {  	_ =	swait.ge [sflag:s20], $0x4000  }
0x125: {  	[sflag:s20] =	ssyncset.done $0x0  }
0x126: {  	s30 =	rddreg [dreg:$0xe];
	[sflag:s20] =	ssyncadd.s32 $0xFFFFC000  }
0x127: {  	[tilespmem:s21], [sflag:$0x3] =	stream.indirect.gather [hbm4b:s4+s6], $0x80, s30, s6, $0xb8;
	[tilespmem:$0x1C800] =	vst v63  }
0x128: {  	s31 =	rddreg [dreg:$0xf]  }
0x129: {  	[spmem:s2] =	stream.indirect.scatter.add.f32 [tilespmem:s19], [sflag:$0x4], $0x80, s31, s6, $0xb8;
	[tilespmem:$0x1C800] =	vst v63  }
0x12a: {  	_ =	swait.ge [sflag:s22], $0x4000  }
0x12b: {  	[sflag:s22] =	ssyncset.done $0x0  }
0x12c: {  	[sflag:s22] =	ssyncadd.s32 $0xFFFFC000  }
0x12d: {  	_ =	swait.ge [sflag:s23], $0x4000  }
0x12e: {  	[sflag:s23] =	ssyncset.done $0x0  }
0x12f: {  	s0 =	simm.s32 @!p0 $0x1;
	[sflag:s23] =	ssyncadd.s32 $0xFFFFC000  }
0x130: {  	_ =	swait.ge @!p0 [sflag:s0], $0x200  }
0x131: {  	[sflag:s0] =	ssyncset.done @!p0 $0x0  }
0x132: {  	[sflag:s0] =	ssyncadd.s32 @!p0 $0xFFFFFE00  }
0x133: {  	_ =	swait.ge @!p0 [sflag:s0], $0x200  }
0x134: {  	[sflag:s0] =	ssyncset.done @!p0 $0x0  }
0x135: {  	s1 =	simm.s32 @!p0 $0x80;
	s7 =	simm.s32 @!p0 $0x14800;
	[sflag:s0] =	ssyncadd.s32 @!p0 $0xFFFFFE00  }
0x136: {  	[tilespmem:s7], [sflag:$0x2] =	stream.indirect.gather @!p0 [hbm4b:s4+s1], $0x80, s3, s1, $0xb8;
	[tilespmem:$0x1C800] =	vst v63  }
0x137: {  	_ = 	snop  }
0x138: {  	[spmem:s2] =	stream.indirect.scatter.add.f32 [tilespmem:s21], [sflag:$0x4], $0x80, s24, s6, $0xb8;
	[tilespmem:$0x1C800] =	vst v63  }
0x139: {  	_ =	swait.ge [sflag:s22], $0x4000  }
0x13a: {  	s25 =	sadd.s32 $0x1, s25;
	[sflag:s22] =	ssyncset.done $0x0  }
0x13b: {  	p0 =	sne.s32 s25, s13;
	[sflag:s22] =	ssyncadd.s32 $0xFFFFC000  }
.Ltmp3:
0x13c: {  	[bflag:$0x0] =	sbarrier.arrive $0xFFFF;
	(pc) =	sbr.rel @p0 .LBB2_1-.Ltmp3, $4  }
0x13d: {  	[hbm:s12], [sflag:s8] =	dma.local [spmem:s16], $0x2800  }
0x13e: {  	_ =	swait.ge [sflag:s22], $0x2800  }
0x13f: {  	[sflag:s22] =	ssyncset.done $0x0  }
0x140: {  	[sflag:s22] =	ssyncadd.s32 $0xFFFFD800  }
0x141: {  	_ =	sfence.sel $0x180000  }
0x142: {  	[bflag:$0x0] =	sbarrier.arrive $0xFFFF  }
0x143: {  	_ =	strace $0x9000004D  }
0x144: {  	s0 =	stileid.u32;
	[bflag:$0x2] =	sbarrier.arrive $0xFFFF  }
0x145: {  	p0 =	sne.s32 s0, $0x0;
	s0 =	rddreg [dreg:$0x3]  }
0x146: {  	s0 =	sadd.s32 @!p0 $0x100000, s0  }
0x147: {  	[sflag:s0] =	ssyncadd.tile.s32 @!p0 $0x1;
	_ =	shalt  }
.Lfunc_end2:
_tile_overlayer_lowered:
.L_overlay_start_2:
0x148: {  	(tag) =	ssettag $0x2  }
0x149: {  	s0 =	rddreg [dreg:$0x0];
	s2 =	stileid.u32  }
0x14a: {  	s1 =	rddreg [dreg:$0x1];
	p0 =	sne.s32 s2, $0x0  }
0x14b: {  	s3 =	rddreg [dreg:$0x2];
	[bflag:$0x3] =	sbarrier.arrive $0xFFFF;
	s2 =	simm.s32 @!p0 $0x1C04  }
0x14c: {  	[timem:s3], [sflag:s2] =	dma.local @!p0 [hbm:s0], s1  }
0x14d: {  	s0 =	simm.s32 @!p0 $0x4  }
0x14e: {  	_ =	swait.ge @!p0 [sflag:s0], s1  }
0x14f: {  	s1 =	ssub.s32 @!p0 $0x0, s1;
	[sflag:s0] =	ssyncset.done @!p0 $0x0  }
0x150: {  	[sflag:s0] =	ssyncadd.s32 @!p0 s1  }
0x151: {  	[bflag:$0x3] =	sbarrier.arrive $0xFFFF  }
0x152: {  	_ =	shalt  }

// kernel: kernel.9.cloned.1.call-start
scs
__scs_entry_jumppad:
0x0: {  	(pc) =	sbr.rel $0x88, $3  }
0x1: {  	(tag) =	ssettag $0x0;
	lr =	simm.s32 $0x1  }
0x2: {  	[smem:$0x3F9B] =	sst lr;
	_ =	strace $0xD0000000  }
0x3: {  	_ = 	snop  }
0x4: {  	_ = 	snop  }
0x5: {  	_ = 	snop  }
0x6: {  	_ = 	snop  }
0x7: {  	_ = 	snop  }
__scs_overlays_trampoline_lowered:
0x8: {  	[smem:$0x3FAA] =	sst s0  }
0x9: {  	[smem:$0x3FAB] =	sst s1  }
0xa: {  	[smem:$0x3FAC] =	sst s2  }
0xb: {  	[smem:$0x3FAD] =	sst s3  }
0xc: {  	[smem:$0x3FAE] =	sst s4  }
0xd: {  	[smem:$0x3FAF] =	sst s5  }
0xe: {  	[smem:$0x3FB0] =	sst s6  }
0xf: {  	[smem:$0x3FB1] =	sst s7  }
0x10: {  	[smem:$0x3FB2] =	sst s8  }
0x11: {  	[smem:$0x3FB3] =	sst s9;
	s0 =	simm.s32 @!p0 $0x0  }
0x12: {  	s1 =	sld [smem:$0x3F99];
	s0 =	simm.s32 @p0 $0x1  }
0x13: {  	[smem:$0x3FB4] =	sst s0;
	s0 =	simm.s32 @!p1 $0x0  }
0x14: {  	s2 =	sld [smem:$0x3F98];
	s0 =	simm.s32 @p1 $0x1  }
0x15: {  	[smem:$0x3FB5] =	sst s0;
	s0 =	simm.s32 @!p2 $0x0  }
0x16: {  	s3 =	sld [smem:$0x3FDB];
	s0 =	simm.s32 @p2 $0x1  }
0x17: {  	s4 =	simm.s32 $0x1BF5;
	[smem:$0x3FB7] =	sst s0  }
0x18: {  	s0 =	sld [smem:$0x3F9A];
	_ =	swait.ge [sflag:s4], $0x0  }
0x19: {  	s7 =	sld [smem:$0x3F9B]  }
0x1a: {  	s8 =	sadd.s32 $0xFFFFE003, lr  }
0x1b: {  	s9 =	sadd.s32 $0xFFFFFEF7, lr;
	s5 =	simm.s32 $0xFFFFFFFF;
	p2 =	slt.u32 s8, $0xFFFFF086  }
0x1c: {  	p1 =	slt.u32 s9, $0xF7A;
	s5 =	simm.s32 @!p2 $0x0  }
0x1d: {  	s5 =	simm.s32 @p1 $0x1;
	p0 =	seq.s32 s7, s2  }
0x1e: {  	s7 =	smul.u32 @!p0 $0xF7A, s2;
	p2 =	seq.s32 @!p0 s5, $0x0  }
0x1f: {  	s9 =	smul.u32 $0xF7A, s1;
	s8 =	simm.s32 @!p0 $0x1BF5;
	p2 =	por !p2, p0  }
0x20: {  	[sflag:s8] =	ssyncset.s32 @!p0 $0xFFFFF086;
	s6 =	sadd.s32 @!p0 s3, s7;
	s7 =	simm.s32 @!p0 $0x108  }
0x21: {  	s3 =	sadd.s32 s3, s9;
	s6 =	sadd.s32 @!p0 $0x88, s6;
	s7 =	simm.s32 @p2 $0x1082  }
0x22: {  	[simem:s7], [sflag:s8] =	dma.local @!p0 [hbm:s6], $0xF7A  }
0x23: {  	s9 =	sor.u32 $0xD0000000, s2;
	s6 =	simm.s32 $0x108;
	_ =	swait.ge @!p0 [sflag:s8], $0x0  }
0x24: {  	s3 =	sadd.s32 $0x88, s3;
	s6 =	simm.s32 @!p1 $0x1082;
	[sflag:s4] =	ssyncset.s32 $0xFFFFF086  }
0x25: {  	[simem:s6], [sflag:s4] =	dma.local [hbm:s3], $0xF7A  }
0x26: {  	[smem:$0x3F9B] =	sst s1;
	(tag) =	ssettag s2;
	_ =	strace s9  }
0x27: {  	s1 =	sld [smem:$0x3FAB]  }
0x28: {  	s2 =	sld [smem:$0x3FAC]  }
0x29: {  	s4 =	sld [smem:$0x3FAE]  }
0x2a: {  	p0 =	seq.s32 s5, $0x0;
	s5 =	sld [smem:$0x3FAF]  }
0x2b: {  	s6 =	sld [smem:$0x3FB0]  }
0x2c: {  	s7 =	sld [smem:$0x3FB1]  }
0x2d: {  	s3 =	simm.s32 $0x108;
	s8 =	sld [smem:$0x3FB2]  }
0x2e: {  	s3 =	simm.s32 @!p0 $0x1082;
	s9 =	sld [smem:$0x3FB3]  }
0x2f: {  	lr =	sadd.s32 s0, s3;
	s0 =	sld [smem:$0x3FAA]  }
0x30: {  	s3 =	sld [smem:$0x3FAD]  }
0x31: {  	[smem:$0x3FB6] =	sst s10  }
0x32: {  	s10 =	sld [smem:$0x3FB4];
	_ =	sdelay $0x3  }
0x33: {  	p0 =	seq.s32 s10, $0x1;
	s10 =	sld [smem:$0x3FB6];
	_ =	sdelay $0x3  }
0x34: {  	[smem:$0x3FB6] =	sst s10  }
0x35: {  	s10 =	sld [smem:$0x3FB5];
	_ =	sdelay $0x3  }
0x36: {  	p1 =	seq.s32 s10, $0x1;
	s10 =	sld [smem:$0x3FB6];
	_ =	sdelay $0x3  }
0x37: {  	[smem:$0x3FB6] =	sst s10  }
0x38: {  	s10 =	sld [smem:$0x3FB7]  }
0x39: {  	_ = 	snop;
	(pc) =	sbr.ind lr, $3  }
0x3a: {  	_ = 	snop  }
0x3b: {  	_ = 	snop  }
0x3c: {  	p2 =	seq.s32 s10, $0x1;
	s10 =	sld [smem:$0x3FB6]  }
0x3d: {  	_ =	shalt  }
0x3e: {  	_ =	shalt  }
0x3f: {  	_ =	shalt  }
0x40: {  	_ =	shalt  }
0x41: {  	_ =	shalt  }
0x42: {  	_ =	shalt  }
0x43: {  	_ =	shalt  }
0x44: {  	_ =	shalt  }
0x45: {  	_ =	shalt  }
0x46: {  	_ =	shalt  }
0x47: {  	_ =	shalt  }
0x48: {  	_ =	shalt  }
0x49: {  	_ =	shalt  }
0x4a: {  	_ =	shalt  }
0x4b: {  	_ =	shalt  }
0x4c: {  	_ =	shalt  }
0x4d: {  	_ =	shalt  }
0x4e: {  	_ =	shalt  }
0x4f: {  	_ =	shalt  }
0x50: {  	_ =	shalt  }
0x51: {  	_ =	shalt  }
0x52: {  	_ =	shalt  }
0x53: {  	_ =	shalt  }
0x54: {  	_ =	shalt  }
0x55: {  	_ =	shalt  }
0x56: {  	_ =	shalt  }
0x57: {  	_ =	shalt  }
0x58: {  	_ =	shalt  }
0x59: {  	_ =	shalt  }
0x5a: {  	_ =	shalt  }
0x5b: {  	_ =	shalt  }
0x5c: {  	_ =	shalt  }
0x5d: {  	_ =	shalt  }
0x5e: {  	_ =	shalt  }
0x5f: {  	_ =	shalt  }
0x60: {  	_ =	shalt  }
0x61: {  	_ =	shalt  }
0x62: {  	_ =	shalt  }
0x63: {  	_ =	shalt  }
0x64: {  	_ =	shalt  }
0x65: {  	_ =	shalt  }
0x66: {  	_ =	shalt  }
0x67: {  	_ =	shalt  }
0x68: {  	_ =	shalt  }
0x69: {  	_ =	shalt  }
0x6a: {  	_ =	shalt  }
0x6b: {  	_ =	shalt  }
0x6c: {  	_ =	shalt  }
0x6d: {  	_ =	shalt  }
0x6e: {  	_ =	shalt  }
0x6f: {  	_ =	shalt  }
0x70: {  	_ =	shalt  }
0x71: {  	_ =	shalt  }
0x72: {  	_ =	shalt  }
0x73: {  	_ =	shalt  }
0x74: {  	_ =	shalt  }
0x75: {  	_ =	shalt  }
0x76: {  	_ =	shalt  }
0x77: {  	_ =	shalt  }
0x78: {  	_ =	shalt  }
0x79: {  	_ =	shalt  }
0x7a: {  	_ =	shalt  }
0x7b: {  	_ =	shalt  }
0x7c: {  	_ =	shalt  }
0x7d: {  	_ =	shalt  }
0x7e: {  	_ =	shalt  }
0x7f: {  	_ =	shalt  }
0x80: {  	_ =	shalt  }
0x81: {  	_ =	shalt  }
0x82: {  	_ =	shalt  }
0x83: {  	_ =	shalt  }
0x84: {  	_ =	shalt  }
0x85: {  	_ =	shalt  }
0x86: {  	_ =	shalt  }
0x87: {  	_ =	shalt  }
.Lfunc_end0:
.L_simem_size_0:
called_computation_lowered:
.L_overlay_start_0:
0x88: {  	s2 =	sld [smem:$0x3FD9]  }
0x89: {  	s3 =	sld [smem:$0x3FFE];
	_ =	sdelay $0x1  }
0x8a: {  	s1 =	srdreg.scid  }
0x8b: {  	s0 =	sand.u32 $0x1, s1  }
0x8c: {  	s16 =	sshll.u32 s0, $0xA;
	s2 =	sadd.s32 s3, s2  }
0x8d: {  	s2 =	sadd.s32 s2, s16  }
0x8e: {  	[smem:$0x3FC2] =	sst s2  }
0x8f: {  	_ = 	snop  }
0x90: {  	(tm) =	ssettm $0x1  }
0x91: {  	s17 =	sld [smem:$0x3FFB];
	_ =	sdelay $0x3  }
0x92: {  	_ =	strace s17  }
0x93: {  	s2 =	sld [smem:$0x3FFC];
	_ =	sdelay $0x3  }
0x94: {  	_ =	strace s2  }
0x95: {  	s2 =	sld [smem:$0x3FFD];
	_ =	sdelay $0x3  }
0x96: {  	_ =	strace s2  }
0x97: {  	_ =	strace $0x8FFFFFFF  }
0x98: {  	s18 =	sld [smem:$0x3FDB];
	_ =	sdelay $0x1  }
0x99: {  	s19 =	simm.s32 $_scs_section_size  }
0x9a: {  	s4 =	simm.s32 $_size__tile_overlayer_lowered;
	s5 =	simm.s32 $_tile_overlayer_lowered  }
0x9b: {  	s22 =	simm.s32 $0x1BFF;
	s21 =	sshll.u32 s5, $0x1;
	s2 =	sadd.s32 s19, s18  }
0x9c: {  	s6 =	simm.s32 $0x0;
	s20 =	sshll.u32 s4, $0x1;
	s4 =	sadd.s32 s21, s2  }
0x9d: {  	[timem:s6], [sflag:s22] =	dma.local [hbm:s4], s20  }
0x9e: {  	_ =	swait.ge [sflag:s22], s20  }
0x9f: {  	s3 =	ssub.s32 $0x0, s20;
	[sflag:s22] =	ssyncset.done $0x0  }
0xa0: {  	[sflag:s22] =	ssyncadd.s32 s3;
	_ =	sdelay $0x1  }
0xa1: {  	s23 =	simm.s32 $0x1B8B  }
0xa2: {  	_ =	swait.ge [sflag:s23], $0x1  }
0xa3: {  	[sflag:s23] =	ssyncset.done $0x0  }
0xa4: {  	s25 =	simm.s32 $0x1B8E;
	s24 =	sld [smem:$0x3FFE];
	[sflag:s23] =	ssyncadd.s32 $0xFFFFFFFF  }
0xa5: {  	s26 =	simm.s32 $execute0_lowered;
	[smem:$0x3FD2] =	sst s25  }
0xa6: {  	s4 =	sshll.u32 s26, $0x1;
	_ =	strace $0x80000046;
	[dreg:$0x1] =	wrdreg $0xFFFFFFFF  }
0xa7: {  	s28 =	simm.s32 $_size_execute0_lowered;
	s2 =	sadd.s32 s2, s4;
	[dreg:$0x0] =	wrdreg $0x0  }
0xa8: {  	s4 =	sshll.u32 s28, $0x1;
	[dreg:$0x2] =	wrdreg s2  }
0xa9: {  	[dreg:$0x3] =	wrdreg s4  }
0xaa: {  	[dreg:$0x4] =	wrdreg $0xC0  }
0xab: {  	_ =	task [dreg:s6], $0x5FFFF  }
0xac: {  	[dreg:$0x1] =	wrdreg $0xFFFFFFFF  }
0xad: {  	[dreg:$0x0] =	wrdreg $0x60  }
0xae: {  	[dreg:$0x2] =	wrdreg s24  }
0xaf: {  	[dreg:$0x3] =	wrdreg $0x0  }
0xb0: {  	[dreg:$0x4] =	wrdreg $0x9  }
0xb1: {  	_ =	task.clear_ibuf [dreg:s6], $0x5FFFF;
	_ =	strace $0x90000046  }
0xb2: {  	s29 =	simm.s32 $0x9;
	_ =	strace $0x80000048  }
0xb3: {  	_ =	swait.ge [sflag:s29], $0x1  }
0xb4: {  	[sflag:s29] =	ssyncadd.s32 $0xFFFFFFFF  }
0xb5: {  	_ =	strace $0x90000048  }
0xb6: {  	_ =	sfence  }
0xb7: {  	s30 =	sld [smem:$0x0];
	_ =	sdelay $0x2  }
0xb8: {  	s31 =	sshll.u32 s1, $0xD;
	s1 =	sshrl.u32 s1, $0x2  }
0xb9: {  	s3 =	sand.u32 $0x4000, s31;
	s1 =	sadd.s32 s1, s30  }
0xba: {  	s0 =	sor.u32 s3, s0;
	s1 =	sshll.u32 s1, $0x11  }
0xbb: {  	s0 =	sor.u32 s1, s0  }
0xbc: {  	s0 =	sadd.s32 $0x8F2B, s0  }
0xbd: {  	[sflag:s0] =	ssyncadd.remote.s32 $0x1  }
0xbe: {  	_ =	sfence.sel $0xFFFF  }
0xbf: {  	[dreg:$0x0] =	wrdreg $0xFFFFFFFF;
	(pc) =	sbr.abs _section_cstart, $3  }
0xc0: {  	[dreg:$0x1] =	wrdreg $0xFFFFFFFF  }
0xc1: {  	_ =	task.clear_ibuf [dreg:s6], $0x2FFFF;
	_ =	strace $0x9FFFFFFF  }
0xc2: {  	(tm) =	ssettm $0x7FFFFFFF  }
0xc3: {  	_ =	shalt  }
tec
execute0_lowered:
.L_overlay_start_1:
0x0: {  	(tag) =	ssettag $0x1  }
0x1: {  	s0 =	srdreg.scid;
	s5 =	rddreg [dreg:$0x0]  }
0x2: {  	s2 =	rddreg [dreg:$0x1];
	s3 =	simm.s32 $0x0;
	s12 =	simm.s32 $0x80  }
0x3: {  	s13 =	simm.s32 $0x16800;
	s4 =	sand.u32 $0x1, s0;
	s0 =	stileid.u32  }
0x4: {  	s14 =	simm.s32 $0x0;
	[smem:$0x7FF] =	sst s3;
	s7 =	smul.u32 $0x14000, s0  }
0x5: {  	s1 =	sshll.u32 s4, $0x4;
	s8 =	smul.u32 $0x140000, s4;
	s4 =	ssub.s32 $0x2, s4  }
0x6: {  	s28 =	smul.u32 $0x50000, s0;
	s31 =	sshll.u32 s0, $0x6;
	s1 =	sor.u32 s0, s1  }
0x7: {  	s29 =	sshrl.u32 s4, $0x1;
	s6 =	smul.u32 $0x500, s1;
	s1 =	rddreg [dreg:$0x2]  }
0x8: {  	_ =	strace $0x80000047;
	s9 =	sshrl.u32 s7, $0x3;
	s7 =	sadd.s32 s7, s8  }
0x9: {  	s10 =	ssub.s32 s4, s29;
	s30 =	sshrl.u32 s28, $0x2;
	s7 =	sshrl.u32 s7, $0x3  }
0xa: {  	s9 =	sadd.s32 s9, s5;
	s11 =	sadd.s32 s30, s2;
	s8 =	smax.u32 s10, $0x1  }
0xb: {  	s10 =	simm.s32 $0x1;
	s6 =	sadd.s32 s6, s5;
	s7 =	sadd.s32 s7, s5  }
0xc: {  	s4 =	sadd.s32 $0xD400, s9;
	s5 =	sor.u32 $0x1C01, s31;
	s9 =	sshrl.u32 s11, $0x3  }
0xd: {  	v0 =	vimm.f32 $1.000000000e+00;
	s11 =	simm.s32 $0x14000;
	s6 =	sadd.s32 $0x3400, s6;
	s7 =	sadd.s32 $0x35400, s7  }
.LBB2_1:
0xe: {  	[spmem:s9], [sflag:s5] =	dma.local [hbm:s4], $0x2800  }
0xf: {  	_ =	swait.ge [sflag:s10], $0x2800  }
0x10: {  	[sflag:s10] =	ssyncset.done $0x0  }
0x11: {  	[sflag:s10] =	ssyncadd.s32 $0xFFFFD800  }
0x12: {  	[tilespmem:s11], [sflag:$0x1] =	stream.linear.gather [hbm4b:s6+s3], $0x2800, $0x38;
	[tilespmem:$0x1A800] =	vst v63  }
0x13: {  	_ =	swait.ge [sflag:s10], $0x2800  }
0x14: {  	[sflag:s10] =	ssyncset.done $0x0  }
0x15: {  	s15 =	simm.s32 $0x0;
	s16 =	simm.s32 $0x200;
	[sflag:s10] =	ssyncadd.s32 $0xFFFFD800  }
.LBB2_2:
0x16: {  	p0 =	sne.s32 s16, $0xFE00;
	[tilespmem:s15+$0x16870] =	vst v0  }
0x17: {  	[tilespmem:s15+$0x16800] =	vst v0  }
0x18: {  	[tilespmem:s15+$0x16810] =	vst v0  }
.Ltmp0:
0x19: {  	[tilespmem:s15+$0x16820] =	vst v0;
	(pc) =	sbr.rel @p0 .LBB2_2-.Ltmp0, $4  }
0x1a: {  	[tilespmem:s15+$0x16830] =	vst v0  }
0x1b: {  	[tilespmem:s15+$0x16840] =	vst v0  }
0x1c: {  	[tilespmem:s15+$0x16850] =	vst v0  }
0x1d: {  	[tilespmem:s15+$0x16860] =	vst v0;
	s15 =	sshra.s32 s16, $0x2;
	s16 =	sadd.s32 $0x200, s16  }
0x1e: {  	[tilespmem:s15+$0x16870] =	vst v0  }
0x1f: {  	[tilespmem:s15+$0x16800] =	vst v0  }
0x20: {  	[tilespmem:s15+$0x16810] =	vst v0  }
0x21: {  	[tilespmem:s15+$0x16820] =	vst v0  }
0x22: {  	[tilespmem:s15+$0x16830] =	vst v0  }
0x23: {  	[tilespmem:s15+$0x16840] =	vst v0  }
0x24: {  	[tilespmem:s15+$0x16850] =	vst v0  }
0x25: {  	[tilespmem:s15+$0x16860] =	vst v0  }
0x26: {  	s31 =	simm.s32 $0x14000;
	[bflag:$0x0] =	sbarrier.arrive $0xFFFF  }
0x27: {  	[spmem:s2] =	stream.indirect.scatter.add.f32 [tilespmem:s13], [sflag:$0x1], $0x80, s31, s12, $0xb8;
	[tilespmem:$0x1A800] =	vst v63  }
0x28: {  	s15 =	simm.s32 $0x200;
	_ =	swait.ge [sflag:s10], $0x4000  }
.LBB2_4:
0x29: {  	s16 =	sshra.s32 s15, $0x2;
	[sflag:s10] =	ssyncset.done $0x0;
	p0 =	sne.s32 s15, $0x9E00  }
.Ltmp1:
0x2a: {  	s16 =	sadd.s32 $0x14000, s16;
	[sflag:s10] =	ssyncadd.s32 $0xFFFFC000;
	(pc) =	sbr.rel @p0 .LBB2_4-.Ltmp1, $3  }
0x2b: {  	[spmem:s2] =	stream.indirect.scatter.add.f32 [tilespmem:s13], [sflag:$0x1], $0x80, s16, s12, $0xb8;
	[tilespmem:$0x1A800] =	vst v63  }
0x2c: {  	s15 =	sadd.s32 $0x200, s15;
	_ =	sdelay $0x1  }
0x2d: {  	_ =	swait.ge [sflag:s10], $0x4000  }
0x2e: {  	[sflag:s10] =	ssyncset.done $0x0;
	s14 =	sadd.s32 $0x1, s14  }
0x2f: {  	[sflag:s10] =	ssyncadd.s32 $0xFFFFC000;
	p0 =	sne.s32 s14, s8  }
.Ltmp2:
0x30: {  	[bflag:$0x0] =	sbarrier.arrive $0xFFFF;
	(pc) =	sbr.rel @p0 .LBB2_1-.Ltmp2, $4  }
0x31: {  	[hbm:s7], [sflag:s5] =	dma.local [spmem:s9], $0x2800  }
0x32: {  	_ =	swait.ge [sflag:s10], $0x2800  }
0x33: {  	[sflag:s10] =	ssyncset.done $0x0  }
0x34: {  	[sflag:s10] =	ssyncadd.s32 $0xFFFFD800  }
0x35: {  	_ =	sfence.sel $0x180000  }
0x36: {  	[bflag:$0x0] =	sbarrier.arrive $0xFFFF  }
0x37: {  	p0 =	sne.s32 s0, $0x0;
	_ =	strace $0x90000047  }
0x38: {  	s0 =	sadd.s32 @!p0 $0x100000, s1;
	[bflag:$0x2] =	sbarrier.arrive $0xFFFF  }
0x39: {  	[sflag:s0] =	ssyncadd.tile.s32 @!p0 $0x1;
	_ =	shalt  }
.Lfunc_end2:
_tile_overlayer_lowered:
.L_overlay_start_2:
0x3a: {  	(tag) =	ssettag $0x2  }
0x3b: {  	s0 =	rddreg [dreg:$0x0];
	s2 =	stileid.u32  }
0x3c: {  	s1 =	rddreg [dreg:$0x1];
	p0 =	sne.s32 s2, $0x0  }
0x3d: {  	s3 =	rddreg [dreg:$0x2];
	[bflag:$0x3] =	sbarrier.arrive $0xFFFF;
	s2 =	simm.s32 @!p0 $0x1C01  }
0x3e: {  	[timem:s3], [sflag:s2] =	dma.local @!p0 [hbm:s0], s1  }
0x3f: {  	s0 =	simm.s32 @!p0 $0x1  }
0x40: {  	_ =	swait.ge @!p0 [sflag:s0], s1  }
0x41: {  	s1 =	ssub.s32 @!p0 $0x0, s1;
	[sflag:s0] =	ssyncset.done @!p0 $0x0  }
0x42: {  	[sflag:s0] =	ssyncadd.s32 @!p0 s1  }
0x43: {  	[bflag:$0x3] =	sbarrier.arrive $0xFFFF  }
0x44: {  	_ =	shalt  }

</sc_bundles>
